<compile_context>
chip_gen: v7x
topology: tpu7x:2x2x1
jax: 0.10.2.dev20260603
libtpu: 0.0.44.dev20260713+nightly
codegen_flags: <defaults>
</compile_context>

<pallas_src>
import functools

import jax
import jax.numpy as jnp
from jax import lax
from jax.experimental import pallas as pl
from jax.experimental.pallas import tpu as pltpu
from jax.experimental.pallas import tpu_sc as plsc

Q = 320000
D = 128
C = 10
CP = 16
NC = 2
NS = 16
NW = NC * NS
BT = 4096
T = 28 * BT
NBT = T // BT
SC_ROWS = Q - T
ROWS_PER_W = SC_ROWS // NW
P = 401
NP = ROWS_PER_W // P
NSEARCH = 14
NEG_INF = float("-inf")


def _sc_segmax_body(q_hbm, pa_hbm, out_hbm, buf0, buf1, acc, pa_buf, bounds_smem, sem0, sem1):
    wid = lax.axis_index("s") * NC + lax.axis_index("c")
    lo = T + wid * ROWS_PER_W

    def start(p, buf, sem):
        pltpu.async_copy(q_hbm.at[pl.ds((lo + p * P) * D, P * D)], buf, sem)

    def wait(buf, sem):
        pltpu.make_async_copy(q_hbm.at[pl.ds(0, P * D)], buf, sem).wait()

    start(0, buf0, sem0)
    start(1, buf1, sem1)

    pltpu.sync_copy(pa_hbm.at[pl.ds(lo, ROWS_PER_W)], pa_buf.at[pl.ds(0, ROWS_PER_W)])

    def cbody(c, _):
        def sbody(_, lh):
            lo_i, hi_i = lh
            mid = (lo_i + hi_i) // 2
            v = pa_buf[pl.ds(mid, 16)]
            pred = v[0] < c
            return (
                jnp.where(pred, mid + 1, lo_i),
                jnp.where(pred, hi_i, mid),
            )

        l, _ = lax.fori_loop(
            0, NSEARCH, sbody, (jnp.int32(0), jnp.int32(ROWS_PER_W))
        )
        bounds_smem[c] = l
        return 0

    bounds_smem[0] = jnp.int32(0)
    bounds_smem[C] = jnp.int32(ROWS_PER_W)
    lax.fori_loop(1, C, cbody, 0)
    starts_s = [bounds_smem[c] for c in range(C + 1)]

    neg = jnp.full((16,), NEG_INF, jnp.float32)

    def init_body(i, _):
        acc[pl.ds(i * 16, 16)] = neg
        return 0

    lax.fori_loop(0, (CP * D) // 16, init_body, 0)

    def process(p, buf):
        row0 = p * P
        for c in range(C):
            rs = jnp.clip(starts_s[c] - row0, 0, P)
            re = jnp.clip(starts_s[c + 1] - row0, 0, P)
            a = tuple(acc[pl.ds(c * D + dc * 16, 16)] for dc in range(8))

            def rbody(r, a):
                base = r * D
                return tuple(
                    jnp.maximum(a[dc], buf[pl.ds(base + dc * 16, 16)])
                    for dc in range(8)
                )

            a = plsc.parallel_loop(rs, re, unroll=4, carry=a)(rbody)
            for dc in range(8):
                acc[pl.ds(c * D + dc * 16, 16)] = a[dc]

    def gbody(g, _):
        p0 = 2 * g
        wait(buf0, sem0)
        process(p0, buf0)

        @pl.when(p0 + 2 < NP)
        def _():
            start(p0 + 2, buf0, sem0)

        wait(buf1, sem1)
        process(p0 + 1, buf1)

        @pl.when(p0 + 3 < NP)
        def _():
            start(p0 + 3, buf1, sem1)

        return 0

    lax.fori_loop(0, NP // 2, gbody, 0)
    if NP % 2:
        wait(buf0, sem0)
        process(NP - 1, buf0)
    pltpu.sync_copy(acc, out_hbm.at[pl.ds(wid * CP * D, CP * D)])


_sc_segmax = functools.partial(
    pl.kernel,
    out_type=jax.ShapeDtypeStruct((NW * CP * D,), jnp.float32),
    mesh=plsc.VectorSubcoreMesh(core_axis_name="c", subcore_axis_name="s"),
    scratch_types=[
        pltpu.VMEM((P * D,), jnp.float32),
        pltpu.VMEM((P * D,), jnp.float32),
        pltpu.VMEM((CP * D,), jnp.float32),
        pltpu.VMEM((ROWS_PER_W + 16,), jnp.int32),
        pltpu.SMEM((16,), jnp.int32),
        pltpu.SemaphoreType.DMA,
        pltpu.SemaphoreType.DMA,
    ],
)(_sc_segmax_body)


def _tc_segmax_body(pa_ref, x_ref, out_ref):
    i = pl.program_id(0)
    base_rows = BT // 128

    @pl.when(i == 0)
    def _():
        out_ref[:] = jnp.full((CP, D), NEG_INF, jnp.float32)

    pa_blk = pa_ref[:]
    x = x_ref[:]
    first = pa_blk[0, 0]
    last = pa_blk[base_rows - 1, 127]

    @pl.when(first == last)
    def _():
        m = jnp.max(x, axis=0, keepdims=True)
        cur = out_ref[pl.ds(first, 1), :]
        out_ref[pl.ds(first, 1), :] = jnp.maximum(cur, m)

    @pl.when(first != last)
    def _():
        riota = lax.broadcasted_iota(jnp.int32, (BT, 1), 0)
        less = [jnp.int32(0)]
        for c in range(C):
            less.append(jnp.sum((pa_blk < (c + 1)).astype(jnp.int32)))
        for c in range(C):
            mask = (riota >= less[c]) & (riota < less[c + 1])
            m = jnp.max(jnp.where(mask, x, NEG_INF), axis=0, keepdims=True)
            cur = out_ref[pl.ds(c, 1), :]
            out_ref[pl.ds(c, 1), :] = jnp.maximum(cur, m)


_tc_segmax = pl.pallas_call(
    _tc_segmax_body,
    grid=(NBT,),
    in_specs=[
        pl.BlockSpec((BT // 128, 128), lambda i: (i, 0)),
        pl.BlockSpec((BT, D), lambda i: (i, 0)),
    ],
    out_specs=pl.BlockSpec((CP, D), lambda i: (0, 0)),
    out_shape=jax.ShapeDtypeStruct((CP, D), jnp.float32),
)


def _tc_gcn_body(part_ref, tcp_ref, pad_ref, w_ref, b_ref, cc_ref, out_ref):
    seg = tcp_ref[:]
    for i in range(NW):
        seg = jnp.maximum(seg, part_ref[i])
    core = jnp.where(seg > NEG_INF, seg, pad_ref[:])

    cc = cc_ref[:]
    rr = lax.broadcasted_iota(jnp.int32, (CP, CP), 0)
    cidx = lax.broadcasted_iota(jnp.int32, (CP, CP), 1)
    eye = jnp.where(rr == cidx, 1.0, 0.0).astype(jnp.float32)
    a_hat = cc + eye
    deg = jnp.sum(a_hat, axis=1, keepdims=True)
    dinv = jnp.where(deg > 0, lax.rsqrt(deg), 0.0)
    t = jnp.dot(a_hat, core * dinv, preferred_element_type=jnp.float32)
    h = jnp.dot(t * dinv, w_ref[:], preferred_element_type=jnp.float32)
    out_ref[:] = jnp.maximum(h + b_ref[:], 0.0)


_tc_gcn = pl.pallas_call(
    _tc_gcn_body,
    out_shape=jax.ShapeDtypeStruct((CP, D), jnp.float32),
)


def kernel(prev_assign, q_embeddings, padding_emb, W, b, core_con):
    pa = prev_assign.astype(jnp.int32)
    partials = _sc_segmax(q_embeddings.reshape(-1), pa)
    partials = partials.reshape(NW, CP, D)
    tc_part = _tc_segmax(pa.reshape(Q // 128, 128), q_embeddings)

    cc16 = jnp.zeros((CP, CP), jnp.float32).at[:C, :C].set(core_con)
    out16 = _tc_gcn(
        partials,
        tc_part,
        padding_emb.reshape(1, D),
        W,
        b.reshape(1, D),
        cc16,
    )
    return out16[:C]

# --- scband reference (transcript-rebuilt; emitter-appended) ---
"""Pipeline reference for scband-core-snapshot-encoder-3092376453302 (READ-ONLY COPY).

The authoritative reference and input builder live on the scoring server;
editing this copy changes nothing except your own understanding.
"""

import jax, jax.numpy as jnp
import numpy as np


def _normalize_adj(A):
    n = A.shape[0]
    A_hat = A + jnp.eye(n, dtype=A.dtype)
    deg = jnp.sum(A_hat, axis=1)
    d_inv_sqrt = jnp.where(deg > 0, 1.0 / jnp.sqrt(deg), 0.0)
    return A_hat * d_inv_sqrt[:, None] * d_inv_sqrt[None, :]


def setup_inputs(seed: int = 0) -> dict:
    key = jax.random.key(seed)
    k1, k2, k3, k4 = jax.random.split(key, 4)
    Q = 320000
    d = 128
    C = 10
    prev_assign = jnp.sort(jax.random.randint(k1, (Q,), 0, C, dtype=jnp.int64 if jax.config.jax_enable_x64 else jnp.int32))
    q_embeddings = jax.random.normal(k2, (Q, d), dtype=jnp.float32)
    # learned parameters
    padding_emb = jnp.zeros((d,), dtype=jnp.float32)  # nn.Parameter init to zeros
    core_con = jnp.ones((C, C), dtype=jnp.float32) - jnp.eye(C, dtype=jnp.float32)  # all-to-all core graph (buffer)
    W = jax.random.normal(k3, (d, d), dtype=jnp.float32) * (1.0 / np.sqrt(d))  # GNN layer weight
    b = jnp.zeros((d,), dtype=jnp.float32)  # GNN layer bias
    return {"prev_assign": prev_assign, "q_embeddings": q_embeddings, "padding_emb": padding_emb, "W": W, "b": b, "core_con": core_con}


def reference(prev_assign, q_embeddings, padding_emb, W, b, core_con):
    C = core_con.shape[0]
    # per-core max over qubit embeddings assigned to that core (segment max)
    seg_max = jax.ops.segment_max(q_embeddings, prev_assign, num_segments=C)
    counts = jnp.bincount(prev_assign, length=C)
    has = (counts > 0)[:, None]
    seg_max_safe = jnp.where(has, seg_max, 0.0)
    # empty cores get the learned padding embedding
    core_embs = jnp.where(has, seg_max_safe, padding_emb[None, :])
    # GNN over the fixed core-connectivity graph (1-layer GCN, batch of 1 graph then squeeze)
    A_norm = _normalize_adj(core_con)
    out = jax.nn.relu(A_norm @ core_embs @ W + b)
    return out

if __name__ == "__main__":
    import jax
    _d = setup_inputs()
    print(jax.jit(kernel)(*tuple(_d.values())))

</pallas_src>

<mosaic_0001>
#map = affine_map<(d0, d1) -> (0)>
module attributes {stable_mosaic.version = 14 : i64} {
  func.func @_sc_segmax_body(%arg0: i32, %arg1: i32, %arg2: memref<40960000xf32, #tpu.memory_space<hbm>>, %arg3: memref<320000xi32, #tpu.memory_space<hbm>>, %arg4: memref<65536xf32, #tpu.memory_space<hbm>>, %arg5: memref<51328xf32, #tpu.memory_space<vmem>>, %arg6: memref<51328xf32, #tpu.memory_space<vmem>>, %arg7: memref<2048xf32, #tpu.memory_space<vmem>>, %arg8: memref<6432xi32, #tpu.memory_space<vmem>>, %arg9: memref<16xi32, #tpu.memory_space<smem>>, %arg10: memref<!tpu.dma_semaphore, #tpu.memory_space<semaphore_mem>>, %arg11: memref<!tpu.dma_semaphore, #tpu.memory_space<semaphore_mem>>) attributes {dimension_semantics = [#tpu.dimension_semantics<core_parallel>, #tpu.dimension_semantics<subcore_parallel>], iteration_bounds = array<i64: 2, 16>, scalar_prefetch = 0 : i64, scratch_operands = 7 : i64, tpu.core_type = #tpu.core_type<sc_vector_subcore>, window_params = [{transform_indices = #map}, {transform_indices = #map}, {transform_indices = #map}]} {
    %mul3A = arith.constant 2 : i32
    %mul3A_0 = arith.muli %arg1, %mul3A : i32
    %add3A = arith.addi %mul3A_0, %arg0 : i32
    %mul3A_1 = arith.constant 6416 : i32
    %mul3A_2 = arith.muli %add3A, %mul3A_1 : i32
    %add3A_3 = arith.constant 114688 : i32
    %add3A_4 = arith.addi %add3A_3, %mul3A_2 : i32
    %add3A_5 = arith.constant 0 : i32
    %add3A_6 = arith.addi %add3A_4, %add3A_5 : i32
    %mul3A_7 = arith.constant 128 : i32
    %mul3A_8 = arith.muli %add3A_6, %mul3A_7 : i32
    %dma_start3A = tpu.memref_slice %arg2[%mul3A_8] : memref<40960000xf32, #tpu.memory_space<hbm>> -> memref<51328xf32, #tpu.memory_space<hbm>>
    %dma_start3A_9 = tpu.memref_slice %arg2[%mul3A_8] : memref<40960000xf32, #tpu.memory_space<hbm>> -> memref<51328xf32, #tpu.memory_space<hbm>>
    tpu.enqueue_dma source(%dma_start3A_9 : memref<51328xf32, #tpu.memory_space<hbm>>) target(%arg5 : memref<51328xf32, #tpu.memory_space<vmem>>) target_semaphore(%arg10 : memref<!tpu.dma_semaphore, #tpu.memory_space<semaphore_mem>>)
    %add3A_10 = arith.constant 401 : i32
    %add3A_11 = arith.addi %add3A_4, %add3A_10 : i32
    %mul3A_12 = arith.constant 128 : i32
    %mul3A_13 = arith.muli %add3A_11, %mul3A_12 : i32
    %dma_start3A_14 = tpu.memref_slice %arg2[%mul3A_13] : memref<40960000xf32, #tpu.memory_space<hbm>> -> memref<51328xf32, #tpu.memory_space<hbm>>
    %dma_start3A_15 = tpu.memref_slice %arg2[%mul3A_13] : memref<40960000xf32, #tpu.memory_space<hbm>> -> memref<51328xf32, #tpu.memory_space<hbm>>
    tpu.enqueue_dma source(%dma_start3A_15 : memref<51328xf32, #tpu.memory_space<hbm>>) target(%arg6 : memref<51328xf32, #tpu.memory_space<vmem>>) target_semaphore(%arg11 : memref<!tpu.dma_semaphore, #tpu.memory_space<semaphore_mem>>)
    "tpu.region"() ({
      %run_scoped3A = tpu.sem_alloc : memref<!tpu.dma_semaphore, #tpu.memory_space<semaphore_mem>>
      %dma_start3A_80 = arith.constant 0 : i32
      %dma_start3A_81 = tpu.memref_slice %arg8[%dma_start3A_80] : memref<6432xi32, #tpu.memory_space<vmem>> -> memref<6416xi32, #tpu.memory_space<vmem>>
      %dma_start3A_82 = tpu.memref_slice %arg3[%add3A_4] : memref<320000xi32, #tpu.memory_space<hbm>> -> memref<6416xi32, #tpu.memory_space<hbm>>
      %dma_start3A_83 = arith.constant 0 : i32
      %dma_start3A_84 = tpu.memref_slice %arg8[%dma_start3A_83] : memref<6432xi32, #tpu.memory_space<vmem>> -> memref<6416xi32, #tpu.memory_space<vmem>>
      %dma_start3A_85 = tpu.memref_slice %arg3[%add3A_4] : memref<320000xi32, #tpu.memory_space<hbm>> -> memref<6416xi32, #tpu.memory_space<hbm>>
      tpu.enqueue_dma source(%dma_start3A_85 : memref<6416xi32, #tpu.memory_space<hbm>>) target(%dma_start3A_84 : memref<6416xi32, #tpu.memory_space<vmem>>) target_semaphore(%run_scoped3A : memref<!tpu.dma_semaphore, #tpu.memory_space<semaphore_mem>>)
      %dma_wait3A = arith.constant 0 : i32
      %dma_wait3A_86 = tpu.memref_slice %arg8[%dma_wait3A] : memref<6432xi32, #tpu.memory_space<vmem>> -> memref<6416xi32, #tpu.memory_space<vmem>>
      %dma_wait3A_87 = tpu.memref_slice %arg3[%add3A_4] : memref<320000xi32, #tpu.memory_space<hbm>> -> memref<6416xi32, #tpu.memory_space<hbm>>
      %dma_wait3A_88 = arith.constant 0 : i32
      %dma_wait3A_89 = tpu.memref_slice %arg8[%dma_wait3A_88] : memref<6432xi32, #tpu.memory_space<vmem>> -> memref<6416xi32, #tpu.memory_space<vmem>>
      %dma_wait3A_90 = tpu.memref_slice %arg3[%add3A_4] : memref<320000xi32, #tpu.memory_space<hbm>> -> memref<6416xi32, #tpu.memory_space<hbm>>
      tpu.wait_dma2 semaphore(%run_scoped3A : memref<!tpu.dma_semaphore, #tpu.memory_space<semaphore_mem>>) src(%dma_wait3A_90 : memref<6416xi32, #tpu.memory_space<hbm>>) dst(%dma_wait3A_89 : memref<6416xi32, #tpu.memory_space<vmem>>)
      tpu.yield
    }) : () -> ()
    %swap3A = arith.constant 0 : i32
    %swap3A_16 = arith.constant 0 : i32
    %swap3A_17 = arith.index_cast %swap3A_16 : i32 to index
    %swap3A_18 = memref.load %arg9[%swap3A_17] : memref<16xi32, #tpu.memory_space<smem>>
    memref.store %swap3A, %arg9[%swap3A_17] : memref<16xi32, #tpu.memory_space<smem>>
    %swap3A_19 = arith.constant 6416 : i32
    %swap3A_20 = arith.constant 10 : i32
    %swap3A_21 = arith.index_cast %swap3A_20 : i32 to index
    %swap3A_22 = memref.load %arg9[%swap3A_21] : memref<16xi32, #tpu.memory_space<smem>>
    memref.store %swap3A_19, %arg9[%swap3A_21] : memref<16xi32, #tpu.memory_space<smem>>
    %scan3A = arith.constant 0 : i32
    %scan3A_23 = arith.constant 1 : i32
    %scan3A_24 = arith.constant 9 : i32
    %scan3A_25 = arith.addi %scan3A_23, %scan3A_24 : i32
    %scan3A_26 = arith.constant 1 : i32
    %scan3A_27 = scf.for %scan3A_80 = %scan3A_23 to %scan3A_25 step %scan3A_26 iter_args(%scan3A_81 = %scan3A) -> (i32)  : i32 {
      %scan3A_82 = arith.constant 0 : i32
      %scan3A_83 = arith.constant 6416 : i32
      %scan3A_84 = arith.constant 0 : i32
      %scan3A_85 = arith.constant 14 : i32
      %scan3A_86 = arith.addi %scan3A_84, %scan3A_85 : i32
      %scan3A_87 = arith.constant 1 : i32
      %scan3A_88:2 = scf.for %scan3A_93 = %scan3A_84 to %scan3A_86 step %scan3A_87 iter_args(%scan3A_94 = %scan3A_82, %scan3A_95 = %scan3A_83) -> (i32, i32)  : i32 {
        %add3A_96 = arith.addi %scan3A_94, %scan3A_95 : i32
        %jit3A = arith.constant 2 : i32
        %div3A = arith.divsi %add3A_96, %jit3A : i32
        %sign3A = arith.constant 0 : i32
        %sign3A_97 = arith.cmpi sgt, %add3A_96, %sign3A : i32
        %sign3A_98 = arith.extui %sign3A_97 : i1 to i32
        %sign3A_99 = arith.constant 0 : i32
        %sign3A_100 = arith.cmpi slt, %add3A_96, %sign3A_99 : i32
        %sign3A_101 = arith.extui %sign3A_100 : i1 to i32
        %sign3A_102 = arith.subi %sign3A_98, %sign3A_101 : i32
        %sign3A_103 = arith.constant 0 : i32
        %sign3A_104 = arith.cmpi sgt, %jit3A, %sign3A_103 : i32
        %sign3A_105 = arith.extui %sign3A_104 : i1 to i32
        %sign3A_106 = arith.constant 0 : i32
        %sign3A_107 = arith.cmpi slt, %jit3A, %sign3A_106 : i32
        %sign3A_108 = arith.extui %sign3A_107 : i1 to i32
        %sign3A_109 = arith.subi %sign3A_105, %sign3A_108 : i32
        %ne3A = arith.cmpi ne, %sign3A_102, %sign3A_109 : i32
        %rem3A = arith.remsi %add3A_96, %jit3A : i32
        %ne3A_110 = arith.constant 0 : i32
        %ne3A_111 = arith.cmpi ne, %rem3A, %ne3A_110 : i32
        %and3A = arith.andi %ne3A, %ne3A_111 : i1
        %sub3A = arith.constant 1 : i32
        %sub3A_112 = arith.subi %div3A, %sub3A : i32
        %select_n3A = arith.select %and3A, %sub3A_112, %div3A : i32
        %get3A_113 = arith.index_cast %select_n3A : i32 to index
        %get3A_114 = tpu.vector_load %arg8[%get3A_113] {strides = array<i32>} : memref<6432xi32, #tpu.memory_space<vmem>>, vector<16xi32>,
        %get3A_115 = vector.shape_cast %get3A_114 : vector<16xi32> to vector<16xi32>
        %slice3A = vector.extract_strided_slice %get3A_115 {offsets = [0], sizes = [1], strides = [1]} : vector<16xi32> to vector<1xi32>
        %squeeze3A = vector.extract %slice3A[0] : i32 from vector<1xi32>
        %lt3A = arith.cmpi slt, %squeeze3A, %scan3A_80 : i32
        %add3A_116 = arith.constant 1 : i32
        %add3A_117 = arith.addi %select_n3A, %add3A_116 : i32
        %select_n3A_118 = arith.select %lt3A, %add3A_117, %scan3A_94 : i32
        %select_n3A_119 = arith.select %lt3A, %scan3A_95, %select_n3A : i32
        scf.yield %select_n3A_118, %select_n3A_119 : i32, i32
      }
      %scan3A_89 = arith.constant 14 : i32
      %swap3A_90 = arith.index_cast %scan3A_80 : i32 to index
      %swap3A_91 = memref.load %arg9[%swap3A_90] : memref<16xi32, #tpu.memory_space<smem>>
      memref.store %scan3A_88#0, %arg9[%swap3A_90] : memref<16xi32, #tpu.memory_space<smem>>
      %scan3A_92 = arith.constant 0 : i32
      scf.yield %scan3A_92 : i32
    }
    %scan3A_28 = arith.constant 9 : i32
    %get3A = arith.constant 0 : i32
    %get3A_29 = arith.index_cast %get3A : i32 to index
    %get3A_30 = memref.load %arg9[%get3A_29] : memref<16xi32, #tpu.memory_space<smem>>
    %get3A_31 = arith.constant 1 : i32
    %get3A_32 = arith.index_cast %get3A_31 : i32 to index
    %get3A_33 = memref.load %arg9[%get3A_32] : memref<16xi32, #tpu.memory_space<smem>>
    %get3A_34 = arith.constant 2 : i32
    %get3A_35 = arith.index_cast %get3A_34 : i32 to index
    %get3A_36 = memref.load %arg9[%get3A_35] : memref<16xi32, #tpu.memory_space<smem>>
    %get3A_37 = arith.constant 3 : i32
    %get3A_38 = arith.index_cast %get3A_37 : i32 to index
    %get3A_39 = memref.load %arg9[%get3A_38] : memref<16xi32, #tpu.memory_space<smem>>
    %get3A_40 = arith.constant 4 : i32
    %get3A_41 = arith.index_cast %get3A_40 : i32 to index
    %get3A_42 = memref.load %arg9[%get3A_41] : memref<16xi32, #tpu.memory_space<smem>>
    %get3A_43 = arith.constant 5 : i32
    %get3A_44 = arith.index_cast %get3A_43 : i32 to index
    %get3A_45 = memref.load %arg9[%get3A_44] : memref<16xi32, #tpu.memory_space<smem>>
    %get3A_46 = arith.constant 6 : i32
    %get3A_47 = arith.index_cast %get3A_46 : i32 to index
    %get3A_48 = memref.load %arg9[%get3A_47] : memref<16xi32, #tpu.memory_space<smem>>
    %get3A_49 = arith.constant 7 : i32
    %get3A_50 = arith.index_cast %get3A_49 : i32 to index
    %get3A_51 = memref.load %arg9[%get3A_50] : memref<16xi32, #tpu.memory_space<smem>>
    %get3A_52 = arith.constant 8 : i32
    %get3A_53 = arith.index_cast %get3A_52 : i32 to index
    %get3A_54 = memref.load %arg9[%get3A_53] : memref<16xi32, #tpu.memory_space<smem>>
    %get3A_55 = arith.constant 9 : i32
    %get3A_56 = arith.index_cast %get3A_55 : i32 to index
    %get3A_57 = memref.load %arg9[%get3A_56] : memref<16xi32, #tpu.memory_space<smem>>
    %get3A_58 = arith.constant 10 : i32
    %get3A_59 = arith.index_cast %get3A_58 : i32 to index
    %get3A_60 = memref.load %arg9[%get3A_59] : memref<16xi32, #tpu.memory_space<smem>>
    %broadcast_in_dim3A = arith.constant 0xFF800000 : f32
    %broadcast_in_dim3A_61 = vector.broadcast %broadcast_in_dim3A : f32 to vector<16xf32>
    %scan3A_62 = arith.constant 0 : i32
    %scan3A_63 = arith.constant 0 : i32
    %scan3A_64 = arith.constant 128 : i32
    %scan3A_65 = arith.addi %scan3A_63, %scan3A_64 : i32
    %scan3A_66 = arith.constant 1 : i32
    %scan3A_67 = scf.for %scan3A_80 = %scan3A_63 to %scan3A_65 step %scan3A_66 iter_args(%scan3A_81 = %scan3A_62) -> (i32)  : i32 {
      %mul3A_82 = arith.constant 16 : i32
      %mul3A_83 = arith.muli %scan3A_80, %mul3A_82 : i32
      %swap3A_84 = arith.index_cast %mul3A_83 : i32 to index
      %swap3A_85 = tpu.vector_load %arg7[%swap3A_84] {strides = array<i32>} : memref<2048xf32, #tpu.memory_space<vmem>>, vector<16xf32>,
      %swap3A_86 = vector.shape_cast %swap3A_85 : vector<16xf32> to vector<16xf32>
      %swap3A_87 = vector.shape_cast %broadcast_in_dim3A_61 : vector<16xf32> to vector<16xf32>
      tpu.vector_store %arg7[%swap3A_84], %swap3A_87 {strides = array<i32>} : memref<2048xf32, #tpu.memory_space<vmem>>, vector<16xf32>,
      %scan3A_88 = arith.constant 0 : i32
      scf.yield %scan3A_88 : i32
    }
    %scan3A_68 = arith.constant 128 : i32
    %scan3A_69 = arith.constant 0 : i32
    %scan3A_70 = arith.constant 0 : i32
    %scan3A_71 = arith.constant 8 : i32
    %scan3A_72 = arith.addi %scan3A_70, %scan3A_71 : i32
    %scan3A_73 = arith.constant 1 : i32
    %scan3A_74 = scf.for %scan3A_80 = %scan3A_70 to %scan3A_72 step %scan3A_73 iter_args(%scan3A_81 = %scan3A_69) -> (i32)  : i32 {
      %mul3A_82 = arith.constant 2 : i32
      %mul3A_83 = arith.muli %mul3A_82, %scan3A_80 : i32
      %dma_wait3A = arith.constant 0 : i32
      %dma_wait3A_84 = tpu.memref_slice %arg2[%dma_wait3A] : memref<40960000xf32, #tpu.memory_space<hbm>> -> memref<51328xf32, #tpu.memory_space<hbm>>
      %dma_wait3A_85 = arith.constant 0 : i32
      %dma_wait3A_86 = tpu.memref_slice %arg2[%dma_wait3A_85] : memref<40960000xf32, #tpu.memory_space<hbm>> -> memref<51328xf32, #tpu.memory_space<hbm>>
      tpu.wait_dma2 semaphore(%arg10 : memref<!tpu.dma_semaphore, #tpu.memory_space<semaphore_mem>>) src(%dma_wait3A_86 : memref<51328xf32, #tpu.memory_space<hbm>>) dst(%arg5 : memref<51328xf32, #tpu.memory_space<vmem>>)
      %mul3A_87 = arith.constant 401 : i32
      %mul3A_88 = arith.muli %mul3A_83, %mul3A_87 : i32
      %sub3A = arith.subi %get3A_30, %mul3A_88 : i32
      %jit3A = arith.constant 0 : i32
      %jit3A_89 = arith.constant 401 : i32
      %max3A = arith.maxsi %jit3A, %sub3A : i32
      %min3A = arith.minsi %jit3A_89, %max3A : i32
      %sub3A_90 = arith.subi %get3A_33, %mul3A_88 : i32
      %jit3A_91 = arith.constant 0 : i32
      %jit3A_92 = arith.constant 401 : i32
      %max3A_93 = arith.maxsi %jit3A_91, %sub3A_90 : i32
      %min3A_94 = arith.minsi %jit3A_92, %max3A_93 : i32
      %get3A_95 = arith.constant 0 : index
      %get3A_96 = tpu.vector_load %arg7[%get3A_95] {strides = array<i32>} : memref<2048xf32, #tpu.memory_space<vmem>>, vector<16xf32>,
      %get3A_97 = vector.shape_cast %get3A_96 : vector<16xf32> to vector<16xf32>
      %get3A_98 = arith.constant 16 : index
      %get3A_99 = tpu.vector_load %arg7[%get3A_98] {strides = array<i32>} : memref<2048xf32, #tpu.memory_space<vmem>>, vector<16xf32>,
      %get3A_100 = vector.shape_cast %get3A_99 : vector<16xf32> to vector<16xf32>
      %get3A_101 = arith.constant 32 : index
      %get3A_102 = tpu.vector_load %arg7[%get3A_101] {strides = array<i32>} : memref<2048xf32, #tpu.memory_space<vmem>>, vector<16xf32>,
      %get3A_103 = vector.shape_cast %get3A_102 : vector<16xf32> to vector<16xf32>
      %get3A_104 = arith.constant 48 : index
      %get3A_105 = tpu.vector_load %arg7[%get3A_104] {strides = array<i32>} : memref<2048xf32, #tpu.memory_space<vmem>>, vector<16xf32>,
      %get3A_106 = vector.shape_cast %get3A_105 : vector<16xf32> to vector<16xf32>
      %get3A_107 = arith.constant 64 : index
      %get3A_108 = tpu.vector_load %arg7[%get3A_107] {strides = array<i32>} : memref<2048xf32, #tpu.memory_space<vmem>>, vector<16xf32>,
      %get3A_109 = vector.shape_cast %get3A_108 : vector<16xf32> to vector<16xf32>
      %get3A_110 = arith.constant 80 : index
      %get3A_111 = tpu.vector_load %arg7[%get3A_110] {strides = array<i32>} : memref<2048xf32, #tpu.memory_space<vmem>>, vector<16xf32>,
      %get3A_112 = vector.shape_cast %get3A_111 : vector<16xf32> to vector<16xf32>
      %get3A_113 = arith.constant 96 : index
      %get3A_114 = tpu.vector_load %arg7[%get3A_113] {strides = array<i32>} : memref<2048xf32, #tpu.memory_space<vmem>>, vector<16xf32>,
      %get3A_115 = vector.shape_cast %get3A_114 : vector<16xf32> to vector<16xf32>
      %get3A_116 = arith.constant 112 : index
      %get3A_117 = tpu.vector_load %arg7[%get3A_116] {strides = array<i32>} : memref<2048xf32, #tpu.memory_space<vmem>>, vector<16xf32>,
      %get3A_118 = vector.shape_cast %get3A_117 : vector<16xf32> to vector<16xf32>
      %parallel_loop3A = arith.constant 1 : i32
      %parallel_loop3A_119:8 = scf.for %parallel_loop3A_1464 = %min3A to %min3A_94 step %parallel_loop3A iter_args(%parallel_loop3A_1465 = %get3A_97, %parallel_loop3A_1466 = %get3A_100, %parallel_loop3A_1467 = %get3A_103, %parallel_loop3A_1468 = %get3A_106, %parallel_loop3A_1469 = %get3A_109, %parallel_loop3A_1470 = %get3A_112, %parallel_loop3A_1471 = %get3A_115, %parallel_loop3A_1472 = %get3A_118) -> (vector<16xf32>, vector<16xf32>, vector<16xf32>, vector<16xf32>, vector<16xf32>, vector<16xf32>, vector<16xf32>, vector<16xf32>)  : i32 {
        %parallel_loop3A_1473 = arith.constant 128 : i32
        %parallel_loop3A_1474 = arith.muli %parallel_loop3A_1464, %parallel_loop3A_1473 : i32
        %parallel_loop3A_1475 = arith.constant 0 : i32
        %parallel_loop3A_1476 = arith.addi %parallel_loop3A_1474, %parallel_loop3A_1475 : i32
        %parallel_loop3A_1477 = arith.index_cast %parallel_loop3A_1476 : i32 to index
        %parallel_loop3A_1478 = tpu.vector_load %arg5[%parallel_loop3A_1477] {strides = array<i32>} : memref<51328xf32, #tpu.memory_space<vmem>>, vector<16xf32>,
        %parallel_loop3A_1479 = vector.shape_cast %parallel_loop3A_1478 : vector<16xf32> to vector<16xf32>
        %parallel_loop3A_1480 = arith.maximumf %parallel_loop3A_1465, %parallel_loop3A_1479 : vector<16xf32>
        %parallel_loop3A_1481 = arith.constant 16 : i32
        %parallel_loop3A_1482 = arith.addi %parallel_loop3A_1474, %parallel_loop3A_1481 : i32
        %parallel_loop3A_1483 = arith.index_cast %parallel_loop3A_1482 : i32 to index
        %parallel_loop3A_1484 = tpu.vector_load %arg5[%parallel_loop3A_1483] {strides = array<i32>} : memref<51328xf32, #tpu.memory_space<vmem>>, vector<16xf32>,
        %parallel_loop3A_1485 = vector.shape_cast %parallel_loop3A_1484 : vector<16xf32> to vector<16xf32>
        %parallel_loop3A_1486 = arith.maximumf %parallel_loop3A_1466, %parallel_loop3A_1485 : vector<16xf32>
        %parallel_loop3A_1487 = arith.constant 32 : i32
        %parallel_loop3A_1488 = arith.addi %parallel_loop3A_1474, %parallel_loop3A_1487 : i32
        %parallel_loop3A_1489 = arith.index_cast %parallel_loop3A_1488 : i32 to index
        %parallel_loop3A_1490 = tpu.vector_load %arg5[%parallel_loop3A_1489] {strides = array<i32>} : memref<51328xf32, #tpu.memory_space<vmem>>, vector<16xf32>,
        %parallel_loop3A_1491 = vector.shape_cast %parallel_loop3A_1490 : vector<16xf32> to vector<16xf32>
        %parallel_loop3A_1492 = arith.maximumf %parallel_loop3A_1467, %parallel_loop3A_1491 : vector<16xf32>
        %parallel_loop3A_1493 = arith.constant 48 : i32
        %parallel_loop3A_1494 = arith.addi %parallel_loop3A_1474, %parallel_loop3A_1493 : i32
        %parallel_loop3A_1495 = arith.index_cast %parallel_loop3A_1494 : i32 to index
        %parallel_loop3A_1496 = tpu.vector_load %arg5[%parallel_loop3A_1495] {strides = array<i32>} : memref<51328xf32, #tpu.memory_space<vmem>>, vector<16xf32>,
        %parallel_loop3A_1497 = vector.shape_cast %parallel_loop3A_1496 : vector<16xf32> to vector<16xf32>
        %parallel_loop3A_1498 = arith.maximumf %parallel_loop3A_1468, %parallel_loop3A_1497 : vector<16xf32>
        %parallel_loop3A_1499 = arith.constant 64 : i32
        %parallel_loop3A_1500 = arith.addi %parallel_loop3A_1474, %parallel_loop3A_1499 : i32
        %parallel_loop3A_1501 = arith.index_cast %parallel_loop3A_1500 : i32 to index
        %parallel_loop3A_1502 = tpu.vector_load %arg5[%parallel_loop3A_1501] {strides = array<i32>} : memref<51328xf32, #tpu.memory_space<vmem>>, vector<16xf32>,
        %parallel_loop3A_1503 = vector.shape_cast %parallel_loop3A_1502 : vector<16xf32> to vector<16xf32>
        %parallel_loop3A_1504 = arith.maximumf %parallel_loop3A_1469, %parallel_loop3A_1503 : vector<16xf32>
        %parallel_loop3A_1505 = arith.constant 80 : i32
        %parallel_loop3A_1506 = arith.addi %parallel_loop3A_1474, %parallel_loop3A_1505 : i32
        %parallel_loop3A_1507 = arith.index_cast %parallel_loop3A_1506 : i32 to index
        %parallel_loop3A_1508 = tpu.vector_load %arg5[%parallel_loop3A_1507] {strides = array<i32>} : memref<51328xf32, #tpu.memory_space<vmem>>, vector<16xf32>,
        %parallel_loop3A_1509 = vector.shape_cast %parallel_loop3A_1508 : vector<16xf32> to vector<16xf32>
        %parallel_loop3A_1510 = arith.maximumf %parallel_loop3A_1470, %parallel_loop3A_1509 : vector<16xf32>
        %parallel_loop3A_1511 = arith.constant 96 : i32
        %parallel_loop3A_1512 = arith.addi %parallel_loop3A_1474, %parallel_loop3A_1511 : i32
        %parallel_loop3A_1513 = arith.index_cast %parallel_loop3A_1512 : i32 to index
        %parallel_loop3A_1514 = tpu.vector_load %arg5[%parallel_loop3A_1513] {strides = array<i32>} : memref<51328xf32, #tpu.memory_space<vmem>>, vector<16xf32>,
        %parallel_loop3A_1515 = vector.shape_cast %parallel_loop3A_1514 : vector<16xf32> to vector<16xf32>
        %parallel_loop3A_1516 = arith.maximumf %parallel_loop3A_1471, %parallel_loop3A_1515 : vector<16xf32>
        %parallel_loop3A_1517 = arith.constant 112 : i32
        %parallel_loop3A_1518 = arith.addi %parallel_loop3A_1474, %parallel_loop3A_1517 : i32
        %parallel_loop3A_1519 = arith.index_cast %parallel_loop3A_1518 : i32 to index
        %parallel_loop3A_1520 = tpu.vector_load %arg5[%parallel_loop3A_1519] {strides = array<i32>} : memref<51328xf32, #tpu.memory_space<vmem>>, vector<16xf32>,
        %parallel_loop3A_1521 = vector.shape_cast %parallel_loop3A_1520 : vector<16xf32> to vector<16xf32>
        %parallel_loop3A_1522 = arith.maximumf %parallel_loop3A_1472, %parallel_loop3A_1521 : vector<16xf32>
        scf.yield %parallel_loop3A_1480, %parallel_loop3A_1486, %parallel_loop3A_1492, %parallel_loop3A_1498, %parallel_loop3A_1504, %parallel_loop3A_1510, %parallel_loop3A_1516, %parallel_loop3A_1522 : vector<16xf32>, vector<16xf32>, vector<16xf32>, vector<16xf32>, vector<16xf32>, vector<16xf32>, vector<16xf32>, vector<16xf32>
      } {sc.loop_unroll_factor = 4 : i64, sc.parallel_access}
      %swap3A_120 = arith.constant 0 : index
      %swap3A_121 = tpu.vector_load %arg7[%swap3A_120] {strides = array<i32>} : memref<2048xf32, #tpu.memory_space<vmem>>, vector<16xf32>,
      %swap3A_122 = vector.shape_cast %swap3A_121 : vector<16xf32> to vector<16xf32>
      %swap3A_123 = vector.shape_cast %parallel_loop3A_119#0 : vector<16xf32> to vector<16xf32>
      tpu.vector_store %arg7[%swap3A_120], %swap3A_123 {strides = array<i32>} : memref<2048xf32, #tpu.memory_space<vmem>>, vector<16xf32>,
      %swap3A_124 = arith.constant 16 : index
      %swap3A_125 = tpu.vector_load %arg7[%swap3A_124] {strides = array<i32>} : memref<2048xf32, #tpu.memory_space<vmem>>, vector<16xf32>,
      %swap3A_126 = vector.shape_cast %swap3A_125 : vector<16xf32> to vector<16xf32>
      %swap3A_127 = vector.shape_cast %parallel_loop3A_119#1 : vector<16xf32> to vector<16xf32>
      tpu.vector_store %arg7[%swap3A_124], %swap3A_127 {strides = array<i32>} : memref<2048xf32, #tpu.memory_space<vmem>>, vector<16xf32>,
      %swap3A_128 = arith.constant 32 : index
      %swap3A_129 = tpu.vector_load %arg7[%swap3A_128] {strides = array<i32>} : memref<2048xf32, #tpu.memory_space<vmem>>, vector<16xf32>,
      %swap3A_130 = vector.shape_cast %swap3A_129 : vector<16xf32> to vector<16xf32>
      %swap3A_131 = vector.shape_cast %parallel_loop3A_119#2 : vector<16xf32> to vector<16xf32>
      tpu.vector_store %arg7[%swap3A_128], %swap3A_131 {strides = array<i32>} : memref<2048xf32, #tpu.memory_space<vmem>>, vector<16xf32>,
      %swap3A_132 = arith.constant 48 : index
      %swap3A_133 = tpu.vector_load %arg7[%swap3A_132] {strides = array<i32>} : memref<2048xf32, #tpu.memory_space<vmem>>, vector<16xf32>,
      %swap3A_134 = vector.shape_cast %swap3A_133 : vector<16xf32> to vector<16xf32>
      %swap3A_135 = vector.shape_cast %parallel_loop3A_119#3 : vector<16xf32> to vector<16xf32>
      tpu.vector_store %arg7[%swap3A_132], %swap3A_135 {strides = array<i32>} : memref<2048xf32, #tpu.memory_space<vmem>>, vector<16xf32>,
      %swap3A_136 = arith.constant 64 : index
      %swap3A_137 = tpu.vector_load %arg7[%swap3A_136] {strides = array<i32>} : memref<2048xf32, #tpu.memory_space<vmem>>, vector<16xf32>,
      %swap3A_138 = vector.shape_cast %swap3A_137 : vector<16xf32> to vector<16xf32>
      %swap3A_139 = vector.shape_cast %parallel_loop3A_119#4 : vector<16xf32> to vector<16xf32>
      tpu.vector_store %arg7[%swap3A_136], %swap3A_139 {strides = array<i32>} : memref<2048xf32, #tpu.memory_space<vmem>>, vector<16xf32>,
      %swap3A_140 = arith.constant 80 : index
      %swap3A_141 = tpu.vector_load %arg7[%swap3A_140] {strides = array<i32>} : memref<2048xf32, #tpu.memory_space<vmem>>, vector<16xf32>,
      %swap3A_142 = vector.shape_cast %swap3A_141 : vector<16xf32> to vector<16xf32>
      %swap3A_143 = vector.shape_cast %parallel_loop3A_119#5 : vector<16xf32> to vector<16xf32>
      tpu.vector_store %arg7[%swap3A_140], %swap3A_143 {strides = array<i32>} : memref<2048xf32, #tpu.memory_space<vmem>>, vector<16xf32>,
      %swap3A_144 = arith.constant 96 : index
      %swap3A_145 = tpu.vector_load %arg7[%swap3A_144] {strides = array<i32>} : memref<2048xf32, #tpu.memory_space<vmem>>, vector<16xf32>,
      %swap3A_146 = vector.shape_cast %swap3A_145 : vector<16xf32> to vector<16xf32>
      %swap3A_147 = vector.shape_cast %parallel_loop3A_119#6 : vector<16xf32> to vector<16xf32>
      tpu.vector_store %arg7[%swap3A_144], %swap3A_147 {strides = array<i32>} : memref<2048xf32, #tpu.memory_space<vmem>>, vector<16xf32>,
      %swap3A_148 = arith.constant 112 : index
      %swap3A_149 = tpu.vector_load %arg7[%swap3A_148] {strides = array<i32>} : memref<2048xf32, #tpu.memory_space<vmem>>, vector<16xf32>,
      %swap3A_150 = vector.shape_cast %swap3A_149 : vector<16xf32> to vector<16xf32>
      %swap3A_151 = vector.shape_cast %parallel_loop3A_119#7 : vector<16xf32> to vector<16xf32>
      tpu.vector_store %arg7[%swap3A_148], %swap3A_151 {strides = array<i32>} : memref<2048xf32, #tpu.memory_space<vmem>>, vector<16xf32>,
      %sub3A_152 = arith.subi %get3A_33, %mul3A_88 : i32
      %jit3A_153 = arith.constant 0 : i32
      %jit3A_154 = arith.constant 401 : i32
      %max3A_155 = arith.maxsi %jit3A_153, %sub3A_152 : i32
      %min3A_156 = arith.minsi %jit3A_154, %max3A_155 : i32
      %sub3A_157 = arith.subi %get3A_36, %mul3A_88 : i32
      %jit3A_158 = arith.constant 0 : i32
      %jit3A_159 = arith.constant 401 : i32
      %max3A_160 = arith.maxsi %jit3A_158, %sub3A_157 : i32
      %min3A_161 = arith.minsi %jit3A_159, %max3A_160 : i32
      %get3A_162 = arith.constant 128 : index
      %get3A_163 = tpu.vector_load %arg7[%get3A_162] {strides = array<i32>} : memref<2048xf32, #tpu.memory_space<vmem>>, vector<16xf32>,
      %get3A_164 = vector.shape_cast %get3A_163 : vector<16xf32> to vector<16xf32>
      %get3A_165 = arith.constant 144 : index
      %get3A_166 = tpu.vector_load %arg7[%get3A_165] {strides = array<i32>} : memref<2048xf32, #tpu.memory_space<vmem>>, vector<16xf32>,
      %get3A_167 = vector.shape_cast %get3A_166 : vector<16xf32> to vector<16xf32>
      %get3A_168 = arith.constant 160 : index
      %get3A_169 = tpu.vector_load %arg7[%get3A_168] {strides = array<i32>} : memref<2048xf32, #tpu.memory_space<vmem>>, vector<16xf32>,
      %get3A_170 = vector.shape_cast %get3A_169 : vector<16xf32> to vector<16xf32>
      %get3A_171 = arith.constant 176 : index
      %get3A_172 = tpu.vector_load %arg7[%get3A_171] {strides = array<i32>} : memref<2048xf32, #tpu.memory_space<vmem>>, vector<16xf32>,
      %get3A_173 = vector.shape_cast %get3A_172 : vector<16xf32> to vector<16xf32>
      %get3A_174 = arith.constant 192 : index
      %get3A_175 = tpu.vector_load %arg7[%get3A_174] {strides = array<i32>} : memref<2048xf32, #tpu.memory_space<vmem>>, vector<16xf32>,
      %get3A_176 = vector.shape_cast %get3A_175 : vector<16xf32> to vector<16xf32>
      %get3A_177 = arith.constant 208 : index
      %get3A_178 = tpu.vector_load %arg7[%get3A_177] {strides = array<i32>} : memref<2048xf32, #tpu.memory_space<vmem>>, vector<16xf32>,
      %get3A_179 = vector.shape_cast %get3A_178 : vector<16xf32> to vector<16xf32>
      %get3A_180 = arith.constant 224 : index
      %get3A_181 = tpu.vector_load %arg7[%get3A_180] {strides = array<i32>} : memref<2048xf32, #tpu.memory_space<vmem>>, vector<16xf32>,
      %get3A_182 = vector.shape_cast %get3A_181 : vector<16xf32> to vector<16xf32>
      %get3A_183 = arith.constant 240 : index
      %get3A_184 = tpu.vector_load %arg7[%get3A_183] {strides = array<i32>} : memref<2048xf32, #tpu.memory_space<vmem>>, vector<16xf32>,
      %get3A_185 = vector.shape_cast %get3A_184 : vector<16xf32> to vector<16xf32>
      %parallel_loop3A_186 = arith.constant 1 : i32
      %parallel_loop3A_187:8 = scf.for %parallel_loop3A_1464 = %min3A_156 to %min3A_161 step %parallel_loop3A_186 iter_args(%parallel_loop3A_1465 = %get3A_164, %parallel_loop3A_1466 = %get3A_167, %parallel_loop3A_1467 = %get3A_170, %parallel_loop3A_1468 = %get3A_173, %parallel_loop3A_1469 = %get3A_176, %parallel_loop3A_1470 = %get3A_179, %parallel_loop3A_1471 = %get3A_182, %parallel_loop3A_1472 = %get3A_185) -> (vector<16xf32>, vector<16xf32>, vector<16xf32>, vector<16xf32>, vector<16xf32>, vector<16xf32>, vector<16xf32>, vector<16xf32>)  : i32 {
        %parallel_loop3A_1473 = arith.constant 128 : i32
        %parallel_loop3A_1474 = arith.muli %parallel_loop3A_1464, %parallel_loop3A_1473 : i32
        %parallel_loop3A_1475 = arith.constant 0 : i32
        %parallel_loop3A_1476 = arith.addi %parallel_loop3A_1474, %parallel_loop3A_1475 : i32
        %parallel_loop3A_1477 = arith.index_cast %parallel_loop3A_1476 : i32 to index
        %parallel_loop3A_1478 = tpu.vector_load %arg5[%parallel_loop3A_1477] {strides = array<i32>} : memref<51328xf32, #tpu.memory_space<vmem>>, vector<16xf32>,
        %parallel_loop3A_1479 = vector.shape_cast %parallel_loop3A_1478 : vector<16xf32> to vector<16xf32>
        %parallel_loop3A_1480 = arith.maximumf %parallel_loop3A_1465, %parallel_loop3A_1479 : vector<16xf32>
        %parallel_loop3A_1481 = arith.constant 16 : i32
        %parallel_loop3A_1482 = arith.addi %parallel_loop3A_1474, %parallel_loop3A_1481 : i32
        %parallel_loop3A_1483 = arith.index_cast %parallel_loop3A_1482 : i32 to index
        %parallel_loop3A_1484 = tpu.vector_load %arg5[%parallel_loop3A_1483] {strides = array<i32>} : memref<51328xf32, #tpu.memory_space<vmem>>, vector<16xf32>,
        %parallel_loop3A_1485 = vector.shape_cast %parallel_loop3A_1484 : vector<16xf32> to vector<16xf32>
        %parallel_loop3A_1486 = arith.maximumf %parallel_loop3A_1466, %parallel_loop3A_1485 : vector<16xf32>
        %parallel_loop3A_1487 = arith.constant 32 : i32
        %parallel_loop3A_1488 = arith.addi %parallel_loop3A_1474, %parallel_loop3A_1487 : i32
        %parallel_loop3A_1489 = arith.index_cast %parallel_loop3A_1488 : i32 to index
        %parallel_loop3A_1490 = tpu.vector_load %arg5[%parallel_loop3A_1489] {strides = array<i32>} : memref<51328xf32, #tpu.memory_space<vmem>>, vector<16xf32>,
        %parallel_loop3A_1491 = vector.shape_cast %parallel_loop3A_1490 : vector<16xf32> to vector<16xf32>
        %parallel_loop3A_1492 = arith.maximumf %parallel_loop3A_1467, %parallel_loop3A_1491 : vector<16xf32>
        %parallel_loop3A_1493 = arith.constant 48 : i32
        %parallel_loop3A_1494 = arith.addi %parallel_loop3A_1474, %parallel_loop3A_1493 : i32
        %parallel_loop3A_1495 = arith.index_cast %parallel_loop3A_1494 : i32 to index
        %parallel_loop3A_1496 = tpu.vector_load %arg5[%parallel_loop3A_1495] {strides = array<i32>} : memref<51328xf32, #tpu.memory_space<vmem>>, vector<16xf32>,
        %parallel_loop3A_1497 = vector.shape_cast %parallel_loop3A_1496 : vector<16xf32> to vector<16xf32>
        %parallel_loop3A_1498 = arith.maximumf %parallel_loop3A_1468, %parallel_loop3A_1497 : vector<16xf32>
        %parallel_loop3A_1499 = arith.constant 64 : i32
        %parallel_loop3A_1500 = arith.addi %parallel_loop3A_1474, %parallel_loop3A_1499 : i32
        %parallel_loop3A_1501 = arith.index_cast %parallel_loop3A_1500 : i32 to index
        %parallel_loop3A_1502 = tpu.vector_load %arg5[%parallel_loop3A_1501] {strides = array<i32>} : memref<51328xf32, #tpu.memory_space<vmem>>, vector<16xf32>,
        %parallel_loop3A_1503 = vector.shape_cast %parallel_loop3A_1502 : vector<16xf32> to vector<16xf32>
        %parallel_loop3A_1504 = arith.maximumf %parallel_loop3A_1469, %parallel_loop3A_1503 : vector<16xf32>
        %parallel_loop3A_1505 = arith.constant 80 : i32
        %parallel_loop3A_1506 = arith.addi %parallel_loop3A_1474, %parallel_loop3A_1505 : i32
        %parallel_loop3A_1507 = arith.index_cast %parallel_loop3A_1506 : i32 to index
        %parallel_loop3A_1508 = tpu.vector_load %arg5[%parallel_loop3A_1507] {strides = array<i32>} : memref<51328xf32, #tpu.memory_space<vmem>>, vector<16xf32>,
        %parallel_loop3A_1509 = vector.shape_cast %parallel_loop3A_1508 : vector<16xf32> to vector<16xf32>
        %parallel_loop3A_1510 = arith.maximumf %parallel_loop3A_1470, %parallel_loop3A_1509 : vector<16xf32>
        %parallel_loop3A_1511 = arith.constant 96 : i32
        %parallel_loop3A_1512 = arith.addi %parallel_loop3A_1474, %parallel_loop3A_1511 : i32
        %parallel_loop3A_1513 = arith.index_cast %parallel_loop3A_1512 : i32 to index
        %parallel_loop3A_1514 = tpu.vector_load %arg5[%parallel_loop3A_1513] {strides = array<i32>} : memref<51328xf32, #tpu.memory_space<vmem>>, vector<16xf32>,
        %parallel_loop3A_1515 = vector.shape_cast %parallel_loop3A_1514 : vector<16xf32> to vector<16xf32>
        %parallel_loop3A_1516 = arith.maximumf %parallel_loop3A_1471, %parallel_loop3A_1515 : vector<16xf32>
        %parallel_loop3A_1517 = arith.constant 112 : i32
        %parallel_loop3A_1518 = arith.addi %parallel_loop3A_1474, %parallel_loop3A_1517 : i32
        %parallel_loop3A_1519 = arith.index_cast %parallel_loop3A_1518 : i32 to index
        %parallel_loop3A_1520 = tpu.vector_load %arg5[%parallel_loop3A_1519] {strides = array<i32>} : memref<51328xf32, #tpu.memory_space<vmem>>, vector<16xf32>,
        %parallel_loop3A_1521 = vector.shape_cast %parallel_loop3A_1520 : vector<16xf32> to vector<16xf32>
        %parallel_loop3A_1522 = arith.maximumf %parallel_loop3A_1472, %parallel_loop3A_1521 : vector<16xf32>
        scf.yield %parallel_loop3A_1480, %parallel_loop3A_1486, %parallel_loop3A_1492, %parallel_loop3A_1498, %parallel_loop3A_1504, %parallel_loop3A_1510, %parallel_loop3A_1516, %parallel_loop3A_1522 : vector<16xf32>, vector<16xf32>, vector<16xf32>, vector<16xf32>, vector<16xf32>, vector<16xf32>, vector<16xf32>, vector<16xf32>
      } {sc.loop_unroll_factor = 4 : i64, sc.parallel_access}
      %swap3A_188 = arith.constant 128 : index
      %swap3A_189 = tpu.vector_load %arg7[%swap3A_188] {strides = array<i32>} : memref<2048xf32, #tpu.memory_space<vmem>>, vector<16xf32>,
      %swap3A_190 = vector.shape_cast %swap3A_189 : vector<16xf32> to vector<16xf32>
      %swap3A_191 = vector.shape_cast %parallel_loop3A_187#0 : vector<16xf32> to vector<16xf32>
      tpu.vector_store %arg7[%swap3A_188], %swap3A_191 {strides = array<i32>} : memref<2048xf32, #tpu.memory_space<vmem>>, vector<16xf32>,
      %swap3A_192 = arith.constant 144 : index
      %swap3A_193 = tpu.vector_load %arg7[%swap3A_192] {strides = array<i32>} : memref<2048xf32, #tpu.memory_space<vmem>>, vector<16xf32>,
      %swap3A_194 = vector.shape_cast %swap3A_193 : vector<16xf32> to vector<16xf32>
      %swap3A_195 = vector.shape_cast %parallel_loop3A_187#1 : vector<16xf32> to vector<16xf32>
      tpu.vector_store %arg7[%swap3A_192], %swap3A_195 {strides = array<i32>} : memref<2048xf32, #tpu.memory_space<vmem>>, vector<16xf32>,
      %swap3A_196 = arith.constant 160 : index
      %swap3A_197 = tpu.vector_load %arg7[%swap3A_196] {strides = array<i32>} : memref<2048xf32, #tpu.memory_space<vmem>>, vector<16xf32>,
      %swap3A_198 = vector.shape_cast %swap3A_197 : vector<16xf32> to vector<16xf32>
      %swap3A_199 = vector.shape_cast %parallel_loop3A_187#2 : vector<16xf32> to vector<16xf32>
      tpu.vector_store %arg7[%swap3A_196], %swap3A_199 {strides = array<i32>} : memref<2048xf32, #tpu.memory_space<vmem>>, vector<16xf32>,
      %swap3A_200 = arith.constant 176 : index
      %swap3A_201 = tpu.vector_load %arg7[%swap3A_200] {strides = array<i32>} : memref<2048xf32, #tpu.memory_space<vmem>>, vector<16xf32>,
      %swap3A_202 = vector.shape_cast %swap3A_201 : vector<16xf32> to vector<16xf32>
      %swap3A_203 = vector.shape_cast %parallel_loop3A_187#3 : vector<16xf32> to vector<16xf32>
      tpu.vector_store %arg7[%swap3A_200], %swap3A_203 {strides = array<i32>} : memref<2048xf32, #tpu.memory_space<vmem>>, vector<16xf32>,
      %swap3A_204 = arith.constant 192 : index
      %swap3A_205 = tpu.vector_load %arg7[%swap3A_204] {strides = array<i32>} : memref<2048xf32, #tpu.memory_space<vmem>>, vector<16xf32>,
      %swap3A_206 = vector.shape_cast %swap3A_205 : vector<16xf32> to vector<16xf32>
      %swap3A_207 = vector.shape_cast %parallel_loop3A_187#4 : vector<16xf32> to vector<16xf32>
      tpu.vector_store %arg7[%swap3A_204], %swap3A_207 {strides = array<i32>} : memref<2048xf32, #tpu.memory_space<vmem>>, vector<16xf32>,
      %swap3A_208 = arith.constant 208 : index
      %swap3A_209 = tpu.vector_load %arg7[%swap3A_208] {strides = array<i32>} : memref<2048xf32, #tpu.memory_space<vmem>>, vector<16xf32>,
      %swap3A_210 = vector.shape_cast %swap3A_209 : vector<16xf32> to vector<16xf32>
      %swap3A_211 = vector.shape_cast %parallel_loop3A_187#5 : vector<16xf32> to vector<16xf32>
      tpu.vector_store %arg7[%swap3A_208], %swap3A_211 {strides = array<i32>} : memref<2048xf32, #tpu.memory_space<vmem>>, vector<16xf32>,
      %swap3A_212 = arith.constant 224 : index
      %swap3A_213 = tpu.vector_load %arg7[%swap3A_212] {strides = array<i32>} : memref<2048xf32, #tpu.memory_space<vmem>>, vector<16xf32>,
      %swap3A_214 = vector.shape_cast %swap3A_213 : vector<16xf32> to vector<16xf32>
      %swap3A_215 = vector.shape_cast %parallel_loop3A_187#6 : vector<16xf32> to vector<16xf32>
      tpu.vector_store %arg7[%swap3A_212], %swap3A_215 {strides = array<i32>} : memref<2048xf32, #tpu.memory_space<vmem>>, vector<16xf32>,
      %swap3A_216 = arith.constant 240 : index
      %swap3A_217 = tpu.vector_load %arg7[%swap3A_216] {strides = array<i32>} : memref<2048xf32, #tpu.memory_space<vmem>>, vector<16xf32>,
      %swap3A_218 = vector.shape_cast %swap3A_217 : vector<16xf32> to vector<16xf32>
      %swap3A_219 = vector.shape_cast %parallel_loop3A_187#7 : vector<16xf32> to vector<16xf32>
      tpu.vector_store %arg7[%swap3A_216], %swap3A_219 {strides = array<i32>} : memref<2048xf32, #tpu.memory_space<vmem>>, vector<16xf32>,
      %sub3A_220 = arith.subi %get3A_36, %mul3A_88 : i32
      %jit3A_221 = arith.constant 0 : i32
      %jit3A_222 = arith.constant 401 : i32
      %max3A_223 = arith.maxsi %jit3A_221, %sub3A_220 : i32
      %min3A_224 = arith.minsi %jit3A_222, %max3A_223 : i32
      %sub3A_225 = arith.subi %get3A_39, %mul3A_88 : i32
      %jit3A_226 = arith.constant 0 : i32
      %jit3A_227 = arith.constant 401 : i32
      %max3A_228 = arith.maxsi %jit3A_226, %sub3A_225 : i32
      %min3A_229 = arith.minsi %jit3A_227, %max3A_228 : i32
      %get3A_230 = arith.constant 256 : index
      %get3A_231 = tpu.vector_load %arg7[%get3A_230] {strides = array<i32>} : memref<2048xf32, #tpu.memory_space<vmem>>, vector<16xf32>,
      %get3A_232 = vector.shape_cast %get3A_231 : vector<16xf32> to vector<16xf32>
      %get3A_233 = arith.constant 272 : index
      %get3A_234 = tpu.vector_load %arg7[%get3A_233] {strides = array<i32>} : memref<2048xf32, #tpu.memory_space<vmem>>, vector<16xf32>,
      %get3A_235 = vector.shape_cast %get3A_234 : vector<16xf32> to vector<16xf32>
      %get3A_236 = arith.constant 288 : index
      %get3A_237 = tpu.vector_load %arg7[%get3A_236] {strides = array<i32>} : memref<2048xf32, #tpu.memory_space<vmem>>, vector<16xf32>,
      %get3A_238 = vector.shape_cast %get3A_237 : vector<16xf32> to vector<16xf32>
      %get3A_239 = arith.constant 304 : index
      %get3A_240 = tpu.vector_load %arg7[%get3A_239] {strides = array<i32>} : memref<2048xf32, #tpu.memory_space<vmem>>, vector<16xf32>,
      %get3A_241 = vector.shape_cast %get3A_240 : vector<16xf32> to vector<16xf32>
      %get3A_242 = arith.constant 320 : index
      %get3A_243 = tpu.vector_load %arg7[%get3A_242] {strides = array<i32>} : memref<2048xf32, #tpu.memory_space<vmem>>, vector<16xf32>,
      %get3A_244 = vector.shape_cast %get3A_243 : vector<16xf32> to vector<16xf32>
      %get3A_245 = arith.constant 336 : index
      %get3A_246 = tpu.vector_load %arg7[%get3A_245] {strides = array<i32>} : memref<2048xf32, #tpu.memory_space<vmem>>, vector<16xf32>,
      %get3A_247 = vector.shape_cast %get3A_246 : vector<16xf32> to vector<16xf32>
      %get3A_248 = arith.constant 352 : index
      %get3A_249 = tpu.vector_load %arg7[%get3A_248] {strides = array<i32>} : memref<2048xf32, #tpu.memory_space<vmem>>, vector<16xf32>,
      %get3A_250 = vector.shape_cast %get3A_249 : vector<16xf32> to vector<16xf32>
      %get3A_251 = arith.constant 368 : index
      %get3A_252 = tpu.vector_load %arg7[%get3A_251] {strides = array<i32>} : memref<2048xf32, #tpu.memory_space<vmem>>, vector<16xf32>,
      %get3A_253 = vector.shape_cast %get3A_252 : vector<16xf32> to vector<16xf32>
      %parallel_loop3A_254 = arith.constant 1 : i32
      %parallel_loop3A_255:8 = scf.for %parallel_loop3A_1464 = %min3A_224 to %min3A_229 step %parallel_loop3A_254 iter_args(%parallel_loop3A_1465 = %get3A_232, %parallel_loop3A_1466 = %get3A_235, %parallel_loop3A_1467 = %get3A_238, %parallel_loop3A_1468 = %get3A_241, %parallel_loop3A_1469 = %get3A_244, %parallel_loop3A_1470 = %get3A_247, %parallel_loop3A_1471 = %get3A_250, %parallel_loop3A_1472 = %get3A_253) -> (vector<16xf32>, vector<16xf32>, vector<16xf32>, vector<16xf32>, vector<16xf32>, vector<16xf32>, vector<16xf32>, vector<16xf32>)  : i32 {
        %parallel_loop3A_1473 = arith.constant 128 : i32
        %parallel_loop3A_1474 = arith.muli %parallel_loop3A_1464, %parallel_loop3A_1473 : i32
        %parallel_loop3A_1475 = arith.constant 0 : i32
        %parallel_loop3A_1476 = arith.addi %parallel_loop3A_1474, %parallel_loop3A_1475 : i32
        %parallel_loop3A_1477 = arith.index_cast %parallel_loop3A_1476 : i32 to index
        %parallel_loop3A_1478 = tpu.vector_load %arg5[%parallel_loop3A_1477] {strides = array<i32>} : memref<51328xf32, #tpu.memory_space<vmem>>, vector<16xf32>,
        %parallel_loop3A_1479 = vector.shape_cast %parallel_loop3A_1478 : vector<16xf32> to vector<16xf32>
        %parallel_loop3A_1480 = arith.maximumf %parallel_loop3A_1465, %parallel_loop3A_1479 : vector<16xf32>
        %parallel_loop3A_1481 = arith.constant 16 : i32
        %parallel_loop3A_1482 = arith.addi %parallel_loop3A_1474, %parallel_loop3A_1481 : i32
        %parallel_loop3A_1483 = arith.index_cast %parallel_loop3A_1482 : i32 to index
        %parallel_loop3A_1484 = tpu.vector_load %arg5[%parallel_loop3A_1483] {strides = array<i32>} : memref<51328xf32, #tpu.memory_space<vmem>>, vector<16xf32>,
        %parallel_loop3A_1485 = vector.shape_cast %parallel_loop3A_1484 : vector<16xf32> to vector<16xf32>
        %parallel_loop3A_1486 = arith.maximumf %parallel_loop3A_1466, %parallel_loop3A_1485 : vector<16xf32>
        %parallel_loop3A_1487 = arith.constant 32 : i32
        %parallel_loop3A_1488 = arith.addi %parallel_loop3A_1474, %parallel_loop3A_1487 : i32
        %parallel_loop3A_1489 = arith.index_cast %parallel_loop3A_1488 : i32 to index
        %parallel_loop3A_1490 = tpu.vector_load %arg5[%parallel_loop3A_1489] {strides = array<i32>} : memref<51328xf32, #tpu.memory_space<vmem>>, vector<16xf32>,
        %parallel_loop3A_1491 = vector.shape_cast %parallel_loop3A_1490 : vector<16xf32> to vector<16xf32>
        %parallel_loop3A_1492 = arith.maximumf %parallel_loop3A_1467, %parallel_loop3A_1491 : vector<16xf32>
        %parallel_loop3A_1493 = arith.constant 48 : i32
        %parallel_loop3A_1494 = arith.addi %parallel_loop3A_1474, %parallel_loop3A_1493 : i32
        %parallel_loop3A_1495 = arith.index_cast %parallel_loop3A_1494 : i32 to index
        %parallel_loop3A_1496 = tpu.vector_load %arg5[%parallel_loop3A_1495] {strides = array<i32>} : memref<51328xf32, #tpu.memory_space<vmem>>, vector<16xf32>,
        %parallel_loop3A_1497 = vector.shape_cast %parallel_loop3A_1496 : vector<16xf32> to vector<16xf32>
        %parallel_loop3A_1498 = arith.maximumf %parallel_loop3A_1468, %parallel_loop3A_1497 : vector<16xf32>
        %parallel_loop3A_1499 = arith.constant 64 : i32
        %parallel_loop3A_1500 = arith.addi %parallel_loop3A_1474, %parallel_loop3A_1499 : i32
        %parallel_loop3A_1501 = arith.index_cast %parallel_loop3A_1500 : i32 to index
        %parallel_loop3A_1502 = tpu.vector_load %arg5[%parallel_loop3A_1501] {strides = array<i32>} : memref<51328xf32, #tpu.memory_space<vmem>>, vector<16xf32>,
        %parallel_loop3A_1503 = vector.shape_cast %parallel_loop3A_1502 : vector<16xf32> to vector<16xf32>
        %parallel_loop3A_1504 = arith.maximumf %parallel_loop3A_1469, %parallel_loop3A_1503 : vector<16xf32>
        %parallel_loop3A_1505 = arith.constant 80 : i32
        %parallel_loop3A_1506 = arith.addi %parallel_loop3A_1474, %parallel_loop3A_1505 : i32
        %parallel_loop3A_1507 = arith.index_cast %parallel_loop3A_1506 : i32 to index
        %parallel_loop3A_1508 = tpu.vector_load %arg5[%parallel_loop3A_1507] {strides = array<i32>} : memref<51328xf32, #tpu.memory_space<vmem>>, vector<16xf32>,
        %parallel_loop3A_1509 = vector.shape_cast %parallel_loop3A_1508 : vector<16xf32> to vector<16xf32>
        %parallel_loop3A_1510 = arith.maximumf %parallel_loop3A_1470, %parallel_loop3A_1509 : vector<16xf32>
        %parallel_loop3A_1511 = arith.constant 96 : i32
        %parallel_loop3A_1512 = arith.addi %parallel_loop3A_1474, %parallel_loop3A_1511 : i32
        %parallel_loop3A_1513 = arith.index_cast %parallel_loop3A_1512 : i32 to index
        %parallel_loop3A_1514 = tpu.vector_load %arg5[%parallel_loop3A_1513] {strides = array<i32>} : memref<51328xf32, #tpu.memory_space<vmem>>, vector<16xf32>,
        %parallel_loop3A_1515 = vector.shape_cast %parallel_loop3A_1514 : vector<16xf32> to vector<16xf32>
        %parallel_loop3A_1516 = arith.maximumf %parallel_loop3A_1471, %parallel_loop3A_1515 : vector<16xf32>
        %parallel_loop3A_1517 = arith.constant 112 : i32
        %parallel_loop3A_1518 = arith.addi %parallel_loop3A_1474, %parallel_loop3A_1517 : i32
        %parallel_loop3A_1519 = arith.index_cast %parallel_loop3A_1518 : i32 to index
        %parallel_loop3A_1520 = tpu.vector_load %arg5[%parallel_loop3A_1519] {strides = array<i32>} : memref<51328xf32, #tpu.memory_space<vmem>>, vector<16xf32>,
        %parallel_loop3A_1521 = vector.shape_cast %parallel_loop3A_1520 : vector<16xf32> to vector<16xf32>
        %parallel_loop3A_1522 = arith.maximumf %parallel_loop3A_1472, %parallel_loop3A_1521 : vector<16xf32>
        scf.yield %parallel_loop3A_1480, %parallel_loop3A_1486, %parallel_loop3A_1492, %parallel_loop3A_1498, %parallel_loop3A_1504, %parallel_loop3A_1510, %parallel_loop3A_1516, %parallel_loop3A_1522 : vector<16xf32>, vector<16xf32>, vector<16xf32>, vector<16xf32>, vector<16xf32>, vector<16xf32>, vector<16xf32>, vector<16xf32>
      } {sc.loop_unroll_factor = 4 : i64, sc.parallel_access}
      %swap3A_256 = arith.constant 256 : index
      %swap3A_257 = tpu.vector_load %arg7[%swap3A_256] {strides = array<i32>} : memref<2048xf32, #tpu.memory_space<vmem>>, vector<16xf32>,
      %swap3A_258 = vector.shape_cast %swap3A_257 : vector<16xf32> to vector<16xf32>
      %swap3A_259 = vector.shape_cast %parallel_loop3A_255#0 : vector<16xf32> to vector<16xf32>
      tpu.vector_store %arg7[%swap3A_256], %swap3A_259 {strides = array<i32>} : memref<2048xf32, #tpu.memory_space<vmem>>, vector<16xf32>,
      %swap3A_260 = arith.constant 272 : index
      %swap3A_261 = tpu.vector_load %arg7[%swap3A_260] {strides = array<i32>} : memref<2048xf32, #tpu.memory_space<vmem>>, vector<16xf32>,
      %swap3A_262 = vector.shape_cast %swap3A_261 : vector<16xf32> to vector<16xf32>
      %swap3A_263 = vector.shape_cast %parallel_loop3A_255#1 : vector<16xf32> to vector<16xf32>
      tpu.vector_store %arg7[%swap3A_260], %swap3A_263 {strides = array<i32>} : memref<2048xf32, #tpu.memory_space<vmem>>, vector<16xf32>,
      %swap3A_264 = arith.constant 288 : index
      %swap3A_265 = tpu.vector_load %arg7[%swap3A_264] {strides = array<i32>} : memref<2048xf32, #tpu.memory_space<vmem>>, vector<16xf32>,
      %swap3A_266 = vector.shape_cast %swap3A_265 : vector<16xf32> to vector<16xf32>
      %swap3A_267 = vector.shape_cast %parallel_loop3A_255#2 : vector<16xf32> to vector<16xf32>
      tpu.vector_store %arg7[%swap3A_264], %swap3A_267 {strides = array<i32>} : memref<2048xf32, #tpu.memory_space<vmem>>, vector<16xf32>,
      %swap3A_268 = arith.constant 304 : index
      %swap3A_269 = tpu.vector_load %arg7[%swap3A_268] {strides = array<i32>} : memref<2048xf32, #tpu.memory_space<vmem>>, vector<16xf32>,
      %swap3A_270 = vector.shape_cast %swap3A_269 : vector<16xf32> to vector<16xf32>
      %swap3A_271 = vector.shape_cast %parallel_loop3A_255#3 : vector<16xf32> to vector<16xf32>
      tpu.vector_store %arg7[%swap3A_268], %swap3A_271 {strides = array<i32>} : memref<2048xf32, #tpu.memory_space<vmem>>, vector<16xf32>,
      %swap3A_272 = arith.constant 320 : index
      %swap3A_273 = tpu.vector_load %arg7[%swap3A_272] {strides = array<i32>} : memref<2048xf32, #tpu.memory_space<vmem>>, vector<16xf32>,
      %swap3A_274 = vector.shape_cast %swap3A_273 : vector<16xf32> to vector<16xf32>
      %swap3A_275 = vector.shape_cast %parallel_loop3A_255#4 : vector<16xf32> to vector<16xf32>
      tpu.vector_store %arg7[%swap3A_272], %swap3A_275 {strides = array<i32>} : memref<2048xf32, #tpu.memory_space<vmem>>, vector<16xf32>,
      %swap3A_276 = arith.constant 336 : index
      %swap3A_277 = tpu.vector_load %arg7[%swap3A_276] {strides = array<i32>} : memref<2048xf32, #tpu.memory_space<vmem>>, vector<16xf32>,
      %swap3A_278 = vector.shape_cast %swap3A_277 : vector<16xf32> to vector<16xf32>
      %swap3A_279 = vector.shape_cast %parallel_loop3A_255#5 : vector<16xf32> to vector<16xf32>
      tpu.vector_store %arg7[%swap3A_276], %swap3A_279 {strides = array<i32>} : memref<2048xf32, #tpu.memory_space<vmem>>, vector<16xf32>,
      %swap3A_280 = arith.constant 352 : index
      %swap3A_281 = tpu.vector_load %arg7[%swap3A_280] {strides = array<i32>} : memref<2048xf32, #tpu.memory_space<vmem>>, vector<16xf32>,
      %swap3A_282 = vector.shape_cast %swap3A_281 : vector<16xf32> to vector<16xf32>
      %swap3A_283 = vector.shape_cast %parallel_loop3A_255#6 : vector<16xf32> to vector<16xf32>
      tpu.vector_store %arg7[%swap3A_280], %swap3A_283 {strides = array<i32>} : memref<2048xf32, #tpu.memory_space<vmem>>, vector<16xf32>,
      %swap3A_284 = arith.constant 368 : index
      %swap3A_285 = tpu.vector_load %arg7[%swap3A_284] {strides = array<i32>} : memref<2048xf32, #tpu.memory_space<vmem>>, vector<16xf32>,
      %swap3A_286 = vector.shape_cast %swap3A_285 : vector<16xf32> to vector<16xf32>
      %swap3A_287 = vector.shape_cast %parallel_loop3A_255#7 : vector<16xf32> to vector<16xf32>
      tpu.vector_store %arg7[%swap3A_284], %swap3A_287 {strides = array<i32>} : memref<2048xf32, #tpu.memory_space<vmem>>, vector<16xf32>,
      %sub3A_288 = arith.subi %get3A_39, %mul3A_88 : i32
      %jit3A_289 = arith.constant 0 : i32
      %jit3A_290 = arith.constant 401 : i32
      %max3A_291 = arith.maxsi %jit3A_289, %sub3A_288 : i32
      %min3A_292 = arith.minsi %jit3A_290, %max3A_291 : i32
      %sub3A_293 = arith.subi %get3A_42, %mul3A_88 : i32
      %jit3A_294 = arith.constant 0 : i32
      %jit3A_295 = arith.constant 401 : i32
      %max3A_296 = arith.maxsi %jit3A_294, %sub3A_293 : i32
      %min3A_297 = arith.minsi %jit3A_295, %max3A_296 : i32
      %get3A_298 = arith.constant 384 : index
      %get3A_299 = tpu.vector_load %arg7[%get3A_298] {strides = array<i32>} : memref<2048xf32, #tpu.memory_space<vmem>>, vector<16xf32>,
      %get3A_300 = vector.shape_cast %get3A_299 : vector<16xf32> to vector<16xf32>
      %get3A_301 = arith.constant 400 : index
      %get3A_302 = tpu.vector_load %arg7[%get3A_301] {strides = array<i32>} : memref<2048xf32, #tpu.memory_space<vmem>>, vector<16xf32>,
      %get3A_303 = vector.shape_cast %get3A_302 : vector<16xf32> to vector<16xf32>
      %get3A_304 = arith.constant 416 : index
      %get3A_305 = tpu.vector_load %arg7[%get3A_304] {strides = array<i32>} : memref<2048xf32, #tpu.memory_space<vmem>>, vector<16xf32>,
      %get3A_306 = vector.shape_cast %get3A_305 : vector<16xf32> to vector<16xf32>
      %get3A_307 = arith.constant 432 : index
      %get3A_308 = tpu.vector_load %arg7[%get3A_307] {strides = array<i32>} : memref<2048xf32, #tpu.memory_space<vmem>>, vector<16xf32>,
      %get3A_309 = vector.shape_cast %get3A_308 : vector<16xf32> to vector<16xf32>
      %get3A_310 = arith.constant 448 : index
      %get3A_311 = tpu.vector_load %arg7[%get3A_310] {strides = array<i32>} : memref<2048xf32, #tpu.memory_space<vmem>>, vector<16xf32>,
      %get3A_312 = vector.shape_cast %get3A_311 : vector<16xf32> to vector<16xf32>
      %get3A_313 = arith.constant 464 : index
      %get3A_314 = tpu.vector_load %arg7[%get3A_313] {strides = array<i32>} : memref<2048xf32, #tpu.memory_space<vmem>>, vector<16xf32>,
      %get3A_315 = vector.shape_cast %get3A_314 : vector<16xf32> to vector<16xf32>
      %get3A_316 = arith.constant 480 : index
      %get3A_317 = tpu.vector_load %arg7[%get3A_316] {strides = array<i32>} : memref<2048xf32, #tpu.memory_space<vmem>>, vector<16xf32>,
      %get3A_318 = vector.shape_cast %get3A_317 : vector<16xf32> to vector<16xf32>
      %get3A_319 = arith.constant 496 : index
      %get3A_320 = tpu.vector_load %arg7[%get3A_319] {strides = array<i32>} : memref<2048xf32, #tpu.memory_space<vmem>>, vector<16xf32>,
      %get3A_321 = vector.shape_cast %get3A_320 : vector<16xf32> to vector<16xf32>
      %parallel_loop3A_322 = arith.constant 1 : i32
      %parallel_loop3A_323:8 = scf.for %parallel_loop3A_1464 = %min3A_292 to %min3A_297 step %parallel_loop3A_322 iter_args(%parallel_loop3A_1465 = %get3A_300, %parallel_loop3A_1466 = %get3A_303, %parallel_loop3A_1467 = %get3A_306, %parallel_loop3A_1468 = %get3A_309, %parallel_loop3A_1469 = %get3A_312, %parallel_loop3A_1470 = %get3A_315, %parallel_loop3A_1471 = %get3A_318, %parallel_loop3A_1472 = %get3A_321) -> (vector<16xf32>, vector<16xf32>, vector<16xf32>, vector<16xf32>, vector<16xf32>, vector<16xf32>, vector<16xf32>, vector<16xf32>)  : i32 {
        %parallel_loop3A_1473 = arith.constant 128 : i32
        %parallel_loop3A_1474 = arith.muli %parallel_loop3A_1464, %parallel_loop3A_1473 : i32
        %parallel_loop3A_1475 = arith.constant 0 : i32
        %parallel_loop3A_1476 = arith.addi %parallel_loop3A_1474, %parallel_loop3A_1475 : i32
        %parallel_loop3A_1477 = arith.index_cast %parallel_loop3A_1476 : i32 to index
        %parallel_loop3A_1478 = tpu.vector_load %arg5[%parallel_loop3A_1477] {strides = array<i32>} : memref<51328xf32, #tpu.memory_space<vmem>>, vector<16xf32>,
        %parallel_loop3A_1479 = vector.shape_cast %parallel_loop3A_1478 : vector<16xf32> to vector<16xf32>
        %parallel_loop3A_1480 = arith.maximumf %parallel_loop3A_1465, %parallel_loop3A_1479 : vector<16xf32>
        %parallel_loop3A_1481 = arith.constant 16 : i32
        %parallel_loop3A_1482 = arith.addi %parallel_loop3A_1474, %parallel_loop3A_1481 : i32
        %parallel_loop3A_1483 = arith.index_cast %parallel_loop3A_1482 : i32 to index
        %parallel_loop3A_1484 = tpu.vector_load %arg5[%parallel_loop3A_1483] {strides = array<i32>} : memref<51328xf32, #tpu.memory_space<vmem>>, vector<16xf32>,
        %parallel_loop3A_1485 = vector.shape_cast %parallel_loop3A_1484 : vector<16xf32> to vector<16xf32>
        %parallel_loop3A_1486 = arith.maximumf %parallel_loop3A_1466, %parallel_loop3A_1485 : vector<16xf32>
        %parallel_loop3A_1487 = arith.constant 32 : i32
        %parallel_loop3A_1488 = arith.addi %parallel_loop3A_1474, %parallel_loop3A_1487 : i32
        %parallel_loop3A_1489 = arith.index_cast %parallel_loop3A_1488 : i32 to index
        %parallel_loop3A_1490 = tpu.vector_load %arg5[%parallel_loop3A_1489] {strides = array<i32>} : memref<51328xf32, #tpu.memory_space<vmem>>, vector<16xf32>,
        %parallel_loop3A_1491 = vector.shape_cast %parallel_loop3A_1490 : vector<16xf32> to vector<16xf32>
        %parallel_loop3A_1492 = arith.maximumf %parallel_loop3A_1467, %parallel_loop3A_1491 : vector<16xf32>
        %parallel_loop3A_1493 = arith.constant 48 : i32
        %parallel_loop3A_1494 = arith.addi %parallel_loop3A_1474, %parallel_loop3A_1493 : i32
        %parallel_loop3A_1495 = arith.index_cast %parallel_loop3A_1494 : i32 to index
        %parallel_loop3A_1496 = tpu.vector_load %arg5[%parallel_loop3A_1495] {strides = array<i32>} : memref<51328xf32, #tpu.memory_space<vmem>>, vector<16xf32>,
        %parallel_loop3A_1497 = vector.shape_cast %parallel_loop3A_1496 : vector<16xf32> to vector<16xf32>
        %parallel_loop3A_1498 = arith.maximumf %parallel_loop3A_1468, %parallel_loop3A_1497 : vector<16xf32>
        %parallel_loop3A_1499 = arith.constant 64 : i32
        %parallel_loop3A_1500 = arith.addi %parallel_loop3A_1474, %parallel_loop3A_1499 : i32
        %parallel_loop3A_1501 = arith.index_cast %parallel_loop3A_1500 : i32 to index
        %parallel_loop3A_1502 = tpu.vector_load %arg5[%parallel_loop3A_1501] {strides = array<i32>} : memref<51328xf32, #tpu.memory_space<vmem>>, vector<16xf32>,
        %parallel_loop3A_1503 = vector.shape_cast %parallel_loop3A_1502 : vector<16xf32> to vector<16xf32>
        %parallel_loop3A_1504 = arith.maximumf %parallel_loop3A_1469, %parallel_loop3A_1503 : vector<16xf32>
        %parallel_loop3A_1505 = arith.constant 80 : i32
        %parallel_loop3A_1506 = arith.addi %parallel_loop3A_1474, %parallel_loop3A_1505 : i32
        %parallel_loop3A_1507 = arith.index_cast %parallel_loop3A_1506 : i32 to index
        %parallel_loop3A_1508 = tpu.vector_load %arg5[%parallel_loop3A_1507] {strides = array<i32>} : memref<51328xf32, #tpu.memory_space<vmem>>, vector<16xf32>,
        %parallel_loop3A_1509 = vector.shape_cast %parallel_loop3A_1508 : vector<16xf32> to vector<16xf32>
        %parallel_loop3A_1510 = arith.maximumf %parallel_loop3A_1470, %parallel_loop3A_1509 : vector<16xf32>
        %parallel_loop3A_1511 = arith.constant 96 : i32
        %parallel_loop3A_1512 = arith.addi %parallel_loop3A_1474, %parallel_loop3A_1511 : i32
        %parallel_loop3A_1513 = arith.index_cast %parallel_loop3A_1512 : i32 to index
        %parallel_loop3A_1514 = tpu.vector_load %arg5[%parallel_loop3A_1513] {strides = array<i32>} : memref<51328xf32, #tpu.memory_space<vmem>>, vector<16xf32>,
        %parallel_loop3A_1515 = vector.shape_cast %parallel_loop3A_1514 : vector<16xf32> to vector<16xf32>
        %parallel_loop3A_1516 = arith.maximumf %parallel_loop3A_1471, %parallel_loop3A_1515 : vector<16xf32>
        %parallel_loop3A_1517 = arith.constant 112 : i32
        %parallel_loop3A_1518 = arith.addi %parallel_loop3A_1474, %parallel_loop3A_1517 : i32
        %parallel_loop3A_1519 = arith.index_cast %parallel_loop3A_1518 : i32 to index
        %parallel_loop3A_1520 = tpu.vector_load %arg5[%parallel_loop3A_1519] {strides = array<i32>} : memref<51328xf32, #tpu.memory_space<vmem>>, vector<16xf32>,
        %parallel_loop3A_1521 = vector.shape_cast %parallel_loop3A_1520 : vector<16xf32> to vector<16xf32>
        %parallel_loop3A_1522 = arith.maximumf %parallel_loop3A_1472, %parallel_loop3A_1521 : vector<16xf32>
        scf.yield %parallel_loop3A_1480, %parallel_loop3A_1486, %parallel_loop3A_1492, %parallel_loop3A_1498, %parallel_loop3A_1504, %parallel_loop3A_1510, %parallel_loop3A_1516, %parallel_loop3A_1522 : vector<16xf32>, vector<16xf32>, vector<16xf32>, vector<16xf32>, vector<16xf32>, vector<16xf32>, vector<16xf32>, vector<16xf32>
      } {sc.loop_unroll_factor = 4 : i64, sc.parallel_access}
      %swap3A_324 = arith.constant 384 : index
      %swap3A_325 = tpu.vector_load %arg7[%swap3A_324] {strides = array<i32>} : memref<2048xf32, #tpu.memory_space<vmem>>, vector<16xf32>,
      %swap3A_326 = vector.shape_cast %swap3A_325 : vector<16xf32> to vector<16xf32>
      %swap3A_327 = vector.shape_cast %parallel_loop3A_323#0 : vector<16xf32> to vector<16xf32>
      tpu.vector_store %arg7[%swap3A_324], %swap3A_327 {strides = array<i32>} : memref<2048xf32, #tpu.memory_space<vmem>>, vector<16xf32>,
      %swap3A_328 = arith.constant 400 : index
      %swap3A_329 = tpu.vector_load %arg7[%swap3A_328] {strides = array<i32>} : memref<2048xf32, #tpu.memory_space<vmem>>, vector<16xf32>,
      %swap3A_330 = vector.shape_cast %swap3A_329 : vector<16xf32> to vector<16xf32>
      %swap3A_331 = vector.shape_cast %parallel_loop3A_323#1 : vector<16xf32> to vector<16xf32>
      tpu.vector_store %arg7[%swap3A_328], %swap3A_331 {strides = array<i32>} : memref<2048xf32, #tpu.memory_space<vmem>>, vector<16xf32>,
      %swap3A_332 = arith.constant 416 : index
      %swap3A_333 = tpu.vector_load %arg7[%swap3A_332] {strides = array<i32>} : memref<2048xf32, #tpu.memory_space<vmem>>, vector<16xf32>,
      %swap3A_334 = vector.shape_cast %swap3A_333 : vector<16xf32> to vector<16xf32>
      %swap3A_335 = vector.shape_cast %parallel_loop3A_323#2 : vector<16xf32> to vector<16xf32>
      tpu.vector_store %arg7[%swap3A_332], %swap3A_335 {strides = array<i32>} : memref<2048xf32, #tpu.memory_space<vmem>>, vector<16xf32>,
      %swap3A_336 = arith.constant 432 : index
      %swap3A_337 = tpu.vector_load %arg7[%swap3A_336] {strides = array<i32>} : memref<2048xf32, #tpu.memory_space<vmem>>, vector<16xf32>,
      %swap3A_338 = vector.shape_cast %swap3A_337 : vector<16xf32> to vector<16xf32>
      %swap3A_339 = vector.shape_cast %parallel_loop3A_323#3 : vector<16xf32> to vector<16xf32>
      tpu.vector_store %arg7[%swap3A_336], %swap3A_339 {strides = array<i32>} : memref<2048xf32, #tpu.memory_space<vmem>>, vector<16xf32>,
      %swap3A_340 = arith.constant 448 : index
      %swap3A_341 = tpu.vector_load %arg7[%swap3A_340] {strides = array<i32>} : memref<2048xf32, #tpu.memory_space<vmem>>, vector<16xf32>,
      %swap3A_342 = vector.shape_cast %swap3A_341 : vector<16xf32> to vector<16xf32>
      %swap3A_343 = vector.shape_cast %parallel_loop3A_323#4 : vector<16xf32> to vector<16xf32>
      tpu.vector_store %arg7[%swap3A_340], %swap3A_343 {strides = array<i32>} : memref<2048xf32, #tpu.memory_space<vmem>>, vector<16xf32>,
      %swap3A_344 = arith.constant 464 : index
      %swap3A_345 = tpu.vector_load %arg7[%swap3A_344] {strides = array<i32>} : memref<2048xf32, #tpu.memory_space<vmem>>, vector<16xf32>,
      %swap3A_346 = vector.shape_cast %swap3A_345 : vector<16xf32> to vector<16xf32>
      %swap3A_347 = vector.shape_cast %parallel_loop3A_323#5 : vector<16xf32> to vector<16xf32>
      tpu.vector_store %arg7[%swap3A_344], %swap3A_347 {strides = array<i32>} : memref<2048xf32, #tpu.memory_space<vmem>>, vector<16xf32>,
      %swap3A_348 = arith.constant 480 : index
      %swap3A_349 = tpu.vector_load %arg7[%swap3A_348] {strides = array<i32>} : memref<2048xf32, #tpu.memory_space<vmem>>, vector<16xf32>,
      %swap3A_350 = vector.shape_cast %swap3A_349 : vector<16xf32> to vector<16xf32>
      %swap3A_351 = vector.shape_cast %parallel_loop3A_323#6 : vector<16xf32> to vector<16xf32>
      tpu.vector_store %arg7[%swap3A_348], %swap3A_351 {strides = array<i32>} : memref<2048xf32, #tpu.memory_space<vmem>>, vector<16xf32>,
      %swap3A_352 = arith.constant 496 : index
      %swap3A_353 = tpu.vector_load %arg7[%swap3A_352] {strides = array<i32>} : memref<2048xf32, #tpu.memory_space<vmem>>, vector<16xf32>,
      %swap3A_354 = vector.shape_cast %swap3A_353 : vector<16xf32> to vector<16xf32>
      %swap3A_355 = vector.shape_cast %parallel_loop3A_323#7 : vector<16xf32> to vector<16xf32>
      tpu.vector_store %arg7[%swap3A_352], %swap3A_355 {strides = array<i32>} : memref<2048xf32, #tpu.memory_space<vmem>>, vector<16xf32>,
      %sub3A_356 = arith.subi %get3A_42, %mul3A_88 : i32
      %jit3A_357 = arith.constant 0 : i32
      %jit3A_358 = arith.constant 401 : i32
      %max3A_359 = arith.maxsi %jit3A_357, %sub3A_356 : i32
      %min3A_360 = arith.minsi %jit3A_358, %max3A_359 : i32
      %sub3A_361 = arith.subi %get3A_45, %mul3A_88 : i32
      %jit3A_362 = arith.constant 0 : i32
      %jit3A_363 = arith.constant 401 : i32
      %max3A_364 = arith.maxsi %jit3A_362, %sub3A_361 : i32
      %min3A_365 = arith.minsi %jit3A_363, %max3A_364 : i32
      %get3A_366 = arith.constant 512 : index
      %get3A_367 = tpu.vector_load %arg7[%get3A_366] {strides = array<i32>} : memref<2048xf32, #tpu.memory_space<vmem>>, vector<16xf32>,
      %get3A_368 = vector.shape_cast %get3A_367 : vector<16xf32> to vector<16xf32>
      %get3A_369 = arith.constant 528 : index
      %get3A_370 = tpu.vector_load %arg7[%get3A_369] {strides = array<i32>} : memref<2048xf32, #tpu.memory_space<vmem>>, vector<16xf32>,
      %get3A_371 = vector.shape_cast %get3A_370 : vector<16xf32> to vector<16xf32>
      %get3A_372 = arith.constant 544 : index
      %get3A_373 = tpu.vector_load %arg7[%get3A_372] {strides = array<i32>} : memref<2048xf32, #tpu.memory_space<vmem>>, vector<16xf32>,
      %get3A_374 = vector.shape_cast %get3A_373 : vector<16xf32> to vector<16xf32>
      %get3A_375 = arith.constant 560 : index
      %get3A_376 = tpu.vector_load %arg7[%get3A_375] {strides = array<i32>} : memref<2048xf32, #tpu.memory_space<vmem>>, vector<16xf32>,
      %get3A_377 = vector.shape_cast %get3A_376 : vector<16xf32> to vector<16xf32>
      %get3A_378 = arith.constant 576 : index
      %get3A_379 = tpu.vector_load %arg7[%get3A_378] {strides = array<i32>} : memref<2048xf32, #tpu.memory_space<vmem>>, vector<16xf32>,
      %get3A_380 = vector.shape_cast %get3A_379 : vector<16xf32> to vector<16xf32>
      %get3A_381 = arith.constant 592 : index
      %get3A_382 = tpu.vector_load %arg7[%get3A_381] {strides = array<i32>} : memref<2048xf32, #tpu.memory_space<vmem>>, vector<16xf32>,
      %get3A_383 = vector.shape_cast %get3A_382 : vector<16xf32> to vector<16xf32>
      %get3A_384 = arith.constant 608 : index
      %get3A_385 = tpu.vector_load %arg7[%get3A_384] {strides = array<i32>} : memref<2048xf32, #tpu.memory_space<vmem>>, vector<16xf32>,
      %get3A_386 = vector.shape_cast %get3A_385 : vector<16xf32> to vector<16xf32>
      %get3A_387 = arith.constant 624 : index
      %get3A_388 = tpu.vector_load %arg7[%get3A_387] {strides = array<i32>} : memref<2048xf32, #tpu.memory_space<vmem>>, vector<16xf32>,
      %get3A_389 = vector.shape_cast %get3A_388 : vector<16xf32> to vector<16xf32>
      %parallel_loop3A_390 = arith.constant 1 : i32
      %parallel_loop3A_391:8 = scf.for %parallel_loop3A_1464 = %min3A_360 to %min3A_365 step %parallel_loop3A_390 iter_args(%parallel_loop3A_1465 = %get3A_368, %parallel_loop3A_1466 = %get3A_371, %parallel_loop3A_1467 = %get3A_374, %parallel_loop3A_1468 = %get3A_377, %parallel_loop3A_1469 = %get3A_380, %parallel_loop3A_1470 = %get3A_383, %parallel_loop3A_1471 = %get3A_386, %parallel_loop3A_1472 = %get3A_389) -> (vector<16xf32>, vector<16xf32>, vector<16xf32>, vector<16xf32>, vector<16xf32>, vector<16xf32>, vector<16xf32>, vector<16xf32>)  : i32 {
        %parallel_loop3A_1473 = arith.constant 128 : i32
        %parallel_loop3A_1474 = arith.muli %parallel_loop3A_1464, %parallel_loop3A_1473 : i32
        %parallel_loop3A_1475 = arith.constant 0 : i32
        %parallel_loop3A_1476 = arith.addi %parallel_loop3A_1474, %parallel_loop3A_1475 : i32
        %parallel_loop3A_1477 = arith.index_cast %parallel_loop3A_1476 : i32 to index
        %parallel_loop3A_1478 = tpu.vector_load %arg5[%parallel_loop3A_1477] {strides = array<i32>} : memref<51328xf32, #tpu.memory_space<vmem>>, vector<16xf32>,
        %parallel_loop3A_1479 = vector.shape_cast %parallel_loop3A_1478 : vector<16xf32> to vector<16xf32>
        %parallel_loop3A_1480 = arith.maximumf %parallel_loop3A_1465, %parallel_loop3A_1479 : vector<16xf32>
        %parallel_loop3A_1481 = arith.constant 16 : i32
        %parallel_loop3A_1482 = arith.addi %parallel_loop3A_1474, %parallel_loop3A_1481 : i32
        %parallel_loop3A_1483 = arith.index_cast %parallel_loop3A_1482 : i32 to index
        %parallel_loop3A_1484 = tpu.vector_load %arg5[%parallel_loop3A_1483] {strides = array<i32>} : memref<51328xf32, #tpu.memory_space<vmem>>, vector<16xf32>,
        %parallel_loop3A_1485 = vector.shape_cast %parallel_loop3A_1484 : vector<16xf32> to vector<16xf32>
        %parallel_loop3A_1486 = arith.maximumf %parallel_loop3A_1466, %parallel_loop3A_1485 : vector<16xf32>
        %parallel_loop3A_1487 = arith.constant 32 : i32
        %parallel_loop3A_1488 = arith.addi %parallel_loop3A_1474, %parallel_loop3A_1487 : i32
        %parallel_loop3A_1489 = arith.index_cast %parallel_loop3A_1488 : i32 to index
        %parallel_loop3A_1490 = tpu.vector_load %arg5[%parallel_loop3A_1489] {strides = array<i32>} : memref<51328xf32, #tpu.memory_space<vmem>>, vector<16xf32>,
        %parallel_loop3A_1491 = vector.shape_cast %parallel_loop3A_1490 : vector<16xf32> to vector<16xf32>
        %parallel_loop3A_1492 = arith.maximumf %parallel_loop3A_1467, %parallel_loop3A_1491 : vector<16xf32>
        %parallel_loop3A_1493 = arith.constant 48 : i32
        %parallel_loop3A_1494 = arith.addi %parallel_loop3A_1474, %parallel_loop3A_1493 : i32
        %parallel_loop3A_1495 = arith.index_cast %parallel_loop3A_1494 : i32 to index
        %parallel_loop3A_1496 = tpu.vector_load %arg5[%parallel_loop3A_1495] {strides = array<i32>} : memref<51328xf32, #tpu.memory_space<vmem>>, vector<16xf32>,
        %parallel_loop3A_1497 = vector.shape_cast %parallel_loop3A_1496 : vector<16xf32> to vector<16xf32>
        %parallel_loop3A_1498 = arith.maximumf %parallel_loop3A_1468, %parallel_loop3A_1497 : vector<16xf32>
        %parallel_loop3A_1499 = arith.constant 64 : i32
        %parallel_loop3A_1500 = arith.addi %parallel_loop3A_1474, %parallel_loop3A_1499 : i32
        %parallel_loop3A_1501 = arith.index_cast %parallel_loop3A_1500 : i32 to index
        %parallel_loop3A_1502 = tpu.vector_load %arg5[%parallel_loop3A_1501] {strides = array<i32>} : memref<51328xf32, #tpu.memory_space<vmem>>, vector<16xf32>,
        %parallel_loop3A_1503 = vector.shape_cast %parallel_loop3A_1502 : vector<16xf32> to vector<16xf32>
        %parallel_loop3A_1504 = arith.maximumf %parallel_loop3A_1469, %parallel_loop3A_1503 : vector<16xf32>
        %parallel_loop3A_1505 = arith.constant 80 : i32
        %parallel_loop3A_1506 = arith.addi %parallel_loop3A_1474, %parallel_loop3A_1505 : i32
        %parallel_loop3A_1507 = arith.index_cast %parallel_loop3A_1506 : i32 to index
        %parallel_loop3A_1508 = tpu.vector_load %arg5[%parallel_loop3A_1507] {strides = array<i32>} : memref<51328xf32, #tpu.memory_space<vmem>>, vector<16xf32>,
        %parallel_loop3A_1509 = vector.shape_cast %parallel_loop3A_1508 : vector<16xf32> to vector<16xf32>
        %parallel_loop3A_1510 = arith.maximumf %parallel_loop3A_1470, %parallel_loop3A_1509 : vector<16xf32>
        %parallel_loop3A_1511 = arith.constant 96 : i32
        %parallel_loop3A_1512 = arith.addi %parallel_loop3A_1474, %parallel_loop3A_1511 : i32
        %parallel_loop3A_1513 = arith.index_cast %parallel_loop3A_1512 : i32 to index
        %parallel_loop3A_1514 = tpu.vector_load %arg5[%parallel_loop3A_1513] {strides = array<i32>} : memref<51328xf32, #tpu.memory_space<vmem>>, vector<16xf32>,
        %parallel_loop3A_1515 = vector.shape_cast %parallel_loop3A_1514 : vector<16xf32> to vector<16xf32>
        %parallel_loop3A_1516 = arith.maximumf %parallel_loop3A_1471, %parallel_loop3A_1515 : vector<16xf32>
        %parallel_loop3A_1517 = arith.constant 112 : i32
        %parallel_loop3A_1518 = arith.addi %parallel_loop3A_1474, %parallel_loop3A_1517 : i32
        %parallel_loop3A_1519 = arith.index_cast %parallel_loop3A_1518 : i32 to index
        %parallel_loop3A_1520 = tpu.vector_load %arg5[%parallel_loop3A_1519] {strides = array<i32>} : memref<51328xf32, #tpu.memory_space<vmem>>, vector<16xf32>,
        %parallel_loop3A_1521 = vector.shape_cast %parallel_loop3A_1520 : vector<16xf32> to vector<16xf32>
        %parallel_loop3A_1522 = arith.maximumf %parallel_loop3A_1472, %parallel_loop3A_1521 : vector<16xf32>
        scf.yield %parallel_loop3A_1480, %parallel_loop3A_1486, %parallel_loop3A_1492, %parallel_loop3A_1498, %parallel_loop3A_1504, %parallel_loop3A_1510, %parallel_loop3A_1516, %parallel_loop3A_1522 : vector<16xf32>, vector<16xf32>, vector<16xf32>, vector<16xf32>, vector<16xf32>, vector<16xf32>, vector<16xf32>, vector<16xf32>
      } {sc.loop_unroll_factor = 4 : i64, sc.parallel_access}
      %swap3A_392 = arith.constant 512 : index
      %swap3A_393 = tpu.vector_load %arg7[%swap3A_392] {strides = array<i32>} : memref<2048xf32, #tpu.memory_space<vmem>>, vector<16xf32>,
      %swap3A_394 = vector.shape_cast %swap3A_393 : vector<16xf32> to vector<16xf32>
      %swap3A_395 = vector.shape_cast %parallel_loop3A_391#0 : vector<16xf32> to vector<16xf32>
      tpu.vector_store %arg7[%swap3A_392], %swap3A_395 {strides = array<i32>} : memref<2048xf32, #tpu.memory_space<vmem>>, vector<16xf32>,
      %swap3A_396 = arith.constant 528 : index
      %swap3A_397 = tpu.vector_load %arg7[%swap3A_396] {strides = array<i32>} : memref<2048xf32, #tpu.memory_space<vmem>>, vector<16xf32>,
      %swap3A_398 = vector.shape_cast %swap3A_397 : vector<16xf32> to vector<16xf32>
      %swap3A_399 = vector.shape_cast %parallel_loop3A_391#1 : vector<16xf32> to vector<16xf32>
      tpu.vector_store %arg7[%swap3A_396], %swap3A_399 {strides = array<i32>} : memref<2048xf32, #tpu.memory_space<vmem>>, vector<16xf32>,
      %swap3A_400 = arith.constant 544 : index
      %swap3A_401 = tpu.vector_load %arg7[%swap3A_400] {strides = array<i32>} : memref<2048xf32, #tpu.memory_space<vmem>>, vector<16xf32>,
      %swap3A_402 = vector.shape_cast %swap3A_401 : vector<16xf32> to vector<16xf32>
      %swap3A_403 = vector.shape_cast %parallel_loop3A_391#2 : vector<16xf32> to vector<16xf32>
      tpu.vector_store %arg7[%swap3A_400], %swap3A_403 {strides = array<i32>} : memref<2048xf32, #tpu.memory_space<vmem>>, vector<16xf32>,
      %swap3A_404 = arith.constant 560 : index
      %swap3A_405 = tpu.vector_load %arg7[%swap3A_404] {strides = array<i32>} : memref<2048xf32, #tpu.memory_space<vmem>>, vector<16xf32>,
      %swap3A_406 = vector.shape_cast %swap3A_405 : vector<16xf32> to vector<16xf32>
      %swap3A_407 = vector.shape_cast %parallel_loop3A_391#3 : vector<16xf32> to vector<16xf32>
      tpu.vector_store %arg7[%swap3A_404], %swap3A_407 {strides = array<i32>} : memref<2048xf32, #tpu.memory_space<vmem>>, vector<16xf32>,
      %swap3A_408 = arith.constant 576 : index
      %swap3A_409 = tpu.vector_load %arg7[%swap3A_408] {strides = array<i32>} : memref<2048xf32, #tpu.memory_space<vmem>>, vector<16xf32>,
      %swap3A_410 = vector.shape_cast %swap3A_409 : vector<16xf32> to vector<16xf32>
      %swap3A_411 = vector.shape_cast %parallel_loop3A_391#4 : vector<16xf32> to vector<16xf32>
      tpu.vector_store %arg7[%swap3A_408], %swap3A_411 {strides = array<i32>} : memref<2048xf32, #tpu.memory_space<vmem>>, vector<16xf32>,
      %swap3A_412 = arith.constant 592 : index
      %swap3A_413 = tpu.vector_load %arg7[%swap3A_412] {strides = array<i32>} : memref<2048xf32, #tpu.memory_space<vmem>>, vector<16xf32>,
      %swap3A_414 = vector.shape_cast %swap3A_413 : vector<16xf32> to vector<16xf32>
      %swap3A_415 = vector.shape_cast %parallel_loop3A_391#5 : vector<16xf32> to vector<16xf32>
      tpu.vector_store %arg7[%swap3A_412], %swap3A_415 {strides = array<i32>} : memref<2048xf32, #tpu.memory_space<vmem>>, vector<16xf32>,
      %swap3A_416 = arith.constant 608 : index
      %swap3A_417 = tpu.vector_load %arg7[%swap3A_416] {strides = array<i32>} : memref<2048xf32, #tpu.memory_space<vmem>>, vector<16xf32>,
      %swap3A_418 = vector.shape_cast %swap3A_417 : vector<16xf32> to vector<16xf32>
      %swap3A_419 = vector.shape_cast %parallel_loop3A_391#6 : vector<16xf32> to vector<16xf32>
      tpu.vector_store %arg7[%swap3A_416], %swap3A_419 {strides = array<i32>} : memref<2048xf32, #tpu.memory_space<vmem>>, vector<16xf32>,
      %swap3A_420 = arith.constant 624 : index
      %swap3A_421 = tpu.vector_load %arg7[%swap3A_420] {strides = array<i32>} : memref<2048xf32, #tpu.memory_space<vmem>>, vector<16xf32>,
      %swap3A_422 = vector.shape_cast %swap3A_421 : vector<16xf32> to vector<16xf32>
      %swap3A_423 = vector.shape_cast %parallel_loop3A_391#7 : vector<16xf32> to vector<16xf32>
      tpu.vector_store %arg7[%swap3A_420], %swap3A_423 {strides = array<i32>} : memref<2048xf32, #tpu.memory_space<vmem>>, vector<16xf32>,
      %sub3A_424 = arith.subi %get3A_45, %mul3A_88 : i32
      %jit3A_425 = arith.constant 0 : i32
      %jit3A_426 = arith.constant 401 : i32
      %max3A_427 = arith.maxsi %jit3A_425, %sub3A_424 : i32
      %min3A_428 = arith.minsi %jit3A_426, %max3A_427 : i32
      %sub3A_429 = arith.subi %get3A_48, %mul3A_88 : i32
      %jit3A_430 = arith.constant 0 : i32
      %jit3A_431 = arith.constant 401 : i32
      %max3A_432 = arith.maxsi %jit3A_430, %sub3A_429 : i32
      %min3A_433 = arith.minsi %jit3A_431, %max3A_432 : i32
      %get3A_434 = arith.constant 640 : index
      %get3A_435 = tpu.vector_load %arg7[%get3A_434] {strides = array<i32>} : memref<2048xf32, #tpu.memory_space<vmem>>, vector<16xf32>,
      %get3A_436 = vector.shape_cast %get3A_435 : vector<16xf32> to vector<16xf32>
      %get3A_437 = arith.constant 656 : index
      %get3A_438 = tpu.vector_load %arg7[%get3A_437] {strides = array<i32>} : memref<2048xf32, #tpu.memory_space<vmem>>, vector<16xf32>,
      %get3A_439 = vector.shape_cast %get3A_438 : vector<16xf32> to vector<16xf32>
      %get3A_440 = arith.constant 672 : index
      %get3A_441 = tpu.vector_load %arg7[%get3A_440] {strides = array<i32>} : memref<2048xf32, #tpu.memory_space<vmem>>, vector<16xf32>,
      %get3A_442 = vector.shape_cast %get3A_441 : vector<16xf32> to vector<16xf32>
      %get3A_443 = arith.constant 688 : index
      %get3A_444 = tpu.vector_load %arg7[%get3A_443] {strides = array<i32>} : memref<2048xf32, #tpu.memory_space<vmem>>, vector<16xf32>,
      %get3A_445 = vector.shape_cast %get3A_444 : vector<16xf32> to vector<16xf32>
      %get3A_446 = arith.constant 704 : index
      %get3A_447 = tpu.vector_load %arg7[%get3A_446] {strides = array<i32>} : memref<2048xf32, #tpu.memory_space<vmem>>, vector<16xf32>,
      %get3A_448 = vector.shape_cast %get3A_447 : vector<16xf32> to vector<16xf32>
      %get3A_449 = arith.constant 720 : index
      %get3A_450 = tpu.vector_load %arg7[%get3A_449] {strides = array<i32>} : memref<2048xf32, #tpu.memory_space<vmem>>, vector<16xf32>,
      %get3A_451 = vector.shape_cast %get3A_450 : vector<16xf32> to vector<16xf32>
      %get3A_452 = arith.constant 736 : index
      %get3A_453 = tpu.vector_load %arg7[%get3A_452] {strides = array<i32>} : memref<2048xf32, #tpu.memory_space<vmem>>, vector<16xf32>,
      %get3A_454 = vector.shape_cast %get3A_453 : vector<16xf32> to vector<16xf32>
      %get3A_455 = arith.constant 752 : index
      %get3A_456 = tpu.vector_load %arg7[%get3A_455] {strides = array<i32>} : memref<2048xf32, #tpu.memory_space<vmem>>, vector<16xf32>,
      %get3A_457 = vector.shape_cast %get3A_456 : vector<16xf32> to vector<16xf32>
      %parallel_loop3A_458 = arith.constant 1 : i32
      %parallel_loop3A_459:8 = scf.for %parallel_loop3A_1464 = %min3A_428 to %min3A_433 step %parallel_loop3A_458 iter_args(%parallel_loop3A_1465 = %get3A_436, %parallel_loop3A_1466 = %get3A_439, %parallel_loop3A_1467 = %get3A_442, %parallel_loop3A_1468 = %get3A_445, %parallel_loop3A_1469 = %get3A_448, %parallel_loop3A_1470 = %get3A_451, %parallel_loop3A_1471 = %get3A_454, %parallel_loop3A_1472 = %get3A_457) -> (vector<16xf32>, vector<16xf32>, vector<16xf32>, vector<16xf32>, vector<16xf32>, vector<16xf32>, vector<16xf32>, vector<16xf32>)  : i32 {
        %parallel_loop3A_1473 = arith.constant 128 : i32
        %parallel_loop3A_1474 = arith.muli %parallel_loop3A_1464, %parallel_loop3A_1473 : i32
        %parallel_loop3A_1475 = arith.constant 0 : i32
        %parallel_loop3A_1476 = arith.addi %parallel_loop3A_1474, %parallel_loop3A_1475 : i32
        %parallel_loop3A_1477 = arith.index_cast %parallel_loop3A_1476 : i32 to index
        %parallel_loop3A_1478 = tpu.vector_load %arg5[%parallel_loop3A_1477] {strides = array<i32>} : memref<51328xf32, #tpu.memory_space<vmem>>, vector<16xf32>,
        %parallel_loop3A_1479 = vector.shape_cast %parallel_loop3A_1478 : vector<16xf32> to vector<16xf32>
        %parallel_loop3A_1480 = arith.maximumf %parallel_loop3A_1465, %parallel_loop3A_1479 : vector<16xf32>
        %parallel_loop3A_1481 = arith.constant 16 : i32
        %parallel_loop3A_1482 = arith.addi %parallel_loop3A_1474, %parallel_loop3A_1481 : i32
        %parallel_loop3A_1483 = arith.index_cast %parallel_loop3A_1482 : i32 to index
        %parallel_loop3A_1484 = tpu.vector_load %arg5[%parallel_loop3A_1483] {strides = array<i32>} : memref<51328xf32, #tpu.memory_space<vmem>>, vector<16xf32>,
        %parallel_loop3A_1485 = vector.shape_cast %parallel_loop3A_1484 : vector<16xf32> to vector<16xf32>
        %parallel_loop3A_1486 = arith.maximumf %parallel_loop3A_1466, %parallel_loop3A_1485 : vector<16xf32>
        %parallel_loop3A_1487 = arith.constant 32 : i32
        %parallel_loop3A_1488 = arith.addi %parallel_loop3A_1474, %parallel_loop3A_1487 : i32
        %parallel_loop3A_1489 = arith.index_cast %parallel_loop3A_1488 : i32 to index
        %parallel_loop3A_1490 = tpu.vector_load %arg5[%parallel_loop3A_1489] {strides = array<i32>} : memref<51328xf32, #tpu.memory_space<vmem>>, vector<16xf32>,
        %parallel_loop3A_1491 = vector.shape_cast %parallel_loop3A_1490 : vector<16xf32> to vector<16xf32>
        %parallel_loop3A_1492 = arith.maximumf %parallel_loop3A_1467, %parallel_loop3A_1491 : vector<16xf32>
        %parallel_loop3A_1493 = arith.constant 48 : i32
        %parallel_loop3A_1494 = arith.addi %parallel_loop3A_1474, %parallel_loop3A_1493 : i32
        %parallel_loop3A_1495 = arith.index_cast %parallel_loop3A_1494 : i32 to index
        %parallel_loop3A_1496 = tpu.vector_load %arg5[%parallel_loop3A_1495] {strides = array<i32>} : memref<51328xf32, #tpu.memory_space<vmem>>, vector<16xf32>,
        %parallel_loop3A_1497 = vector.shape_cast %parallel_loop3A_1496 : vector<16xf32> to vector<16xf32>
        %parallel_loop3A_1498 = arith.maximumf %parallel_loop3A_1468, %parallel_loop3A_1497 : vector<16xf32>
        %parallel_loop3A_1499 = arith.constant 64 : i32
        %parallel_loop3A_1500 = arith.addi %parallel_loop3A_1474, %parallel_loop3A_1499 : i32
        %parallel_loop3A_1501 = arith.index_cast %parallel_loop3A_1500 : i32 to index
        %parallel_loop3A_1502 = tpu.vector_load %arg5[%parallel_loop3A_1501] {strides = array<i32>} : memref<51328xf32, #tpu.memory_space<vmem>>, vector<16xf32>,
        %parallel_loop3A_1503 = vector.shape_cast %parallel_loop3A_1502 : vector<16xf32> to vector<16xf32>
        %parallel_loop3A_1504 = arith.maximumf %parallel_loop3A_1469, %parallel_loop3A_1503 : vector<16xf32>
        %parallel_loop3A_1505 = arith.constant 80 : i32
        %parallel_loop3A_1506 = arith.addi %parallel_loop3A_1474, %parallel_loop3A_1505 : i32
        %parallel_loop3A_1507 = arith.index_cast %parallel_loop3A_1506 : i32 to index
        %parallel_loop3A_1508 = tpu.vector_load %arg5[%parallel_loop3A_1507] {strides = array<i32>} : memref<51328xf32, #tpu.memory_space<vmem>>, vector<16xf32>,
        %parallel_loop3A_1509 = vector.shape_cast %parallel_loop3A_1508 : vector<16xf32> to vector<16xf32>
        %parallel_loop3A_1510 = arith.maximumf %parallel_loop3A_1470, %parallel_loop3A_1509 : vector<16xf32>
        %parallel_loop3A_1511 = arith.constant 96 : i32
        %parallel_loop3A_1512 = arith.addi %parallel_loop3A_1474, %parallel_loop3A_1511 : i32
        %parallel_loop3A_1513 = arith.index_cast %parallel_loop3A_1512 : i32 to index
        %parallel_loop3A_1514 = tpu.vector_load %arg5[%parallel_loop3A_1513] {strides = array<i32>} : memref<51328xf32, #tpu.memory_space<vmem>>, vector<16xf32>,
        %parallel_loop3A_1515 = vector.shape_cast %parallel_loop3A_1514 : vector<16xf32> to vector<16xf32>
        %parallel_loop3A_1516 = arith.maximumf %parallel_loop3A_1471, %parallel_loop3A_1515 : vector<16xf32>
        %parallel_loop3A_1517 = arith.constant 112 : i32
        %parallel_loop3A_1518 = arith.addi %parallel_loop3A_1474, %parallel_loop3A_1517 : i32
        %parallel_loop3A_1519 = arith.index_cast %parallel_loop3A_1518 : i32 to index
        %parallel_loop3A_1520 = tpu.vector_load %arg5[%parallel_loop3A_1519] {strides = array<i32>} : memref<51328xf32, #tpu.memory_space<vmem>>, vector<16xf32>,
        %parallel_loop3A_1521 = vector.shape_cast %parallel_loop3A_1520 : vector<16xf32> to vector<16xf32>
        %parallel_loop3A_1522 = arith.maximumf %parallel_loop3A_1472, %parallel_loop3A_1521 : vector<16xf32>
        scf.yield %parallel_loop3A_1480, %parallel_loop3A_1486, %parallel_loop3A_1492, %parallel_loop3A_1498, %parallel_loop3A_1504, %parallel_loop3A_1510, %parallel_loop3A_1516, %parallel_loop3A_1522 : vector<16xf32>, vector<16xf32>, vector<16xf32>, vector<16xf32>, vector<16xf32>, vector<16xf32>, vector<16xf32>, vector<16xf32>
      } {sc.loop_unroll_factor = 4 : i64, sc.parallel_access}
      %swap3A_460 = arith.constant 640 : index
      %swap3A_461 = tpu.vector_load %arg7[%swap3A_460] {strides = array<i32>} : memref<2048xf32, #tpu.memory_space<vmem>>, vector<16xf32>,
      %swap3A_462 = vector.shape_cast %swap3A_461 : vector<16xf32> to vector<16xf32>
      %swap3A_463 = vector.shape_cast %parallel_loop3A_459#0 : vector<16xf32> to vector<16xf32>
      tpu.vector_store %arg7[%swap3A_460], %swap3A_463 {strides = array<i32>} : memref<2048xf32, #tpu.memory_space<vmem>>, vector<16xf32>,
      %swap3A_464 = arith.constant 656 : index
      %swap3A_465 = tpu.vector_load %arg7[%swap3A_464] {strides = array<i32>} : memref<2048xf32, #tpu.memory_space<vmem>>, vector<16xf32>,
      %swap3A_466 = vector.shape_cast %swap3A_465 : vector<16xf32> to vector<16xf32>
      %swap3A_467 = vector.shape_cast %parallel_loop3A_459#1 : vector<16xf32> to vector<16xf32>
      tpu.vector_store %arg7[%swap3A_464], %swap3A_467 {strides = array<i32>} : memref<2048xf32, #tpu.memory_space<vmem>>, vector<16xf32>,
      %swap3A_468 = arith.constant 672 : index
      %swap3A_469 = tpu.vector_load %arg7[%swap3A_468] {strides = array<i32>} : memref<2048xf32, #tpu.memory_space<vmem>>, vector<16xf32>,
      %swap3A_470 = vector.shape_cast %swap3A_469 : vector<16xf32> to vector<16xf32>
      %swap3A_471 = vector.shape_cast %parallel_loop3A_459#2 : vector<16xf32> to vector<16xf32>
      tpu.vector_store %arg7[%swap3A_468], %swap3A_471 {strides = array<i32>} : memref<2048xf32, #tpu.memory_space<vmem>>, vector<16xf32>,
      %swap3A_472 = arith.constant 688 : index
      %swap3A_473 = tpu.vector_load %arg7[%swap3A_472] {strides = array<i32>} : memref<2048xf32, #tpu.memory_space<vmem>>, vector<16xf32>,
      %swap3A_474 = vector.shape_cast %swap3A_473 : vector<16xf32> to vector<16xf32>
      %swap3A_475 = vector.shape_cast %parallel_loop3A_459#3 : vector<16xf32> to vector<16xf32>
      tpu.vector_store %arg7[%swap3A_472], %swap3A_475 {strides = array<i32>} : memref<2048xf32, #tpu.memory_space<vmem>>, vector<16xf32>,
      %swap3A_476 = arith.constant 704 : index
      %swap3A_477 = tpu.vector_load %arg7[%swap3A_476] {strides = array<i32>} : memref<2048xf32, #tpu.memory_space<vmem>>, vector<16xf32>,
      %swap3A_478 = vector.shape_cast %swap3A_477 : vector<16xf32> to vector<16xf32>
      %swap3A_479 = vector.shape_cast %parallel_loop3A_459#4 : vector<16xf32> to vector<16xf32>
      tpu.vector_store %arg7[%swap3A_476], %swap3A_479 {strides = array<i32>} : memref<2048xf32, #tpu.memory_space<vmem>>, vector<16xf32>,
      %swap3A_480 = arith.constant 720 : index
      %swap3A_481 = tpu.vector_load %arg7[%swap3A_480] {strides = array<i32>} : memref<2048xf32, #tpu.memory_space<vmem>>, vector<16xf32>,
      %swap3A_482 = vector.shape_cast %swap3A_481 : vector<16xf32> to vector<16xf32>
      %swap3A_483 = vector.shape_cast %parallel_loop3A_459#5 : vector<16xf32> to vector<16xf32>
      tpu.vector_store %arg7[%swap3A_480], %swap3A_483 {strides = array<i32>} : memref<2048xf32, #tpu.memory_space<vmem>>, vector<16xf32>,
      %swap3A_484 = arith.constant 736 : index
      %swap3A_485 = tpu.vector_load %arg7[%swap3A_484] {strides = array<i32>} : memref<2048xf32, #tpu.memory_space<vmem>>, vector<16xf32>,
      %swap3A_486 = vector.shape_cast %swap3A_485 : vector<16xf32> to vector<16xf32>
      %swap3A_487 = vector.shape_cast %parallel_loop3A_459#6 : vector<16xf32> to vector<16xf32>
      tpu.vector_store %arg7[%swap3A_484], %swap3A_487 {strides = array<i32>} : memref<2048xf32, #tpu.memory_space<vmem>>, vector<16xf32>,
      %swap3A_488 = arith.constant 752 : index
      %swap3A_489 = tpu.vector_load %arg7[%swap3A_488] {strides = array<i32>} : memref<2048xf32, #tpu.memory_space<vmem>>, vector<16xf32>,
      %swap3A_490 = vector.shape_cast %swap3A_489 : vector<16xf32> to vector<16xf32>
      %swap3A_491 = vector.shape_cast %parallel_loop3A_459#7 : vector<16xf32> to vector<16xf32>
      tpu.vector_store %arg7[%swap3A_488], %swap3A_491 {strides = array<i32>} : memref<2048xf32, #tpu.memory_space<vmem>>, vector<16xf32>,
      %sub3A_492 = arith.subi %get3A_48, %mul3A_88 : i32
      %jit3A_493 = arith.constant 0 : i32
      %jit3A_494 = arith.constant 401 : i32
      %max3A_495 = arith.maxsi %jit3A_493, %sub3A_492 : i32
      %min3A_496 = arith.minsi %jit3A_494, %max3A_495 : i32
      %sub3A_497 = arith.subi %get3A_51, %mul3A_88 : i32
      %jit3A_498 = arith.constant 0 : i32
      %jit3A_499 = arith.constant 401 : i32
      %max3A_500 = arith.maxsi %jit3A_498, %sub3A_497 : i32
      %min3A_501 = arith.minsi %jit3A_499, %max3A_500 : i32
      %get3A_502 = arith.constant 768 : index
      %get3A_503 = tpu.vector_load %arg7[%get3A_502] {strides = array<i32>} : memref<2048xf32, #tpu.memory_space<vmem>>, vector<16xf32>,
      %get3A_504 = vector.shape_cast %get3A_503 : vector<16xf32> to vector<16xf32>
      %get3A_505 = arith.constant 784 : index
      %get3A_506 = tpu.vector_load %arg7[%get3A_505] {strides = array<i32>} : memref<2048xf32, #tpu.memory_space<vmem>>, vector<16xf32>,
      %get3A_507 = vector.shape_cast %get3A_506 : vector<16xf32> to vector<16xf32>
      %get3A_508 = arith.constant 800 : index
      %get3A_509 = tpu.vector_load %arg7[%get3A_508] {strides = array<i32>} : memref<2048xf32, #tpu.memory_space<vmem>>, vector<16xf32>,
      %get3A_510 = vector.shape_cast %get3A_509 : vector<16xf32> to vector<16xf32>
      %get3A_511 = arith.constant 816 : index
      %get3A_512 = tpu.vector_load %arg7[%get3A_511] {strides = array<i32>} : memref<2048xf32, #tpu.memory_space<vmem>>, vector<16xf32>,
      %get3A_513 = vector.shape_cast %get3A_512 : vector<16xf32> to vector<16xf32>
      %get3A_514 = arith.constant 832 : index
      %get3A_515 = tpu.vector_load %arg7[%get3A_514] {strides = array<i32>} : memref<2048xf32, #tpu.memory_space<vmem>>, vector<16xf32>,
      %get3A_516 = vector.shape_cast %get3A_515 : vector<16xf32> to vector<16xf32>
      %get3A_517 = arith.constant 848 : index
      %get3A_518 = tpu.vector_load %arg7[%get3A_517] {strides = array<i32>} : memref<2048xf32, #tpu.memory_space<vmem>>, vector<16xf32>,
      %get3A_519 = vector.shape_cast %get3A_518 : vector<16xf32> to vector<16xf32>
      %get3A_520 = arith.constant 864 : index
      %get3A_521 = tpu.vector_load %arg7[%get3A_520] {strides = array<i32>} : memref<2048xf32, #tpu.memory_space<vmem>>, vector<16xf32>,
      %get3A_522 = vector.shape_cast %get3A_521 : vector<16xf32> to vector<16xf32>
      %get3A_523 = arith.constant 880 : index
      %get3A_524 = tpu.vector_load %arg7[%get3A_523] {strides = array<i32>} : memref<2048xf32, #tpu.memory_space<vmem>>, vector<16xf32>,
      %get3A_525 = vector.shape_cast %get3A_524 : vector<16xf32> to vector<16xf32>
      %parallel_loop3A_526 = arith.constant 1 : i32
      %parallel_loop3A_527:8 = scf.for %parallel_loop3A_1464 = %min3A_496 to %min3A_501 step %parallel_loop3A_526 iter_args(%parallel_loop3A_1465 = %get3A_504, %parallel_loop3A_1466 = %get3A_507, %parallel_loop3A_1467 = %get3A_510, %parallel_loop3A_1468 = %get3A_513, %parallel_loop3A_1469 = %get3A_516, %parallel_loop3A_1470 = %get3A_519, %parallel_loop3A_1471 = %get3A_522, %parallel_loop3A_1472 = %get3A_525) -> (vector<16xf32>, vector<16xf32>, vector<16xf32>, vector<16xf32>, vector<16xf32>, vector<16xf32>, vector<16xf32>, vector<16xf32>)  : i32 {
        %parallel_loop3A_1473 = arith.constant 128 : i32
        %parallel_loop3A_1474 = arith.muli %parallel_loop3A_1464, %parallel_loop3A_1473 : i32
        %parallel_loop3A_1475 = arith.constant 0 : i32
        %parallel_loop3A_1476 = arith.addi %parallel_loop3A_1474, %parallel_loop3A_1475 : i32
        %parallel_loop3A_1477 = arith.index_cast %parallel_loop3A_1476 : i32 to index
        %parallel_loop3A_1478 = tpu.vector_load %arg5[%parallel_loop3A_1477] {strides = array<i32>} : memref<51328xf32, #tpu.memory_space<vmem>>, vector<16xf32>,
        %parallel_loop3A_1479 = vector.shape_cast %parallel_loop3A_1478 : vector<16xf32> to vector<16xf32>
        %parallel_loop3A_1480 = arith.maximumf %parallel_loop3A_1465, %parallel_loop3A_1479 : vector<16xf32>
        %parallel_loop3A_1481 = arith.constant 16 : i32
        %parallel_loop3A_1482 = arith.addi %parallel_loop3A_1474, %parallel_loop3A_1481 : i32
        %parallel_loop3A_1483 = arith.index_cast %parallel_loop3A_1482 : i32 to index
        %parallel_loop3A_1484 = tpu.vector_load %arg5[%parallel_loop3A_1483] {strides = array<i32>} : memref<51328xf32, #tpu.memory_space<vmem>>, vector<16xf32>,
        %parallel_loop3A_1485 = vector.shape_cast %parallel_loop3A_1484 : vector<16xf32> to vector<16xf32>
        %parallel_loop3A_1486 = arith.maximumf %parallel_loop3A_1466, %parallel_loop3A_1485 : vector<16xf32>
        %parallel_loop3A_1487 = arith.constant 32 : i32
        %parallel_loop3A_1488 = arith.addi %parallel_loop3A_1474, %parallel_loop3A_1487 : i32
        %parallel_loop3A_1489 = arith.index_cast %parallel_loop3A_1488 : i32 to index
        %parallel_loop3A_1490 = tpu.vector_load %arg5[%parallel_loop3A_1489] {strides = array<i32>} : memref<51328xf32, #tpu.memory_space<vmem>>, vector<16xf32>,
        %parallel_loop3A_1491 = vector.shape_cast %parallel_loop3A_1490 : vector<16xf32> to vector<16xf32>
        %parallel_loop3A_1492 = arith.maximumf %parallel_loop3A_1467, %parallel_loop3A_1491 : vector<16xf32>
        %parallel_loop3A_1493 = arith.constant 48 : i32
        %parallel_loop3A_1494 = arith.addi %parallel_loop3A_1474, %parallel_loop3A_1493 : i32
        %parallel_loop3A_1495 = arith.index_cast %parallel_loop3A_1494 : i32 to index
        %parallel_loop3A_1496 = tpu.vector_load %arg5[%parallel_loop3A_1495] {strides = array<i32>} : memref<51328xf32, #tpu.memory_space<vmem>>, vector<16xf32>,
        %parallel_loop3A_1497 = vector.shape_cast %parallel_loop3A_1496 : vector<16xf32> to vector<16xf32>
        %parallel_loop3A_1498 = arith.maximumf %parallel_loop3A_1468, %parallel_loop3A_1497 : vector<16xf32>
        %parallel_loop3A_1499 = arith.constant 64 : i32
        %parallel_loop3A_1500 = arith.addi %parallel_loop3A_1474, %parallel_loop3A_1499 : i32
        %parallel_loop3A_1501 = arith.index_cast %parallel_loop3A_1500 : i32 to index
        %parallel_loop3A_1502 = tpu.vector_load %arg5[%parallel_loop3A_1501] {strides = array<i32>} : memref<51328xf32, #tpu.memory_space<vmem>>, vector<16xf32>,
        %parallel_loop3A_1503 = vector.shape_cast %parallel_loop3A_1502 : vector<16xf32> to vector<16xf32>
        %parallel_loop3A_1504 = arith.maximumf %parallel_loop3A_1469, %parallel_loop3A_1503 : vector<16xf32>
        %parallel_loop3A_1505 = arith.constant 80 : i32
        %parallel_loop3A_1506 = arith.addi %parallel_loop3A_1474, %parallel_loop3A_1505 : i32
        %parallel_loop3A_1507 = arith.index_cast %parallel_loop3A_1506 : i32 to index
        %parallel_loop3A_1508 = tpu.vector_load %arg5[%parallel_loop3A_1507] {strides = array<i32>} : memref<51328xf32, #tpu.memory_space<vmem>>, vector<16xf32>,
        %parallel_loop3A_1509 = vector.shape_cast %parallel_loop3A_1508 : vector<16xf32> to vector<16xf32>
        %parallel_loop3A_1510 = arith.maximumf %parallel_loop3A_1470, %parallel_loop3A_1509 : vector<16xf32>
        %parallel_loop3A_1511 = arith.constant 96 : i32
        %parallel_loop3A_1512 = arith.addi %parallel_loop3A_1474, %parallel_loop3A_1511 : i32
        %parallel_loop3A_1513 = arith.index_cast %parallel_loop3A_1512 : i32 to index
        %parallel_loop3A_1514 = tpu.vector_load %arg5[%parallel_loop3A_1513] {strides = array<i32>} : memref<51328xf32, #tpu.memory_space<vmem>>, vector<16xf32>,
        %parallel_loop3A_1515 = vector.shape_cast %parallel_loop3A_1514 : vector<16xf32> to vector<16xf32>
        %parallel_loop3A_1516 = arith.maximumf %parallel_loop3A_1471, %parallel_loop3A_1515 : vector<16xf32>
        %parallel_loop3A_1517 = arith.constant 112 : i32
        %parallel_loop3A_1518 = arith.addi %parallel_loop3A_1474, %parallel_loop3A_1517 : i32
        %parallel_loop3A_1519 = arith.index_cast %parallel_loop3A_1518 : i32 to index
        %parallel_loop3A_1520 = tpu.vector_load %arg5[%parallel_loop3A_1519] {strides = array<i32>} : memref<51328xf32, #tpu.memory_space<vmem>>, vector<16xf32>,
        %parallel_loop3A_1521 = vector.shape_cast %parallel_loop3A_1520 : vector<16xf32> to vector<16xf32>
        %parallel_loop3A_1522 = arith.maximumf %parallel_loop3A_1472, %parallel_loop3A_1521 : vector<16xf32>
        scf.yield %parallel_loop3A_1480, %parallel_loop3A_1486, %parallel_loop3A_1492, %parallel_loop3A_1498, %parallel_loop3A_1504, %parallel_loop3A_1510, %parallel_loop3A_1516, %parallel_loop3A_1522 : vector<16xf32>, vector<16xf32>, vector<16xf32>, vector<16xf32>, vector<16xf32>, vector<16xf32>, vector<16xf32>, vector<16xf32>
      } {sc.loop_unroll_factor = 4 : i64, sc.parallel_access}
      %swap3A_528 = arith.constant 768 : index
      %swap3A_529 = tpu.vector_load %arg7[%swap3A_528] {strides = array<i32>} : memref<2048xf32, #tpu.memory_space<vmem>>, vector<16xf32>,
      %swap3A_530 = vector.shape_cast %swap3A_529 : vector<16xf32> to vector<16xf32>
      %swap3A_531 = vector.shape_cast %parallel_loop3A_527#0 : vector<16xf32> to vector<16xf32>
      tpu.vector_store %arg7[%swap3A_528], %swap3A_531 {strides = array<i32>} : memref<2048xf32, #tpu.memory_space<vmem>>, vector<16xf32>,
      %swap3A_532 = arith.constant 784 : index
      %swap3A_533 = tpu.vector_load %arg7[%swap3A_532] {strides = array<i32>} : memref<2048xf32, #tpu.memory_space<vmem>>, vector<16xf32>,
      %swap3A_534 = vector.shape_cast %swap3A_533 : vector<16xf32> to vector<16xf32>
      %swap3A_535 = vector.shape_cast %parallel_loop3A_527#1 : vector<16xf32> to vector<16xf32>
      tpu.vector_store %arg7[%swap3A_532], %swap3A_535 {strides = array<i32>} : memref<2048xf32, #tpu.memory_space<vmem>>, vector<16xf32>,
      %swap3A_536 = arith.constant 800 : index
      %swap3A_537 = tpu.vector_load %arg7[%swap3A_536] {strides = array<i32>} : memref<2048xf32, #tpu.memory_space<vmem>>, vector<16xf32>,
      %swap3A_538 = vector.shape_cast %swap3A_537 : vector<16xf32> to vector<16xf32>
      %swap3A_539 = vector.shape_cast %parallel_loop3A_527#2 : vector<16xf32> to vector<16xf32>
      tpu.vector_store %arg7[%swap3A_536], %swap3A_539 {strides = array<i32>} : memref<2048xf32, #tpu.memory_space<vmem>>, vector<16xf32>,
      %swap3A_540 = arith.constant 816 : index
      %swap3A_541 = tpu.vector_load %arg7[%swap3A_540] {strides = array<i32>} : memref<2048xf32, #tpu.memory_space<vmem>>, vector<16xf32>,
      %swap3A_542 = vector.shape_cast %swap3A_541 : vector<16xf32> to vector<16xf32>
      %swap3A_543 = vector.shape_cast %parallel_loop3A_527#3 : vector<16xf32> to vector<16xf32>
      tpu.vector_store %arg7[%swap3A_540], %swap3A_543 {strides = array<i32>} : memref<2048xf32, #tpu.memory_space<vmem>>, vector<16xf32>,
      %swap3A_544 = arith.constant 832 : index
      %swap3A_545 = tpu.vector_load %arg7[%swap3A_544] {strides = array<i32>} : memref<2048xf32, #tpu.memory_space<vmem>>, vector<16xf32>,
      %swap3A_546 = vector.shape_cast %swap3A_545 : vector<16xf32> to vector<16xf32>
      %swap3A_547 = vector.shape_cast %parallel_loop3A_527#4 : vector<16xf32> to vector<16xf32>
      tpu.vector_store %arg7[%swap3A_544], %swap3A_547 {strides = array<i32>} : memref<2048xf32, #tpu.memory_space<vmem>>, vector<16xf32>,
      %swap3A_548 = arith.constant 848 : index
      %swap3A_549 = tpu.vector_load %arg7[%swap3A_548] {strides = array<i32>} : memref<2048xf32, #tpu.memory_space<vmem>>, vector<16xf32>,
      %swap3A_550 = vector.shape_cast %swap3A_549 : vector<16xf32> to vector<16xf32>
      %swap3A_551 = vector.shape_cast %parallel_loop3A_527#5 : vector<16xf32> to vector<16xf32>
      tpu.vector_store %arg7[%swap3A_548], %swap3A_551 {strides = array<i32>} : memref<2048xf32, #tpu.memory_space<vmem>>, vector<16xf32>,
      %swap3A_552 = arith.constant 864 : index
      %swap3A_553 = tpu.vector_load %arg7[%swap3A_552] {strides = array<i32>} : memref<2048xf32, #tpu.memory_space<vmem>>, vector<16xf32>,
      %swap3A_554 = vector.shape_cast %swap3A_553 : vector<16xf32> to vector<16xf32>
      %swap3A_555 = vector.shape_cast %parallel_loop3A_527#6 : vector<16xf32> to vector<16xf32>
      tpu.vector_store %arg7[%swap3A_552], %swap3A_555 {strides = array<i32>} : memref<2048xf32, #tpu.memory_space<vmem>>, vector<16xf32>,
      %swap3A_556 = arith.constant 880 : index
      %swap3A_557 = tpu.vector_load %arg7[%swap3A_556] {strides = array<i32>} : memref<2048xf32, #tpu.memory_space<vmem>>, vector<16xf32>,
      %swap3A_558 = vector.shape_cast %swap3A_557 : vector<16xf32> to vector<16xf32>
      %swap3A_559 = vector.shape_cast %parallel_loop3A_527#7 : vector<16xf32> to vector<16xf32>
      tpu.vector_store %arg7[%swap3A_556], %swap3A_559 {strides = array<i32>} : memref<2048xf32, #tpu.memory_space<vmem>>, vector<16xf32>,
      %sub3A_560 = arith.subi %get3A_51, %mul3A_88 : i32
      %jit3A_561 = arith.constant 0 : i32
      %jit3A_562 = arith.constant 401 : i32
      %max3A_563 = arith.maxsi %jit3A_561, %sub3A_560 : i32
      %min3A_564 = arith.minsi %jit3A_562, %max3A_563 : i32
      %sub3A_565 = arith.subi %get3A_54, %mul3A_88 : i32
      %jit3A_566 = arith.constant 0 : i32
      %jit3A_567 = arith.constant 401 : i32
      %max3A_568 = arith.maxsi %jit3A_566, %sub3A_565 : i32
      %min3A_569 = arith.minsi %jit3A_567, %max3A_568 : i32
      %get3A_570 = arith.constant 896 : index
      %get3A_571 = tpu.vector_load %arg7[%get3A_570] {strides = array<i32>} : memref<2048xf32, #tpu.memory_space<vmem>>, vector<16xf32>,
      %get3A_572 = vector.shape_cast %get3A_571 : vector<16xf32> to vector<16xf32>
      %get3A_573 = arith.constant 912 : index
      %get3A_574 = tpu.vector_load %arg7[%get3A_573] {strides = array<i32>} : memref<2048xf32, #tpu.memory_space<vmem>>, vector<16xf32>,
      %get3A_575 = vector.shape_cast %get3A_574 : vector<16xf32> to vector<16xf32>
      %get3A_576 = arith.constant 928 : index
      %get3A_577 = tpu.vector_load %arg7[%get3A_576] {strides = array<i32>} : memref<2048xf32, #tpu.memory_space<vmem>>, vector<16xf32>,
      %get3A_578 = vector.shape_cast %get3A_577 : vector<16xf32> to vector<16xf32>
      %get3A_579 = arith.constant 944 : index
      %get3A_580 = tpu.vector_load %arg7[%get3A_579] {strides = array<i32>} : memref<2048xf32, #tpu.memory_space<vmem>>, vector<16xf32>,
      %get3A_581 = vector.shape_cast %get3A_580 : vector<16xf32> to vector<16xf32>
      %get3A_582 = arith.constant 960 : index
      %get3A_583 = tpu.vector_load %arg7[%get3A_582] {strides = array<i32>} : memref<2048xf32, #tpu.memory_space<vmem>>, vector<16xf32>,
      %get3A_584 = vector.shape_cast %get3A_583 : vector<16xf32> to vector<16xf32>
      %get3A_585 = arith.constant 976 : index
      %get3A_586 = tpu.vector_load %arg7[%get3A_585] {strides = array<i32>} : memref<2048xf32, #tpu.memory_space<vmem>>, vector<16xf32>,
      %get3A_587 = vector.shape_cast %get3A_586 : vector<16xf32> to vector<16xf32>
      %get3A_588 = arith.constant 992 : index
      %get3A_589 = tpu.vector_load %arg7[%get3A_588] {strides = array<i32>} : memref<2048xf32, #tpu.memory_space<vmem>>, vector<16xf32>,
      %get3A_590 = vector.shape_cast %get3A_589 : vector<16xf32> to vector<16xf32>
      %get3A_591 = arith.constant 1008 : index
      %get3A_592 = tpu.vector_load %arg7[%get3A_591] {strides = array<i32>} : memref<2048xf32, #tpu.memory_space<vmem>>, vector<16xf32>,
      %get3A_593 = vector.shape_cast %get3A_592 : vector<16xf32> to vector<16xf32>
      %parallel_loop3A_594 = arith.constant 1 : i32
      %parallel_loop3A_595:8 = scf.for %parallel_loop3A_1464 = %min3A_564 to %min3A_569 step %parallel_loop3A_594 iter_args(%parallel_loop3A_1465 = %get3A_572, %parallel_loop3A_1466 = %get3A_575, %parallel_loop3A_1467 = %get3A_578, %parallel_loop3A_1468 = %get3A_581, %parallel_loop3A_1469 = %get3A_584, %parallel_loop3A_1470 = %get3A_587, %parallel_loop3A_1471 = %get3A_590, %parallel_loop3A_1472 = %get3A_593) -> (vector<16xf32>, vector<16xf32>, vector<16xf32>, vector<16xf32>, vector<16xf32>, vector<16xf32>, vector<16xf32>, vector<16xf32>)  : i32 {
        %parallel_loop3A_1473 = arith.constant 128 : i32
        %parallel_loop3A_1474 = arith.muli %parallel_loop3A_1464, %parallel_loop3A_1473 : i32
        %parallel_loop3A_1475 = arith.constant 0 : i32
        %parallel_loop3A_1476 = arith.addi %parallel_loop3A_1474, %parallel_loop3A_1475 : i32
        %parallel_loop3A_1477 = arith.index_cast %parallel_loop3A_1476 : i32 to index
        %parallel_loop3A_1478 = tpu.vector_load %arg5[%parallel_loop3A_1477] {strides = array<i32>} : memref<51328xf32, #tpu.memory_space<vmem>>, vector<16xf32>,
        %parallel_loop3A_1479 = vector.shape_cast %parallel_loop3A_1478 : vector<16xf32> to vector<16xf32>
        %parallel_loop3A_1480 = arith.maximumf %parallel_loop3A_1465, %parallel_loop3A_1479 : vector<16xf32>
        %parallel_loop3A_1481 = arith.constant 16 : i32
        %parallel_loop3A_1482 = arith.addi %parallel_loop3A_1474, %parallel_loop3A_1481 : i32
        %parallel_loop3A_1483 = arith.index_cast %parallel_loop3A_1482 : i32 to index
        %parallel_loop3A_1484 = tpu.vector_load %arg5[%parallel_loop3A_1483] {strides = array<i32>} : memref<51328xf32, #tpu.memory_space<vmem>>, vector<16xf32>,
        %parallel_loop3A_1485 = vector.shape_cast %parallel_loop3A_1484 : vector<16xf32> to vector<16xf32>
        %parallel_loop3A_1486 = arith.maximumf %parallel_loop3A_1466, %parallel_loop3A_1485 : vector<16xf32>
        %parallel_loop3A_1487 = arith.constant 32 : i32
        %parallel_loop3A_1488 = arith.addi %parallel_loop3A_1474, %parallel_loop3A_1487 : i32
        %parallel_loop3A_1489 = arith.index_cast %parallel_loop3A_1488 : i32 to index
        %parallel_loop3A_1490 = tpu.vector_load %arg5[%parallel_loop3A_1489] {strides = array<i32>} : memref<51328xf32, #tpu.memory_space<vmem>>, vector<16xf32>,
        %parallel_loop3A_1491 = vector.shape_cast %parallel_loop3A_1490 : vector<16xf32> to vector<16xf32>
        %parallel_loop3A_1492 = arith.maximumf %parallel_loop3A_1467, %parallel_loop3A_1491 : vector<16xf32>
        %parallel_loop3A_1493 = arith.constant 48 : i32
        %parallel_loop3A_1494 = arith.addi %parallel_loop3A_1474, %parallel_loop3A_1493 : i32
        %parallel_loop3A_1495 = arith.index_cast %parallel_loop3A_1494 : i32 to index
        %parallel_loop3A_1496 = tpu.vector_load %arg5[%parallel_loop3A_1495] {strides = array<i32>} : memref<51328xf32, #tpu.memory_space<vmem>>, vector<16xf32>,
        %parallel_loop3A_1497 = vector.shape_cast %parallel_loop3A_1496 : vector<16xf32> to vector<16xf32>
        %parallel_loop3A_1498 = arith.maximumf %parallel_loop3A_1468, %parallel_loop3A_1497 : vector<16xf32>
        %parallel_loop3A_1499 = arith.constant 64 : i32
        %parallel_loop3A_1500 = arith.addi %parallel_loop3A_1474, %parallel_loop3A_1499 : i32
        %parallel_loop3A_1501 = arith.index_cast %parallel_loop3A_1500 : i32 to index
        %parallel_loop3A_1502 = tpu.vector_load %arg5[%parallel_loop3A_1501] {strides = array<i32>} : memref<51328xf32, #tpu.memory_space<vmem>>, vector<16xf32>,
        %parallel_loop3A_1503 = vector.shape_cast %parallel_loop3A_1502 : vector<16xf32> to vector<16xf32>
        %parallel_loop3A_1504 = arith.maximumf %parallel_loop3A_1469, %parallel_loop3A_1503 : vector<16xf32>
        %parallel_loop3A_1505 = arith.constant 80 : i32
        %parallel_loop3A_1506 = arith.addi %parallel_loop3A_1474, %parallel_loop3A_1505 : i32
        %parallel_loop3A_1507 = arith.index_cast %parallel_loop3A_1506 : i32 to index
        %parallel_loop3A_1508 = tpu.vector_load %arg5[%parallel_loop3A_1507] {strides = array<i32>} : memref<51328xf32, #tpu.memory_space<vmem>>, vector<16xf32>,
        %parallel_loop3A_1509 = vector.shape_cast %parallel_loop3A_1508 : vector<16xf32> to vector<16xf32>
        %parallel_loop3A_1510 = arith.maximumf %parallel_loop3A_1470, %parallel_loop3A_1509 : vector<16xf32>
        %parallel_loop3A_1511 = arith.constant 96 : i32
        %parallel_loop3A_1512 = arith.addi %parallel_loop3A_1474, %parallel_loop3A_1511 : i32
        %parallel_loop3A_1513 = arith.index_cast %parallel_loop3A_1512 : i32 to index
        %parallel_loop3A_1514 = tpu.vector_load %arg5[%parallel_loop3A_1513] {strides = array<i32>} : memref<51328xf32, #tpu.memory_space<vmem>>, vector<16xf32>,
        %parallel_loop3A_1515 = vector.shape_cast %parallel_loop3A_1514 : vector<16xf32> to vector<16xf32>
        %parallel_loop3A_1516 = arith.maximumf %parallel_loop3A_1471, %parallel_loop3A_1515 : vector<16xf32>
        %parallel_loop3A_1517 = arith.constant 112 : i32
        %parallel_loop3A_1518 = arith.addi %parallel_loop3A_1474, %parallel_loop3A_1517 : i32
        %parallel_loop3A_1519 = arith.index_cast %parallel_loop3A_1518 : i32 to index
        %parallel_loop3A_1520 = tpu.vector_load %arg5[%parallel_loop3A_1519] {strides = array<i32>} : memref<51328xf32, #tpu.memory_space<vmem>>, vector<16xf32>,
        %parallel_loop3A_1521 = vector.shape_cast %parallel_loop3A_1520 : vector<16xf32> to vector<16xf32>
        %parallel_loop3A_1522 = arith.maximumf %parallel_loop3A_1472, %parallel_loop3A_1521 : vector<16xf32>
        scf.yield %parallel_loop3A_1480, %parallel_loop3A_1486, %parallel_loop3A_1492, %parallel_loop3A_1498, %parallel_loop3A_1504, %parallel_loop3A_1510, %parallel_loop3A_1516, %parallel_loop3A_1522 : vector<16xf32>, vector<16xf32>, vector<16xf32>, vector<16xf32>, vector<16xf32>, vector<16xf32>, vector<16xf32>, vector<16xf32>
      } {sc.loop_unroll_factor = 4 : i64, sc.parallel_access}
      %swap3A_596 = arith.constant 896 : index
      %swap3A_597 = tpu.vector_load %arg7[%swap3A_596] {strides = array<i32>} : memref<2048xf32, #tpu.memory_space<vmem>>, vector<16xf32>,
      %swap3A_598 = vector.shape_cast %swap3A_597 : vector<16xf32> to vector<16xf32>
      %swap3A_599 = vector.shape_cast %parallel_loop3A_595#0 : vector<16xf32> to vector<16xf32>
      tpu.vector_store %arg7[%swap3A_596], %swap3A_599 {strides = array<i32>} : memref<2048xf32, #tpu.memory_space<vmem>>, vector<16xf32>,
      %swap3A_600 = arith.constant 912 : index
      %swap3A_601 = tpu.vector_load %arg7[%swap3A_600] {strides = array<i32>} : memref<2048xf32, #tpu.memory_space<vmem>>, vector<16xf32>,
      %swap3A_602 = vector.shape_cast %swap3A_601 : vector<16xf32> to vector<16xf32>
      %swap3A_603 = vector.shape_cast %parallel_loop3A_595#1 : vector<16xf32> to vector<16xf32>
      tpu.vector_store %arg7[%swap3A_600], %swap3A_603 {strides = array<i32>} : memref<2048xf32, #tpu.memory_space<vmem>>, vector<16xf32>,
      %swap3A_604 = arith.constant 928 : index
      %swap3A_605 = tpu.vector_load %arg7[%swap3A_604] {strides = array<i32>} : memref<2048xf32, #tpu.memory_space<vmem>>, vector<16xf32>,
      %swap3A_606 = vector.shape_cast %swap3A_605 : vector<16xf32> to vector<16xf32>
      %swap3A_607 = vector.shape_cast %parallel_loop3A_595#2 : vector<16xf32> to vector<16xf32>
      tpu.vector_store %arg7[%swap3A_604], %swap3A_607 {strides = array<i32>} : memref<2048xf32, #tpu.memory_space<vmem>>, vector<16xf32>,
      %swap3A_608 = arith.constant 944 : index
      %swap3A_609 = tpu.vector_load %arg7[%swap3A_608] {strides = array<i32>} : memref<2048xf32, #tpu.memory_space<vmem>>, vector<16xf32>,
      %swap3A_610 = vector.shape_cast %swap3A_609 : vector<16xf32> to vector<16xf32>
      %swap3A_611 = vector.shape_cast %parallel_loop3A_595#3 : vector<16xf32> to vector<16xf32>
      tpu.vector_store %arg7[%swap3A_608], %swap3A_611 {strides = array<i32>} : memref<2048xf32, #tpu.memory_space<vmem>>, vector<16xf32>,
      %swap3A_612 = arith.constant 960 : index
      %swap3A_613 = tpu.vector_load %arg7[%swap3A_612] {strides = array<i32>} : memref<2048xf32, #tpu.memory_space<vmem>>, vector<16xf32>,
      %swap3A_614 = vector.shape_cast %swap3A_613 : vector<16xf32> to vector<16xf32>
      %swap3A_615 = vector.shape_cast %parallel_loop3A_595#4 : vector<16xf32> to vector<16xf32>
      tpu.vector_store %arg7[%swap3A_612], %swap3A_615 {strides = array<i32>} : memref<2048xf32, #tpu.memory_space<vmem>>, vector<16xf32>,
      %swap3A_616 = arith.constant 976 : index
      %swap3A_617 = tpu.vector_load %arg7[%swap3A_616] {strides = array<i32>} : memref<2048xf32, #tpu.memory_space<vmem>>, vector<16xf32>,
      %swap3A_618 = vector.shape_cast %swap3A_617 : vector<16xf32> to vector<16xf32>
      %swap3A_619 = vector.shape_cast %parallel_loop3A_595#5 : vector<16xf32> to vector<16xf32>
      tpu.vector_store %arg7[%swap3A_616], %swap3A_619 {strides = array<i32>} : memref<2048xf32, #tpu.memory_space<vmem>>, vector<16xf32>,
      %swap3A_620 = arith.constant 992 : index
      %swap3A_621 = tpu.vector_load %arg7[%swap3A_620] {strides = array<i32>} : memref<2048xf32, #tpu.memory_space<vmem>>, vector<16xf32>,
      %swap3A_622 = vector.shape_cast %swap3A_621 : vector<16xf32> to vector<16xf32>
      %swap3A_623 = vector.shape_cast %parallel_loop3A_595#6 : vector<16xf32> to vector<16xf32>
      tpu.vector_store %arg7[%swap3A_620], %swap3A_623 {strides = array<i32>} : memref<2048xf32, #tpu.memory_space<vmem>>, vector<16xf32>,
      %swap3A_624 = arith.constant 1008 : index
      %swap3A_625 = tpu.vector_load %arg7[%swap3A_624] {strides = array<i32>} : memref<2048xf32, #tpu.memory_space<vmem>>, vector<16xf32>,
      %swap3A_626 = vector.shape_cast %swap3A_625 : vector<16xf32> to vector<16xf32>
      %swap3A_627 = vector.shape_cast %parallel_loop3A_595#7 : vector<16xf32> to vector<16xf32>
      tpu.vector_store %arg7[%swap3A_624], %swap3A_627 {strides = array<i32>} : memref<2048xf32, #tpu.memory_space<vmem>>, vector<16xf32>,
      %sub3A_628 = arith.subi %get3A_54, %mul3A_88 : i32
      %jit3A_629 = arith.constant 0 : i32
      %jit3A_630 = arith.constant 401 : i32
      %max3A_631 = arith.maxsi %jit3A_629, %sub3A_628 : i32
      %min3A_632 = arith.minsi %jit3A_630, %max3A_631 : i32
      %sub3A_633 = arith.subi %get3A_57, %mul3A_88 : i32
      %jit3A_634 = arith.constant 0 : i32
      %jit3A_635 = arith.constant 401 : i32
      %max3A_636 = arith.maxsi %jit3A_634, %sub3A_633 : i32
      %min3A_637 = arith.minsi %jit3A_635, %max3A_636 : i32
      %get3A_638 = arith.constant 1024 : index
      %get3A_639 = tpu.vector_load %arg7[%get3A_638] {strides = array<i32>} : memref<2048xf32, #tpu.memory_space<vmem>>, vector<16xf32>,
      %get3A_640 = vector.shape_cast %get3A_639 : vector<16xf32> to vector<16xf32>
      %get3A_641 = arith.constant 1040 : index
      %get3A_642 = tpu.vector_load %arg7[%get3A_641] {strides = array<i32>} : memref<2048xf32, #tpu.memory_space<vmem>>, vector<16xf32>,
      %get3A_643 = vector.shape_cast %get3A_642 : vector<16xf32> to vector<16xf32>
      %get3A_644 = arith.constant 1056 : index
      %get3A_645 = tpu.vector_load %arg7[%get3A_644] {strides = array<i32>} : memref<2048xf32, #tpu.memory_space<vmem>>, vector<16xf32>,
      %get3A_646 = vector.shape_cast %get3A_645 : vector<16xf32> to vector<16xf32>
      %get3A_647 = arith.constant 1072 : index
      %get3A_648 = tpu.vector_load %arg7[%get3A_647] {strides = array<i32>} : memref<2048xf32, #tpu.memory_space<vmem>>, vector<16xf32>,
      %get3A_649 = vector.shape_cast %get3A_648 : vector<16xf32> to vector<16xf32>
      %get3A_650 = arith.constant 1088 : index
      %get3A_651 = tpu.vector_load %arg7[%get3A_650] {strides = array<i32>} : memref<2048xf32, #tpu.memory_space<vmem>>, vector<16xf32>,
      %get3A_652 = vector.shape_cast %get3A_651 : vector<16xf32> to vector<16xf32>
      %get3A_653 = arith.constant 1104 : index
      %get3A_654 = tpu.vector_load %arg7[%get3A_653] {strides = array<i32>} : memref<2048xf32, #tpu.memory_space<vmem>>, vector<16xf32>,
      %get3A_655 = vector.shape_cast %get3A_654 : vector<16xf32> to vector<16xf32>
      %get3A_656 = arith.constant 1120 : index
      %get3A_657 = tpu.vector_load %arg7[%get3A_656] {strides = array<i32>} : memref<2048xf32, #tpu.memory_space<vmem>>, vector<16xf32>,
      %get3A_658 = vector.shape_cast %get3A_657 : vector<16xf32> to vector<16xf32>
      %get3A_659 = arith.constant 1136 : index
      %get3A_660 = tpu.vector_load %arg7[%get3A_659] {strides = array<i32>} : memref<2048xf32, #tpu.memory_space<vmem>>, vector<16xf32>,
      %get3A_661 = vector.shape_cast %get3A_660 : vector<16xf32> to vector<16xf32>
      %parallel_loop3A_662 = arith.constant 1 : i32
      %parallel_loop3A_663:8 = scf.for %parallel_loop3A_1464 = %min3A_632 to %min3A_637 step %parallel_loop3A_662 iter_args(%parallel_loop3A_1465 = %get3A_640, %parallel_loop3A_1466 = %get3A_643, %parallel_loop3A_1467 = %get3A_646, %parallel_loop3A_1468 = %get3A_649, %parallel_loop3A_1469 = %get3A_652, %parallel_loop3A_1470 = %get3A_655, %parallel_loop3A_1471 = %get3A_658, %parallel_loop3A_1472 = %get3A_661) -> (vector<16xf32>, vector<16xf32>, vector<16xf32>, vector<16xf32>, vector<16xf32>, vector<16xf32>, vector<16xf32>, vector<16xf32>)  : i32 {
        %parallel_loop3A_1473 = arith.constant 128 : i32
        %parallel_loop3A_1474 = arith.muli %parallel_loop3A_1464, %parallel_loop3A_1473 : i32
        %parallel_loop3A_1475 = arith.constant 0 : i32
        %parallel_loop3A_1476 = arith.addi %parallel_loop3A_1474, %parallel_loop3A_1475 : i32
        %parallel_loop3A_1477 = arith.index_cast %parallel_loop3A_1476 : i32 to index
        %parallel_loop3A_1478 = tpu.vector_load %arg5[%parallel_loop3A_1477] {strides = array<i32>} : memref<51328xf32, #tpu.memory_space<vmem>>, vector<16xf32>,
        %parallel_loop3A_1479 = vector.shape_cast %parallel_loop3A_1478 : vector<16xf32> to vector<16xf32>
        %parallel_loop3A_1480 = arith.maximumf %parallel_loop3A_1465, %parallel_loop3A_1479 : vector<16xf32>
        %parallel_loop3A_1481 = arith.constant 16 : i32
        %parallel_loop3A_1482 = arith.addi %parallel_loop3A_1474, %parallel_loop3A_1481 : i32
        %parallel_loop3A_1483 = arith.index_cast %parallel_loop3A_1482 : i32 to index
        %parallel_loop3A_1484 = tpu.vector_load %arg5[%parallel_loop3A_1483] {strides = array<i32>} : memref<51328xf32, #tpu.memory_space<vmem>>, vector<16xf32>,
        %parallel_loop3A_1485 = vector.shape_cast %parallel_loop3A_1484 : vector<16xf32> to vector<16xf32>
        %parallel_loop3A_1486 = arith.maximumf %parallel_loop3A_1466, %parallel_loop3A_1485 : vector<16xf32>
        %parallel_loop3A_1487 = arith.constant 32 : i32
        %parallel_loop3A_1488 = arith.addi %parallel_loop3A_1474, %parallel_loop3A_1487 : i32
        %parallel_loop3A_1489 = arith.index_cast %parallel_loop3A_1488 : i32 to index
        %parallel_loop3A_1490 = tpu.vector_load %arg5[%parallel_loop3A_1489] {strides = array<i32>} : memref<51328xf32, #tpu.memory_space<vmem>>, vector<16xf32>,
        %parallel_loop3A_1491 = vector.shape_cast %parallel_loop3A_1490 : vector<16xf32> to vector<16xf32>
        %parallel_loop3A_1492 = arith.maximumf %parallel_loop3A_1467, %parallel_loop3A_1491 : vector<16xf32>
        %parallel_loop3A_1493 = arith.constant 48 : i32
        %parallel_loop3A_1494 = arith.addi %parallel_loop3A_1474, %parallel_loop3A_1493 : i32
        %parallel_loop3A_1495 = arith.index_cast %parallel_loop3A_1494 : i32 to index
        %parallel_loop3A_1496 = tpu.vector_load %arg5[%parallel_loop3A_1495] {strides = array<i32>} : memref<51328xf32, #tpu.memory_space<vmem>>, vector<16xf32>,
        %parallel_loop3A_1497 = vector.shape_cast %parallel_loop3A_1496 : vector<16xf32> to vector<16xf32>
        %parallel_loop3A_1498 = arith.maximumf %parallel_loop3A_1468, %parallel_loop3A_1497 : vector<16xf32>
        %parallel_loop3A_1499 = arith.constant 64 : i32
        %parallel_loop3A_1500 = arith.addi %parallel_loop3A_1474, %parallel_loop3A_1499 : i32
        %parallel_loop3A_1501 = arith.index_cast %parallel_loop3A_1500 : i32 to index
        %parallel_loop3A_1502 = tpu.vector_load %arg5[%parallel_loop3A_1501] {strides = array<i32>} : memref<51328xf32, #tpu.memory_space<vmem>>, vector<16xf32>,
        %parallel_loop3A_1503 = vector.shape_cast %parallel_loop3A_1502 : vector<16xf32> to vector<16xf32>
        %parallel_loop3A_1504 = arith.maximumf %parallel_loop3A_1469, %parallel_loop3A_1503 : vector<16xf32>
        %parallel_loop3A_1505 = arith.constant 80 : i32
        %parallel_loop3A_1506 = arith.addi %parallel_loop3A_1474, %parallel_loop3A_1505 : i32
        %parallel_loop3A_1507 = arith.index_cast %parallel_loop3A_1506 : i32 to index
        %parallel_loop3A_1508 = tpu.vector_load %arg5[%parallel_loop3A_1507] {strides = array<i32>} : memref<51328xf32, #tpu.memory_space<vmem>>, vector<16xf32>,
        %parallel_loop3A_1509 = vector.shape_cast %parallel_loop3A_1508 : vector<16xf32> to vector<16xf32>
        %parallel_loop3A_1510 = arith.maximumf %parallel_loop3A_1470, %parallel_loop3A_1509 : vector<16xf32>
        %parallel_loop3A_1511 = arith.constant 96 : i32
        %parallel_loop3A_1512 = arith.addi %parallel_loop3A_1474, %parallel_loop3A_1511 : i32
        %parallel_loop3A_1513 = arith.index_cast %parallel_loop3A_1512 : i32 to index
        %parallel_loop3A_1514 = tpu.vector_load %arg5[%parallel_loop3A_1513] {strides = array<i32>} : memref<51328xf32, #tpu.memory_space<vmem>>, vector<16xf32>,
        %parallel_loop3A_1515 = vector.shape_cast %parallel_loop3A_1514 : vector<16xf32> to vector<16xf32>
        %parallel_loop3A_1516 = arith.maximumf %parallel_loop3A_1471, %parallel_loop3A_1515 : vector<16xf32>
        %parallel_loop3A_1517 = arith.constant 112 : i32
        %parallel_loop3A_1518 = arith.addi %parallel_loop3A_1474, %parallel_loop3A_1517 : i32
        %parallel_loop3A_1519 = arith.index_cast %parallel_loop3A_1518 : i32 to index
        %parallel_loop3A_1520 = tpu.vector_load %arg5[%parallel_loop3A_1519] {strides = array<i32>} : memref<51328xf32, #tpu.memory_space<vmem>>, vector<16xf32>,
        %parallel_loop3A_1521 = vector.shape_cast %parallel_loop3A_1520 : vector<16xf32> to vector<16xf32>
        %parallel_loop3A_1522 = arith.maximumf %parallel_loop3A_1472, %parallel_loop3A_1521 : vector<16xf32>
        scf.yield %parallel_loop3A_1480, %parallel_loop3A_1486, %parallel_loop3A_1492, %parallel_loop3A_1498, %parallel_loop3A_1504, %parallel_loop3A_1510, %parallel_loop3A_1516, %parallel_loop3A_1522 : vector<16xf32>, vector<16xf32>, vector<16xf32>, vector<16xf32>, vector<16xf32>, vector<16xf32>, vector<16xf32>, vector<16xf32>
      } {sc.loop_unroll_factor = 4 : i64, sc.parallel_access}
      %swap3A_664 = arith.constant 1024 : index
      %swap3A_665 = tpu.vector_load %arg7[%swap3A_664] {strides = array<i32>} : memref<2048xf32, #tpu.memory_space<vmem>>, vector<16xf32>,
      %swap3A_666 = vector.shape_cast %swap3A_665 : vector<16xf32> to vector<16xf32>
      %swap3A_667 = vector.shape_cast %parallel_loop3A_663#0 : vector<16xf32> to vector<16xf32>
      tpu.vector_store %arg7[%swap3A_664], %swap3A_667 {strides = array<i32>} : memref<2048xf32, #tpu.memory_space<vmem>>, vector<16xf32>,
      %swap3A_668 = arith.constant 1040 : index
      %swap3A_669 = tpu.vector_load %arg7[%swap3A_668] {strides = array<i32>} : memref<2048xf32, #tpu.memory_space<vmem>>, vector<16xf32>,
      %swap3A_670 = vector.shape_cast %swap3A_669 : vector<16xf32> to vector<16xf32>
      %swap3A_671 = vector.shape_cast %parallel_loop3A_663#1 : vector<16xf32> to vector<16xf32>
      tpu.vector_store %arg7[%swap3A_668], %swap3A_671 {strides = array<i32>} : memref<2048xf32, #tpu.memory_space<vmem>>, vector<16xf32>,
      %swap3A_672 = arith.constant 1056 : index
      %swap3A_673 = tpu.vector_load %arg7[%swap3A_672] {strides = array<i32>} : memref<2048xf32, #tpu.memory_space<vmem>>, vector<16xf32>,
      %swap3A_674 = vector.shape_cast %swap3A_673 : vector<16xf32> to vector<16xf32>
      %swap3A_675 = vector.shape_cast %parallel_loop3A_663#2 : vector<16xf32> to vector<16xf32>
      tpu.vector_store %arg7[%swap3A_672], %swap3A_675 {strides = array<i32>} : memref<2048xf32, #tpu.memory_space<vmem>>, vector<16xf32>,
      %swap3A_676 = arith.constant 1072 : index
      %swap3A_677 = tpu.vector_load %arg7[%swap3A_676] {strides = array<i32>} : memref<2048xf32, #tpu.memory_space<vmem>>, vector<16xf32>,
      %swap3A_678 = vector.shape_cast %swap3A_677 : vector<16xf32> to vector<16xf32>
      %swap3A_679 = vector.shape_cast %parallel_loop3A_663#3 : vector<16xf32> to vector<16xf32>
      tpu.vector_store %arg7[%swap3A_676], %swap3A_679 {strides = array<i32>} : memref<2048xf32, #tpu.memory_space<vmem>>, vector<16xf32>,
      %swap3A_680 = arith.constant 1088 : index
      %swap3A_681 = tpu.vector_load %arg7[%swap3A_680] {strides = array<i32>} : memref<2048xf32, #tpu.memory_space<vmem>>, vector<16xf32>,
      %swap3A_682 = vector.shape_cast %swap3A_681 : vector<16xf32> to vector<16xf32>
      %swap3A_683 = vector.shape_cast %parallel_loop3A_663#4 : vector<16xf32> to vector<16xf32>
      tpu.vector_store %arg7[%swap3A_680], %swap3A_683 {strides = array<i32>} : memref<2048xf32, #tpu.memory_space<vmem>>, vector<16xf32>,
      %swap3A_684 = arith.constant 1104 : index
      %swap3A_685 = tpu.vector_load %arg7[%swap3A_684] {strides = array<i32>} : memref<2048xf32, #tpu.memory_space<vmem>>, vector<16xf32>,
      %swap3A_686 = vector.shape_cast %swap3A_685 : vector<16xf32> to vector<16xf32>
      %swap3A_687 = vector.shape_cast %parallel_loop3A_663#5 : vector<16xf32> to vector<16xf32>
      tpu.vector_store %arg7[%swap3A_684], %swap3A_687 {strides = array<i32>} : memref<2048xf32, #tpu.memory_space<vmem>>, vector<16xf32>,
      %swap3A_688 = arith.constant 1120 : index
      %swap3A_689 = tpu.vector_load %arg7[%swap3A_688] {strides = array<i32>} : memref<2048xf32, #tpu.memory_space<vmem>>, vector<16xf32>,
      %swap3A_690 = vector.shape_cast %swap3A_689 : vector<16xf32> to vector<16xf32>
      %swap3A_691 = vector.shape_cast %parallel_loop3A_663#6 : vector<16xf32> to vector<16xf32>
      tpu.vector_store %arg7[%swap3A_688], %swap3A_691 {strides = array<i32>} : memref<2048xf32, #tpu.memory_space<vmem>>, vector<16xf32>,
      %swap3A_692 = arith.constant 1136 : index
      %swap3A_693 = tpu.vector_load %arg7[%swap3A_692] {strides = array<i32>} : memref<2048xf32, #tpu.memory_space<vmem>>, vector<16xf32>,
      %swap3A_694 = vector.shape_cast %swap3A_693 : vector<16xf32> to vector<16xf32>
      %swap3A_695 = vector.shape_cast %parallel_loop3A_663#7 : vector<16xf32> to vector<16xf32>
      tpu.vector_store %arg7[%swap3A_692], %swap3A_695 {strides = array<i32>} : memref<2048xf32, #tpu.memory_space<vmem>>, vector<16xf32>,
      %sub3A_696 = arith.subi %get3A_57, %mul3A_88 : i32
      %jit3A_697 = arith.constant 0 : i32
      %jit3A_698 = arith.constant 401 : i32
      %max3A_699 = arith.maxsi %jit3A_697, %sub3A_696 : i32
      %min3A_700 = arith.minsi %jit3A_698, %max3A_699 : i32
      %sub3A_701 = arith.subi %get3A_60, %mul3A_88 : i32
      %jit3A_702 = arith.constant 0 : i32
      %jit3A_703 = arith.constant 401 : i32
      %max3A_704 = arith.maxsi %jit3A_702, %sub3A_701 : i32
      %min3A_705 = arith.minsi %jit3A_703, %max3A_704 : i32
      %get3A_706 = arith.constant 1152 : index
      %get3A_707 = tpu.vector_load %arg7[%get3A_706] {strides = array<i32>} : memref<2048xf32, #tpu.memory_space<vmem>>, vector<16xf32>,
      %get3A_708 = vector.shape_cast %get3A_707 : vector<16xf32> to vector<16xf32>
      %get3A_709 = arith.constant 1168 : index
      %get3A_710 = tpu.vector_load %arg7[%get3A_709] {strides = array<i32>} : memref<2048xf32, #tpu.memory_space<vmem>>, vector<16xf32>,
      %get3A_711 = vector.shape_cast %get3A_710 : vector<16xf32> to vector<16xf32>
      %get3A_712 = arith.constant 1184 : index
      %get3A_713 = tpu.vector_load %arg7[%get3A_712] {strides = array<i32>} : memref<2048xf32, #tpu.memory_space<vmem>>, vector<16xf32>,
      %get3A_714 = vector.shape_cast %get3A_713 : vector<16xf32> to vector<16xf32>
      %get3A_715 = arith.constant 1200 : index
      %get3A_716 = tpu.vector_load %arg7[%get3A_715] {strides = array<i32>} : memref<2048xf32, #tpu.memory_space<vmem>>, vector<16xf32>,
      %get3A_717 = vector.shape_cast %get3A_716 : vector<16xf32> to vector<16xf32>
      %get3A_718 = arith.constant 1216 : index
      %get3A_719 = tpu.vector_load %arg7[%get3A_718] {strides = array<i32>} : memref<2048xf32, #tpu.memory_space<vmem>>, vector<16xf32>,
      %get3A_720 = vector.shape_cast %get3A_719 : vector<16xf32> to vector<16xf32>
      %get3A_721 = arith.constant 1232 : index
      %get3A_722 = tpu.vector_load %arg7[%get3A_721] {strides = array<i32>} : memref<2048xf32, #tpu.memory_space<vmem>>, vector<16xf32>,
      %get3A_723 = vector.shape_cast %get3A_722 : vector<16xf32> to vector<16xf32>
      %get3A_724 = arith.constant 1248 : index
      %get3A_725 = tpu.vector_load %arg7[%get3A_724] {strides = array<i32>} : memref<2048xf32, #tpu.memory_space<vmem>>, vector<16xf32>,
      %get3A_726 = vector.shape_cast %get3A_725 : vector<16xf32> to vector<16xf32>
      %get3A_727 = arith.constant 1264 : index
      %get3A_728 = tpu.vector_load %arg7[%get3A_727] {strides = array<i32>} : memref<2048xf32, #tpu.memory_space<vmem>>, vector<16xf32>,
      %get3A_729 = vector.shape_cast %get3A_728 : vector<16xf32> to vector<16xf32>
      %parallel_loop3A_730 = arith.constant 1 : i32
      %parallel_loop3A_731:8 = scf.for %parallel_loop3A_1464 = %min3A_700 to %min3A_705 step %parallel_loop3A_730 iter_args(%parallel_loop3A_1465 = %get3A_708, %parallel_loop3A_1466 = %get3A_711, %parallel_loop3A_1467 = %get3A_714, %parallel_loop3A_1468 = %get3A_717, %parallel_loop3A_1469 = %get3A_720, %parallel_loop3A_1470 = %get3A_723, %parallel_loop3A_1471 = %get3A_726, %parallel_loop3A_1472 = %get3A_729) -> (vector<16xf32>, vector<16xf32>, vector<16xf32>, vector<16xf32>, vector<16xf32>, vector<16xf32>, vector<16xf32>, vector<16xf32>)  : i32 {
        %parallel_loop3A_1473 = arith.constant 128 : i32
        %parallel_loop3A_1474 = arith.muli %parallel_loop3A_1464, %parallel_loop3A_1473 : i32
        %parallel_loop3A_1475 = arith.constant 0 : i32
        %parallel_loop3A_1476 = arith.addi %parallel_loop3A_1474, %parallel_loop3A_1475 : i32
        %parallel_loop3A_1477 = arith.index_cast %parallel_loop3A_1476 : i32 to index
        %parallel_loop3A_1478 = tpu.vector_load %arg5[%parallel_loop3A_1477] {strides = array<i32>} : memref<51328xf32, #tpu.memory_space<vmem>>, vector<16xf32>,
        %parallel_loop3A_1479 = vector.shape_cast %parallel_loop3A_1478 : vector<16xf32> to vector<16xf32>
        %parallel_loop3A_1480 = arith.maximumf %parallel_loop3A_1465, %parallel_loop3A_1479 : vector<16xf32>
        %parallel_loop3A_1481 = arith.constant 16 : i32
        %parallel_loop3A_1482 = arith.addi %parallel_loop3A_1474, %parallel_loop3A_1481 : i32
        %parallel_loop3A_1483 = arith.index_cast %parallel_loop3A_1482 : i32 to index
        %parallel_loop3A_1484 = tpu.vector_load %arg5[%parallel_loop3A_1483] {strides = array<i32>} : memref<51328xf32, #tpu.memory_space<vmem>>, vector<16xf32>,
        %parallel_loop3A_1485 = vector.shape_cast %parallel_loop3A_1484 : vector<16xf32> to vector<16xf32>
        %parallel_loop3A_1486 = arith.maximumf %parallel_loop3A_1466, %parallel_loop3A_1485 : vector<16xf32>
        %parallel_loop3A_1487 = arith.constant 32 : i32
        %parallel_loop3A_1488 = arith.addi %parallel_loop3A_1474, %parallel_loop3A_1487 : i32
        %parallel_loop3A_1489 = arith.index_cast %parallel_loop3A_1488 : i32 to index
        %parallel_loop3A_1490 = tpu.vector_load %arg5[%parallel_loop3A_1489] {strides = array<i32>} : memref<51328xf32, #tpu.memory_space<vmem>>, vector<16xf32>,
        %parallel_loop3A_1491 = vector.shape_cast %parallel_loop3A_1490 : vector<16xf32> to vector<16xf32>
        %parallel_loop3A_1492 = arith.maximumf %parallel_loop3A_1467, %parallel_loop3A_1491 : vector<16xf32>
        %parallel_loop3A_1493 = arith.constant 48 : i32
        %parallel_loop3A_1494 = arith.addi %parallel_loop3A_1474, %parallel_loop3A_1493 : i32
        %parallel_loop3A_1495 = arith.index_cast %parallel_loop3A_1494 : i32 to index
        %parallel_loop3A_1496 = tpu.vector_load %arg5[%parallel_loop3A_1495] {strides = array<i32>} : memref<51328xf32, #tpu.memory_space<vmem>>, vector<16xf32>,
        %parallel_loop3A_1497 = vector.shape_cast %parallel_loop3A_1496 : vector<16xf32> to vector<16xf32>
        %parallel_loop3A_1498 = arith.maximumf %parallel_loop3A_1468, %parallel_loop3A_1497 : vector<16xf32>
        %parallel_loop3A_1499 = arith.constant 64 : i32
        %parallel_loop3A_1500 = arith.addi %parallel_loop3A_1474, %parallel_loop3A_1499 : i32
        %parallel_loop3A_1501 = arith.index_cast %parallel_loop3A_1500 : i32 to index
        %parallel_loop3A_1502 = tpu.vector_load %arg5[%parallel_loop3A_1501] {strides = array<i32>} : memref<51328xf32, #tpu.memory_space<vmem>>, vector<16xf32>,
        %parallel_loop3A_1503 = vector.shape_cast %parallel_loop3A_1502 : vector<16xf32> to vector<16xf32>
        %parallel_loop3A_1504 = arith.maximumf %parallel_loop3A_1469, %parallel_loop3A_1503 : vector<16xf32>
        %parallel_loop3A_1505 = arith.constant 80 : i32
        %parallel_loop3A_1506 = arith.addi %parallel_loop3A_1474, %parallel_loop3A_1505 : i32
        %parallel_loop3A_1507 = arith.index_cast %parallel_loop3A_1506 : i32 to index
        %parallel_loop3A_1508 = tpu.vector_load %arg5[%parallel_loop3A_1507] {strides = array<i32>} : memref<51328xf32, #tpu.memory_space<vmem>>, vector<16xf32>,
        %parallel_loop3A_1509 = vector.shape_cast %parallel_loop3A_1508 : vector<16xf32> to vector<16xf32>
        %parallel_loop3A_1510 = arith.maximumf %parallel_loop3A_1470, %parallel_loop3A_1509 : vector<16xf32>
        %parallel_loop3A_1511 = arith.constant 96 : i32
        %parallel_loop3A_1512 = arith.addi %parallel_loop3A_1474, %parallel_loop3A_1511 : i32
        %parallel_loop3A_1513 = arith.index_cast %parallel_loop3A_1512 : i32 to index
        %parallel_loop3A_1514 = tpu.vector_load %arg5[%parallel_loop3A_1513] {strides = array<i32>} : memref<51328xf32, #tpu.memory_space<vmem>>, vector<16xf32>,
        %parallel_loop3A_1515 = vector.shape_cast %parallel_loop3A_1514 : vector<16xf32> to vector<16xf32>
        %parallel_loop3A_1516 = arith.maximumf %parallel_loop3A_1471, %parallel_loop3A_1515 : vector<16xf32>
        %parallel_loop3A_1517 = arith.constant 112 : i32
        %parallel_loop3A_1518 = arith.addi %parallel_loop3A_1474, %parallel_loop3A_1517 : i32
        %parallel_loop3A_1519 = arith.index_cast %parallel_loop3A_1518 : i32 to index
        %parallel_loop3A_1520 = tpu.vector_load %arg5[%parallel_loop3A_1519] {strides = array<i32>} : memref<51328xf32, #tpu.memory_space<vmem>>, vector<16xf32>,
        %parallel_loop3A_1521 = vector.shape_cast %parallel_loop3A_1520 : vector<16xf32> to vector<16xf32>
        %parallel_loop3A_1522 = arith.maximumf %parallel_loop3A_1472, %parallel_loop3A_1521 : vector<16xf32>
        scf.yield %parallel_loop3A_1480, %parallel_loop3A_1486, %parallel_loop3A_1492, %parallel_loop3A_1498, %parallel_loop3A_1504, %parallel_loop3A_1510, %parallel_loop3A_1516, %parallel_loop3A_1522 : vector<16xf32>, vector<16xf32>, vector<16xf32>, vector<16xf32>, vector<16xf32>, vector<16xf32>, vector<16xf32>, vector<16xf32>
      } {sc.loop_unroll_factor = 4 : i64, sc.parallel_access}
      %swap3A_732 = arith.constant 1152 : index
      %swap3A_733 = tpu.vector_load %arg7[%swap3A_732] {strides = array<i32>} : memref<2048xf32, #tpu.memory_space<vmem>>, vector<16xf32>,
      %swap3A_734 = vector.shape_cast %swap3A_733 : vector<16xf32> to vector<16xf32>
      %swap3A_735 = vector.shape_cast %parallel_loop3A_731#0 : vector<16xf32> to vector<16xf32>
      tpu.vector_store %arg7[%swap3A_732], %swap3A_735 {strides = array<i32>} : memref<2048xf32, #tpu.memory_space<vmem>>, vector<16xf32>,
      %swap3A_736 = arith.constant 1168 : index
      %swap3A_737 = tpu.vector_load %arg7[%swap3A_736] {strides = array<i32>} : memref<2048xf32, #tpu.memory_space<vmem>>, vector<16xf32>,
      %swap3A_738 = vector.shape_cast %swap3A_737 : vector<16xf32> to vector<16xf32>
      %swap3A_739 = vector.shape_cast %parallel_loop3A_731#1 : vector<16xf32> to vector<16xf32>
      tpu.vector_store %arg7[%swap3A_736], %swap3A_739 {strides = array<i32>} : memref<2048xf32, #tpu.memory_space<vmem>>, vector<16xf32>,
      %swap3A_740 = arith.constant 1184 : index
      %swap3A_741 = tpu.vector_load %arg7[%swap3A_740] {strides = array<i32>} : memref<2048xf32, #tpu.memory_space<vmem>>, vector<16xf32>,
      %swap3A_742 = vector.shape_cast %swap3A_741 : vector<16xf32> to vector<16xf32>
      %swap3A_743 = vector.shape_cast %parallel_loop3A_731#2 : vector<16xf32> to vector<16xf32>
      tpu.vector_store %arg7[%swap3A_740], %swap3A_743 {strides = array<i32>} : memref<2048xf32, #tpu.memory_space<vmem>>, vector<16xf32>,
      %swap3A_744 = arith.constant 1200 : index
      %swap3A_745 = tpu.vector_load %arg7[%swap3A_744] {strides = array<i32>} : memref<2048xf32, #tpu.memory_space<vmem>>, vector<16xf32>,
      %swap3A_746 = vector.shape_cast %swap3A_745 : vector<16xf32> to vector<16xf32>
      %swap3A_747 = vector.shape_cast %parallel_loop3A_731#3 : vector<16xf32> to vector<16xf32>
      tpu.vector_store %arg7[%swap3A_744], %swap3A_747 {strides = array<i32>} : memref<2048xf32, #tpu.memory_space<vmem>>, vector<16xf32>,
      %swap3A_748 = arith.constant 1216 : index
      %swap3A_749 = tpu.vector_load %arg7[%swap3A_748] {strides = array<i32>} : memref<2048xf32, #tpu.memory_space<vmem>>, vector<16xf32>,
      %swap3A_750 = vector.shape_cast %swap3A_749 : vector<16xf32> to vector<16xf32>
      %swap3A_751 = vector.shape_cast %parallel_loop3A_731#4 : vector<16xf32> to vector<16xf32>
      tpu.vector_store %arg7[%swap3A_748], %swap3A_751 {strides = array<i32>} : memref<2048xf32, #tpu.memory_space<vmem>>, vector<16xf32>,
      %swap3A_752 = arith.constant 1232 : index
      %swap3A_753 = tpu.vector_load %arg7[%swap3A_752] {strides = array<i32>} : memref<2048xf32, #tpu.memory_space<vmem>>, vector<16xf32>,
      %swap3A_754 = vector.shape_cast %swap3A_753 : vector<16xf32> to vector<16xf32>
      %swap3A_755 = vector.shape_cast %parallel_loop3A_731#5 : vector<16xf32> to vector<16xf32>
      tpu.vector_store %arg7[%swap3A_752], %swap3A_755 {strides = array<i32>} : memref<2048xf32, #tpu.memory_space<vmem>>, vector<16xf32>,
      %swap3A_756 = arith.constant 1248 : index
      %swap3A_757 = tpu.vector_load %arg7[%swap3A_756] {strides = array<i32>} : memref<2048xf32, #tpu.memory_space<vmem>>, vector<16xf32>,
      %swap3A_758 = vector.shape_cast %swap3A_757 : vector<16xf32> to vector<16xf32>
      %swap3A_759 = vector.shape_cast %parallel_loop3A_731#6 : vector<16xf32> to vector<16xf32>
      tpu.vector_store %arg7[%swap3A_756], %swap3A_759 {strides = array<i32>} : memref<2048xf32, #tpu.memory_space<vmem>>, vector<16xf32>,
      %swap3A_760 = arith.constant 1264 : index
      %swap3A_761 = tpu.vector_load %arg7[%swap3A_760] {strides = array<i32>} : memref<2048xf32, #tpu.memory_space<vmem>>, vector<16xf32>,
      %swap3A_762 = vector.shape_cast %swap3A_761 : vector<16xf32> to vector<16xf32>
      %swap3A_763 = vector.shape_cast %parallel_loop3A_731#7 : vector<16xf32> to vector<16xf32>
      tpu.vector_store %arg7[%swap3A_760], %swap3A_763 {strides = array<i32>} : memref<2048xf32, #tpu.memory_space<vmem>>, vector<16xf32>,
      %add3A_764 = arith.constant 2 : i32
      %add3A_765 = arith.addi %mul3A_83, %add3A_764 : i32
      %lt3A = arith.constant 16 : i32
      %lt3A_766 = arith.cmpi slt, %add3A_765, %lt3A : i32
      %convert_element_type3A = arith.extui %lt3A_766 : i1 to i32
      %cond3A = arith.constant 0 : i32
      %cond3A_767 = arith.cmpi ne, %convert_element_type3A, %cond3A : i32
      scf.if %cond3A_767 {
        %add3A_1464 = arith.constant 2 : i32
        %add3A_1465 = arith.addi %mul3A_83, %add3A_1464 : i32
        %mul3A_1466 = arith.constant 401 : i32
        %mul3A_1467 = arith.muli %add3A_1465, %mul3A_1466 : i32
        %add3A_1468 = arith.addi %add3A_4, %mul3A_1467 : i32
        %mul3A_1469 = arith.constant 128 : i32
        %mul3A_1470 = arith.muli %add3A_1468, %mul3A_1469 : i32
        %dma_start3A_1471 = tpu.memref_slice %arg2[%mul3A_1470] : memref<40960000xf32, #tpu.memory_space<hbm>> -> memref<51328xf32, #tpu.memory_space<hbm>>
        %dma_start3A_1472 = tpu.memref_slice %arg2[%mul3A_1470] : memref<40960000xf32, #tpu.memory_space<hbm>> -> memref<51328xf32, #tpu.memory_space<hbm>>
        tpu.enqueue_dma source(%dma_start3A_1472 : memref<51328xf32, #tpu.memory_space<hbm>>) target(%arg5 : memref<51328xf32, #tpu.memory_space<vmem>>) target_semaphore(%arg10 : memref<!tpu.dma_semaphore, #tpu.memory_space<semaphore_mem>>)
      } else {
      }
      %dma_wait3A_768 = arith.constant 0 : i32
      %dma_wait3A_769 = tpu.memref_slice %arg2[%dma_wait3A_768] : memref<40960000xf32, #tpu.memory_space<hbm>> -> memref<51328xf32, #tpu.memory_space<hbm>>
      %dma_wait3A_770 = arith.constant 0 : i32
      %dma_wait3A_771 = tpu.memref_slice %arg2[%dma_wait3A_770] : memref<40960000xf32, #tpu.memory_space<hbm>> -> memref<51328xf32, #tpu.memory_space<hbm>>
      tpu.wait_dma2 semaphore(%arg11 : memref<!tpu.dma_semaphore, #tpu.memory_space<semaphore_mem>>) src(%dma_wait3A_771 : memref<51328xf32, #tpu.memory_space<hbm>>) dst(%arg6 : memref<51328xf32, #tpu.memory_space<vmem>>)
      %add3A_772 = arith.constant 1 : i32
      %add3A_773 = arith.addi %mul3A_83, %add3A_772 : i32
      %mul3A_774 = arith.constant 401 : i32
      %mul3A_775 = arith.muli %add3A_773, %mul3A_774 : i32
      %sub3A_776 = arith.subi %get3A_30, %mul3A_775 : i32
      %jit3A_777 = arith.constant 0 : i32
      %jit3A_778 = arith.constant 401 : i32
      %max3A_779 = arith.maxsi %jit3A_777, %sub3A_776 : i32
      %min3A_780 = arith.minsi %jit3A_778, %max3A_779 : i32
      %sub3A_781 = arith.subi %get3A_33, %mul3A_775 : i32
      %jit3A_782 = arith.constant 0 : i32
      %jit3A_783 = arith.constant 401 : i32
      %max3A_784 = arith.maxsi %jit3A_782, %sub3A_781 : i32
      %min3A_785 = arith.minsi %jit3A_783, %max3A_784 : i32
      %get3A_786 = arith.constant 0 : index
      %get3A_787 = tpu.vector_load %arg7[%get3A_786] {strides = array<i32>} : memref<2048xf32, #tpu.memory_space<vmem>>, vector<16xf32>,
      %get3A_788 = vector.shape_cast %get3A_787 : vector<16xf32> to vector<16xf32>
      %get3A_789 = arith.constant 16 : index
      %get3A_790 = tpu.vector_load %arg7[%get3A_789] {strides = array<i32>} : memref<2048xf32, #tpu.memory_space<vmem>>, vector<16xf32>,
      %get3A_791 = vector.shape_cast %get3A_790 : vector<16xf32> to vector<16xf32>
      %get3A_792 = arith.constant 32 : index
      %get3A_793 = tpu.vector_load %arg7[%get3A_792] {strides = array<i32>} : memref<2048xf32, #tpu.memory_space<vmem>>, vector<16xf32>,
      %get3A_794 = vector.shape_cast %get3A_793 : vector<16xf32> to vector<16xf32>
      %get3A_795 = arith.constant 48 : index
      %get3A_796 = tpu.vector_load %arg7[%get3A_795] {strides = array<i32>} : memref<2048xf32, #tpu.memory_space<vmem>>, vector<16xf32>,
      %get3A_797 = vector.shape_cast %get3A_796 : vector<16xf32> to vector<16xf32>
      %get3A_798 = arith.constant 64 : index
      %get3A_799 = tpu.vector_load %arg7[%get3A_798] {strides = array<i32>} : memref<2048xf32, #tpu.memory_space<vmem>>, vector<16xf32>,
      %get3A_800 = vector.shape_cast %get3A_799 : vector<16xf32> to vector<16xf32>
      %get3A_801 = arith.constant 80 : index
      %get3A_802 = tpu.vector_load %arg7[%get3A_801] {strides = array<i32>} : memref<2048xf32, #tpu.memory_space<vmem>>, vector<16xf32>,
      %get3A_803 = vector.shape_cast %get3A_802 : vector<16xf32> to vector<16xf32>
      %get3A_804 = arith.constant 96 : index
      %get3A_805 = tpu.vector_load %arg7[%get3A_804] {strides = array<i32>} : memref<2048xf32, #tpu.memory_space<vmem>>, vector<16xf32>,
      %get3A_806 = vector.shape_cast %get3A_805 : vector<16xf32> to vector<16xf32>
      %get3A_807 = arith.constant 112 : index
      %get3A_808 = tpu.vector_load %arg7[%get3A_807] {strides = array<i32>} : memref<2048xf32, #tpu.memory_space<vmem>>, vector<16xf32>,
      %get3A_809 = vector.shape_cast %get3A_808 : vector<16xf32> to vector<16xf32>
      %parallel_loop3A_810 = arith.constant 1 : i32
      %parallel_loop3A_811:8 = scf.for %parallel_loop3A_1464 = %min3A_780 to %min3A_785 step %parallel_loop3A_810 iter_args(%parallel_loop3A_1465 = %get3A_788, %parallel_loop3A_1466 = %get3A_791, %parallel_loop3A_1467 = %get3A_794, %parallel_loop3A_1468 = %get3A_797, %parallel_loop3A_1469 = %get3A_800, %parallel_loop3A_1470 = %get3A_803, %parallel_loop3A_1471 = %get3A_806, %parallel_loop3A_1472 = %get3A_809) -> (vector<16xf32>, vector<16xf32>, vector<16xf32>, vector<16xf32>, vector<16xf32>, vector<16xf32>, vector<16xf32>, vector<16xf32>)  : i32 {
        %parallel_loop3A_1473 = arith.constant 128 : i32
        %parallel_loop3A_1474 = arith.muli %parallel_loop3A_1464, %parallel_loop3A_1473 : i32
        %parallel_loop3A_1475 = arith.constant 0 : i32
        %parallel_loop3A_1476 = arith.addi %parallel_loop3A_1474, %parallel_loop3A_1475 : i32
        %parallel_loop3A_1477 = arith.index_cast %parallel_loop3A_1476 : i32 to index
        %parallel_loop3A_1478 = tpu.vector_load %arg6[%parallel_loop3A_1477] {strides = array<i32>} : memref<51328xf32, #tpu.memory_space<vmem>>, vector<16xf32>,
        %parallel_loop3A_1479 = vector.shape_cast %parallel_loop3A_1478 : vector<16xf32> to vector<16xf32>
        %parallel_loop3A_1480 = arith.maximumf %parallel_loop3A_1465, %parallel_loop3A_1479 : vector<16xf32>
        %parallel_loop3A_1481 = arith.constant 16 : i32
        %parallel_loop3A_1482 = arith.addi %parallel_loop3A_1474, %parallel_loop3A_1481 : i32
        %parallel_loop3A_1483 = arith.index_cast %parallel_loop3A_1482 : i32 to index
        %parallel_loop3A_1484 = tpu.vector_load %arg6[%parallel_loop3A_1483] {strides = array<i32>} : memref<51328xf32, #tpu.memory_space<vmem>>, vector<16xf32>,
        %parallel_loop3A_1485 = vector.shape_cast %parallel_loop3A_1484 : vector<16xf32> to vector<16xf32>
        %parallel_loop3A_1486 = arith.maximumf %parallel_loop3A_1466, %parallel_loop3A_1485 : vector<16xf32>
        %parallel_loop3A_1487 = arith.constant 32 : i32
        %parallel_loop3A_1488 = arith.addi %parallel_loop3A_1474, %parallel_loop3A_1487 : i32
        %parallel_loop3A_1489 = arith.index_cast %parallel_loop3A_1488 : i32 to index
        %parallel_loop3A_1490 = tpu.vector_load %arg6[%parallel_loop3A_1489] {strides = array<i32>} : memref<51328xf32, #tpu.memory_space<vmem>>, vector<16xf32>,
        %parallel_loop3A_1491 = vector.shape_cast %parallel_loop3A_1490 : vector<16xf32> to vector<16xf32>
        %parallel_loop3A_1492 = arith.maximumf %parallel_loop3A_1467, %parallel_loop3A_1491 : vector<16xf32>
        %parallel_loop3A_1493 = arith.constant 48 : i32
        %parallel_loop3A_1494 = arith.addi %parallel_loop3A_1474, %parallel_loop3A_1493 : i32
        %parallel_loop3A_1495 = arith.index_cast %parallel_loop3A_1494 : i32 to index
        %parallel_loop3A_1496 = tpu.vector_load %arg6[%parallel_loop3A_1495] {strides = array<i32>} : memref<51328xf32, #tpu.memory_space<vmem>>, vector<16xf32>,
        %parallel_loop3A_1497 = vector.shape_cast %parallel_loop3A_1496 : vector<16xf32> to vector<16xf32>
        %parallel_loop3A_1498 = arith.maximumf %parallel_loop3A_1468, %parallel_loop3A_1497 : vector<16xf32>
        %parallel_loop3A_1499 = arith.constant 64 : i32
        %parallel_loop3A_1500 = arith.addi %parallel_loop3A_1474, %parallel_loop3A_1499 : i32
        %parallel_loop3A_1501 = arith.index_cast %parallel_loop3A_1500 : i32 to index
        %parallel_loop3A_1502 = tpu.vector_load %arg6[%parallel_loop3A_1501] {strides = array<i32>} : memref<51328xf32, #tpu.memory_space<vmem>>, vector<16xf32>,
        %parallel_loop3A_1503 = vector.shape_cast %parallel_loop3A_1502 : vector<16xf32> to vector<16xf32>
        %parallel_loop3A_1504 = arith.maximumf %parallel_loop3A_1469, %parallel_loop3A_1503 : vector<16xf32>
        %parallel_loop3A_1505 = arith.constant 80 : i32
        %parallel_loop3A_1506 = arith.addi %parallel_loop3A_1474, %parallel_loop3A_1505 : i32
        %parallel_loop3A_1507 = arith.index_cast %parallel_loop3A_1506 : i32 to index
        %parallel_loop3A_1508 = tpu.vector_load %arg6[%parallel_loop3A_1507] {strides = array<i32>} : memref<51328xf32, #tpu.memory_space<vmem>>, vector<16xf32>,
        %parallel_loop3A_1509 = vector.shape_cast %parallel_loop3A_1508 : vector<16xf32> to vector<16xf32>
        %parallel_loop3A_1510 = arith.maximumf %parallel_loop3A_1470, %parallel_loop3A_1509 : vector<16xf32>
        %parallel_loop3A_1511 = arith.constant 96 : i32
        %parallel_loop3A_1512 = arith.addi %parallel_loop3A_1474, %parallel_loop3A_1511 : i32
        %parallel_loop3A_1513 = arith.index_cast %parallel_loop3A_1512 : i32 to index
        %parallel_loop3A_1514 = tpu.vector_load %arg6[%parallel_loop3A_1513] {strides = array<i32>} : memref<51328xf32, #tpu.memory_space<vmem>>, vector<16xf32>,
        %parallel_loop3A_1515 = vector.shape_cast %parallel_loop3A_1514 : vector<16xf32> to vector<16xf32>
        %parallel_loop3A_1516 = arith.maximumf %parallel_loop3A_1471, %parallel_loop3A_1515 : vector<16xf32>
        %parallel_loop3A_1517 = arith.constant 112 : i32
        %parallel_loop3A_1518 = arith.addi %parallel_loop3A_1474, %parallel_loop3A_1517 : i32
        %parallel_loop3A_1519 = arith.index_cast %parallel_loop3A_1518 : i32 to index
        %parallel_loop3A_1520 = tpu.vector_load %arg6[%parallel_loop3A_1519] {strides = array<i32>} : memref<51328xf32, #tpu.memory_space<vmem>>, vector<16xf32>,
        %parallel_loop3A_1521 = vector.shape_cast %parallel_loop3A_1520 : vector<16xf32> to vector<16xf32>
        %parallel_loop3A_1522 = arith.maximumf %parallel_loop3A_1472, %parallel_loop3A_1521 : vector<16xf32>
        scf.yield %parallel_loop3A_1480, %parallel_loop3A_1486, %parallel_loop3A_1492, %parallel_loop3A_1498, %parallel_loop3A_1504, %parallel_loop3A_1510, %parallel_loop3A_1516, %parallel_loop3A_1522 : vector<16xf32>, vector<16xf32>, vector<16xf32>, vector<16xf32>, vector<16xf32>, vector<16xf32>, vector<16xf32>, vector<16xf32>
      } {sc.loop_unroll_factor = 4 : i64, sc.parallel_access}
      %swap3A_812 = arith.constant 0 : index
      %swap3A_813 = tpu.vector_load %arg7[%swap3A_812] {strides = array<i32>} : memref<2048xf32, #tpu.memory_space<vmem>>, vector<16xf32>,
      %swap3A_814 = vector.shape_cast %swap3A_813 : vector<16xf32> to vector<16xf32>
      %swap3A_815 = vector.shape_cast %parallel_loop3A_811#0 : vector<16xf32> to vector<16xf32>
      tpu.vector_store %arg7[%swap3A_812], %swap3A_815 {strides = array<i32>} : memref<2048xf32, #tpu.memory_space<vmem>>, vector<16xf32>,
      %swap3A_816 = arith.constant 16 : index
      %swap3A_817 = tpu.vector_load %arg7[%swap3A_816] {strides = array<i32>} : memref<2048xf32, #tpu.memory_space<vmem>>, vector<16xf32>,
      %swap3A_818 = vector.shape_cast %swap3A_817 : vector<16xf32> to vector<16xf32>
      %swap3A_819 = vector.shape_cast %parallel_loop3A_811#1 : vector<16xf32> to vector<16xf32>
      tpu.vector_store %arg7[%swap3A_816], %swap3A_819 {strides = array<i32>} : memref<2048xf32, #tpu.memory_space<vmem>>, vector<16xf32>,
      %swap3A_820 = arith.constant 32 : index
      %swap3A_821 = tpu.vector_load %arg7[%swap3A_820] {strides = array<i32>} : memref<2048xf32, #tpu.memory_space<vmem>>, vector<16xf32>,
      %swap3A_822 = vector.shape_cast %swap3A_821 : vector<16xf32> to vector<16xf32>
      %swap3A_823 = vector.shape_cast %parallel_loop3A_811#2 : vector<16xf32> to vector<16xf32>
      tpu.vector_store %arg7[%swap3A_820], %swap3A_823 {strides = array<i32>} : memref<2048xf32, #tpu.memory_space<vmem>>, vector<16xf32>,
      %swap3A_824 = arith.constant 48 : index
      %swap3A_825 = tpu.vector_load %arg7[%swap3A_824] {strides = array<i32>} : memref<2048xf32, #tpu.memory_space<vmem>>, vector<16xf32>,
      %swap3A_826 = vector.shape_cast %swap3A_825 : vector<16xf32> to vector<16xf32>
      %swap3A_827 = vector.shape_cast %parallel_loop3A_811#3 : vector<16xf32> to vector<16xf32>
      tpu.vector_store %arg7[%swap3A_824], %swap3A_827 {strides = array<i32>} : memref<2048xf32, #tpu.memory_space<vmem>>, vector<16xf32>,
      %swap3A_828 = arith.constant 64 : index
      %swap3A_829 = tpu.vector_load %arg7[%swap3A_828] {strides = array<i32>} : memref<2048xf32, #tpu.memory_space<vmem>>, vector<16xf32>,
      %swap3A_830 = vector.shape_cast %swap3A_829 : vector<16xf32> to vector<16xf32>
      %swap3A_831 = vector.shape_cast %parallel_loop3A_811#4 : vector<16xf32> to vector<16xf32>
      tpu.vector_store %arg7[%swap3A_828], %swap3A_831 {strides = array<i32>} : memref<2048xf32, #tpu.memory_space<vmem>>, vector<16xf32>,
      %swap3A_832 = arith.constant 80 : index
      %swap3A_833 = tpu.vector_load %arg7[%swap3A_832] {strides = array<i32>} : memref<2048xf32, #tpu.memory_space<vmem>>, vector<16xf32>,
      %swap3A_834 = vector.shape_cast %swap3A_833 : vector<16xf32> to vector<16xf32>
      %swap3A_835 = vector.shape_cast %parallel_loop3A_811#5 : vector<16xf32> to vector<16xf32>
      tpu.vector_store %arg7[%swap3A_832], %swap3A_835 {strides = array<i32>} : memref<2048xf32, #tpu.memory_space<vmem>>, vector<16xf32>,
      %swap3A_836 = arith.constant 96 : index
      %swap3A_837 = tpu.vector_load %arg7[%swap3A_836] {strides = array<i32>} : memref<2048xf32, #tpu.memory_space<vmem>>, vector<16xf32>,
      %swap3A_838 = vector.shape_cast %swap3A_837 : vector<16xf32> to vector<16xf32>
      %swap3A_839 = vector.shape_cast %parallel_loop3A_811#6 : vector<16xf32> to vector<16xf32>
      tpu.vector_store %arg7[%swap3A_836], %swap3A_839 {strides = array<i32>} : memref<2048xf32, #tpu.memory_space<vmem>>, vector<16xf32>,
      %swap3A_840 = arith.constant 112 : index
      %swap3A_841 = tpu.vector_load %arg7[%swap3A_840] {strides = array<i32>} : memref<2048xf32, #tpu.memory_space<vmem>>, vector<16xf32>,
      %swap3A_842 = vector.shape_cast %swap3A_841 : vector<16xf32> to vector<16xf32>
      %swap3A_843 = vector.shape_cast %parallel_loop3A_811#7 : vector<16xf32> to vector<16xf32>
      tpu.vector_store %arg7[%swap3A_840], %swap3A_843 {strides = array<i32>} : memref<2048xf32, #tpu.memory_space<vmem>>, vector<16xf32>,
      %sub3A_844 = arith.subi %get3A_33, %mul3A_775 : i32
      %jit3A_845 = arith.constant 0 : i32
      %jit3A_846 = arith.constant 401 : i32
      %max3A_847 = arith.maxsi %jit3A_845, %sub3A_844 : i32
      %min3A_848 = arith.minsi %jit3A_846, %max3A_847 : i32
      %sub3A_849 = arith.subi %get3A_36, %mul3A_775 : i32
      %jit3A_850 = arith.constant 0 : i32
      %jit3A_851 = arith.constant 401 : i32
      %max3A_852 = arith.maxsi %jit3A_850, %sub3A_849 : i32
      %min3A_853 = arith.minsi %jit3A_851, %max3A_852 : i32
      %get3A_854 = arith.constant 128 : index
      %get3A_855 = tpu.vector_load %arg7[%get3A_854] {strides = array<i32>} : memref<2048xf32, #tpu.memory_space<vmem>>, vector<16xf32>,
      %get3A_856 = vector.shape_cast %get3A_855 : vector<16xf32> to vector<16xf32>
      %get3A_857 = arith.constant 144 : index
      %get3A_858 = tpu.vector_load %arg7[%get3A_857] {strides = array<i32>} : memref<2048xf32, #tpu.memory_space<vmem>>, vector<16xf32>,
      %get3A_859 = vector.shape_cast %get3A_858 : vector<16xf32> to vector<16xf32>
      %get3A_860 = arith.constant 160 : index
      %get3A_861 = tpu.vector_load %arg7[%get3A_860] {strides = array<i32>} : memref<2048xf32, #tpu.memory_space<vmem>>, vector<16xf32>,
      %get3A_862 = vector.shape_cast %get3A_861 : vector<16xf32> to vector<16xf32>
      %get3A_863 = arith.constant 176 : index
      %get3A_864 = tpu.vector_load %arg7[%get3A_863] {strides = array<i32>} : memref<2048xf32, #tpu.memory_space<vmem>>, vector<16xf32>,
      %get3A_865 = vector.shape_cast %get3A_864 : vector<16xf32> to vector<16xf32>
      %get3A_866 = arith.constant 192 : index
      %get3A_867 = tpu.vector_load %arg7[%get3A_866] {strides = array<i32>} : memref<2048xf32, #tpu.memory_space<vmem>>, vector<16xf32>,
      %get3A_868 = vector.shape_cast %get3A_867 : vector<16xf32> to vector<16xf32>
      %get3A_869 = arith.constant 208 : index
      %get3A_870 = tpu.vector_load %arg7[%get3A_869] {strides = array<i32>} : memref<2048xf32, #tpu.memory_space<vmem>>, vector<16xf32>,
      %get3A_871 = vector.shape_cast %get3A_870 : vector<16xf32> to vector<16xf32>
      %get3A_872 = arith.constant 224 : index
      %get3A_873 = tpu.vector_load %arg7[%get3A_872] {strides = array<i32>} : memref<2048xf32, #tpu.memory_space<vmem>>, vector<16xf32>,
      %get3A_874 = vector.shape_cast %get3A_873 : vector<16xf32> to vector<16xf32>
      %get3A_875 = arith.constant 240 : index
      %get3A_876 = tpu.vector_load %arg7[%get3A_875] {strides = array<i32>} : memref<2048xf32, #tpu.memory_space<vmem>>, vector<16xf32>,
      %get3A_877 = vector.shape_cast %get3A_876 : vector<16xf32> to vector<16xf32>
      %parallel_loop3A_878 = arith.constant 1 : i32
      %parallel_loop3A_879:8 = scf.for %parallel_loop3A_1464 = %min3A_848 to %min3A_853 step %parallel_loop3A_878 iter_args(%parallel_loop3A_1465 = %get3A_856, %parallel_loop3A_1466 = %get3A_859, %parallel_loop3A_1467 = %get3A_862, %parallel_loop3A_1468 = %get3A_865, %parallel_loop3A_1469 = %get3A_868, %parallel_loop3A_1470 = %get3A_871, %parallel_loop3A_1471 = %get3A_874, %parallel_loop3A_1472 = %get3A_877) -> (vector<16xf32>, vector<16xf32>, vector<16xf32>, vector<16xf32>, vector<16xf32>, vector<16xf32>, vector<16xf32>, vector<16xf32>)  : i32 {
        %parallel_loop3A_1473 = arith.constant 128 : i32
        %parallel_loop3A_1474 = arith.muli %parallel_loop3A_1464, %parallel_loop3A_1473 : i32
        %parallel_loop3A_1475 = arith.constant 0 : i32
        %parallel_loop3A_1476 = arith.addi %parallel_loop3A_1474, %parallel_loop3A_1475 : i32
        %parallel_loop3A_1477 = arith.index_cast %parallel_loop3A_1476 : i32 to index
        %parallel_loop3A_1478 = tpu.vector_load %arg6[%parallel_loop3A_1477] {strides = array<i32>} : memref<51328xf32, #tpu.memory_space<vmem>>, vector<16xf32>,
        %parallel_loop3A_1479 = vector.shape_cast %parallel_loop3A_1478 : vector<16xf32> to vector<16xf32>
        %parallel_loop3A_1480 = arith.maximumf %parallel_loop3A_1465, %parallel_loop3A_1479 : vector<16xf32>
        %parallel_loop3A_1481 = arith.constant 16 : i32
        %parallel_loop3A_1482 = arith.addi %parallel_loop3A_1474, %parallel_loop3A_1481 : i32
        %parallel_loop3A_1483 = arith.index_cast %parallel_loop3A_1482 : i32 to index
        %parallel_loop3A_1484 = tpu.vector_load %arg6[%parallel_loop3A_1483] {strides = array<i32>} : memref<51328xf32, #tpu.memory_space<vmem>>, vector<16xf32>,
        %parallel_loop3A_1485 = vector.shape_cast %parallel_loop3A_1484 : vector<16xf32> to vector<16xf32>
        %parallel_loop3A_1486 = arith.maximumf %parallel_loop3A_1466, %parallel_loop3A_1485 : vector<16xf32>
        %parallel_loop3A_1487 = arith.constant 32 : i32
        %parallel_loop3A_1488 = arith.addi %parallel_loop3A_1474, %parallel_loop3A_1487 : i32
        %parallel_loop3A_1489 = arith.index_cast %parallel_loop3A_1488 : i32 to index
        %parallel_loop3A_1490 = tpu.vector_load %arg6[%parallel_loop3A_1489] {strides = array<i32>} : memref<51328xf32, #tpu.memory_space<vmem>>, vector<16xf32>,
        %parallel_loop3A_1491 = vector.shape_cast %parallel_loop3A_1490 : vector<16xf32> to vector<16xf32>
        %parallel_loop3A_1492 = arith.maximumf %parallel_loop3A_1467, %parallel_loop3A_1491 : vector<16xf32>
        %parallel_loop3A_1493 = arith.constant 48 : i32
        %parallel_loop3A_1494 = arith.addi %parallel_loop3A_1474, %parallel_loop3A_1493 : i32
        %parallel_loop3A_1495 = arith.index_cast %parallel_loop3A_1494 : i32 to index
        %parallel_loop3A_1496 = tpu.vector_load %arg6[%parallel_loop3A_1495] {strides = array<i32>} : memref<51328xf32, #tpu.memory_space<vmem>>, vector<16xf32>,
        %parallel_loop3A_1497 = vector.shape_cast %parallel_loop3A_1496 : vector<16xf32> to vector<16xf32>
        %parallel_loop3A_1498 = arith.maximumf %parallel_loop3A_1468, %parallel_loop3A_1497 : vector<16xf32>
        %parallel_loop3A_1499 = arith.constant 64 : i32
        %parallel_loop3A_1500 = arith.addi %parallel_loop3A_1474, %parallel_loop3A_1499 : i32
        %parallel_loop3A_1501 = arith.index_cast %parallel_loop3A_1500 : i32 to index
        %parallel_loop3A_1502 = tpu.vector_load %arg6[%parallel_loop3A_1501] {strides = array<i32>} : memref<51328xf32, #tpu.memory_space<vmem>>, vector<16xf32>,
        %parallel_loop3A_1503 = vector.shape_cast %parallel_loop3A_1502 : vector<16xf32> to vector<16xf32>
        %parallel_loop3A_1504 = arith.maximumf %parallel_loop3A_1469, %parallel_loop3A_1503 : vector<16xf32>
        %parallel_loop3A_1505 = arith.constant 80 : i32
        %parallel_loop3A_1506 = arith.addi %parallel_loop3A_1474, %parallel_loop3A_1505 : i32
        %parallel_loop3A_1507 = arith.index_cast %parallel_loop3A_1506 : i32 to index
        %parallel_loop3A_1508 = tpu.vector_load %arg6[%parallel_loop3A_1507] {strides = array<i32>} : memref<51328xf32, #tpu.memory_space<vmem>>, vector<16xf32>,
        %parallel_loop3A_1509 = vector.shape_cast %parallel_loop3A_1508 : vector<16xf32> to vector<16xf32>
        %parallel_loop3A_1510 = arith.maximumf %parallel_loop3A_1470, %parallel_loop3A_1509 : vector<16xf32>
        %parallel_loop3A_1511 = arith.constant 96 : i32
        %parallel_loop3A_1512 = arith.addi %parallel_loop3A_1474, %parallel_loop3A_1511 : i32
        %parallel_loop3A_1513 = arith.index_cast %parallel_loop3A_1512 : i32 to index
        %parallel_loop3A_1514 = tpu.vector_load %arg6[%parallel_loop3A_1513] {strides = array<i32>} : memref<51328xf32, #tpu.memory_space<vmem>>, vector<16xf32>,
        %parallel_loop3A_1515 = vector.shape_cast %parallel_loop3A_1514 : vector<16xf32> to vector<16xf32>
        %parallel_loop3A_1516 = arith.maximumf %parallel_loop3A_1471, %parallel_loop3A_1515 : vector<16xf32>
        %parallel_loop3A_1517 = arith.constant 112 : i32
        %parallel_loop3A_1518 = arith.addi %parallel_loop3A_1474, %parallel_loop3A_1517 : i32
        %parallel_loop3A_1519 = arith.index_cast %parallel_loop3A_1518 : i32 to index
        %parallel_loop3A_1520 = tpu.vector_load %arg6[%parallel_loop3A_1519] {strides = array<i32>} : memref<51328xf32, #tpu.memory_space<vmem>>, vector<16xf32>,
        %parallel_loop3A_1521 = vector.shape_cast %parallel_loop3A_1520 : vector<16xf32> to vector<16xf32>
        %parallel_loop3A_1522 = arith.maximumf %parallel_loop3A_1472, %parallel_loop3A_1521 : vector<16xf32>
        scf.yield %parallel_loop3A_1480, %parallel_loop3A_1486, %parallel_loop3A_1492, %parallel_loop3A_1498, %parallel_loop3A_1504, %parallel_loop3A_1510, %parallel_loop3A_1516, %parallel_loop3A_1522 : vector<16xf32>, vector<16xf32>, vector<16xf32>, vector<16xf32>, vector<16xf32>, vector<16xf32>, vector<16xf32>, vector<16xf32>
      } {sc.loop_unroll_factor = 4 : i64, sc.parallel_access}
      %swap3A_880 = arith.constant 128 : index
      %swap3A_881 = tpu.vector_load %arg7[%swap3A_880] {strides = array<i32>} : memref<2048xf32, #tpu.memory_space<vmem>>, vector<16xf32>,
      %swap3A_882 = vector.shape_cast %swap3A_881 : vector<16xf32> to vector<16xf32>
      %swap3A_883 = vector.shape_cast %parallel_loop3A_879#0 : vector<16xf32> to vector<16xf32>
      tpu.vector_store %arg7[%swap3A_880], %swap3A_883 {strides = array<i32>} : memref<2048xf32, #tpu.memory_space<vmem>>, vector<16xf32>,
      %swap3A_884 = arith.constant 144 : index
      %swap3A_885 = tpu.vector_load %arg7[%swap3A_884] {strides = array<i32>} : memref<2048xf32, #tpu.memory_space<vmem>>, vector<16xf32>,
      %swap3A_886 = vector.shape_cast %swap3A_885 : vector<16xf32> to vector<16xf32>
      %swap3A_887 = vector.shape_cast %parallel_loop3A_879#1 : vector<16xf32> to vector<16xf32>
      tpu.vector_store %arg7[%swap3A_884], %swap3A_887 {strides = array<i32>} : memref<2048xf32, #tpu.memory_space<vmem>>, vector<16xf32>,
      %swap3A_888 = arith.constant 160 : index
      %swap3A_889 = tpu.vector_load %arg7[%swap3A_888] {strides = array<i32>} : memref<2048xf32, #tpu.memory_space<vmem>>, vector<16xf32>,
      %swap3A_890 = vector.shape_cast %swap3A_889 : vector<16xf32> to vector<16xf32>
      %swap3A_891 = vector.shape_cast %parallel_loop3A_879#2 : vector<16xf32> to vector<16xf32>
      tpu.vector_store %arg7[%swap3A_888], %swap3A_891 {strides = array<i32>} : memref<2048xf32, #tpu.memory_space<vmem>>, vector<16xf32>,
      %swap3A_892 = arith.constant 176 : index
      %swap3A_893 = tpu.vector_load %arg7[%swap3A_892] {strides = array<i32>} : memref<2048xf32, #tpu.memory_space<vmem>>, vector<16xf32>,
      %swap3A_894 = vector.shape_cast %swap3A_893 : vector<16xf32> to vector<16xf32>
      %swap3A_895 = vector.shape_cast %parallel_loop3A_879#3 : vector<16xf32> to vector<16xf32>
      tpu.vector_store %arg7[%swap3A_892], %swap3A_895 {strides = array<i32>} : memref<2048xf32, #tpu.memory_space<vmem>>, vector<16xf32>,
      %swap3A_896 = arith.constant 192 : index
      %swap3A_897 = tpu.vector_load %arg7[%swap3A_896] {strides = array<i32>} : memref<2048xf32, #tpu.memory_space<vmem>>, vector<16xf32>,
      %swap3A_898 = vector.shape_cast %swap3A_897 : vector<16xf32> to vector<16xf32>
      %swap3A_899 = vector.shape_cast %parallel_loop3A_879#4 : vector<16xf32> to vector<16xf32>
      tpu.vector_store %arg7[%swap3A_896], %swap3A_899 {strides = array<i32>} : memref<2048xf32, #tpu.memory_space<vmem>>, vector<16xf32>,
      %swap3A_900 = arith.constant 208 : index
      %swap3A_901 = tpu.vector_load %arg7[%swap3A_900] {strides = array<i32>} : memref<2048xf32, #tpu.memory_space<vmem>>, vector<16xf32>,
      %swap3A_902 = vector.shape_cast %swap3A_901 : vector<16xf32> to vector<16xf32>
      %swap3A_903 = vector.shape_cast %parallel_loop3A_879#5 : vector<16xf32> to vector<16xf32>
      tpu.vector_store %arg7[%swap3A_900], %swap3A_903 {strides = array<i32>} : memref<2048xf32, #tpu.memory_space<vmem>>, vector<16xf32>,
      %swap3A_904 = arith.constant 224 : index
      %swap3A_905 = tpu.vector_load %arg7[%swap3A_904] {strides = array<i32>} : memref<2048xf32, #tpu.memory_space<vmem>>, vector<16xf32>,
      %swap3A_906 = vector.shape_cast %swap3A_905 : vector<16xf32> to vector<16xf32>
      %swap3A_907 = vector.shape_cast %parallel_loop3A_879#6 : vector<16xf32> to vector<16xf32>
      tpu.vector_store %arg7[%swap3A_904], %swap3A_907 {strides = array<i32>} : memref<2048xf32, #tpu.memory_space<vmem>>, vector<16xf32>,
      %swap3A_908 = arith.constant 240 : index
      %swap3A_909 = tpu.vector_load %arg7[%swap3A_908] {strides = array<i32>} : memref<2048xf32, #tpu.memory_space<vmem>>, vector<16xf32>,
      %swap3A_910 = vector.shape_cast %swap3A_909 : vector<16xf32> to vector<16xf32>
      %swap3A_911 = vector.shape_cast %parallel_loop3A_879#7 : vector<16xf32> to vector<16xf32>
      tpu.vector_store %arg7[%swap3A_908], %swap3A_911 {strides = array<i32>} : memref<2048xf32, #tpu.memory_space<vmem>>, vector<16xf32>,
      %sub3A_912 = arith.subi %get3A_36, %mul3A_775 : i32
      %jit3A_913 = arith.constant 0 : i32
      %jit3A_914 = arith.constant 401 : i32
      %max3A_915 = arith.maxsi %jit3A_913, %sub3A_912 : i32
      %min3A_916 = arith.minsi %jit3A_914, %max3A_915 : i32
      %sub3A_917 = arith.subi %get3A_39, %mul3A_775 : i32
      %jit3A_918 = arith.constant 0 : i32
      %jit3A_919 = arith.constant 401 : i32
      %max3A_920 = arith.maxsi %jit3A_918, %sub3A_917 : i32
      %min3A_921 = arith.minsi %jit3A_919, %max3A_920 : i32
      %get3A_922 = arith.constant 256 : index
      %get3A_923 = tpu.vector_load %arg7[%get3A_922] {strides = array<i32>} : memref<2048xf32, #tpu.memory_space<vmem>>, vector<16xf32>,
      %get3A_924 = vector.shape_cast %get3A_923 : vector<16xf32> to vector<16xf32>
      %get3A_925 = arith.constant 272 : index
      %get3A_926 = tpu.vector_load %arg7[%get3A_925] {strides = array<i32>} : memref<2048xf32, #tpu.memory_space<vmem>>, vector<16xf32>,
      %get3A_927 = vector.shape_cast %get3A_926 : vector<16xf32> to vector<16xf32>
      %get3A_928 = arith.constant 288 : index
      %get3A_929 = tpu.vector_load %arg7[%get3A_928] {strides = array<i32>} : memref<2048xf32, #tpu.memory_space<vmem>>, vector<16xf32>,
      %get3A_930 = vector.shape_cast %get3A_929 : vector<16xf32> to vector<16xf32>
      %get3A_931 = arith.constant 304 : index
      %get3A_932 = tpu.vector_load %arg7[%get3A_931] {strides = array<i32>} : memref<2048xf32, #tpu.memory_space<vmem>>, vector<16xf32>,
      %get3A_933 = vector.shape_cast %get3A_932 : vector<16xf32> to vector<16xf32>
      %get3A_934 = arith.constant 320 : index
      %get3A_935 = tpu.vector_load %arg7[%get3A_934] {strides = array<i32>} : memref<2048xf32, #tpu.memory_space<vmem>>, vector<16xf32>,
      %get3A_936 = vector.shape_cast %get3A_935 : vector<16xf32> to vector<16xf32>
      %get3A_937 = arith.constant 336 : index
      %get3A_938 = tpu.vector_load %arg7[%get3A_937] {strides = array<i32>} : memref<2048xf32, #tpu.memory_space<vmem>>, vector<16xf32>,
      %get3A_939 = vector.shape_cast %get3A_938 : vector<16xf32> to vector<16xf32>
      %get3A_940 = arith.constant 352 : index
      %get3A_941 = tpu.vector_load %arg7[%get3A_940] {strides = array<i32>} : memref<2048xf32, #tpu.memory_space<vmem>>, vector<16xf32>,
      %get3A_942 = vector.shape_cast %get3A_941 : vector<16xf32> to vector<16xf32>
      %get3A_943 = arith.constant 368 : index
      %get3A_944 = tpu.vector_load %arg7[%get3A_943] {strides = array<i32>} : memref<2048xf32, #tpu.memory_space<vmem>>, vector<16xf32>,
      %get3A_945 = vector.shape_cast %get3A_944 : vector<16xf32> to vector<16xf32>
      %parallel_loop3A_946 = arith.constant 1 : i32
      %parallel_loop3A_947:8 = scf.for %parallel_loop3A_1464 = %min3A_916 to %min3A_921 step %parallel_loop3A_946 iter_args(%parallel_loop3A_1465 = %get3A_924, %parallel_loop3A_1466 = %get3A_927, %parallel_loop3A_1467 = %get3A_930, %parallel_loop3A_1468 = %get3A_933, %parallel_loop3A_1469 = %get3A_936, %parallel_loop3A_1470 = %get3A_939, %parallel_loop3A_1471 = %get3A_942, %parallel_loop3A_1472 = %get3A_945) -> (vector<16xf32>, vector<16xf32>, vector<16xf32>, vector<16xf32>, vector<16xf32>, vector<16xf32>, vector<16xf32>, vector<16xf32>)  : i32 {
        %parallel_loop3A_1473 = arith.constant 128 : i32
        %parallel_loop3A_1474 = arith.muli %parallel_loop3A_1464, %parallel_loop3A_1473 : i32
        %parallel_loop3A_1475 = arith.constant 0 : i32
        %parallel_loop3A_1476 = arith.addi %parallel_loop3A_1474, %parallel_loop3A_1475 : i32
        %parallel_loop3A_1477 = arith.index_cast %parallel_loop3A_1476 : i32 to index
        %parallel_loop3A_1478 = tpu.vector_load %arg6[%parallel_loop3A_1477] {strides = array<i32>} : memref<51328xf32, #tpu.memory_space<vmem>>, vector<16xf32>,
        %parallel_loop3A_1479 = vector.shape_cast %parallel_loop3A_1478 : vector<16xf32> to vector<16xf32>
        %parallel_loop3A_1480 = arith.maximumf %parallel_loop3A_1465, %parallel_loop3A_1479 : vector<16xf32>
        %parallel_loop3A_1481 = arith.constant 16 : i32
        %parallel_loop3A_1482 = arith.addi %parallel_loop3A_1474, %parallel_loop3A_1481 : i32
        %parallel_loop3A_1483 = arith.index_cast %parallel_loop3A_1482 : i32 to index
        %parallel_loop3A_1484 = tpu.vector_load %arg6[%parallel_loop3A_1483] {strides = array<i32>} : memref<51328xf32, #tpu.memory_space<vmem>>, vector<16xf32>,
        %parallel_loop3A_1485 = vector.shape_cast %parallel_loop3A_1484 : vector<16xf32> to vector<16xf32>
        %parallel_loop3A_1486 = arith.maximumf %parallel_loop3A_1466, %parallel_loop3A_1485 : vector<16xf32>
        %parallel_loop3A_1487 = arith.constant 32 : i32
        %parallel_loop3A_1488 = arith.addi %parallel_loop3A_1474, %parallel_loop3A_1487 : i32
        %parallel_loop3A_1489 = arith.index_cast %parallel_loop3A_1488 : i32 to index
        %parallel_loop3A_1490 = tpu.vector_load %arg6[%parallel_loop3A_1489] {strides = array<i32>} : memref<51328xf32, #tpu.memory_space<vmem>>, vector<16xf32>,
        %parallel_loop3A_1491 = vector.shape_cast %parallel_loop3A_1490 : vector<16xf32> to vector<16xf32>
        %parallel_loop3A_1492 = arith.maximumf %parallel_loop3A_1467, %parallel_loop3A_1491 : vector<16xf32>
        %parallel_loop3A_1493 = arith.constant 48 : i32
        %parallel_loop3A_1494 = arith.addi %parallel_loop3A_1474, %parallel_loop3A_1493 : i32
        %parallel_loop3A_1495 = arith.index_cast %parallel_loop3A_1494 : i32 to index
        %parallel_loop3A_1496 = tpu.vector_load %arg6[%parallel_loop3A_1495] {strides = array<i32>} : memref<51328xf32, #tpu.memory_space<vmem>>, vector<16xf32>,
        %parallel_loop3A_1497 = vector.shape_cast %parallel_loop3A_1496 : vector<16xf32> to vector<16xf32>
        %parallel_loop3A_1498 = arith.maximumf %parallel_loop3A_1468, %parallel_loop3A_1497 : vector<16xf32>
        %parallel_loop3A_1499 = arith.constant 64 : i32
        %parallel_loop3A_1500 = arith.addi %parallel_loop3A_1474, %parallel_loop3A_1499 : i32
        %parallel_loop3A_1501 = arith.index_cast %parallel_loop3A_1500 : i32 to index
        %parallel_loop3A_1502 = tpu.vector_load %arg6[%parallel_loop3A_1501] {strides = array<i32>} : memref<51328xf32, #tpu.memory_space<vmem>>, vector<16xf32>,
        %parallel_loop3A_1503 = vector.shape_cast %parallel_loop3A_1502 : vector<16xf32> to vector<16xf32>
        %parallel_loop3A_1504 = arith.maximumf %parallel_loop3A_1469, %parallel_loop3A_1503 : vector<16xf32>
        %parallel_loop3A_1505 = arith.constant 80 : i32
        %parallel_loop3A_1506 = arith.addi %parallel_loop3A_1474, %parallel_loop3A_1505 : i32
        %parallel_loop3A_1507 = arith.index_cast %parallel_loop3A_1506 : i32 to index
        %parallel_loop3A_1508 = tpu.vector_load %arg6[%parallel_loop3A_1507] {strides = array<i32>} : memref<51328xf32, #tpu.memory_space<vmem>>, vector<16xf32>,
        %parallel_loop3A_1509 = vector.shape_cast %parallel_loop3A_1508 : vector<16xf32> to vector<16xf32>
        %parallel_loop3A_1510 = arith.maximumf %parallel_loop3A_1470, %parallel_loop3A_1509 : vector<16xf32>
        %parallel_loop3A_1511 = arith.constant 96 : i32
        %parallel_loop3A_1512 = arith.addi %parallel_loop3A_1474, %parallel_loop3A_1511 : i32
        %parallel_loop3A_1513 = arith.index_cast %parallel_loop3A_1512 : i32 to index
        %parallel_loop3A_1514 = tpu.vector_load %arg6[%parallel_loop3A_1513] {strides = array<i32>} : memref<51328xf32, #tpu.memory_space<vmem>>, vector<16xf32>,
        %parallel_loop3A_1515 = vector.shape_cast %parallel_loop3A_1514 : vector<16xf32> to vector<16xf32>
        %parallel_loop3A_1516 = arith.maximumf %parallel_loop3A_1471, %parallel_loop3A_1515 : vector<16xf32>
        %parallel_loop3A_1517 = arith.constant 112 : i32
        %parallel_loop3A_1518 = arith.addi %parallel_loop3A_1474, %parallel_loop3A_1517 : i32
        %parallel_loop3A_1519 = arith.index_cast %parallel_loop3A_1518 : i32 to index
        %parallel_loop3A_1520 = tpu.vector_load %arg6[%parallel_loop3A_1519] {strides = array<i32>} : memref<51328xf32, #tpu.memory_space<vmem>>, vector<16xf32>,
        %parallel_loop3A_1521 = vector.shape_cast %parallel_loop3A_1520 : vector<16xf32> to vector<16xf32>
        %parallel_loop3A_1522 = arith.maximumf %parallel_loop3A_1472, %parallel_loop3A_1521 : vector<16xf32>
        scf.yield %parallel_loop3A_1480, %parallel_loop3A_1486, %parallel_loop3A_1492, %parallel_loop3A_1498, %parallel_loop3A_1504, %parallel_loop3A_1510, %parallel_loop3A_1516, %parallel_loop3A_1522 : vector<16xf32>, vector<16xf32>, vector<16xf32>, vector<16xf32>, vector<16xf32>, vector<16xf32>, vector<16xf32>, vector<16xf32>
      } {sc.loop_unroll_factor = 4 : i64, sc.parallel_access}
      %swap3A_948 = arith.constant 256 : index
      %swap3A_949 = tpu.vector_load %arg7[%swap3A_948] {strides = array<i32>} : memref<2048xf32, #tpu.memory_space<vmem>>, vector<16xf32>,
      %swap3A_950 = vector.shape_cast %swap3A_949 : vector<16xf32> to vector<16xf32>
      %swap3A_951 = vector.shape_cast %parallel_loop3A_947#0 : vector<16xf32> to vector<16xf32>
      tpu.vector_store %arg7[%swap3A_948], %swap3A_951 {strides = array<i32>} : memref<2048xf32, #tpu.memory_space<vmem>>, vector<16xf32>,
      %swap3A_952 = arith.constant 272 : index
      %swap3A_953 = tpu.vector_load %arg7[%swap3A_952] {strides = array<i32>} : memref<2048xf32, #tpu.memory_space<vmem>>, vector<16xf32>,
      %swap3A_954 = vector.shape_cast %swap3A_953 : vector<16xf32> to vector<16xf32>
      %swap3A_955 = vector.shape_cast %parallel_loop3A_947#1 : vector<16xf32> to vector<16xf32>
      tpu.vector_store %arg7[%swap3A_952], %swap3A_955 {strides = array<i32>} : memref<2048xf32, #tpu.memory_space<vmem>>, vector<16xf32>,
      %swap3A_956 = arith.constant 288 : index
      %swap3A_957 = tpu.vector_load %arg7[%swap3A_956] {strides = array<i32>} : memref<2048xf32, #tpu.memory_space<vmem>>, vector<16xf32>,
      %swap3A_958 = vector.shape_cast %swap3A_957 : vector<16xf32> to vector<16xf32>
      %swap3A_959 = vector.shape_cast %parallel_loop3A_947#2 : vector<16xf32> to vector<16xf32>
      tpu.vector_store %arg7[%swap3A_956], %swap3A_959 {strides = array<i32>} : memref<2048xf32, #tpu.memory_space<vmem>>, vector<16xf32>,
      %swap3A_960 = arith.constant 304 : index
      %swap3A_961 = tpu.vector_load %arg7[%swap3A_960] {strides = array<i32>} : memref<2048xf32, #tpu.memory_space<vmem>>, vector<16xf32>,
      %swap3A_962 = vector.shape_cast %swap3A_961 : vector<16xf32> to vector<16xf32>
      %swap3A_963 = vector.shape_cast %parallel_loop3A_947#3 : vector<16xf32> to vector<16xf32>
      tpu.vector_store %arg7[%swap3A_960], %swap3A_963 {strides = array<i32>} : memref<2048xf32, #tpu.memory_space<vmem>>, vector<16xf32>,
      %swap3A_964 = arith.constant 320 : index
      %swap3A_965 = tpu.vector_load %arg7[%swap3A_964] {strides = array<i32>} : memref<2048xf32, #tpu.memory_space<vmem>>, vector<16xf32>,
      %swap3A_966 = vector.shape_cast %swap3A_965 : vector<16xf32> to vector<16xf32>
      %swap3A_967 = vector.shape_cast %parallel_loop3A_947#4 : vector<16xf32> to vector<16xf32>
      tpu.vector_store %arg7[%swap3A_964], %swap3A_967 {strides = array<i32>} : memref<2048xf32, #tpu.memory_space<vmem>>, vector<16xf32>,
      %swap3A_968 = arith.constant 336 : index
      %swap3A_969 = tpu.vector_load %arg7[%swap3A_968] {strides = array<i32>} : memref<2048xf32, #tpu.memory_space<vmem>>, vector<16xf32>,
      %swap3A_970 = vector.shape_cast %swap3A_969 : vector<16xf32> to vector<16xf32>
      %swap3A_971 = vector.shape_cast %parallel_loop3A_947#5 : vector<16xf32> to vector<16xf32>
      tpu.vector_store %arg7[%swap3A_968], %swap3A_971 {strides = array<i32>} : memref<2048xf32, #tpu.memory_space<vmem>>, vector<16xf32>,
      %swap3A_972 = arith.constant 352 : index
      %swap3A_973 = tpu.vector_load %arg7[%swap3A_972] {strides = array<i32>} : memref<2048xf32, #tpu.memory_space<vmem>>, vector<16xf32>,
      %swap3A_974 = vector.shape_cast %swap3A_973 : vector<16xf32> to vector<16xf32>
      %swap3A_975 = vector.shape_cast %parallel_loop3A_947#6 : vector<16xf32> to vector<16xf32>
      tpu.vector_store %arg7[%swap3A_972], %swap3A_975 {strides = array<i32>} : memref<2048xf32, #tpu.memory_space<vmem>>, vector<16xf32>,
      %swap3A_976 = arith.constant 368 : index
      %swap3A_977 = tpu.vector_load %arg7[%swap3A_976] {strides = array<i32>} : memref<2048xf32, #tpu.memory_space<vmem>>, vector<16xf32>,
      %swap3A_978 = vector.shape_cast %swap3A_977 : vector<16xf32> to vector<16xf32>
      %swap3A_979 = vector.shape_cast %parallel_loop3A_947#7 : vector<16xf32> to vector<16xf32>
      tpu.vector_store %arg7[%swap3A_976], %swap3A_979 {strides = array<i32>} : memref<2048xf32, #tpu.memory_space<vmem>>, vector<16xf32>,
      %sub3A_980 = arith.subi %get3A_39, %mul3A_775 : i32
      %jit3A_981 = arith.constant 0 : i32
      %jit3A_982 = arith.constant 401 : i32
      %max3A_983 = arith.maxsi %jit3A_981, %sub3A_980 : i32
      %min3A_984 = arith.minsi %jit3A_982, %max3A_983 : i32
      %sub3A_985 = arith.subi %get3A_42, %mul3A_775 : i32
      %jit3A_986 = arith.constant 0 : i32
      %jit3A_987 = arith.constant 401 : i32
      %max3A_988 = arith.maxsi %jit3A_986, %sub3A_985 : i32
      %min3A_989 = arith.minsi %jit3A_987, %max3A_988 : i32
      %get3A_990 = arith.constant 384 : index
      %get3A_991 = tpu.vector_load %arg7[%get3A_990] {strides = array<i32>} : memref<2048xf32, #tpu.memory_space<vmem>>, vector<16xf32>,
      %get3A_992 = vector.shape_cast %get3A_991 : vector<16xf32> to vector<16xf32>
      %get3A_993 = arith.constant 400 : index
      %get3A_994 = tpu.vector_load %arg7[%get3A_993] {strides = array<i32>} : memref<2048xf32, #tpu.memory_space<vmem>>, vector<16xf32>,
      %get3A_995 = vector.shape_cast %get3A_994 : vector<16xf32> to vector<16xf32>
      %get3A_996 = arith.constant 416 : index
      %get3A_997 = tpu.vector_load %arg7[%get3A_996] {strides = array<i32>} : memref<2048xf32, #tpu.memory_space<vmem>>, vector<16xf32>,
      %get3A_998 = vector.shape_cast %get3A_997 : vector<16xf32> to vector<16xf32>
      %get3A_999 = arith.constant 432 : index
      %get3A_1000 = tpu.vector_load %arg7[%get3A_999] {strides = array<i32>} : memref<2048xf32, #tpu.memory_space<vmem>>, vector<16xf32>,
      %get3A_1001 = vector.shape_cast %get3A_1000 : vector<16xf32> to vector<16xf32>
      %get3A_1002 = arith.constant 448 : index
      %get3A_1003 = tpu.vector_load %arg7[%get3A_1002] {strides = array<i32>} : memref<2048xf32, #tpu.memory_space<vmem>>, vector<16xf32>,
      %get3A_1004 = vector.shape_cast %get3A_1003 : vector<16xf32> to vector<16xf32>
      %get3A_1005 = arith.constant 464 : index
      %get3A_1006 = tpu.vector_load %arg7[%get3A_1005] {strides = array<i32>} : memref<2048xf32, #tpu.memory_space<vmem>>, vector<16xf32>,
      %get3A_1007 = vector.shape_cast %get3A_1006 : vector<16xf32> to vector<16xf32>
      %get3A_1008 = arith.constant 480 : index
      %get3A_1009 = tpu.vector_load %arg7[%get3A_1008] {strides = array<i32>} : memref<2048xf32, #tpu.memory_space<vmem>>, vector<16xf32>,
      %get3A_1010 = vector.shape_cast %get3A_1009 : vector<16xf32> to vector<16xf32>
      %get3A_1011 = arith.constant 496 : index
      %get3A_1012 = tpu.vector_load %arg7[%get3A_1011] {strides = array<i32>} : memref<2048xf32, #tpu.memory_space<vmem>>, vector<16xf32>,
      %get3A_1013 = vector.shape_cast %get3A_1012 : vector<16xf32> to vector<16xf32>
      %parallel_loop3A_1014 = arith.constant 1 : i32
      %parallel_loop3A_1015:8 = scf.for %parallel_loop3A_1464 = %min3A_984 to %min3A_989 step %parallel_loop3A_1014 iter_args(%parallel_loop3A_1465 = %get3A_992, %parallel_loop3A_1466 = %get3A_995, %parallel_loop3A_1467 = %get3A_998, %parallel_loop3A_1468 = %get3A_1001, %parallel_loop3A_1469 = %get3A_1004, %parallel_loop3A_1470 = %get3A_1007, %parallel_loop3A_1471 = %get3A_1010, %parallel_loop3A_1472 = %get3A_1013) -> (vector<16xf32>, vector<16xf32>, vector<16xf32>, vector<16xf32>, vector<16xf32>, vector<16xf32>, vector<16xf32>, vector<16xf32>)  : i32 {
        %parallel_loop3A_1473 = arith.constant 128 : i32
        %parallel_loop3A_1474 = arith.muli %parallel_loop3A_1464, %parallel_loop3A_1473 : i32
        %parallel_loop3A_1475 = arith.constant 0 : i32
        %parallel_loop3A_1476 = arith.addi %parallel_loop3A_1474, %parallel_loop3A_1475 : i32
        %parallel_loop3A_1477 = arith.index_cast %parallel_loop3A_1476 : i32 to index
        %parallel_loop3A_1478 = tpu.vector_load %arg6[%parallel_loop3A_1477] {strides = array<i32>} : memref<51328xf32, #tpu.memory_space<vmem>>, vector<16xf32>,
        %parallel_loop3A_1479 = vector.shape_cast %parallel_loop3A_1478 : vector<16xf32> to vector<16xf32>
        %parallel_loop3A_1480 = arith.maximumf %parallel_loop3A_1465, %parallel_loop3A_1479 : vector<16xf32>
        %parallel_loop3A_1481 = arith.constant 16 : i32
        %parallel_loop3A_1482 = arith.addi %parallel_loop3A_1474, %parallel_loop3A_1481 : i32
        %parallel_loop3A_1483 = arith.index_cast %parallel_loop3A_1482 : i32 to index
        %parallel_loop3A_1484 = tpu.vector_load %arg6[%parallel_loop3A_1483] {strides = array<i32>} : memref<51328xf32, #tpu.memory_space<vmem>>, vector<16xf32>,
        %parallel_loop3A_1485 = vector.shape_cast %parallel_loop3A_1484 : vector<16xf32> to vector<16xf32>
        %parallel_loop3A_1486 = arith.maximumf %parallel_loop3A_1466, %parallel_loop3A_1485 : vector<16xf32>
        %parallel_loop3A_1487 = arith.constant 32 : i32
        %parallel_loop3A_1488 = arith.addi %parallel_loop3A_1474, %parallel_loop3A_1487 : i32
        %parallel_loop3A_1489 = arith.index_cast %parallel_loop3A_1488 : i32 to index
        %parallel_loop3A_1490 = tpu.vector_load %arg6[%parallel_loop3A_1489] {strides = array<i32>} : memref<51328xf32, #tpu.memory_space<vmem>>, vector<16xf32>,
        %parallel_loop3A_1491 = vector.shape_cast %parallel_loop3A_1490 : vector<16xf32> to vector<16xf32>
        %parallel_loop3A_1492 = arith.maximumf %parallel_loop3A_1467, %parallel_loop3A_1491 : vector<16xf32>
        %parallel_loop3A_1493 = arith.constant 48 : i32
        %parallel_loop3A_1494 = arith.addi %parallel_loop3A_1474, %parallel_loop3A_1493 : i32
        %parallel_loop3A_1495 = arith.index_cast %parallel_loop3A_1494 : i32 to index
        %parallel_loop3A_1496 = tpu.vector_load %arg6[%parallel_loop3A_1495] {strides = array<i32>} : memref<51328xf32, #tpu.memory_space<vmem>>, vector<16xf32>,
        %parallel_loop3A_1497 = vector.shape_cast %parallel_loop3A_1496 : vector<16xf32> to vector<16xf32>
        %parallel_loop3A_1498 = arith.maximumf %parallel_loop3A_1468, %parallel_loop3A_1497 : vector<16xf32>
        %parallel_loop3A_1499 = arith.constant 64 : i32
        %parallel_loop3A_1500 = arith.addi %parallel_loop3A_1474, %parallel_loop3A_1499 : i32
        %parallel_loop3A_1501 = arith.index_cast %parallel_loop3A_1500 : i32 to index
        %parallel_loop3A_1502 = tpu.vector_load %arg6[%parallel_loop3A_1501] {strides = array<i32>} : memref<51328xf32, #tpu.memory_space<vmem>>, vector<16xf32>,
        %parallel_loop3A_1503 = vector.shape_cast %parallel_loop3A_1502 : vector<16xf32> to vector<16xf32>
        %parallel_loop3A_1504 = arith.maximumf %parallel_loop3A_1469, %parallel_loop3A_1503 : vector<16xf32>
        %parallel_loop3A_1505 = arith.constant 80 : i32
        %parallel_loop3A_1506 = arith.addi %parallel_loop3A_1474, %parallel_loop3A_1505 : i32
        %parallel_loop3A_1507 = arith.index_cast %parallel_loop3A_1506 : i32 to index
        %parallel_loop3A_1508 = tpu.vector_load %arg6[%parallel_loop3A_1507] {strides = array<i32>} : memref<51328xf32, #tpu.memory_space<vmem>>, vector<16xf32>,
        %parallel_loop3A_1509 = vector.shape_cast %parallel_loop3A_1508 : vector<16xf32> to vector<16xf32>
        %parallel_loop3A_1510 = arith.maximumf %parallel_loop3A_1470, %parallel_loop3A_1509 : vector<16xf32>
        %parallel_loop3A_1511 = arith.constant 96 : i32
        %parallel_loop3A_1512 = arith.addi %parallel_loop3A_1474, %parallel_loop3A_1511 : i32
        %parallel_loop3A_1513 = arith.index_cast %parallel_loop3A_1512 : i32 to index
        %parallel_loop3A_1514 = tpu.vector_load %arg6[%parallel_loop3A_1513] {strides = array<i32>} : memref<51328xf32, #tpu.memory_space<vmem>>, vector<16xf32>,
        %parallel_loop3A_1515 = vector.shape_cast %parallel_loop3A_1514 : vector<16xf32> to vector<16xf32>
        %parallel_loop3A_1516 = arith.maximumf %parallel_loop3A_1471, %parallel_loop3A_1515 : vector<16xf32>
        %parallel_loop3A_1517 = arith.constant 112 : i32
        %parallel_loop3A_1518 = arith.addi %parallel_loop3A_1474, %parallel_loop3A_1517 : i32
        %parallel_loop3A_1519 = arith.index_cast %parallel_loop3A_1518 : i32 to index
        %parallel_loop3A_1520 = tpu.vector_load %arg6[%parallel_loop3A_1519] {strides = array<i32>} : memref<51328xf32, #tpu.memory_space<vmem>>, vector<16xf32>,
        %parallel_loop3A_1521 = vector.shape_cast %parallel_loop3A_1520 : vector<16xf32> to vector<16xf32>
        %parallel_loop3A_1522 = arith.maximumf %parallel_loop3A_1472, %parallel_loop3A_1521 : vector<16xf32>
        scf.yield %parallel_loop3A_1480, %parallel_loop3A_1486, %parallel_loop3A_1492, %parallel_loop3A_1498, %parallel_loop3A_1504, %parallel_loop3A_1510, %parallel_loop3A_1516, %parallel_loop3A_1522 : vector<16xf32>, vector<16xf32>, vector<16xf32>, vector<16xf32>, vector<16xf32>, vector<16xf32>, vector<16xf32>, vector<16xf32>
      } {sc.loop_unroll_factor = 4 : i64, sc.parallel_access}
      %swap3A_1016 = arith.constant 384 : index
      %swap3A_1017 = tpu.vector_load %arg7[%swap3A_1016] {strides = array<i32>} : memref<2048xf32, #tpu.memory_space<vmem>>, vector<16xf32>,
      %swap3A_1018 = vector.shape_cast %swap3A_1017 : vector<16xf32> to vector<16xf32>
      %swap3A_1019 = vector.shape_cast %parallel_loop3A_1015#0 : vector<16xf32> to vector<16xf32>
      tpu.vector_store %arg7[%swap3A_1016], %swap3A_1019 {strides = array<i32>} : memref<2048xf32, #tpu.memory_space<vmem>>, vector<16xf32>,
      %swap3A_1020 = arith.constant 400 : index
      %swap3A_1021 = tpu.vector_load %arg7[%swap3A_1020] {strides = array<i32>} : memref<2048xf32, #tpu.memory_space<vmem>>, vector<16xf32>,
      %swap3A_1022 = vector.shape_cast %swap3A_1021 : vector<16xf32> to vector<16xf32>
      %swap3A_1023 = vector.shape_cast %parallel_loop3A_1015#1 : vector<16xf32> to vector<16xf32>
      tpu.vector_store %arg7[%swap3A_1020], %swap3A_1023 {strides = array<i32>} : memref<2048xf32, #tpu.memory_space<vmem>>, vector<16xf32>,
      %swap3A_1024 = arith.constant 416 : index
      %swap3A_1025 = tpu.vector_load %arg7[%swap3A_1024] {strides = array<i32>} : memref<2048xf32, #tpu.memory_space<vmem>>, vector<16xf32>,
      %swap3A_1026 = vector.shape_cast %swap3A_1025 : vector<16xf32> to vector<16xf32>
      %swap3A_1027 = vector.shape_cast %parallel_loop3A_1015#2 : vector<16xf32> to vector<16xf32>
      tpu.vector_store %arg7[%swap3A_1024], %swap3A_1027 {strides = array<i32>} : memref<2048xf32, #tpu.memory_space<vmem>>, vector<16xf32>,
      %swap3A_1028 = arith.constant 432 : index
      %swap3A_1029 = tpu.vector_load %arg7[%swap3A_1028] {strides = array<i32>} : memref<2048xf32, #tpu.memory_space<vmem>>, vector<16xf32>,
      %swap3A_1030 = vector.shape_cast %swap3A_1029 : vector<16xf32> to vector<16xf32>
      %swap3A_1031 = vector.shape_cast %parallel_loop3A_1015#3 : vector<16xf32> to vector<16xf32>
      tpu.vector_store %arg7[%swap3A_1028], %swap3A_1031 {strides = array<i32>} : memref<2048xf32, #tpu.memory_space<vmem>>, vector<16xf32>,
      %swap3A_1032 = arith.constant 448 : index
      %swap3A_1033 = tpu.vector_load %arg7[%swap3A_1032] {strides = array<i32>} : memref<2048xf32, #tpu.memory_space<vmem>>, vector<16xf32>,
      %swap3A_1034 = vector.shape_cast %swap3A_1033 : vector<16xf32> to vector<16xf32>
      %swap3A_1035 = vector.shape_cast %parallel_loop3A_1015#4 : vector<16xf32> to vector<16xf32>
      tpu.vector_store %arg7[%swap3A_1032], %swap3A_1035 {strides = array<i32>} : memref<2048xf32, #tpu.memory_space<vmem>>, vector<16xf32>,
      %swap3A_1036 = arith.constant 464 : index
      %swap3A_1037 = tpu.vector_load %arg7[%swap3A_1036] {strides = array<i32>} : memref<2048xf32, #tpu.memory_space<vmem>>, vector<16xf32>,
      %swap3A_1038 = vector.shape_cast %swap3A_1037 : vector<16xf32> to vector<16xf32>
      %swap3A_1039 = vector.shape_cast %parallel_loop3A_1015#5 : vector<16xf32> to vector<16xf32>
      tpu.vector_store %arg7[%swap3A_1036], %swap3A_1039 {strides = array<i32>} : memref<2048xf32, #tpu.memory_space<vmem>>, vector<16xf32>,
      %swap3A_1040 = arith.constant 480 : index
      %swap3A_1041 = tpu.vector_load %arg7[%swap3A_1040] {strides = array<i32>} : memref<2048xf32, #tpu.memory_space<vmem>>, vector<16xf32>,
      %swap3A_1042 = vector.shape_cast %swap3A_1041 : vector<16xf32> to vector<16xf32>
      %swap3A_1043 = vector.shape_cast %parallel_loop3A_1015#6 : vector<16xf32> to vector<16xf32>
      tpu.vector_store %arg7[%swap3A_1040], %swap3A_1043 {strides = array<i32>} : memref<2048xf32, #tpu.memory_space<vmem>>, vector<16xf32>,
      %swap3A_1044 = arith.constant 496 : index
      %swap3A_1045 = tpu.vector_load %arg7[%swap3A_1044] {strides = array<i32>} : memref<2048xf32, #tpu.memory_space<vmem>>, vector<16xf32>,
      %swap3A_1046 = vector.shape_cast %swap3A_1045 : vector<16xf32> to vector<16xf32>
      %swap3A_1047 = vector.shape_cast %parallel_loop3A_1015#7 : vector<16xf32> to vector<16xf32>
      tpu.vector_store %arg7[%swap3A_1044], %swap3A_1047 {strides = array<i32>} : memref<2048xf32, #tpu.memory_space<vmem>>, vector<16xf32>,
      %sub3A_1048 = arith.subi %get3A_42, %mul3A_775 : i32
      %jit3A_1049 = arith.constant 0 : i32
      %jit3A_1050 = arith.constant 401 : i32
      %max3A_1051 = arith.maxsi %jit3A_1049, %sub3A_1048 : i32
      %min3A_1052 = arith.minsi %jit3A_1050, %max3A_1051 : i32
      %sub3A_1053 = arith.subi %get3A_45, %mul3A_775 : i32
      %jit3A_1054 = arith.constant 0 : i32
      %jit3A_1055 = arith.constant 401 : i32
      %max3A_1056 = arith.maxsi %jit3A_1054, %sub3A_1053 : i32
      %min3A_1057 = arith.minsi %jit3A_1055, %max3A_1056 : i32
      %get3A_1058 = arith.constant 512 : index
      %get3A_1059 = tpu.vector_load %arg7[%get3A_1058] {strides = array<i32>} : memref<2048xf32, #tpu.memory_space<vmem>>, vector<16xf32>,
      %get3A_1060 = vector.shape_cast %get3A_1059 : vector<16xf32> to vector<16xf32>
      %get3A_1061 = arith.constant 528 : index
      %get3A_1062 = tpu.vector_load %arg7[%get3A_1061] {strides = array<i32>} : memref<2048xf32, #tpu.memory_space<vmem>>, vector<16xf32>,
      %get3A_1063 = vector.shape_cast %get3A_1062 : vector<16xf32> to vector<16xf32>
      %get3A_1064 = arith.constant 544 : index
      %get3A_1065 = tpu.vector_load %arg7[%get3A_1064] {strides = array<i32>} : memref<2048xf32, #tpu.memory_space<vmem>>, vector<16xf32>,
      %get3A_1066 = vector.shape_cast %get3A_1065 : vector<16xf32> to vector<16xf32>
      %get3A_1067 = arith.constant 560 : index
      %get3A_1068 = tpu.vector_load %arg7[%get3A_1067] {strides = array<i32>} : memref<2048xf32, #tpu.memory_space<vmem>>, vector<16xf32>,
      %get3A_1069 = vector.shape_cast %get3A_1068 : vector<16xf32> to vector<16xf32>
      %get3A_1070 = arith.constant 576 : index
      %get3A_1071 = tpu.vector_load %arg7[%get3A_1070] {strides = array<i32>} : memref<2048xf32, #tpu.memory_space<vmem>>, vector<16xf32>,
      %get3A_1072 = vector.shape_cast %get3A_1071 : vector<16xf32> to vector<16xf32>
      %get3A_1073 = arith.constant 592 : index
      %get3A_1074 = tpu.vector_load %arg7[%get3A_1073] {strides = array<i32>} : memref<2048xf32, #tpu.memory_space<vmem>>, vector<16xf32>,
      %get3A_1075 = vector.shape_cast %get3A_1074 : vector<16xf32> to vector<16xf32>
      %get3A_1076 = arith.constant 608 : index
      %get3A_1077 = tpu.vector_load %arg7[%get3A_1076] {strides = array<i32>} : memref<2048xf32, #tpu.memory_space<vmem>>, vector<16xf32>,
      %get3A_1078 = vector.shape_cast %get3A_1077 : vector<16xf32> to vector<16xf32>
      %get3A_1079 = arith.constant 624 : index
      %get3A_1080 = tpu.vector_load %arg7[%get3A_1079] {strides = array<i32>} : memref<2048xf32, #tpu.memory_space<vmem>>, vector<16xf32>,
      %get3A_1081 = vector.shape_cast %get3A_1080 : vector<16xf32> to vector<16xf32>
      %parallel_loop3A_1082 = arith.constant 1 : i32
      %parallel_loop3A_1083:8 = scf.for %parallel_loop3A_1464 = %min3A_1052 to %min3A_1057 step %parallel_loop3A_1082 iter_args(%parallel_loop3A_1465 = %get3A_1060, %parallel_loop3A_1466 = %get3A_1063, %parallel_loop3A_1467 = %get3A_1066, %parallel_loop3A_1468 = %get3A_1069, %parallel_loop3A_1469 = %get3A_1072, %parallel_loop3A_1470 = %get3A_1075, %parallel_loop3A_1471 = %get3A_1078, %parallel_loop3A_1472 = %get3A_1081) -> (vector<16xf32>, vector<16xf32>, vector<16xf32>, vector<16xf32>, vector<16xf32>, vector<16xf32>, vector<16xf32>, vector<16xf32>)  : i32 {
        %parallel_loop3A_1473 = arith.constant 128 : i32
        %parallel_loop3A_1474 = arith.muli %parallel_loop3A_1464, %parallel_loop3A_1473 : i32
        %parallel_loop3A_1475 = arith.constant 0 : i32
        %parallel_loop3A_1476 = arith.addi %parallel_loop3A_1474, %parallel_loop3A_1475 : i32
        %parallel_loop3A_1477 = arith.index_cast %parallel_loop3A_1476 : i32 to index
        %parallel_loop3A_1478 = tpu.vector_load %arg6[%parallel_loop3A_1477] {strides = array<i32>} : memref<51328xf32, #tpu.memory_space<vmem>>, vector<16xf32>,
        %parallel_loop3A_1479 = vector.shape_cast %parallel_loop3A_1478 : vector<16xf32> to vector<16xf32>
        %parallel_loop3A_1480 = arith.maximumf %parallel_loop3A_1465, %parallel_loop3A_1479 : vector<16xf32>
        %parallel_loop3A_1481 = arith.constant 16 : i32
        %parallel_loop3A_1482 = arith.addi %parallel_loop3A_1474, %parallel_loop3A_1481 : i32
        %parallel_loop3A_1483 = arith.index_cast %parallel_loop3A_1482 : i32 to index
        %parallel_loop3A_1484 = tpu.vector_load %arg6[%parallel_loop3A_1483] {strides = array<i32>} : memref<51328xf32, #tpu.memory_space<vmem>>, vector<16xf32>,
        %parallel_loop3A_1485 = vector.shape_cast %parallel_loop3A_1484 : vector<16xf32> to vector<16xf32>
        %parallel_loop3A_1486 = arith.maximumf %parallel_loop3A_1466, %parallel_loop3A_1485 : vector<16xf32>
        %parallel_loop3A_1487 = arith.constant 32 : i32
        %parallel_loop3A_1488 = arith.addi %parallel_loop3A_1474, %parallel_loop3A_1487 : i32
        %parallel_loop3A_1489 = arith.index_cast %parallel_loop3A_1488 : i32 to index
        %parallel_loop3A_1490 = tpu.vector_load %arg6[%parallel_loop3A_1489] {strides = array<i32>} : memref<51328xf32, #tpu.memory_space<vmem>>, vector<16xf32>,
        %parallel_loop3A_1491 = vector.shape_cast %parallel_loop3A_1490 : vector<16xf32> to vector<16xf32>
        %parallel_loop3A_1492 = arith.maximumf %parallel_loop3A_1467, %parallel_loop3A_1491 : vector<16xf32>
        %parallel_loop3A_1493 = arith.constant 48 : i32
        %parallel_loop3A_1494 = arith.addi %parallel_loop3A_1474, %parallel_loop3A_1493 : i32
        %parallel_loop3A_1495 = arith.index_cast %parallel_loop3A_1494 : i32 to index
        %parallel_loop3A_1496 = tpu.vector_load %arg6[%parallel_loop3A_1495] {strides = array<i32>} : memref<51328xf32, #tpu.memory_space<vmem>>, vector<16xf32>,
        %parallel_loop3A_1497 = vector.shape_cast %parallel_loop3A_1496 : vector<16xf32> to vector<16xf32>
        %parallel_loop3A_1498 = arith.maximumf %parallel_loop3A_1468, %parallel_loop3A_1497 : vector<16xf32>
        %parallel_loop3A_1499 = arith.constant 64 : i32
        %parallel_loop3A_1500 = arith.addi %parallel_loop3A_1474, %parallel_loop3A_1499 : i32
        %parallel_loop3A_1501 = arith.index_cast %parallel_loop3A_1500 : i32 to index
        %parallel_loop3A_1502 = tpu.vector_load %arg6[%parallel_loop3A_1501] {strides = array<i32>} : memref<51328xf32, #tpu.memory_space<vmem>>, vector<16xf32>,
        %parallel_loop3A_1503 = vector.shape_cast %parallel_loop3A_1502 : vector<16xf32> to vector<16xf32>
        %parallel_loop3A_1504 = arith.maximumf %parallel_loop3A_1469, %parallel_loop3A_1503 : vector<16xf32>
        %parallel_loop3A_1505 = arith.constant 80 : i32
        %parallel_loop3A_1506 = arith.addi %parallel_loop3A_1474, %parallel_loop3A_1505 : i32
        %parallel_loop3A_1507 = arith.index_cast %parallel_loop3A_1506 : i32 to index
        %parallel_loop3A_1508 = tpu.vector_load %arg6[%parallel_loop3A_1507] {strides = array<i32>} : memref<51328xf32, #tpu.memory_space<vmem>>, vector<16xf32>,
        %parallel_loop3A_1509 = vector.shape_cast %parallel_loop3A_1508 : vector<16xf32> to vector<16xf32>
        %parallel_loop3A_1510 = arith.maximumf %parallel_loop3A_1470, %parallel_loop3A_1509 : vector<16xf32>
        %parallel_loop3A_1511 = arith.constant 96 : i32
        %parallel_loop3A_1512 = arith.addi %parallel_loop3A_1474, %parallel_loop3A_1511 : i32
        %parallel_loop3A_1513 = arith.index_cast %parallel_loop3A_1512 : i32 to index
        %parallel_loop3A_1514 = tpu.vector_load %arg6[%parallel_loop3A_1513] {strides = array<i32>} : memref<51328xf32, #tpu.memory_space<vmem>>, vector<16xf32>,
        %parallel_loop3A_1515 = vector.shape_cast %parallel_loop3A_1514 : vector<16xf32> to vector<16xf32>
        %parallel_loop3A_1516 = arith.maximumf %parallel_loop3A_1471, %parallel_loop3A_1515 : vector<16xf32>
        %parallel_loop3A_1517 = arith.constant 112 : i32
        %parallel_loop3A_1518 = arith.addi %parallel_loop3A_1474, %parallel_loop3A_1517 : i32
        %parallel_loop3A_1519 = arith.index_cast %parallel_loop3A_1518 : i32 to index
        %parallel_loop3A_1520 = tpu.vector_load %arg6[%parallel_loop3A_1519] {strides = array<i32>} : memref<51328xf32, #tpu.memory_space<vmem>>, vector<16xf32>,
        %parallel_loop3A_1521 = vector.shape_cast %parallel_loop3A_1520 : vector<16xf32> to vector<16xf32>
        %parallel_loop3A_1522 = arith.maximumf %parallel_loop3A_1472, %parallel_loop3A_1521 : vector<16xf32>
        scf.yield %parallel_loop3A_1480, %parallel_loop3A_1486, %parallel_loop3A_1492, %parallel_loop3A_1498, %parallel_loop3A_1504, %parallel_loop3A_1510, %parallel_loop3A_1516, %parallel_loop3A_1522 : vector<16xf32>, vector<16xf32>, vector<16xf32>, vector<16xf32>, vector<16xf32>, vector<16xf32>, vector<16xf32>, vector<16xf32>
      } {sc.loop_unroll_factor = 4 : i64, sc.parallel_access}
      %swap3A_1084 = arith.constant 512 : index
      %swap3A_1085 = tpu.vector_load %arg7[%swap3A_1084] {strides = array<i32>} : memref<2048xf32, #tpu.memory_space<vmem>>, vector<16xf32>,
      %swap3A_1086 = vector.shape_cast %swap3A_1085 : vector<16xf32> to vector<16xf32>
      %swap3A_1087 = vector.shape_cast %parallel_loop3A_1083#0 : vector<16xf32> to vector<16xf32>
      tpu.vector_store %arg7[%swap3A_1084], %swap3A_1087 {strides = array<i32>} : memref<2048xf32, #tpu.memory_space<vmem>>, vector<16xf32>,
      %swap3A_1088 = arith.constant 528 : index
      %swap3A_1089 = tpu.vector_load %arg7[%swap3A_1088] {strides = array<i32>} : memref<2048xf32, #tpu.memory_space<vmem>>, vector<16xf32>,
      %swap3A_1090 = vector.shape_cast %swap3A_1089 : vector<16xf32> to vector<16xf32>
      %swap3A_1091 = vector.shape_cast %parallel_loop3A_1083#1 : vector<16xf32> to vector<16xf32>
      tpu.vector_store %arg7[%swap3A_1088], %swap3A_1091 {strides = array<i32>} : memref<2048xf32, #tpu.memory_space<vmem>>, vector<16xf32>,
      %swap3A_1092 = arith.constant 544 : index
      %swap3A_1093 = tpu.vector_load %arg7[%swap3A_1092] {strides = array<i32>} : memref<2048xf32, #tpu.memory_space<vmem>>, vector<16xf32>,
      %swap3A_1094 = vector.shape_cast %swap3A_1093 : vector<16xf32> to vector<16xf32>
      %swap3A_1095 = vector.shape_cast %parallel_loop3A_1083#2 : vector<16xf32> to vector<16xf32>
      tpu.vector_store %arg7[%swap3A_1092], %swap3A_1095 {strides = array<i32>} : memref<2048xf32, #tpu.memory_space<vmem>>, vector<16xf32>,
      %swap3A_1096 = arith.constant 560 : index
      %swap3A_1097 = tpu.vector_load %arg7[%swap3A_1096] {strides = array<i32>} : memref<2048xf32, #tpu.memory_space<vmem>>, vector<16xf32>,
      %swap3A_1098 = vector.shape_cast %swap3A_1097 : vector<16xf32> to vector<16xf32>
      %swap3A_1099 = vector.shape_cast %parallel_loop3A_1083#3 : vector<16xf32> to vector<16xf32>
      tpu.vector_store %arg7[%swap3A_1096], %swap3A_1099 {strides = array<i32>} : memref<2048xf32, #tpu.memory_space<vmem>>, vector<16xf32>,
      %swap3A_1100 = arith.constant 576 : index
      %swap3A_1101 = tpu.vector_load %arg7[%swap3A_1100] {strides = array<i32>} : memref<2048xf32, #tpu.memory_space<vmem>>, vector<16xf32>,
      %swap3A_1102 = vector.shape_cast %swap3A_1101 : vector<16xf32> to vector<16xf32>
      %swap3A_1103 = vector.shape_cast %parallel_loop3A_1083#4 : vector<16xf32> to vector<16xf32>
      tpu.vector_store %arg7[%swap3A_1100], %swap3A_1103 {strides = array<i32>} : memref<2048xf32, #tpu.memory_space<vmem>>, vector<16xf32>,
      %swap3A_1104 = arith.constant 592 : index
      %swap3A_1105 = tpu.vector_load %arg7[%swap3A_1104] {strides = array<i32>} : memref<2048xf32, #tpu.memory_space<vmem>>, vector<16xf32>,
      %swap3A_1106 = vector.shape_cast %swap3A_1105 : vector<16xf32> to vector<16xf32>
      %swap3A_1107 = vector.shape_cast %parallel_loop3A_1083#5 : vector<16xf32> to vector<16xf32>
      tpu.vector_store %arg7[%swap3A_1104], %swap3A_1107 {strides = array<i32>} : memref<2048xf32, #tpu.memory_space<vmem>>, vector<16xf32>,
      %swap3A_1108 = arith.constant 608 : index
      %swap3A_1109 = tpu.vector_load %arg7[%swap3A_1108] {strides = array<i32>} : memref<2048xf32, #tpu.memory_space<vmem>>, vector<16xf32>,
      %swap3A_1110 = vector.shape_cast %swap3A_1109 : vector<16xf32> to vector<16xf32>
      %swap3A_1111 = vector.shape_cast %parallel_loop3A_1083#6 : vector<16xf32> to vector<16xf32>
      tpu.vector_store %arg7[%swap3A_1108], %swap3A_1111 {strides = array<i32>} : memref<2048xf32, #tpu.memory_space<vmem>>, vector<16xf32>,
      %swap3A_1112 = arith.constant 624 : index
      %swap3A_1113 = tpu.vector_load %arg7[%swap3A_1112] {strides = array<i32>} : memref<2048xf32, #tpu.memory_space<vmem>>, vector<16xf32>,
      %swap3A_1114 = vector.shape_cast %swap3A_1113 : vector<16xf32> to vector<16xf32>
      %swap3A_1115 = vector.shape_cast %parallel_loop3A_1083#7 : vector<16xf32> to vector<16xf32>
      tpu.vector_store %arg7[%swap3A_1112], %swap3A_1115 {strides = array<i32>} : memref<2048xf32, #tpu.memory_space<vmem>>, vector<16xf32>,
      %sub3A_1116 = arith.subi %get3A_45, %mul3A_775 : i32
      %jit3A_1117 = arith.constant 0 : i32
      %jit3A_1118 = arith.constant 401 : i32
      %max3A_1119 = arith.maxsi %jit3A_1117, %sub3A_1116 : i32
      %min3A_1120 = arith.minsi %jit3A_1118, %max3A_1119 : i32
      %sub3A_1121 = arith.subi %get3A_48, %mul3A_775 : i32
      %jit3A_1122 = arith.constant 0 : i32
      %jit3A_1123 = arith.constant 401 : i32
      %max3A_1124 = arith.maxsi %jit3A_1122, %sub3A_1121 : i32
      %min3A_1125 = arith.minsi %jit3A_1123, %max3A_1124 : i32
      %get3A_1126 = arith.constant 640 : index
      %get3A_1127 = tpu.vector_load %arg7[%get3A_1126] {strides = array<i32>} : memref<2048xf32, #tpu.memory_space<vmem>>, vector<16xf32>,
      %get3A_1128 = vector.shape_cast %get3A_1127 : vector<16xf32> to vector<16xf32>
      %get3A_1129 = arith.constant 656 : index
      %get3A_1130 = tpu.vector_load %arg7[%get3A_1129] {strides = array<i32>} : memref<2048xf32, #tpu.memory_space<vmem>>, vector<16xf32>,
      %get3A_1131 = vector.shape_cast %get3A_1130 : vector<16xf32> to vector<16xf32>
      %get3A_1132 = arith.constant 672 : index
      %get3A_1133 = tpu.vector_load %arg7[%get3A_1132] {strides = array<i32>} : memref<2048xf32, #tpu.memory_space<vmem>>, vector<16xf32>,
      %get3A_1134 = vector.shape_cast %get3A_1133 : vector<16xf32> to vector<16xf32>
      %get3A_1135 = arith.constant 688 : index
      %get3A_1136 = tpu.vector_load %arg7[%get3A_1135] {strides = array<i32>} : memref<2048xf32, #tpu.memory_space<vmem>>, vector<16xf32>,
      %get3A_1137 = vector.shape_cast %get3A_1136 : vector<16xf32> to vector<16xf32>
      %get3A_1138 = arith.constant 704 : index
      %get3A_1139 = tpu.vector_load %arg7[%get3A_1138] {strides = array<i32>} : memref<2048xf32, #tpu.memory_space<vmem>>, vector<16xf32>,
      %get3A_1140 = vector.shape_cast %get3A_1139 : vector<16xf32> to vector<16xf32>
      %get3A_1141 = arith.constant 720 : index
      %get3A_1142 = tpu.vector_load %arg7[%get3A_1141] {strides = array<i32>} : memref<2048xf32, #tpu.memory_space<vmem>>, vector<16xf32>,
      %get3A_1143 = vector.shape_cast %get3A_1142 : vector<16xf32> to vector<16xf32>
      %get3A_1144 = arith.constant 736 : index
      %get3A_1145 = tpu.vector_load %arg7[%get3A_1144] {strides = array<i32>} : memref<2048xf32, #tpu.memory_space<vmem>>, vector<16xf32>,
      %get3A_1146 = vector.shape_cast %get3A_1145 : vector<16xf32> to vector<16xf32>
      %get3A_1147 = arith.constant 752 : index
      %get3A_1148 = tpu.vector_load %arg7[%get3A_1147] {strides = array<i32>} : memref<2048xf32, #tpu.memory_space<vmem>>, vector<16xf32>,
      %get3A_1149 = vector.shape_cast %get3A_1148 : vector<16xf32> to vector<16xf32>
      %parallel_loop3A_1150 = arith.constant 1 : i32
      %parallel_loop3A_1151:8 = scf.for %parallel_loop3A_1464 = %min3A_1120 to %min3A_1125 step %parallel_loop3A_1150 iter_args(%parallel_loop3A_1465 = %get3A_1128, %parallel_loop3A_1466 = %get3A_1131, %parallel_loop3A_1467 = %get3A_1134, %parallel_loop3A_1468 = %get3A_1137, %parallel_loop3A_1469 = %get3A_1140, %parallel_loop3A_1470 = %get3A_1143, %parallel_loop3A_1471 = %get3A_1146, %parallel_loop3A_1472 = %get3A_1149) -> (vector<16xf32>, vector<16xf32>, vector<16xf32>, vector<16xf32>, vector<16xf32>, vector<16xf32>, vector<16xf32>, vector<16xf32>)  : i32 {
        %parallel_loop3A_1473 = arith.constant 128 : i32
        %parallel_loop3A_1474 = arith.muli %parallel_loop3A_1464, %parallel_loop3A_1473 : i32
        %parallel_loop3A_1475 = arith.constant 0 : i32
        %parallel_loop3A_1476 = arith.addi %parallel_loop3A_1474, %parallel_loop3A_1475 : i32
        %parallel_loop3A_1477 = arith.index_cast %parallel_loop3A_1476 : i32 to index
        %parallel_loop3A_1478 = tpu.vector_load %arg6[%parallel_loop3A_1477] {strides = array<i32>} : memref<51328xf32, #tpu.memory_space<vmem>>, vector<16xf32>,
        %parallel_loop3A_1479 = vector.shape_cast %parallel_loop3A_1478 : vector<16xf32> to vector<16xf32>
        %parallel_loop3A_1480 = arith.maximumf %parallel_loop3A_1465, %parallel_loop3A_1479 : vector<16xf32>
        %parallel_loop3A_1481 = arith.constant 16 : i32
        %parallel_loop3A_1482 = arith.addi %parallel_loop3A_1474, %parallel_loop3A_1481 : i32
        %parallel_loop3A_1483 = arith.index_cast %parallel_loop3A_1482 : i32 to index
        %parallel_loop3A_1484 = tpu.vector_load %arg6[%parallel_loop3A_1483] {strides = array<i32>} : memref<51328xf32, #tpu.memory_space<vmem>>, vector<16xf32>,
        %parallel_loop3A_1485 = vector.shape_cast %parallel_loop3A_1484 : vector<16xf32> to vector<16xf32>
        %parallel_loop3A_1486 = arith.maximumf %parallel_loop3A_1466, %parallel_loop3A_1485 : vector<16xf32>
        %parallel_loop3A_1487 = arith.constant 32 : i32
        %parallel_loop3A_1488 = arith.addi %parallel_loop3A_1474, %parallel_loop3A_1487 : i32
        %parallel_loop3A_1489 = arith.index_cast %parallel_loop3A_1488 : i32 to index
        %parallel_loop3A_1490 = tpu.vector_load %arg6[%parallel_loop3A_1489] {strides = array<i32>} : memref<51328xf32, #tpu.memory_space<vmem>>, vector<16xf32>,
        %parallel_loop3A_1491 = vector.shape_cast %parallel_loop3A_1490 : vector<16xf32> to vector<16xf32>
        %parallel_loop3A_1492 = arith.maximumf %parallel_loop3A_1467, %parallel_loop3A_1491 : vector<16xf32>
        %parallel_loop3A_1493 = arith.constant 48 : i32
        %parallel_loop3A_1494 = arith.addi %parallel_loop3A_1474, %parallel_loop3A_1493 : i32
        %parallel_loop3A_1495 = arith.index_cast %parallel_loop3A_1494 : i32 to index
        %parallel_loop3A_1496 = tpu.vector_load %arg6[%parallel_loop3A_1495] {strides = array<i32>} : memref<51328xf32, #tpu.memory_space<vmem>>, vector<16xf32>,
        %parallel_loop3A_1497 = vector.shape_cast %parallel_loop3A_1496 : vector<16xf32> to vector<16xf32>
        %parallel_loop3A_1498 = arith.maximumf %parallel_loop3A_1468, %parallel_loop3A_1497 : vector<16xf32>
        %parallel_loop3A_1499 = arith.constant 64 : i32
        %parallel_loop3A_1500 = arith.addi %parallel_loop3A_1474, %parallel_loop3A_1499 : i32
        %parallel_loop3A_1501 = arith.index_cast %parallel_loop3A_1500 : i32 to index
        %parallel_loop3A_1502 = tpu.vector_load %arg6[%parallel_loop3A_1501] {strides = array<i32>} : memref<51328xf32, #tpu.memory_space<vmem>>, vector<16xf32>,
        %parallel_loop3A_1503 = vector.shape_cast %parallel_loop3A_1502 : vector<16xf32> to vector<16xf32>
        %parallel_loop3A_1504 = arith.maximumf %parallel_loop3A_1469, %parallel_loop3A_1503 : vector<16xf32>
        %parallel_loop3A_1505 = arith.constant 80 : i32
        %parallel_loop3A_1506 = arith.addi %parallel_loop3A_1474, %parallel_loop3A_1505 : i32
        %parallel_loop3A_1507 = arith.index_cast %parallel_loop3A_1506 : i32 to index
        %parallel_loop3A_1508 = tpu.vector_load %arg6[%parallel_loop3A_1507] {strides = array<i32>} : memref<51328xf32, #tpu.memory_space<vmem>>, vector<16xf32>,
        %parallel_loop3A_1509 = vector.shape_cast %parallel_loop3A_1508 : vector<16xf32> to vector<16xf32>
        %parallel_loop3A_1510 = arith.maximumf %parallel_loop3A_1470, %parallel_loop3A_1509 : vector<16xf32>
        %parallel_loop3A_1511 = arith.constant 96 : i32
        %parallel_loop3A_1512 = arith.addi %parallel_loop3A_1474, %parallel_loop3A_1511 : i32
        %parallel_loop3A_1513 = arith.index_cast %parallel_loop3A_1512 : i32 to index
        %parallel_loop3A_1514 = tpu.vector_load %arg6[%parallel_loop3A_1513] {strides = array<i32>} : memref<51328xf32, #tpu.memory_space<vmem>>, vector<16xf32>,
        %parallel_loop3A_1515 = vector.shape_cast %parallel_loop3A_1514 : vector<16xf32> to vector<16xf32>
        %parallel_loop3A_1516 = arith.maximumf %parallel_loop3A_1471, %parallel_loop3A_1515 : vector<16xf32>
        %parallel_loop3A_1517 = arith.constant 112 : i32
        %parallel_loop3A_1518 = arith.addi %parallel_loop3A_1474, %parallel_loop3A_1517 : i32
        %parallel_loop3A_1519 = arith.index_cast %parallel_loop3A_1518 : i32 to index
        %parallel_loop3A_1520 = tpu.vector_load %arg6[%parallel_loop3A_1519] {strides = array<i32>} : memref<51328xf32, #tpu.memory_space<vmem>>, vector<16xf32>,
        %parallel_loop3A_1521 = vector.shape_cast %parallel_loop3A_1520 : vector<16xf32> to vector<16xf32>
        %parallel_loop3A_1522 = arith.maximumf %parallel_loop3A_1472, %parallel_loop3A_1521 : vector<16xf32>
        scf.yield %parallel_loop3A_1480, %parallel_loop3A_1486, %parallel_loop3A_1492, %parallel_loop3A_1498, %parallel_loop3A_1504, %parallel_loop3A_1510, %parallel_loop3A_1516, %parallel_loop3A_1522 : vector<16xf32>, vector<16xf32>, vector<16xf32>, vector<16xf32>, vector<16xf32>, vector<16xf32>, vector<16xf32>, vector<16xf32>
      } {sc.loop_unroll_factor = 4 : i64, sc.parallel_access}
      %swap3A_1152 = arith.constant 640 : index
      %swap3A_1153 = tpu.vector_load %arg7[%swap3A_1152] {strides = array<i32>} : memref<2048xf32, #tpu.memory_space<vmem>>, vector<16xf32>,
      %swap3A_1154 = vector.shape_cast %swap3A_1153 : vector<16xf32> to vector<16xf32>
      %swap3A_1155 = vector.shape_cast %parallel_loop3A_1151#0 : vector<16xf32> to vector<16xf32>
      tpu.vector_store %arg7[%swap3A_1152], %swap3A_1155 {strides = array<i32>} : memref<2048xf32, #tpu.memory_space<vmem>>, vector<16xf32>,
      %swap3A_1156 = arith.constant 656 : index
      %swap3A_1157 = tpu.vector_load %arg7[%swap3A_1156] {strides = array<i32>} : memref<2048xf32, #tpu.memory_space<vmem>>, vector<16xf32>,
      %swap3A_1158 = vector.shape_cast %swap3A_1157 : vector<16xf32> to vector<16xf32>
      %swap3A_1159 = vector.shape_cast %parallel_loop3A_1151#1 : vector<16xf32> to vector<16xf32>
      tpu.vector_store %arg7[%swap3A_1156], %swap3A_1159 {strides = array<i32>} : memref<2048xf32, #tpu.memory_space<vmem>>, vector<16xf32>,
      %swap3A_1160 = arith.constant 672 : index
      %swap3A_1161 = tpu.vector_load %arg7[%swap3A_1160] {strides = array<i32>} : memref<2048xf32, #tpu.memory_space<vmem>>, vector<16xf32>,
      %swap3A_1162 = vector.shape_cast %swap3A_1161 : vector<16xf32> to vector<16xf32>
      %swap3A_1163 = vector.shape_cast %parallel_loop3A_1151#2 : vector<16xf32> to vector<16xf32>
      tpu.vector_store %arg7[%swap3A_1160], %swap3A_1163 {strides = array<i32>} : memref<2048xf32, #tpu.memory_space<vmem>>, vector<16xf32>,
      %swap3A_1164 = arith.constant 688 : index
      %swap3A_1165 = tpu.vector_load %arg7[%swap3A_1164] {strides = array<i32>} : memref<2048xf32, #tpu.memory_space<vmem>>, vector<16xf32>,
      %swap3A_1166 = vector.shape_cast %swap3A_1165 : vector<16xf32> to vector<16xf32>
      %swap3A_1167 = vector.shape_cast %parallel_loop3A_1151#3 : vector<16xf32> to vector<16xf32>
      tpu.vector_store %arg7[%swap3A_1164], %swap3A_1167 {strides = array<i32>} : memref<2048xf32, #tpu.memory_space<vmem>>, vector<16xf32>,
      %swap3A_1168 = arith.constant 704 : index
      %swap3A_1169 = tpu.vector_load %arg7[%swap3A_1168] {strides = array<i32>} : memref<2048xf32, #tpu.memory_space<vmem>>, vector<16xf32>,
      %swap3A_1170 = vector.shape_cast %swap3A_1169 : vector<16xf32> to vector<16xf32>
      %swap3A_1171 = vector.shape_cast %parallel_loop3A_1151#4 : vector<16xf32> to vector<16xf32>
      tpu.vector_store %arg7[%swap3A_1168], %swap3A_1171 {strides = array<i32>} : memref<2048xf32, #tpu.memory_space<vmem>>, vector<16xf32>,
      %swap3A_1172 = arith.constant 720 : index
      %swap3A_1173 = tpu.vector_load %arg7[%swap3A_1172] {strides = array<i32>} : memref<2048xf32, #tpu.memory_space<vmem>>, vector<16xf32>,
      %swap3A_1174 = vector.shape_cast %swap3A_1173 : vector<16xf32> to vector<16xf32>
      %swap3A_1175 = vector.shape_cast %parallel_loop3A_1151#5 : vector<16xf32> to vector<16xf32>
      tpu.vector_store %arg7[%swap3A_1172], %swap3A_1175 {strides = array<i32>} : memref<2048xf32, #tpu.memory_space<vmem>>, vector<16xf32>,
      %swap3A_1176 = arith.constant 736 : index
      %swap3A_1177 = tpu.vector_load %arg7[%swap3A_1176] {strides = array<i32>} : memref<2048xf32, #tpu.memory_space<vmem>>, vector<16xf32>,
      %swap3A_1178 = vector.shape_cast %swap3A_1177 : vector<16xf32> to vector<16xf32>
      %swap3A_1179 = vector.shape_cast %parallel_loop3A_1151#6 : vector<16xf32> to vector<16xf32>
      tpu.vector_store %arg7[%swap3A_1176], %swap3A_1179 {strides = array<i32>} : memref<2048xf32, #tpu.memory_space<vmem>>, vector<16xf32>,
      %swap3A_1180 = arith.constant 752 : index
      %swap3A_1181 = tpu.vector_load %arg7[%swap3A_1180] {strides = array<i32>} : memref<2048xf32, #tpu.memory_space<vmem>>, vector<16xf32>,
      %swap3A_1182 = vector.shape_cast %swap3A_1181 : vector<16xf32> to vector<16xf32>
      %swap3A_1183 = vector.shape_cast %parallel_loop3A_1151#7 : vector<16xf32> to vector<16xf32>
      tpu.vector_store %arg7[%swap3A_1180], %swap3A_1183 {strides = array<i32>} : memref<2048xf32, #tpu.memory_space<vmem>>, vector<16xf32>,
      %sub3A_1184 = arith.subi %get3A_48, %mul3A_775 : i32
      %jit3A_1185 = arith.constant 0 : i32
      %jit3A_1186 = arith.constant 401 : i32
      %max3A_1187 = arith.maxsi %jit3A_1185, %sub3A_1184 : i32
      %min3A_1188 = arith.minsi %jit3A_1186, %max3A_1187 : i32
      %sub3A_1189 = arith.subi %get3A_51, %mul3A_775 : i32
      %jit3A_1190 = arith.constant 0 : i32
      %jit3A_1191 = arith.constant 401 : i32
      %max3A_1192 = arith.maxsi %jit3A_1190, %sub3A_1189 : i32
      %min3A_1193 = arith.minsi %jit3A_1191, %max3A_1192 : i32
      %get3A_1194 = arith.constant 768 : index
      %get3A_1195 = tpu.vector_load %arg7[%get3A_1194] {strides = array<i32>} : memref<2048xf32, #tpu.memory_space<vmem>>, vector<16xf32>,
      %get3A_1196 = vector.shape_cast %get3A_1195 : vector<16xf32> to vector<16xf32>
      %get3A_1197 = arith.constant 784 : index
      %get3A_1198 = tpu.vector_load %arg7[%get3A_1197] {strides = array<i32>} : memref<2048xf32, #tpu.memory_space<vmem>>, vector<16xf32>,
      %get3A_1199 = vector.shape_cast %get3A_1198 : vector<16xf32> to vector<16xf32>
      %get3A_1200 = arith.constant 800 : index
      %get3A_1201 = tpu.vector_load %arg7[%get3A_1200] {strides = array<i32>} : memref<2048xf32, #tpu.memory_space<vmem>>, vector<16xf32>,
      %get3A_1202 = vector.shape_cast %get3A_1201 : vector<16xf32> to vector<16xf32>
      %get3A_1203 = arith.constant 816 : index
      %get3A_1204 = tpu.vector_load %arg7[%get3A_1203] {strides = array<i32>} : memref<2048xf32, #tpu.memory_space<vmem>>, vector<16xf32>,
      %get3A_1205 = vector.shape_cast %get3A_1204 : vector<16xf32> to vector<16xf32>
      %get3A_1206 = arith.constant 832 : index
      %get3A_1207 = tpu.vector_load %arg7[%get3A_1206] {strides = array<i32>} : memref<2048xf32, #tpu.memory_space<vmem>>, vector<16xf32>,
      %get3A_1208 = vector.shape_cast %get3A_1207 : vector<16xf32> to vector<16xf32>
      %get3A_1209 = arith.constant 848 : index
      %get3A_1210 = tpu.vector_load %arg7[%get3A_1209] {strides = array<i32>} : memref<2048xf32, #tpu.memory_space<vmem>>, vector<16xf32>,
      %get3A_1211 = vector.shape_cast %get3A_1210 : vector<16xf32> to vector<16xf32>
      %get3A_1212 = arith.constant 864 : index
      %get3A_1213 = tpu.vector_load %arg7[%get3A_1212] {strides = array<i32>} : memref<2048xf32, #tpu.memory_space<vmem>>, vector<16xf32>,
      %get3A_1214 = vector.shape_cast %get3A_1213 : vector<16xf32> to vector<16xf32>
      %get3A_1215 = arith.constant 880 : index
      %get3A_1216 = tpu.vector_load %arg7[%get3A_1215] {strides = array<i32>} : memref<2048xf32, #tpu.memory_space<vmem>>, vector<16xf32>,
      %get3A_1217 = vector.shape_cast %get3A_1216 : vector<16xf32> to vector<16xf32>
      %parallel_loop3A_1218 = arith.constant 1 : i32
      %parallel_loop3A_1219:8 = scf.for %parallel_loop3A_1464 = %min3A_1188 to %min3A_1193 step %parallel_loop3A_1218 iter_args(%parallel_loop3A_1465 = %get3A_1196, %parallel_loop3A_1466 = %get3A_1199, %parallel_loop3A_1467 = %get3A_1202, %parallel_loop3A_1468 = %get3A_1205, %parallel_loop3A_1469 = %get3A_1208, %parallel_loop3A_1470 = %get3A_1211, %parallel_loop3A_1471 = %get3A_1214, %parallel_loop3A_1472 = %get3A_1217) -> (vector<16xf32>, vector<16xf32>, vector<16xf32>, vector<16xf32>, vector<16xf32>, vector<16xf32>, vector<16xf32>, vector<16xf32>)  : i32 {
        %parallel_loop3A_1473 = arith.constant 128 : i32
        %parallel_loop3A_1474 = arith.muli %parallel_loop3A_1464, %parallel_loop3A_1473 : i32
        %parallel_loop3A_1475 = arith.constant 0 : i32
        %parallel_loop3A_1476 = arith.addi %parallel_loop3A_1474, %parallel_loop3A_1475 : i32
        %parallel_loop3A_1477 = arith.index_cast %parallel_loop3A_1476 : i32 to index
        %parallel_loop3A_1478 = tpu.vector_load %arg6[%parallel_loop3A_1477] {strides = array<i32>} : memref<51328xf32, #tpu.memory_space<vmem>>, vector<16xf32>,
        %parallel_loop3A_1479 = vector.shape_cast %parallel_loop3A_1478 : vector<16xf32> to vector<16xf32>
        %parallel_loop3A_1480 = arith.maximumf %parallel_loop3A_1465, %parallel_loop3A_1479 : vector<16xf32>
        %parallel_loop3A_1481 = arith.constant 16 : i32
        %parallel_loop3A_1482 = arith.addi %parallel_loop3A_1474, %parallel_loop3A_1481 : i32
        %parallel_loop3A_1483 = arith.index_cast %parallel_loop3A_1482 : i32 to index
        %parallel_loop3A_1484 = tpu.vector_load %arg6[%parallel_loop3A_1483] {strides = array<i32>} : memref<51328xf32, #tpu.memory_space<vmem>>, vector<16xf32>,
        %parallel_loop3A_1485 = vector.shape_cast %parallel_loop3A_1484 : vector<16xf32> to vector<16xf32>
        %parallel_loop3A_1486 = arith.maximumf %parallel_loop3A_1466, %parallel_loop3A_1485 : vector<16xf32>
        %parallel_loop3A_1487 = arith.constant 32 : i32
        %parallel_loop3A_1488 = arith.addi %parallel_loop3A_1474, %parallel_loop3A_1487 : i32
        %parallel_loop3A_1489 = arith.index_cast %parallel_loop3A_1488 : i32 to index
        %parallel_loop3A_1490 = tpu.vector_load %arg6[%parallel_loop3A_1489] {strides = array<i32>} : memref<51328xf32, #tpu.memory_space<vmem>>, vector<16xf32>,
        %parallel_loop3A_1491 = vector.shape_cast %parallel_loop3A_1490 : vector<16xf32> to vector<16xf32>
        %parallel_loop3A_1492 = arith.maximumf %parallel_loop3A_1467, %parallel_loop3A_1491 : vector<16xf32>
        %parallel_loop3A_1493 = arith.constant 48 : i32
        %parallel_loop3A_1494 = arith.addi %parallel_loop3A_1474, %parallel_loop3A_1493 : i32
        %parallel_loop3A_1495 = arith.index_cast %parallel_loop3A_1494 : i32 to index
        %parallel_loop3A_1496 = tpu.vector_load %arg6[%parallel_loop3A_1495] {strides = array<i32>} : memref<51328xf32, #tpu.memory_space<vmem>>, vector<16xf32>,
        %parallel_loop3A_1497 = vector.shape_cast %parallel_loop3A_1496 : vector<16xf32> to vector<16xf32>
        %parallel_loop3A_1498 = arith.maximumf %parallel_loop3A_1468, %parallel_loop3A_1497 : vector<16xf32>
        %parallel_loop3A_1499 = arith.constant 64 : i32
        %parallel_loop3A_1500 = arith.addi %parallel_loop3A_1474, %parallel_loop3A_1499 : i32
        %parallel_loop3A_1501 = arith.index_cast %parallel_loop3A_1500 : i32 to index
        %parallel_loop3A_1502 = tpu.vector_load %arg6[%parallel_loop3A_1501] {strides = array<i32>} : memref<51328xf32, #tpu.memory_space<vmem>>, vector<16xf32>,
        %parallel_loop3A_1503 = vector.shape_cast %parallel_loop3A_1502 : vector<16xf32> to vector<16xf32>
        %parallel_loop3A_1504 = arith.maximumf %parallel_loop3A_1469, %parallel_loop3A_1503 : vector<16xf32>
        %parallel_loop3A_1505 = arith.constant 80 : i32
        %parallel_loop3A_1506 = arith.addi %parallel_loop3A_1474, %parallel_loop3A_1505 : i32
        %parallel_loop3A_1507 = arith.index_cast %parallel_loop3A_1506 : i32 to index
        %parallel_loop3A_1508 = tpu.vector_load %arg6[%parallel_loop3A_1507] {strides = array<i32>} : memref<51328xf32, #tpu.memory_space<vmem>>, vector<16xf32>,
        %parallel_loop3A_1509 = vector.shape_cast %parallel_loop3A_1508 : vector<16xf32> to vector<16xf32>
        %parallel_loop3A_1510 = arith.maximumf %parallel_loop3A_1470, %parallel_loop3A_1509 : vector<16xf32>
        %parallel_loop3A_1511 = arith.constant 96 : i32
        %parallel_loop3A_1512 = arith.addi %parallel_loop3A_1474, %parallel_loop3A_1511 : i32
        %parallel_loop3A_1513 = arith.index_cast %parallel_loop3A_1512 : i32 to index
        %parallel_loop3A_1514 = tpu.vector_load %arg6[%parallel_loop3A_1513] {strides = array<i32>} : memref<51328xf32, #tpu.memory_space<vmem>>, vector<16xf32>,
        %parallel_loop3A_1515 = vector.shape_cast %parallel_loop3A_1514 : vector<16xf32> to vector<16xf32>
        %parallel_loop3A_1516 = arith.maximumf %parallel_loop3A_1471, %parallel_loop3A_1515 : vector<16xf32>
        %parallel_loop3A_1517 = arith.constant 112 : i32
        %parallel_loop3A_1518 = arith.addi %parallel_loop3A_1474, %parallel_loop3A_1517 : i32
        %parallel_loop3A_1519 = arith.index_cast %parallel_loop3A_1518 : i32 to index
        %parallel_loop3A_1520 = tpu.vector_load %arg6[%parallel_loop3A_1519] {strides = array<i32>} : memref<51328xf32, #tpu.memory_space<vmem>>, vector<16xf32>,
        %parallel_loop3A_1521 = vector.shape_cast %parallel_loop3A_1520 : vector<16xf32> to vector<16xf32>
        %parallel_loop3A_1522 = arith.maximumf %parallel_loop3A_1472, %parallel_loop3A_1521 : vector<16xf32>
        scf.yield %parallel_loop3A_1480, %parallel_loop3A_1486, %parallel_loop3A_1492, %parallel_loop3A_1498, %parallel_loop3A_1504, %parallel_loop3A_1510, %parallel_loop3A_1516, %parallel_loop3A_1522 : vector<16xf32>, vector<16xf32>, vector<16xf32>, vector<16xf32>, vector<16xf32>, vector<16xf32>, vector<16xf32>, vector<16xf32>
      } {sc.loop_unroll_factor = 4 : i64, sc.parallel_access}
      %swap3A_1220 = arith.constant 768 : index
      %swap3A_1221 = tpu.vector_load %arg7[%swap3A_1220] {strides = array<i32>} : memref<2048xf32, #tpu.memory_space<vmem>>, vector<16xf32>,
      %swap3A_1222 = vector.shape_cast %swap3A_1221 : vector<16xf32> to vector<16xf32>
      %swap3A_1223 = vector.shape_cast %parallel_loop3A_1219#0 : vector<16xf32> to vector<16xf32>
      tpu.vector_store %arg7[%swap3A_1220], %swap3A_1223 {strides = array<i32>} : memref<2048xf32, #tpu.memory_space<vmem>>, vector<16xf32>,
      %swap3A_1224 = arith.constant 784 : index
      %swap3A_1225 = tpu.vector_load %arg7[%swap3A_1224] {strides = array<i32>} : memref<2048xf32, #tpu.memory_space<vmem>>, vector<16xf32>,
      %swap3A_1226 = vector.shape_cast %swap3A_1225 : vector<16xf32> to vector<16xf32>
      %swap3A_1227 = vector.shape_cast %parallel_loop3A_1219#1 : vector<16xf32> to vector<16xf32>
      tpu.vector_store %arg7[%swap3A_1224], %swap3A_1227 {strides = array<i32>} : memref<2048xf32, #tpu.memory_space<vmem>>, vector<16xf32>,
      %swap3A_1228 = arith.constant 800 : index
      %swap3A_1229 = tpu.vector_load %arg7[%swap3A_1228] {strides = array<i32>} : memref<2048xf32, #tpu.memory_space<vmem>>, vector<16xf32>,
      %swap3A_1230 = vector.shape_cast %swap3A_1229 : vector<16xf32> to vector<16xf32>
      %swap3A_1231 = vector.shape_cast %parallel_loop3A_1219#2 : vector<16xf32> to vector<16xf32>
      tpu.vector_store %arg7[%swap3A_1228], %swap3A_1231 {strides = array<i32>} : memref<2048xf32, #tpu.memory_space<vmem>>, vector<16xf32>,
      %swap3A_1232 = arith.constant 816 : index
      %swap3A_1233 = tpu.vector_load %arg7[%swap3A_1232] {strides = array<i32>} : memref<2048xf32, #tpu.memory_space<vmem>>, vector<16xf32>,
      %swap3A_1234 = vector.shape_cast %swap3A_1233 : vector<16xf32> to vector<16xf32>
      %swap3A_1235 = vector.shape_cast %parallel_loop3A_1219#3 : vector<16xf32> to vector<16xf32>
      tpu.vector_store %arg7[%swap3A_1232], %swap3A_1235 {strides = array<i32>} : memref<2048xf32, #tpu.memory_space<vmem>>, vector<16xf32>,
      %swap3A_1236 = arith.constant 832 : index
      %swap3A_1237 = tpu.vector_load %arg7[%swap3A_1236] {strides = array<i32>} : memref<2048xf32, #tpu.memory_space<vmem>>, vector<16xf32>,
      %swap3A_1238 = vector.shape_cast %swap3A_1237 : vector<16xf32> to vector<16xf32>
      %swap3A_1239 = vector.shape_cast %parallel_loop3A_1219#4 : vector<16xf32> to vector<16xf32>
      tpu.vector_store %arg7[%swap3A_1236], %swap3A_1239 {strides = array<i32>} : memref<2048xf32, #tpu.memory_space<vmem>>, vector<16xf32>,
      %swap3A_1240 = arith.constant 848 : index
      %swap3A_1241 = tpu.vector_load %arg7[%swap3A_1240] {strides = array<i32>} : memref<2048xf32, #tpu.memory_space<vmem>>, vector<16xf32>,
      %swap3A_1242 = vector.shape_cast %swap3A_1241 : vector<16xf32> to vector<16xf32>
      %swap3A_1243 = vector.shape_cast %parallel_loop3A_1219#5 : vector<16xf32> to vector<16xf32>
      tpu.vector_store %arg7[%swap3A_1240], %swap3A_1243 {strides = array<i32>} : memref<2048xf32, #tpu.memory_space<vmem>>, vector<16xf32>,
      %swap3A_1244 = arith.constant 864 : index
      %swap3A_1245 = tpu.vector_load %arg7[%swap3A_1244] {strides = array<i32>} : memref<2048xf32, #tpu.memory_space<vmem>>, vector<16xf32>,
      %swap3A_1246 = vector.shape_cast %swap3A_1245 : vector<16xf32> to vector<16xf32>
      %swap3A_1247 = vector.shape_cast %parallel_loop3A_1219#6 : vector<16xf32> to vector<16xf32>
      tpu.vector_store %arg7[%swap3A_1244], %swap3A_1247 {strides = array<i32>} : memref<2048xf32, #tpu.memory_space<vmem>>, vector<16xf32>,
      %swap3A_1248 = arith.constant 880 : index
      %swap3A_1249 = tpu.vector_load %arg7[%swap3A_1248] {strides = array<i32>} : memref<2048xf32, #tpu.memory_space<vmem>>, vector<16xf32>,
      %swap3A_1250 = vector.shape_cast %swap3A_1249 : vector<16xf32> to vector<16xf32>
      %swap3A_1251 = vector.shape_cast %parallel_loop3A_1219#7 : vector<16xf32> to vector<16xf32>
      tpu.vector_store %arg7[%swap3A_1248], %swap3A_1251 {strides = array<i32>} : memref<2048xf32, #tpu.memory_space<vmem>>, vector<16xf32>,
      %sub3A_1252 = arith.subi %get3A_51, %mul3A_775 : i32
      %jit3A_1253 = arith.constant 0 : i32
      %jit3A_1254 = arith.constant 401 : i32
      %max3A_1255 = arith.maxsi %jit3A_1253, %sub3A_1252 : i32
      %min3A_1256 = arith.minsi %jit3A_1254, %max3A_1255 : i32
      %sub3A_1257 = arith.subi %get3A_54, %mul3A_775 : i32
      %jit3A_1258 = arith.constant 0 : i32
      %jit3A_1259 = arith.constant 401 : i32
      %max3A_1260 = arith.maxsi %jit3A_1258, %sub3A_1257 : i32
      %min3A_1261 = arith.minsi %jit3A_1259, %max3A_1260 : i32
      %get3A_1262 = arith.constant 896 : index
      %get3A_1263 = tpu.vector_load %arg7[%get3A_1262] {strides = array<i32>} : memref<2048xf32, #tpu.memory_space<vmem>>, vector<16xf32>,
      %get3A_1264 = vector.shape_cast %get3A_1263 : vector<16xf32> to vector<16xf32>
      %get3A_1265 = arith.constant 912 : index
      %get3A_1266 = tpu.vector_load %arg7[%get3A_1265] {strides = array<i32>} : memref<2048xf32, #tpu.memory_space<vmem>>, vector<16xf32>,
      %get3A_1267 = vector.shape_cast %get3A_1266 : vector<16xf32> to vector<16xf32>
      %get3A_1268 = arith.constant 928 : index
      %get3A_1269 = tpu.vector_load %arg7[%get3A_1268] {strides = array<i32>} : memref<2048xf32, #tpu.memory_space<vmem>>, vector<16xf32>,
      %get3A_1270 = vector.shape_cast %get3A_1269 : vector<16xf32> to vector<16xf32>
      %get3A_1271 = arith.constant 944 : index
      %get3A_1272 = tpu.vector_load %arg7[%get3A_1271] {strides = array<i32>} : memref<2048xf32, #tpu.memory_space<vmem>>, vector<16xf32>,
      %get3A_1273 = vector.shape_cast %get3A_1272 : vector<16xf32> to vector<16xf32>
      %get3A_1274 = arith.constant 960 : index
      %get3A_1275 = tpu.vector_load %arg7[%get3A_1274] {strides = array<i32>} : memref<2048xf32, #tpu.memory_space<vmem>>, vector<16xf32>,
      %get3A_1276 = vector.shape_cast %get3A_1275 : vector<16xf32> to vector<16xf32>
      %get3A_1277 = arith.constant 976 : index
      %get3A_1278 = tpu.vector_load %arg7[%get3A_1277] {strides = array<i32>} : memref<2048xf32, #tpu.memory_space<vmem>>, vector<16xf32>,
      %get3A_1279 = vector.shape_cast %get3A_1278 : vector<16xf32> to vector<16xf32>
      %get3A_1280 = arith.constant 992 : index
      %get3A_1281 = tpu.vector_load %arg7[%get3A_1280] {strides = array<i32>} : memref<2048xf32, #tpu.memory_space<vmem>>, vector<16xf32>,
      %get3A_1282 = vector.shape_cast %get3A_1281 : vector<16xf32> to vector<16xf32>
      %get3A_1283 = arith.constant 1008 : index
      %get3A_1284 = tpu.vector_load %arg7[%get3A_1283] {strides = array<i32>} : memref<2048xf32, #tpu.memory_space<vmem>>, vector<16xf32>,
      %get3A_1285 = vector.shape_cast %get3A_1284 : vector<16xf32> to vector<16xf32>
      %parallel_loop3A_1286 = arith.constant 1 : i32
      %parallel_loop3A_1287:8 = scf.for %parallel_loop3A_1464 = %min3A_1256 to %min3A_1261 step %parallel_loop3A_1286 iter_args(%parallel_loop3A_1465 = %get3A_1264, %parallel_loop3A_1466 = %get3A_1267, %parallel_loop3A_1467 = %get3A_1270, %parallel_loop3A_1468 = %get3A_1273, %parallel_loop3A_1469 = %get3A_1276, %parallel_loop3A_1470 = %get3A_1279, %parallel_loop3A_1471 = %get3A_1282, %parallel_loop3A_1472 = %get3A_1285) -> (vector<16xf32>, vector<16xf32>, vector<16xf32>, vector<16xf32>, vector<16xf32>, vector<16xf32>, vector<16xf32>, vector<16xf32>)  : i32 {
        %parallel_loop3A_1473 = arith.constant 128 : i32
        %parallel_loop3A_1474 = arith.muli %parallel_loop3A_1464, %parallel_loop3A_1473 : i32
        %parallel_loop3A_1475 = arith.constant 0 : i32
        %parallel_loop3A_1476 = arith.addi %parallel_loop3A_1474, %parallel_loop3A_1475 : i32
        %parallel_loop3A_1477 = arith.index_cast %parallel_loop3A_1476 : i32 to index
        %parallel_loop3A_1478 = tpu.vector_load %arg6[%parallel_loop3A_1477] {strides = array<i32>} : memref<51328xf32, #tpu.memory_space<vmem>>, vector<16xf32>,
        %parallel_loop3A_1479 = vector.shape_cast %parallel_loop3A_1478 : vector<16xf32> to vector<16xf32>
        %parallel_loop3A_1480 = arith.maximumf %parallel_loop3A_1465, %parallel_loop3A_1479 : vector<16xf32>
        %parallel_loop3A_1481 = arith.constant 16 : i32
        %parallel_loop3A_1482 = arith.addi %parallel_loop3A_1474, %parallel_loop3A_1481 : i32
        %parallel_loop3A_1483 = arith.index_cast %parallel_loop3A_1482 : i32 to index
        %parallel_loop3A_1484 = tpu.vector_load %arg6[%parallel_loop3A_1483] {strides = array<i32>} : memref<51328xf32, #tpu.memory_space<vmem>>, vector<16xf32>,
        %parallel_loop3A_1485 = vector.shape_cast %parallel_loop3A_1484 : vector<16xf32> to vector<16xf32>
        %parallel_loop3A_1486 = arith.maximumf %parallel_loop3A_1466, %parallel_loop3A_1485 : vector<16xf32>
        %parallel_loop3A_1487 = arith.constant 32 : i32
        %parallel_loop3A_1488 = arith.addi %parallel_loop3A_1474, %parallel_loop3A_1487 : i32
        %parallel_loop3A_1489 = arith.index_cast %parallel_loop3A_1488 : i32 to index
        %parallel_loop3A_1490 = tpu.vector_load %arg6[%parallel_loop3A_1489] {strides = array<i32>} : memref<51328xf32, #tpu.memory_space<vmem>>, vector<16xf32>,
        %parallel_loop3A_1491 = vector.shape_cast %parallel_loop3A_1490 : vector<16xf32> to vector<16xf32>
        %parallel_loop3A_1492 = arith.maximumf %parallel_loop3A_1467, %parallel_loop3A_1491 : vector<16xf32>
        %parallel_loop3A_1493 = arith.constant 48 : i32
        %parallel_loop3A_1494 = arith.addi %parallel_loop3A_1474, %parallel_loop3A_1493 : i32
        %parallel_loop3A_1495 = arith.index_cast %parallel_loop3A_1494 : i32 to index
        %parallel_loop3A_1496 = tpu.vector_load %arg6[%parallel_loop3A_1495] {strides = array<i32>} : memref<51328xf32, #tpu.memory_space<vmem>>, vector<16xf32>,
        %parallel_loop3A_1497 = vector.shape_cast %parallel_loop3A_1496 : vector<16xf32> to vector<16xf32>
        %parallel_loop3A_1498 = arith.maximumf %parallel_loop3A_1468, %parallel_loop3A_1497 : vector<16xf32>
        %parallel_loop3A_1499 = arith.constant 64 : i32
        %parallel_loop3A_1500 = arith.addi %parallel_loop3A_1474, %parallel_loop3A_1499 : i32
        %parallel_loop3A_1501 = arith.index_cast %parallel_loop3A_1500 : i32 to index
        %parallel_loop3A_1502 = tpu.vector_load %arg6[%parallel_loop3A_1501] {strides = array<i32>} : memref<51328xf32, #tpu.memory_space<vmem>>, vector<16xf32>,
        %parallel_loop3A_1503 = vector.shape_cast %parallel_loop3A_1502 : vector<16xf32> to vector<16xf32>
        %parallel_loop3A_1504 = arith.maximumf %parallel_loop3A_1469, %parallel_loop3A_1503 : vector<16xf32>
        %parallel_loop3A_1505 = arith.constant 80 : i32
        %parallel_loop3A_1506 = arith.addi %parallel_loop3A_1474, %parallel_loop3A_1505 : i32
        %parallel_loop3A_1507 = arith.index_cast %parallel_loop3A_1506 : i32 to index
        %parallel_loop3A_1508 = tpu.vector_load %arg6[%parallel_loop3A_1507] {strides = array<i32>} : memref<51328xf32, #tpu.memory_space<vmem>>, vector<16xf32>,
        %parallel_loop3A_1509 = vector.shape_cast %parallel_loop3A_1508 : vector<16xf32> to vector<16xf32>
        %parallel_loop3A_1510 = arith.maximumf %parallel_loop3A_1470, %parallel_loop3A_1509 : vector<16xf32>
        %parallel_loop3A_1511 = arith.constant 96 : i32
        %parallel_loop3A_1512 = arith.addi %parallel_loop3A_1474, %parallel_loop3A_1511 : i32
        %parallel_loop3A_1513 = arith.index_cast %parallel_loop3A_1512 : i32 to index
        %parallel_loop3A_1514 = tpu.vector_load %arg6[%parallel_loop3A_1513] {strides = array<i32>} : memref<51328xf32, #tpu.memory_space<vmem>>, vector<16xf32>,
        %parallel_loop3A_1515 = vector.shape_cast %parallel_loop3A_1514 : vector<16xf32> to vector<16xf32>
        %parallel_loop3A_1516 = arith.maximumf %parallel_loop3A_1471, %parallel_loop3A_1515 : vector<16xf32>
        %parallel_loop3A_1517 = arith.constant 112 : i32
        %parallel_loop3A_1518 = arith.addi %parallel_loop3A_1474, %parallel_loop3A_1517 : i32
        %parallel_loop3A_1519 = arith.index_cast %parallel_loop3A_1518 : i32 to index
        %parallel_loop3A_1520 = tpu.vector_load %arg6[%parallel_loop3A_1519] {strides = array<i32>} : memref<51328xf32, #tpu.memory_space<vmem>>, vector<16xf32>,
        %parallel_loop3A_1521 = vector.shape_cast %parallel_loop3A_1520 : vector<16xf32> to vector<16xf32>
        %parallel_loop3A_1522 = arith.maximumf %parallel_loop3A_1472, %parallel_loop3A_1521 : vector<16xf32>
        scf.yield %parallel_loop3A_1480, %parallel_loop3A_1486, %parallel_loop3A_1492, %parallel_loop3A_1498, %parallel_loop3A_1504, %parallel_loop3A_1510, %parallel_loop3A_1516, %parallel_loop3A_1522 : vector<16xf32>, vector<16xf32>, vector<16xf32>, vector<16xf32>, vector<16xf32>, vector<16xf32>, vector<16xf32>, vector<16xf32>
      } {sc.loop_unroll_factor = 4 : i64, sc.parallel_access}
      %swap3A_1288 = arith.constant 896 : index
      %swap3A_1289 = tpu.vector_load %arg7[%swap3A_1288] {strides = array<i32>} : memref<2048xf32, #tpu.memory_space<vmem>>, vector<16xf32>,
      %swap3A_1290 = vector.shape_cast %swap3A_1289 : vector<16xf32> to vector<16xf32>
      %swap3A_1291 = vector.shape_cast %parallel_loop3A_1287#0 : vector<16xf32> to vector<16xf32>
      tpu.vector_store %arg7[%swap3A_1288], %swap3A_1291 {strides = array<i32>} : memref<2048xf32, #tpu.memory_space<vmem>>, vector<16xf32>,
      %swap3A_1292 = arith.constant 912 : index
      %swap3A_1293 = tpu.vector_load %arg7[%swap3A_1292] {strides = array<i32>} : memref<2048xf32, #tpu.memory_space<vmem>>, vector<16xf32>,
      %swap3A_1294 = vector.shape_cast %swap3A_1293 : vector<16xf32> to vector<16xf32>
      %swap3A_1295 = vector.shape_cast %parallel_loop3A_1287#1 : vector<16xf32> to vector<16xf32>
      tpu.vector_store %arg7[%swap3A_1292], %swap3A_1295 {strides = array<i32>} : memref<2048xf32, #tpu.memory_space<vmem>>, vector<16xf32>,
      %swap3A_1296 = arith.constant 928 : index
      %swap3A_1297 = tpu.vector_load %arg7[%swap3A_1296] {strides = array<i32>} : memref<2048xf32, #tpu.memory_space<vmem>>, vector<16xf32>,
      %swap3A_1298 = vector.shape_cast %swap3A_1297 : vector<16xf32> to vector<16xf32>
      %swap3A_1299 = vector.shape_cast %parallel_loop3A_1287#2 : vector<16xf32> to vector<16xf32>
      tpu.vector_store %arg7[%swap3A_1296], %swap3A_1299 {strides = array<i32>} : memref<2048xf32, #tpu.memory_space<vmem>>, vector<16xf32>,
      %swap3A_1300 = arith.constant 944 : index
      %swap3A_1301 = tpu.vector_load %arg7[%swap3A_1300] {strides = array<i32>} : memref<2048xf32, #tpu.memory_space<vmem>>, vector<16xf32>,
      %swap3A_1302 = vector.shape_cast %swap3A_1301 : vector<16xf32> to vector<16xf32>
      %swap3A_1303 = vector.shape_cast %parallel_loop3A_1287#3 : vector<16xf32> to vector<16xf32>
      tpu.vector_store %arg7[%swap3A_1300], %swap3A_1303 {strides = array<i32>} : memref<2048xf32, #tpu.memory_space<vmem>>, vector<16xf32>,
      %swap3A_1304 = arith.constant 960 : index
      %swap3A_1305 = tpu.vector_load %arg7[%swap3A_1304] {strides = array<i32>} : memref<2048xf32, #tpu.memory_space<vmem>>, vector<16xf32>,
      %swap3A_1306 = vector.shape_cast %swap3A_1305 : vector<16xf32> to vector<16xf32>
      %swap3A_1307 = vector.shape_cast %parallel_loop3A_1287#4 : vector<16xf32> to vector<16xf32>
      tpu.vector_store %arg7[%swap3A_1304], %swap3A_1307 {strides = array<i32>} : memref<2048xf32, #tpu.memory_space<vmem>>, vector<16xf32>,
      %swap3A_1308 = arith.constant 976 : index
      %swap3A_1309 = tpu.vector_load %arg7[%swap3A_1308] {strides = array<i32>} : memref<2048xf32, #tpu.memory_space<vmem>>, vector<16xf32>,
      %swap3A_1310 = vector.shape_cast %swap3A_1309 : vector<16xf32> to vector<16xf32>
      %swap3A_1311 = vector.shape_cast %parallel_loop3A_1287#5 : vector<16xf32> to vector<16xf32>
      tpu.vector_store %arg7[%swap3A_1308], %swap3A_1311 {strides = array<i32>} : memref<2048xf32, #tpu.memory_space<vmem>>, vector<16xf32>,
      %swap3A_1312 = arith.constant 992 : index
      %swap3A_1313 = tpu.vector_load %arg7[%swap3A_1312] {strides = array<i32>} : memref<2048xf32, #tpu.memory_space<vmem>>, vector<16xf32>,
      %swap3A_1314 = vector.shape_cast %swap3A_1313 : vector<16xf32> to vector<16xf32>
      %swap3A_1315 = vector.shape_cast %parallel_loop3A_1287#6 : vector<16xf32> to vector<16xf32>
      tpu.vector_store %arg7[%swap3A_1312], %swap3A_1315 {strides = array<i32>} : memref<2048xf32, #tpu.memory_space<vmem>>, vector<16xf32>,
      %swap3A_1316 = arith.constant 1008 : index
      %swap3A_1317 = tpu.vector_load %arg7[%swap3A_1316] {strides = array<i32>} : memref<2048xf32, #tpu.memory_space<vmem>>, vector<16xf32>,
      %swap3A_1318 = vector.shape_cast %swap3A_1317 : vector<16xf32> to vector<16xf32>
      %swap3A_1319 = vector.shape_cast %parallel_loop3A_1287#7 : vector<16xf32> to vector<16xf32>
      tpu.vector_store %arg7[%swap3A_1316], %swap3A_1319 {strides = array<i32>} : memref<2048xf32, #tpu.memory_space<vmem>>, vector<16xf32>,
      %sub3A_1320 = arith.subi %get3A_54, %mul3A_775 : i32
      %jit3A_1321 = arith.constant 0 : i32
      %jit3A_1322 = arith.constant 401 : i32
      %max3A_1323 = arith.maxsi %jit3A_1321, %sub3A_1320 : i32
      %min3A_1324 = arith.minsi %jit3A_1322, %max3A_1323 : i32
      %sub3A_1325 = arith.subi %get3A_57, %mul3A_775 : i32
      %jit3A_1326 = arith.constant 0 : i32
      %jit3A_1327 = arith.constant 401 : i32
      %max3A_1328 = arith.maxsi %jit3A_1326, %sub3A_1325 : i32
      %min3A_1329 = arith.minsi %jit3A_1327, %max3A_1328 : i32
      %get3A_1330 = arith.constant 1024 : index
      %get3A_1331 = tpu.vector_load %arg7[%get3A_1330] {strides = array<i32>} : memref<2048xf32, #tpu.memory_space<vmem>>, vector<16xf32>,
      %get3A_1332 = vector.shape_cast %get3A_1331 : vector<16xf32> to vector<16xf32>
      %get3A_1333 = arith.constant 1040 : index
      %get3A_1334 = tpu.vector_load %arg7[%get3A_1333] {strides = array<i32>} : memref<2048xf32, #tpu.memory_space<vmem>>, vector<16xf32>,
      %get3A_1335 = vector.shape_cast %get3A_1334 : vector<16xf32> to vector<16xf32>
      %get3A_1336 = arith.constant 1056 : index
      %get3A_1337 = tpu.vector_load %arg7[%get3A_1336] {strides = array<i32>} : memref<2048xf32, #tpu.memory_space<vmem>>, vector<16xf32>,
      %get3A_1338 = vector.shape_cast %get3A_1337 : vector<16xf32> to vector<16xf32>
      %get3A_1339 = arith.constant 1072 : index
      %get3A_1340 = tpu.vector_load %arg7[%get3A_1339] {strides = array<i32>} : memref<2048xf32, #tpu.memory_space<vmem>>, vector<16xf32>,
      %get3A_1341 = vector.shape_cast %get3A_1340 : vector<16xf32> to vector<16xf32>
      %get3A_1342 = arith.constant 1088 : index
      %get3A_1343 = tpu.vector_load %arg7[%get3A_1342] {strides = array<i32>} : memref<2048xf32, #tpu.memory_space<vmem>>, vector<16xf32>,
      %get3A_1344 = vector.shape_cast %get3A_1343 : vector<16xf32> to vector<16xf32>
      %get3A_1345 = arith.constant 1104 : index
      %get3A_1346 = tpu.vector_load %arg7[%get3A_1345] {strides = array<i32>} : memref<2048xf32, #tpu.memory_space<vmem>>, vector<16xf32>,
      %get3A_1347 = vector.shape_cast %get3A_1346 : vector<16xf32> to vector<16xf32>
      %get3A_1348 = arith.constant 1120 : index
      %get3A_1349 = tpu.vector_load %arg7[%get3A_1348] {strides = array<i32>} : memref<2048xf32, #tpu.memory_space<vmem>>, vector<16xf32>,
      %get3A_1350 = vector.shape_cast %get3A_1349 : vector<16xf32> to vector<16xf32>
      %get3A_1351 = arith.constant 1136 : index
      %get3A_1352 = tpu.vector_load %arg7[%get3A_1351] {strides = array<i32>} : memref<2048xf32, #tpu.memory_space<vmem>>, vector<16xf32>,
      %get3A_1353 = vector.shape_cast %get3A_1352 : vector<16xf32> to vector<16xf32>
      %parallel_loop3A_1354 = arith.constant 1 : i32
      %parallel_loop3A_1355:8 = scf.for %parallel_loop3A_1464 = %min3A_1324 to %min3A_1329 step %parallel_loop3A_1354 iter_args(%parallel_loop3A_1465 = %get3A_1332, %parallel_loop3A_1466 = %get3A_1335, %parallel_loop3A_1467 = %get3A_1338, %parallel_loop3A_1468 = %get3A_1341, %parallel_loop3A_1469 = %get3A_1344, %parallel_loop3A_1470 = %get3A_1347, %parallel_loop3A_1471 = %get3A_1350, %parallel_loop3A_1472 = %get3A_1353) -> (vector<16xf32>, vector<16xf32>, vector<16xf32>, vector<16xf32>, vector<16xf32>, vector<16xf32>, vector<16xf32>, vector<16xf32>)  : i32 {
        %parallel_loop3A_1473 = arith.constant 128 : i32
        %parallel_loop3A_1474 = arith.muli %parallel_loop3A_1464, %parallel_loop3A_1473 : i32
        %parallel_loop3A_1475 = arith.constant 0 : i32
        %parallel_loop3A_1476 = arith.addi %parallel_loop3A_1474, %parallel_loop3A_1475 : i32
        %parallel_loop3A_1477 = arith.index_cast %parallel_loop3A_1476 : i32 to index
        %parallel_loop3A_1478 = tpu.vector_load %arg6[%parallel_loop3A_1477] {strides = array<i32>} : memref<51328xf32, #tpu.memory_space<vmem>>, vector<16xf32>,
        %parallel_loop3A_1479 = vector.shape_cast %parallel_loop3A_1478 : vector<16xf32> to vector<16xf32>
        %parallel_loop3A_1480 = arith.maximumf %parallel_loop3A_1465, %parallel_loop3A_1479 : vector<16xf32>
        %parallel_loop3A_1481 = arith.constant 16 : i32
        %parallel_loop3A_1482 = arith.addi %parallel_loop3A_1474, %parallel_loop3A_1481 : i32
        %parallel_loop3A_1483 = arith.index_cast %parallel_loop3A_1482 : i32 to index
        %parallel_loop3A_1484 = tpu.vector_load %arg6[%parallel_loop3A_1483] {strides = array<i32>} : memref<51328xf32, #tpu.memory_space<vmem>>, vector<16xf32>,
        %parallel_loop3A_1485 = vector.shape_cast %parallel_loop3A_1484 : vector<16xf32> to vector<16xf32>
        %parallel_loop3A_1486 = arith.maximumf %parallel_loop3A_1466, %parallel_loop3A_1485 : vector<16xf32>
        %parallel_loop3A_1487 = arith.constant 32 : i32
        %parallel_loop3A_1488 = arith.addi %parallel_loop3A_1474, %parallel_loop3A_1487 : i32
        %parallel_loop3A_1489 = arith.index_cast %parallel_loop3A_1488 : i32 to index
        %parallel_loop3A_1490 = tpu.vector_load %arg6[%parallel_loop3A_1489] {strides = array<i32>} : memref<51328xf32, #tpu.memory_space<vmem>>, vector<16xf32>,
        %parallel_loop3A_1491 = vector.shape_cast %parallel_loop3A_1490 : vector<16xf32> to vector<16xf32>
        %parallel_loop3A_1492 = arith.maximumf %parallel_loop3A_1467, %parallel_loop3A_1491 : vector<16xf32>
        %parallel_loop3A_1493 = arith.constant 48 : i32
        %parallel_loop3A_1494 = arith.addi %parallel_loop3A_1474, %parallel_loop3A_1493 : i32
        %parallel_loop3A_1495 = arith.index_cast %parallel_loop3A_1494 : i32 to index
        %parallel_loop3A_1496 = tpu.vector_load %arg6[%parallel_loop3A_1495] {strides = array<i32>} : memref<51328xf32, #tpu.memory_space<vmem>>, vector<16xf32>,
        %parallel_loop3A_1497 = vector.shape_cast %parallel_loop3A_1496 : vector<16xf32> to vector<16xf32>
        %parallel_loop3A_1498 = arith.maximumf %parallel_loop3A_1468, %parallel_loop3A_1497 : vector<16xf32>
        %parallel_loop3A_1499 = arith.constant 64 : i32
        %parallel_loop3A_1500 = arith.addi %parallel_loop3A_1474, %parallel_loop3A_1499 : i32
        %parallel_loop3A_1501 = arith.index_cast %parallel_loop3A_1500 : i32 to index
        %parallel_loop3A_1502 = tpu.vector_load %arg6[%parallel_loop3A_1501] {strides = array<i32>} : memref<51328xf32, #tpu.memory_space<vmem>>, vector<16xf32>,
        %parallel_loop3A_1503 = vector.shape_cast %parallel_loop3A_1502 : vector<16xf32> to vector<16xf32>
        %parallel_loop3A_1504 = arith.maximumf %parallel_loop3A_1469, %parallel_loop3A_1503 : vector<16xf32>
        %parallel_loop3A_1505 = arith.constant 80 : i32
        %parallel_loop3A_1506 = arith.addi %parallel_loop3A_1474, %parallel_loop3A_1505 : i32
        %parallel_loop3A_1507 = arith.index_cast %parallel_loop3A_1506 : i32 to index
        %parallel_loop3A_1508 = tpu.vector_load %arg6[%parallel_loop3A_1507] {strides = array<i32>} : memref<51328xf32, #tpu.memory_space<vmem>>, vector<16xf32>,
        %parallel_loop3A_1509 = vector.shape_cast %parallel_loop3A_1508 : vector<16xf32> to vector<16xf32>
        %parallel_loop3A_1510 = arith.maximumf %parallel_loop3A_1470, %parallel_loop3A_1509 : vector<16xf32>
        %parallel_loop3A_1511 = arith.constant 96 : i32
        %parallel_loop3A_1512 = arith.addi %parallel_loop3A_1474, %parallel_loop3A_1511 : i32
        %parallel_loop3A_1513 = arith.index_cast %parallel_loop3A_1512 : i32 to index
        %parallel_loop3A_1514 = tpu.vector_load %arg6[%parallel_loop3A_1513] {strides = array<i32>} : memref<51328xf32, #tpu.memory_space<vmem>>, vector<16xf32>,
        %parallel_loop3A_1515 = vector.shape_cast %parallel_loop3A_1514 : vector<16xf32> to vector<16xf32>
        %parallel_loop3A_1516 = arith.maximumf %parallel_loop3A_1471, %parallel_loop3A_1515 : vector<16xf32>
        %parallel_loop3A_1517 = arith.constant 112 : i32
        %parallel_loop3A_1518 = arith.addi %parallel_loop3A_1474, %parallel_loop3A_1517 : i32
        %parallel_loop3A_1519 = arith.index_cast %parallel_loop3A_1518 : i32 to index
        %parallel_loop3A_1520 = tpu.vector_load %arg6[%parallel_loop3A_1519] {strides = array<i32>} : memref<51328xf32, #tpu.memory_space<vmem>>, vector<16xf32>,
        %parallel_loop3A_1521 = vector.shape_cast %parallel_loop3A_1520 : vector<16xf32> to vector<16xf32>
        %parallel_loop3A_1522 = arith.maximumf %parallel_loop3A_1472, %parallel_loop3A_1521 : vector<16xf32>
        scf.yield %parallel_loop3A_1480, %parallel_loop3A_1486, %parallel_loop3A_1492, %parallel_loop3A_1498, %parallel_loop3A_1504, %parallel_loop3A_1510, %parallel_loop3A_1516, %parallel_loop3A_1522 : vector<16xf32>, vector<16xf32>, vector<16xf32>, vector<16xf32>, vector<16xf32>, vector<16xf32>, vector<16xf32>, vector<16xf32>
      } {sc.loop_unroll_factor = 4 : i64, sc.parallel_access}
      %swap3A_1356 = arith.constant 1024 : index
      %swap3A_1357 = tpu.vector_load %arg7[%swap3A_1356] {strides = array<i32>} : memref<2048xf32, #tpu.memory_space<vmem>>, vector<16xf32>,
      %swap3A_1358 = vector.shape_cast %swap3A_1357 : vector<16xf32> to vector<16xf32>
      %swap3A_1359 = vector.shape_cast %parallel_loop3A_1355#0 : vector<16xf32> to vector<16xf32>
      tpu.vector_store %arg7[%swap3A_1356], %swap3A_1359 {strides = array<i32>} : memref<2048xf32, #tpu.memory_space<vmem>>, vector<16xf32>,
      %swap3A_1360 = arith.constant 1040 : index
      %swap3A_1361 = tpu.vector_load %arg7[%swap3A_1360] {strides = array<i32>} : memref<2048xf32, #tpu.memory_space<vmem>>, vector<16xf32>,
      %swap3A_1362 = vector.shape_cast %swap3A_1361 : vector<16xf32> to vector<16xf32>
      %swap3A_1363 = vector.shape_cast %parallel_loop3A_1355#1 : vector<16xf32> to vector<16xf32>
      tpu.vector_store %arg7[%swap3A_1360], %swap3A_1363 {strides = array<i32>} : memref<2048xf32, #tpu.memory_space<vmem>>, vector<16xf32>,
      %swap3A_1364 = arith.constant 1056 : index
      %swap3A_1365 = tpu.vector_load %arg7[%swap3A_1364] {strides = array<i32>} : memref<2048xf32, #tpu.memory_space<vmem>>, vector<16xf32>,
      %swap3A_1366 = vector.shape_cast %swap3A_1365 : vector<16xf32> to vector<16xf32>
      %swap3A_1367 = vector.shape_cast %parallel_loop3A_1355#2 : vector<16xf32> to vector<16xf32>
      tpu.vector_store %arg7[%swap3A_1364], %swap3A_1367 {strides = array<i32>} : memref<2048xf32, #tpu.memory_space<vmem>>, vector<16xf32>,
      %swap3A_1368 = arith.constant 1072 : index
      %swap3A_1369 = tpu.vector_load %arg7[%swap3A_1368] {strides = array<i32>} : memref<2048xf32, #tpu.memory_space<vmem>>, vector<16xf32>,
      %swap3A_1370 = vector.shape_cast %swap3A_1369 : vector<16xf32> to vector<16xf32>
      %swap3A_1371 = vector.shape_cast %parallel_loop3A_1355#3 : vector<16xf32> to vector<16xf32>
      tpu.vector_store %arg7[%swap3A_1368], %swap3A_1371 {strides = array<i32>} : memref<2048xf32, #tpu.memory_space<vmem>>, vector<16xf32>,
      %swap3A_1372 = arith.constant 1088 : index
      %swap3A_1373 = tpu.vector_load %arg7[%swap3A_1372] {strides = array<i32>} : memref<2048xf32, #tpu.memory_space<vmem>>, vector<16xf32>,
      %swap3A_1374 = vector.shape_cast %swap3A_1373 : vector<16xf32> to vector<16xf32>
      %swap3A_1375 = vector.shape_cast %parallel_loop3A_1355#4 : vector<16xf32> to vector<16xf32>
      tpu.vector_store %arg7[%swap3A_1372], %swap3A_1375 {strides = array<i32>} : memref<2048xf32, #tpu.memory_space<vmem>>, vector<16xf32>,
      %swap3A_1376 = arith.constant 1104 : index
      %swap3A_1377 = tpu.vector_load %arg7[%swap3A_1376] {strides = array<i32>} : memref<2048xf32, #tpu.memory_space<vmem>>, vector<16xf32>,
      %swap3A_1378 = vector.shape_cast %swap3A_1377 : vector<16xf32> to vector<16xf32>
      %swap3A_1379 = vector.shape_cast %parallel_loop3A_1355#5 : vector<16xf32> to vector<16xf32>
      tpu.vector_store %arg7[%swap3A_1376], %swap3A_1379 {strides = array<i32>} : memref<2048xf32, #tpu.memory_space<vmem>>, vector<16xf32>,
      %swap3A_1380 = arith.constant 1120 : index
      %swap3A_1381 = tpu.vector_load %arg7[%swap3A_1380] {strides = array<i32>} : memref<2048xf32, #tpu.memory_space<vmem>>, vector<16xf32>,
      %swap3A_1382 = vector.shape_cast %swap3A_1381 : vector<16xf32> to vector<16xf32>
      %swap3A_1383 = vector.shape_cast %parallel_loop3A_1355#6 : vector<16xf32> to vector<16xf32>
      tpu.vector_store %arg7[%swap3A_1380], %swap3A_1383 {strides = array<i32>} : memref<2048xf32, #tpu.memory_space<vmem>>, vector<16xf32>,
      %swap3A_1384 = arith.constant 1136 : index
      %swap3A_1385 = tpu.vector_load %arg7[%swap3A_1384] {strides = array<i32>} : memref<2048xf32, #tpu.memory_space<vmem>>, vector<16xf32>,
      %swap3A_1386 = vector.shape_cast %swap3A_1385 : vector<16xf32> to vector<16xf32>
      %swap3A_1387 = vector.shape_cast %parallel_loop3A_1355#7 : vector<16xf32> to vector<16xf32>
      tpu.vector_store %arg7[%swap3A_1384], %swap3A_1387 {strides = array<i32>} : memref<2048xf32, #tpu.memory_space<vmem>>, vector<16xf32>,
      %sub3A_1388 = arith.subi %get3A_57, %mul3A_775 : i32
      %jit3A_1389 = arith.constant 0 : i32
      %jit3A_1390 = arith.constant 401 : i32
      %max3A_1391 = arith.maxsi %jit3A_1389, %sub3A_1388 : i32
      %min3A_1392 = arith.minsi %jit3A_1390, %max3A_1391 : i32
      %sub3A_1393 = arith.subi %get3A_60, %mul3A_775 : i32
      %jit3A_1394 = arith.constant 0 : i32
      %jit3A_1395 = arith.constant 401 : i32
      %max3A_1396 = arith.maxsi %jit3A_1394, %sub3A_1393 : i32
      %min3A_1397 = arith.minsi %jit3A_1395, %max3A_1396 : i32
      %get3A_1398 = arith.constant 1152 : index
      %get3A_1399 = tpu.vector_load %arg7[%get3A_1398] {strides = array<i32>} : memref<2048xf32, #tpu.memory_space<vmem>>, vector<16xf32>,
      %get3A_1400 = vector.shape_cast %get3A_1399 : vector<16xf32> to vector<16xf32>
      %get3A_1401 = arith.constant 1168 : index
      %get3A_1402 = tpu.vector_load %arg7[%get3A_1401] {strides = array<i32>} : memref<2048xf32, #tpu.memory_space<vmem>>, vector<16xf32>,
      %get3A_1403 = vector.shape_cast %get3A_1402 : vector<16xf32> to vector<16xf32>
      %get3A_1404 = arith.constant 1184 : index
      %get3A_1405 = tpu.vector_load %arg7[%get3A_1404] {strides = array<i32>} : memref<2048xf32, #tpu.memory_space<vmem>>, vector<16xf32>,
      %get3A_1406 = vector.shape_cast %get3A_1405 : vector<16xf32> to vector<16xf32>
      %get3A_1407 = arith.constant 1200 : index
      %get3A_1408 = tpu.vector_load %arg7[%get3A_1407] {strides = array<i32>} : memref<2048xf32, #tpu.memory_space<vmem>>, vector<16xf32>,
      %get3A_1409 = vector.shape_cast %get3A_1408 : vector<16xf32> to vector<16xf32>
      %get3A_1410 = arith.constant 1216 : index
      %get3A_1411 = tpu.vector_load %arg7[%get3A_1410] {strides = array<i32>} : memref<2048xf32, #tpu.memory_space<vmem>>, vector<16xf32>,
      %get3A_1412 = vector.shape_cast %get3A_1411 : vector<16xf32> to vector<16xf32>
      %get3A_1413 = arith.constant 1232 : index
      %get3A_1414 = tpu.vector_load %arg7[%get3A_1413] {strides = array<i32>} : memref<2048xf32, #tpu.memory_space<vmem>>, vector<16xf32>,
      %get3A_1415 = vector.shape_cast %get3A_1414 : vector<16xf32> to vector<16xf32>
      %get3A_1416 = arith.constant 1248 : index
      %get3A_1417 = tpu.vector_load %arg7[%get3A_1416] {strides = array<i32>} : memref<2048xf32, #tpu.memory_space<vmem>>, vector<16xf32>,
      %get3A_1418 = vector.shape_cast %get3A_1417 : vector<16xf32> to vector<16xf32>
      %get3A_1419 = arith.constant 1264 : index
      %get3A_1420 = tpu.vector_load %arg7[%get3A_1419] {strides = array<i32>} : memref<2048xf32, #tpu.memory_space<vmem>>, vector<16xf32>,
      %get3A_1421 = vector.shape_cast %get3A_1420 : vector<16xf32> to vector<16xf32>
      %parallel_loop3A_1422 = arith.constant 1 : i32
      %parallel_loop3A_1423:8 = scf.for %parallel_loop3A_1464 = %min3A_1392 to %min3A_1397 step %parallel_loop3A_1422 iter_args(%parallel_loop3A_1465 = %get3A_1400, %parallel_loop3A_1466 = %get3A_1403, %parallel_loop3A_1467 = %get3A_1406, %parallel_loop3A_1468 = %get3A_1409, %parallel_loop3A_1469 = %get3A_1412, %parallel_loop3A_1470 = %get3A_1415, %parallel_loop3A_1471 = %get3A_1418, %parallel_loop3A_1472 = %get3A_1421) -> (vector<16xf32>, vector<16xf32>, vector<16xf32>, vector<16xf32>, vector<16xf32>, vector<16xf32>, vector<16xf32>, vector<16xf32>)  : i32 {
        %parallel_loop3A_1473 = arith.constant 128 : i32
        %parallel_loop3A_1474 = arith.muli %parallel_loop3A_1464, %parallel_loop3A_1473 : i32
        %parallel_loop3A_1475 = arith.constant 0 : i32
        %parallel_loop3A_1476 = arith.addi %parallel_loop3A_1474, %parallel_loop3A_1475 : i32
        %parallel_loop3A_1477 = arith.index_cast %parallel_loop3A_1476 : i32 to index
        %parallel_loop3A_1478 = tpu.vector_load %arg6[%parallel_loop3A_1477] {strides = array<i32>} : memref<51328xf32, #tpu.memory_space<vmem>>, vector<16xf32>,
        %parallel_loop3A_1479 = vector.shape_cast %parallel_loop3A_1478 : vector<16xf32> to vector<16xf32>
        %parallel_loop3A_1480 = arith.maximumf %parallel_loop3A_1465, %parallel_loop3A_1479 : vector<16xf32>
        %parallel_loop3A_1481 = arith.constant 16 : i32
        %parallel_loop3A_1482 = arith.addi %parallel_loop3A_1474, %parallel_loop3A_1481 : i32
        %parallel_loop3A_1483 = arith.index_cast %parallel_loop3A_1482 : i32 to index
        %parallel_loop3A_1484 = tpu.vector_load %arg6[%parallel_loop3A_1483] {strides = array<i32>} : memref<51328xf32, #tpu.memory_space<vmem>>, vector<16xf32>,
        %parallel_loop3A_1485 = vector.shape_cast %parallel_loop3A_1484 : vector<16xf32> to vector<16xf32>
        %parallel_loop3A_1486 = arith.maximumf %parallel_loop3A_1466, %parallel_loop3A_1485 : vector<16xf32>
        %parallel_loop3A_1487 = arith.constant 32 : i32
        %parallel_loop3A_1488 = arith.addi %parallel_loop3A_1474, %parallel_loop3A_1487 : i32
        %parallel_loop3A_1489 = arith.index_cast %parallel_loop3A_1488 : i32 to index
        %parallel_loop3A_1490 = tpu.vector_load %arg6[%parallel_loop3A_1489] {strides = array<i32>} : memref<51328xf32, #tpu.memory_space<vmem>>, vector<16xf32>,
        %parallel_loop3A_1491 = vector.shape_cast %parallel_loop3A_1490 : vector<16xf32> to vector<16xf32>
        %parallel_loop3A_1492 = arith.maximumf %parallel_loop3A_1467, %parallel_loop3A_1491 : vector<16xf32>
        %parallel_loop3A_1493 = arith.constant 48 : i32
        %parallel_loop3A_1494 = arith.addi %parallel_loop3A_1474, %parallel_loop3A_1493 : i32
        %parallel_loop3A_1495 = arith.index_cast %parallel_loop3A_1494 : i32 to index
        %parallel_loop3A_1496 = tpu.vector_load %arg6[%parallel_loop3A_1495] {strides = array<i32>} : memref<51328xf32, #tpu.memory_space<vmem>>, vector<16xf32>,
        %parallel_loop3A_1497 = vector.shape_cast %parallel_loop3A_1496 : vector<16xf32> to vector<16xf32>
        %parallel_loop3A_1498 = arith.maximumf %parallel_loop3A_1468, %parallel_loop3A_1497 : vector<16xf32>
        %parallel_loop3A_1499 = arith.constant 64 : i32
        %parallel_loop3A_1500 = arith.addi %parallel_loop3A_1474, %parallel_loop3A_1499 : i32
        %parallel_loop3A_1501 = arith.index_cast %parallel_loop3A_1500 : i32 to index
        %parallel_loop3A_1502 = tpu.vector_load %arg6[%parallel_loop3A_1501] {strides = array<i32>} : memref<51328xf32, #tpu.memory_space<vmem>>, vector<16xf32>,
        %parallel_loop3A_1503 = vector.shape_cast %parallel_loop3A_1502 : vector<16xf32> to vector<16xf32>
        %parallel_loop3A_1504 = arith.maximumf %parallel_loop3A_1469, %parallel_loop3A_1503 : vector<16xf32>
        %parallel_loop3A_1505 = arith.constant 80 : i32
        %parallel_loop3A_1506 = arith.addi %parallel_loop3A_1474, %parallel_loop3A_1505 : i32
        %parallel_loop3A_1507 = arith.index_cast %parallel_loop3A_1506 : i32 to index
        %parallel_loop3A_1508 = tpu.vector_load %arg6[%parallel_loop3A_1507] {strides = array<i32>} : memref<51328xf32, #tpu.memory_space<vmem>>, vector<16xf32>,
        %parallel_loop3A_1509 = vector.shape_cast %parallel_loop3A_1508 : vector<16xf32> to vector<16xf32>
        %parallel_loop3A_1510 = arith.maximumf %parallel_loop3A_1470, %parallel_loop3A_1509 : vector<16xf32>
        %parallel_loop3A_1511 = arith.constant 96 : i32
        %parallel_loop3A_1512 = arith.addi %parallel_loop3A_1474, %parallel_loop3A_1511 : i32
        %parallel_loop3A_1513 = arith.index_cast %parallel_loop3A_1512 : i32 to index
        %parallel_loop3A_1514 = tpu.vector_load %arg6[%parallel_loop3A_1513] {strides = array<i32>} : memref<51328xf32, #tpu.memory_space<vmem>>, vector<16xf32>,
        %parallel_loop3A_1515 = vector.shape_cast %parallel_loop3A_1514 : vector<16xf32> to vector<16xf32>
        %parallel_loop3A_1516 = arith.maximumf %parallel_loop3A_1471, %parallel_loop3A_1515 : vector<16xf32>
        %parallel_loop3A_1517 = arith.constant 112 : i32
        %parallel_loop3A_1518 = arith.addi %parallel_loop3A_1474, %parallel_loop3A_1517 : i32
        %parallel_loop3A_1519 = arith.index_cast %parallel_loop3A_1518 : i32 to index
        %parallel_loop3A_1520 = tpu.vector_load %arg6[%parallel_loop3A_1519] {strides = array<i32>} : memref<51328xf32, #tpu.memory_space<vmem>>, vector<16xf32>,
        %parallel_loop3A_1521 = vector.shape_cast %parallel_loop3A_1520 : vector<16xf32> to vector<16xf32>
        %parallel_loop3A_1522 = arith.maximumf %parallel_loop3A_1472, %parallel_loop3A_1521 : vector<16xf32>
        scf.yield %parallel_loop3A_1480, %parallel_loop3A_1486, %parallel_loop3A_1492, %parallel_loop3A_1498, %parallel_loop3A_1504, %parallel_loop3A_1510, %parallel_loop3A_1516, %parallel_loop3A_1522 : vector<16xf32>, vector<16xf32>, vector<16xf32>, vector<16xf32>, vector<16xf32>, vector<16xf32>, vector<16xf32>, vector<16xf32>
      } {sc.loop_unroll_factor = 4 : i64, sc.parallel_access}
      %swap3A_1424 = arith.constant 1152 : index
      %swap3A_1425 = tpu.vector_load %arg7[%swap3A_1424] {strides = array<i32>} : memref<2048xf32, #tpu.memory_space<vmem>>, vector<16xf32>,
      %swap3A_1426 = vector.shape_cast %swap3A_1425 : vector<16xf32> to vector<16xf32>
      %swap3A_1427 = vector.shape_cast %parallel_loop3A_1423#0 : vector<16xf32> to vector<16xf32>
      tpu.vector_store %arg7[%swap3A_1424], %swap3A_1427 {strides = array<i32>} : memref<2048xf32, #tpu.memory_space<vmem>>, vector<16xf32>,
      %swap3A_1428 = arith.constant 1168 : index
      %swap3A_1429 = tpu.vector_load %arg7[%swap3A_1428] {strides = array<i32>} : memref<2048xf32, #tpu.memory_space<vmem>>, vector<16xf32>,
      %swap3A_1430 = vector.shape_cast %swap3A_1429 : vector<16xf32> to vector<16xf32>
      %swap3A_1431 = vector.shape_cast %parallel_loop3A_1423#1 : vector<16xf32> to vector<16xf32>
      tpu.vector_store %arg7[%swap3A_1428], %swap3A_1431 {strides = array<i32>} : memref<2048xf32, #tpu.memory_space<vmem>>, vector<16xf32>,
      %swap3A_1432 = arith.constant 1184 : index
      %swap3A_1433 = tpu.vector_load %arg7[%swap3A_1432] {strides = array<i32>} : memref<2048xf32, #tpu.memory_space<vmem>>, vector<16xf32>,
      %swap3A_1434 = vector.shape_cast %swap3A_1433 : vector<16xf32> to vector<16xf32>
      %swap3A_1435 = vector.shape_cast %parallel_loop3A_1423#2 : vector<16xf32> to vector<16xf32>
      tpu.vector_store %arg7[%swap3A_1432], %swap3A_1435 {strides = array<i32>} : memref<2048xf32, #tpu.memory_space<vmem>>, vector<16xf32>,
      %swap3A_1436 = arith.constant 1200 : index
      %swap3A_1437 = tpu.vector_load %arg7[%swap3A_1436] {strides = array<i32>} : memref<2048xf32, #tpu.memory_space<vmem>>, vector<16xf32>,
      %swap3A_1438 = vector.shape_cast %swap3A_1437 : vector<16xf32> to vector<16xf32>
      %swap3A_1439 = vector.shape_cast %parallel_loop3A_1423#3 : vector<16xf32> to vector<16xf32>
      tpu.vector_store %arg7[%swap3A_1436], %swap3A_1439 {strides = array<i32>} : memref<2048xf32, #tpu.memory_space<vmem>>, vector<16xf32>,
      %swap3A_1440 = arith.constant 1216 : index
      %swap3A_1441 = tpu.vector_load %arg7[%swap3A_1440] {strides = array<i32>} : memref<2048xf32, #tpu.memory_space<vmem>>, vector<16xf32>,
      %swap3A_1442 = vector.shape_cast %swap3A_1441 : vector<16xf32> to vector<16xf32>
      %swap3A_1443 = vector.shape_cast %parallel_loop3A_1423#4 : vector<16xf32> to vector<16xf32>
      tpu.vector_store %arg7[%swap3A_1440], %swap3A_1443 {strides = array<i32>} : memref<2048xf32, #tpu.memory_space<vmem>>, vector<16xf32>,
      %swap3A_1444 = arith.constant 1232 : index
      %swap3A_1445 = tpu.vector_load %arg7[%swap3A_1444] {strides = array<i32>} : memref<2048xf32, #tpu.memory_space<vmem>>, vector<16xf32>,
      %swap3A_1446 = vector.shape_cast %swap3A_1445 : vector<16xf32> to vector<16xf32>
      %swap3A_1447 = vector.shape_cast %parallel_loop3A_1423#5 : vector<16xf32> to vector<16xf32>
      tpu.vector_store %arg7[%swap3A_1444], %swap3A_1447 {strides = array<i32>} : memref<2048xf32, #tpu.memory_space<vmem>>, vector<16xf32>,
      %swap3A_1448 = arith.constant 1248 : index
      %swap3A_1449 = tpu.vector_load %arg7[%swap3A_1448] {strides = array<i32>} : memref<2048xf32, #tpu.memory_space<vmem>>, vector<16xf32>,
      %swap3A_1450 = vector.shape_cast %swap3A_1449 : vector<16xf32> to vector<16xf32>
      %swap3A_1451 = vector.shape_cast %parallel_loop3A_1423#6 : vector<16xf32> to vector<16xf32>
      tpu.vector_store %arg7[%swap3A_1448], %swap3A_1451 {strides = array<i32>} : memref<2048xf32, #tpu.memory_space<vmem>>, vector<16xf32>,
      %swap3A_1452 = arith.constant 1264 : index
      %swap3A_1453 = tpu.vector_load %arg7[%swap3A_1452] {strides = array<i32>} : memref<2048xf32, #tpu.memory_space<vmem>>, vector<16xf32>,
      %swap3A_1454 = vector.shape_cast %swap3A_1453 : vector<16xf32> to vector<16xf32>
      %swap3A_1455 = vector.shape_cast %parallel_loop3A_1423#7 : vector<16xf32> to vector<16xf32>
      tpu.vector_store %arg7[%swap3A_1452], %swap3A_1455 {strides = array<i32>} : memref<2048xf32, #tpu.memory_space<vmem>>, vector<16xf32>,
      %add3A_1456 = arith.constant 3 : i32
      %add3A_1457 = arith.addi %mul3A_83, %add3A_1456 : i32
      %lt3A_1458 = arith.constant 16 : i32
      %lt3A_1459 = arith.cmpi slt, %add3A_1457, %lt3A_1458 : i32
      %convert_element_type3A_1460 = arith.extui %lt3A_1459 : i1 to i32
      %cond3A_1461 = arith.constant 0 : i32
      %cond3A_1462 = arith.cmpi ne, %convert_element_type3A_1460, %cond3A_1461 : i32
      scf.if %cond3A_1462 {
        %add3A_1464 = arith.constant 3 : i32
        %add3A_1465 = arith.addi %mul3A_83, %add3A_1464 : i32
        %mul3A_1466 = arith.constant 401 : i32
        %mul3A_1467 = arith.muli %add3A_1465, %mul3A_1466 : i32
        %add3A_1468 = arith.addi %add3A_4, %mul3A_1467 : i32
        %mul3A_1469 = arith.constant 128 : i32
        %mul3A_1470 = arith.muli %add3A_1468, %mul3A_1469 : i32
        %dma_start3A_1471 = tpu.memref_slice %arg2[%mul3A_1470] : memref<40960000xf32, #tpu.memory_space<hbm>> -> memref<51328xf32, #tpu.memory_space<hbm>>
        %dma_start3A_1472 = tpu.memref_slice %arg2[%mul3A_1470] : memref<40960000xf32, #tpu.memory_space<hbm>> -> memref<51328xf32, #tpu.memory_space<hbm>>
        tpu.enqueue_dma source(%dma_start3A_1472 : memref<51328xf32, #tpu.memory_space<hbm>>) target(%arg6 : memref<51328xf32, #tpu.memory_space<vmem>>) target_semaphore(%arg11 : memref<!tpu.dma_semaphore, #tpu.memory_space<semaphore_mem>>)
      } else {
      }
      %scan3A_1463 = arith.constant 0 : i32
      scf.yield %scan3A_1463 : i32
    }
    %scan3A_75 = arith.constant 8 : i32
    %mul3A_76 = arith.constant 16 : i32
    %mul3A_77 = arith.muli %add3A, %mul3A_76 : i32
    %mul3A_78 = arith.constant 128 : i32
    %mul3A_79 = arith.muli %mul3A_77, %mul3A_78 : i32
    "tpu.region"() ({
      %run_scoped3A = tpu.sem_alloc : memref<!tpu.dma_semaphore, #tpu.memory_space<semaphore_mem>>
      %dma_start3A_80 = tpu.memref_slice %arg4[%mul3A_79] : memref<65536xf32, #tpu.memory_space<hbm>> -> memref<2048xf32, #tpu.memory_space<hbm>>
      %dma_start3A_81 = tpu.memref_slice %arg4[%mul3A_79] : memref<65536xf32, #tpu.memory_space<hbm>> -> memref<2048xf32, #tpu.memory_space<hbm>>
      tpu.enqueue_dma source(%arg7 : memref<2048xf32, #tpu.memory_space<vmem>>) target(%dma_start3A_81 : memref<2048xf32, #tpu.memory_space<hbm>>) target_semaphore(%run_scoped3A : memref<!tpu.dma_semaphore, #tpu.memory_space<semaphore_mem>>)
      %dma_wait3A = tpu.memref_slice %arg4[%mul3A_79] : memref<65536xf32, #tpu.memory_space<hbm>> -> memref<2048xf32, #tpu.memory_space<hbm>>
      %dma_wait3A_82 = tpu.memref_slice %arg4[%mul3A_79] : memref<65536xf32, #tpu.memory_space<hbm>> -> memref<2048xf32, #tpu.memory_space<hbm>>
      tpu.wait_dma2 semaphore(%run_scoped3A : memref<!tpu.dma_semaphore, #tpu.memory_space<semaphore_mem>>) src(%arg7 : memref<2048xf32, #tpu.memory_space<vmem>>) dst(%dma_wait3A_82 : memref<2048xf32, #tpu.memory_space<hbm>>)
      tpu.yield
    }) : () -> ()
    return
  }
}

module attributes {stable_mosaic.version = 14 : i64} {
  func.func @_tc_gcn_body(%arg0: memref<32x16x128xf32, #tpu.memory_space<vmem>>, %arg1: memref<16x128xf32, #tpu.memory_space<vmem>>, %arg2: memref<1x128xf32, #tpu.memory_space<vmem>>, %arg3: memref<128x128xf32, #tpu.memory_space<vmem>>, %arg4: memref<1x128xf32, #tpu.memory_space<vmem>>, %arg5: memref<16x16xf32, #tpu.memory_space<vmem>>, %arg6: memref<16x128xf32, #tpu.memory_space<vmem>>) attributes {dimension_semantics = [], scalar_prefetch = 0 : i64, scratch_operands = 0 : i64, tpu.core_type = #tpu.core_type<tc>} {
    %get3A = arith.constant 0 : index
    %get3A_0 = arith.constant 0 : index
    %get3A_1 = vector.load %arg1[%get3A, %get3A_0] : memref<16x128xf32, #tpu.memory_space<vmem>>, vector<16x128xf32>
    %get3A_2 = arith.constant 0 : index
    %get3A_3 = arith.constant 0 : index
    %get3A_4 = arith.constant 0 : index
    %get3A_5 = vector.load %arg0[%get3A_2, %get3A_3, %get3A_4] : memref<32x16x128xf32, #tpu.memory_space<vmem>>, vector<1x16x128xf32>
    %get3A_6 = vector.shape_cast %get3A_5 : vector<1x16x128xf32> to vector<16x128xf32>
    %max3A = arith.maximumf %get3A_1, %get3A_6 : vector<16x128xf32>
    %get3A_7 = arith.constant 1 : index
    %get3A_8 = arith.constant 0 : index
    %get3A_9 = arith.constant 0 : index
    %get3A_10 = vector.load %arg0[%get3A_7, %get3A_8, %get3A_9] : memref<32x16x128xf32, #tpu.memory_space<vmem>>, vector<1x16x128xf32>
    %get3A_11 = vector.shape_cast %get3A_10 : vector<1x16x128xf32> to vector<16x128xf32>
    %max3A_12 = arith.maximumf %max3A, %get3A_11 : vector<16x128xf32>
    %get3A_13 = arith.constant 2 : index
    %get3A_14 = arith.constant 0 : index
    %get3A_15 = arith.constant 0 : index
    %get3A_16 = vector.load %arg0[%get3A_13, %get3A_14, %get3A_15] : memref<32x16x128xf32, #tpu.memory_space<vmem>>, vector<1x16x128xf32>
    %get3A_17 = vector.shape_cast %get3A_16 : vector<1x16x128xf32> to vector<16x128xf32>
    %max3A_18 = arith.maximumf %max3A_12, %get3A_17 : vector<16x128xf32>
    %get3A_19 = arith.constant 3 : index
    %get3A_20 = arith.constant 0 : index
    %get3A_21 = arith.constant 0 : index
    %get3A_22 = vector.load %arg0[%get3A_19, %get3A_20, %get3A_21] : memref<32x16x128xf32, #tpu.memory_space<vmem>>, vector<1x16x128xf32>
    %get3A_23 = vector.shape_cast %get3A_22 : vector<1x16x128xf32> to vector<16x128xf32>
    %max3A_24 = arith.maximumf %max3A_18, %get3A_23 : vector<16x128xf32>
    %get3A_25 = arith.constant 4 : index
    %get3A_26 = arith.constant 0 : index
    %get3A_27 = arith.constant 0 : index
    %get3A_28 = vector.load %arg0[%get3A_25, %get3A_26, %get3A_27] : memref<32x16x128xf32, #tpu.memory_space<vmem>>, vector<1x16x128xf32>
    %get3A_29 = vector.shape_cast %get3A_28 : vector<1x16x128xf32> to vector<16x128xf32>
    %max3A_30 = arith.maximumf %max3A_24, %get3A_29 : vector<16x128xf32>
    %get3A_31 = arith.constant 5 : index
    %get3A_32 = arith.constant 0 : index
    %get3A_33 = arith.constant 0 : index
    %get3A_34 = vector.load %arg0[%get3A_31, %get3A_32, %get3A_33] : memref<32x16x128xf32, #tpu.memory_space<vmem>>, vector<1x16x128xf32>
    %get3A_35 = vector.shape_cast %get3A_34 : vector<1x16x128xf32> to vector<16x128xf32>
    %max3A_36 = arith.maximumf %max3A_30, %get3A_35 : vector<16x128xf32>
    %get3A_37 = arith.constant 6 : index
    %get3A_38 = arith.constant 0 : index
    %get3A_39 = arith.constant 0 : index
    %get3A_40 = vector.load %arg0[%get3A_37, %get3A_38, %get3A_39] : memref<32x16x128xf32, #tpu.memory_space<vmem>>, vector<1x16x128xf32>
    %get3A_41 = vector.shape_cast %get3A_40 : vector<1x16x128xf32> to vector<16x128xf32>
    %max3A_42 = arith.maximumf %max3A_36, %get3A_41 : vector<16x128xf32>
    %get3A_43 = arith.constant 7 : index
    %get3A_44 = arith.constant 0 : index
    %get3A_45 = arith.constant 0 : index
    %get3A_46 = vector.load %arg0[%get3A_43, %get3A_44, %get3A_45] : memref<32x16x128xf32, #tpu.memory_space<vmem>>, vector<1x16x128xf32>
    %get3A_47 = vector.shape_cast %get3A_46 : vector<1x16x128xf32> to vector<16x128xf32>
    %max3A_48 = arith.maximumf %max3A_42, %get3A_47 : vector<16x128xf32>
    %get3A_49 = arith.constant 8 : index
    %get3A_50 = arith.constant 0 : index
    %get3A_51 = arith.constant 0 : index
    %get3A_52 = vector.load %arg0[%get3A_49, %get3A_50, %get3A_51] : memref<32x16x128xf32, #tpu.memory_space<vmem>>, vector<1x16x128xf32>
    %get3A_53 = vector.shape_cast %get3A_52 : vector<1x16x128xf32> to vector<16x128xf32>
    %max3A_54 = arith.maximumf %max3A_48, %get3A_53 : vector<16x128xf32>
    %get3A_55 = arith.constant 9 : index
    %get3A_56 = arith.constant 0 : index
    %get3A_57 = arith.constant 0 : index
    %get3A_58 = vector.load %arg0[%get3A_55, %get3A_56, %get3A_57] : memref<32x16x128xf32, #tpu.memory_space<vmem>>, vector<1x16x128xf32>
    %get3A_59 = vector.shape_cast %get3A_58 : vector<1x16x128xf32> to vector<16x128xf32>
    %max3A_60 = arith.maximumf %max3A_54, %get3A_59 : vector<16x128xf32>
    %get3A_61 = arith.constant 10 : index
    %get3A_62 = arith.constant 0 : index
    %get3A_63 = arith.constant 0 : index
    %get3A_64 = vector.load %arg0[%get3A_61, %get3A_62, %get3A_63] : memref<32x16x128xf32, #tpu.memory_space<vmem>>, vector<1x16x128xf32>
    %get3A_65 = vector.shape_cast %get3A_64 : vector<1x16x128xf32> to vector<16x128xf32>
    %max3A_66 = arith.maximumf %max3A_60, %get3A_65 : vector<16x128xf32>
    %get3A_67 = arith.constant 11 : index
    %get3A_68 = arith.constant 0 : index
    %get3A_69 = arith.constant 0 : index
    %get3A_70 = vector.load %arg0[%get3A_67, %get3A_68, %get3A_69] : memref<32x16x128xf32, #tpu.memory_space<vmem>>, vector<1x16x128xf32>
    %get3A_71 = vector.shape_cast %get3A_70 : vector<1x16x128xf32> to vector<16x128xf32>
    %max3A_72 = arith.maximumf %max3A_66, %get3A_71 : vector<16x128xf32>
    %get3A_73 = arith.constant 12 : index
    %get3A_74 = arith.constant 0 : index
    %get3A_75 = arith.constant 0 : index
    %get3A_76 = vector.load %arg0[%get3A_73, %get3A_74, %get3A_75] : memref<32x16x128xf32, #tpu.memory_space<vmem>>, vector<1x16x128xf32>
    %get3A_77 = vector.shape_cast %get3A_76 : vector<1x16x128xf32> to vector<16x128xf32>
    %max3A_78 = arith.maximumf %max3A_72, %get3A_77 : vector<16x128xf32>
    %get3A_79 = arith.constant 13 : index
    %get3A_80 = arith.constant 0 : index
    %get3A_81 = arith.constant 0 : index
    %get3A_82 = vector.load %arg0[%get3A_79, %get3A_80, %get3A_81] : memref<32x16x128xf32, #tpu.memory_space<vmem>>, vector<1x16x128xf32>
    %get3A_83 = vector.shape_cast %get3A_82 : vector<1x16x128xf32> to vector<16x128xf32>
    %max3A_84 = arith.maximumf %max3A_78, %get3A_83 : vector<16x128xf32>
    %get3A_85 = arith.constant 14 : index
    %get3A_86 = arith.constant 0 : index
    %get3A_87 = arith.constant 0 : index
    %get3A_88 = vector.load %arg0[%get3A_85, %get3A_86, %get3A_87] : memref<32x16x128xf32, #tpu.memory_space<vmem>>, vector<1x16x128xf32>
    %get3A_89 = vector.shape_cast %get3A_88 : vector<1x16x128xf32> to vector<16x128xf32>
    %max3A_90 = arith.maximumf %max3A_84, %get3A_89 : vector<16x128xf32>
    %get3A_91 = arith.constant 15 : index
    %get3A_92 = arith.constant 0 : index
    %get3A_93 = arith.constant 0 : index
    %get3A_94 = vector.load %arg0[%get3A_91, %get3A_92, %get3A_93] : memref<32x16x128xf32, #tpu.memory_space<vmem>>, vector<1x16x128xf32>
    %get3A_95 = vector.shape_cast %get3A_94 : vector<1x16x128xf32> to vector<16x128xf32>
    %max3A_96 = arith.maximumf %max3A_90, %get3A_95 : vector<16x128xf32>
    %get3A_97 = arith.constant 16 : index
    %get3A_98 = arith.constant 0 : index
    %get3A_99 = arith.constant 0 : index
    %get3A_100 = vector.load %arg0[%get3A_97, %get3A_98, %get3A_99] : memref<32x16x128xf32, #tpu.memory_space<vmem>>, vector<1x16x128xf32>
    %get3A_101 = vector.shape_cast %get3A_100 : vector<1x16x128xf32> to vector<16x128xf32>
    %max3A_102 = arith.maximumf %max3A_96, %get3A_101 : vector<16x128xf32>
    %get3A_103 = arith.constant 17 : index
    %get3A_104 = arith.constant 0 : index
    %get3A_105 = arith.constant 0 : index
    %get3A_106 = vector.load %arg0[%get3A_103, %get3A_104, %get3A_105] : memref<32x16x128xf32, #tpu.memory_space<vmem>>, vector<1x16x128xf32>
    %get3A_107 = vector.shape_cast %get3A_106 : vector<1x16x128xf32> to vector<16x128xf32>
    %max3A_108 = arith.maximumf %max3A_102, %get3A_107 : vector<16x128xf32>
    %get3A_109 = arith.constant 18 : index
    %get3A_110 = arith.constant 0 : index
    %get3A_111 = arith.constant 0 : index
    %get3A_112 = vector.load %arg0[%get3A_109, %get3A_110, %get3A_111] : memref<32x16x128xf32, #tpu.memory_space<vmem>>, vector<1x16x128xf32>
    %get3A_113 = vector.shape_cast %get3A_112 : vector<1x16x128xf32> to vector<16x128xf32>
    %max3A_114 = arith.maximumf %max3A_108, %get3A_113 : vector<16x128xf32>
    %get3A_115 = arith.constant 19 : index
    %get3A_116 = arith.constant 0 : index
    %get3A_117 = arith.constant 0 : index
    %get3A_118 = vector.load %arg0[%get3A_115, %get3A_116, %get3A_117] : memref<32x16x128xf32, #tpu.memory_space<vmem>>, vector<1x16x128xf32>
    %get3A_119 = vector.shape_cast %get3A_118 : vector<1x16x128xf32> to vector<16x128xf32>
    %max3A_120 = arith.maximumf %max3A_114, %get3A_119 : vector<16x128xf32>
    %get3A_121 = arith.constant 20 : index
    %get3A_122 = arith.constant 0 : index
    %get3A_123 = arith.constant 0 : index
    %get3A_124 = vector.load %arg0[%get3A_121, %get3A_122, %get3A_123] : memref<32x16x128xf32, #tpu.memory_space<vmem>>, vector<1x16x128xf32>
    %get3A_125 = vector.shape_cast %get3A_124 : vector<1x16x128xf32> to vector<16x128xf32>
    %max3A_126 = arith.maximumf %max3A_120, %get3A_125 : vector<16x128xf32>
    %get3A_127 = arith.constant 21 : index
    %get3A_128 = arith.constant 0 : index
    %get3A_129 = arith.constant 0 : index
    %get3A_130 = vector.load %arg0[%get3A_127, %get3A_128, %get3A_129] : memref<32x16x128xf32, #tpu.memory_space<vmem>>, vector<1x16x128xf32>
    %get3A_131 = vector.shape_cast %get3A_130 : vector<1x16x128xf32> to vector<16x128xf32>
    %max3A_132 = arith.maximumf %max3A_126, %get3A_131 : vector<16x128xf32>
    %get3A_133 = arith.constant 22 : index
    %get3A_134 = arith.constant 0 : index
    %get3A_135 = arith.constant 0 : index
    %get3A_136 = vector.load %arg0[%get3A_133, %get3A_134, %get3A_135] : memref<32x16x128xf32, #tpu.memory_space<vmem>>, vector<1x16x128xf32>
    %get3A_137 = vector.shape_cast %get3A_136 : vector<1x16x128xf32> to vector<16x128xf32>
    %max3A_138 = arith.maximumf %max3A_132, %get3A_137 : vector<16x128xf32>
    %get3A_139 = arith.constant 23 : index
    %get3A_140 = arith.constant 0 : index
    %get3A_141 = arith.constant 0 : index
    %get3A_142 = vector.load %arg0[%get3A_139, %get3A_140, %get3A_141] : memref<32x16x128xf32, #tpu.memory_space<vmem>>, vector<1x16x128xf32>
    %get3A_143 = vector.shape_cast %get3A_142 : vector<1x16x128xf32> to vector<16x128xf32>
    %max3A_144 = arith.maximumf %max3A_138, %get3A_143 : vector<16x128xf32>
    %get3A_145 = arith.constant 24 : index
    %get3A_146 = arith.constant 0 : index
    %get3A_147 = arith.constant 0 : index
    %get3A_148 = vector.load %arg0[%get3A_145, %get3A_146, %get3A_147] : memref<32x16x128xf32, #tpu.memory_space<vmem>>, vector<1x16x128xf32>
    %get3A_149 = vector.shape_cast %get3A_148 : vector<1x16x128xf32> to vector<16x128xf32>
    %max3A_150 = arith.maximumf %max3A_144, %get3A_149 : vector<16x128xf32>
    %get3A_151 = arith.constant 25 : index
    %get3A_152 = arith.constant 0 : index
    %get3A_153 = arith.constant 0 : index
    %get3A_154 = vector.load %arg0[%get3A_151, %get3A_152, %get3A_153] : memref<32x16x128xf32, #tpu.memory_space<vmem>>, vector<1x16x128xf32>
    %get3A_155 = vector.shape_cast %get3A_154 : vector<1x16x128xf32> to vector<16x128xf32>
    %max3A_156 = arith.maximumf %max3A_150, %get3A_155 : vector<16x128xf32>
    %get3A_157 = arith.constant 26 : index
    %get3A_158 = arith.constant 0 : index
    %get3A_159 = arith.constant 0 : index
    %get3A_160 = vector.load %arg0[%get3A_157, %get3A_158, %get3A_159] : memref<32x16x128xf32, #tpu.memory_space<vmem>>, vector<1x16x128xf32>
    %get3A_161 = vector.shape_cast %get3A_160 : vector<1x16x128xf32> to vector<16x128xf32>
    %max3A_162 = arith.maximumf %max3A_156, %get3A_161 : vector<16x128xf32>
    %get3A_163 = arith.constant 27 : index
    %get3A_164 = arith.constant 0 : index
    %get3A_165 = arith.constant 0 : index
    %get3A_166 = vector.load %arg0[%get3A_163, %get3A_164, %get3A_165] : memref<32x16x128xf32, #tpu.memory_space<vmem>>, vector<1x16x128xf32>
    %get3A_167 = vector.shape_cast %get3A_166 : vector<1x16x128xf32> to vector<16x128xf32>
    %max3A_168 = arith.maximumf %max3A_162, %get3A_167 : vector<16x128xf32>
    %get3A_169 = arith.constant 28 : index
    %get3A_170 = arith.constant 0 : index
    %get3A_171 = arith.constant 0 : index
    %get3A_172 = vector.load %arg0[%get3A_169, %get3A_170, %get3A_171] : memref<32x16x128xf32, #tpu.memory_space<vmem>>, vector<1x16x128xf32>
    %get3A_173 = vector.shape_cast %get3A_172 : vector<1x16x128xf32> to vector<16x128xf32>
    %max3A_174 = arith.maximumf %max3A_168, %get3A_173 : vector<16x128xf32>
    %get3A_175 = arith.constant 29 : index
    %get3A_176 = arith.constant 0 : index
    %get3A_177 = arith.constant 0 : index
    %get3A_178 = vector.load %arg0[%get3A_175, %get3A_176, %get3A_177] : memref<32x16x128xf32, #tpu.memory_space<vmem>>, vector<1x16x128xf32>
    %get3A_179 = vector.shape_cast %get3A_178 : vector<1x16x128xf32> to vector<16x128xf32>
    %max3A_180 = arith.maximumf %max3A_174, %get3A_179 : vector<16x128xf32>
    %get3A_181 = arith.constant 30 : index
    %get3A_182 = arith.constant 0 : index
    %get3A_183 = arith.constant 0 : index
    %get3A_184 = vector.load %arg0[%get3A_181, %get3A_182, %get3A_183] : memref<32x16x128xf32, #tpu.memory_space<vmem>>, vector<1x16x128xf32>
    %get3A_185 = vector.shape_cast %get3A_184 : vector<1x16x128xf32> to vector<16x128xf32>
    %max3A_186 = arith.maximumf %max3A_180, %get3A_185 : vector<16x128xf32>
    %get3A_187 = arith.constant 31 : index
    %get3A_188 = arith.constant 0 : index
    %get3A_189 = arith.constant 0 : index
    %get3A_190 = vector.load %arg0[%get3A_187, %get3A_188, %get3A_189] : memref<32x16x128xf32, #tpu.memory_space<vmem>>, vector<1x16x128xf32>
    %get3A_191 = vector.shape_cast %get3A_190 : vector<1x16x128xf32> to vector<16x128xf32>
    %max3A_192 = arith.maximumf %max3A_186, %get3A_191 : vector<16x128xf32>
    %gt3A = arith.constant 0xFF800000 : f32
    %gt3A_193 = vector.broadcast %gt3A : f32 to vector<16x128xf32>
    %gt3A_194 = arith.cmpf ogt, %max3A_192, %gt3A_193 : vector<16x128xf32>
    %get3A_195 = arith.constant 0 : index
    %get3A_196 = arith.constant 0 : index
    %get3A_197 = vector.load %arg2[%get3A_195, %get3A_196] : memref<1x128xf32, #tpu.memory_space<vmem>>, vector<1x128xf32>
    %broadcast_in_dim3A = vector.shape_cast %get3A_197 : vector<1x128xf32> to vector<1x128xf32>
    %broadcast_in_dim3A_198 = vector.broadcast %broadcast_in_dim3A : vector<1x128xf32> to vector<16x128xf32>
    %select_n3A = arith.select %gt3A_194, %max3A_192, %broadcast_in_dim3A_198 : vector<16x128xi1>, vector<16x128xf32>
    %get3A_199 = arith.constant 0 : index
    %get3A_200 = arith.constant 0 : index
    %get3A_201 = vector.load %arg5[%get3A_199, %get3A_200] : memref<16x16xf32, #tpu.memory_space<vmem>>, vector<16x16xf32>
    %iota3A = tpu.iota {dimensions = array<i32: 0>} : vector<16x16xi32>
    %iota3A_202 = tpu.iota {dimensions = array<i32: 1>} : vector<16x16xi32>
    %eq3A = arith.cmpi eq, %iota3A, %iota3A_202 : vector<16x16xi32>
    %jit3A = arith.constant 1.000000e+00 : f32
    %jit3A_203 = arith.constant 0.000000e+00 : f32
    %broadcast_in_dim3A_204 = vector.broadcast %jit3A : f32 to vector<16x16xf32>
    %broadcast_in_dim3A_205 = vector.broadcast %jit3A_203 : f32 to vector<16x16xf32>
    %select_n3A_206 = arith.select %eq3A, %broadcast_in_dim3A_204, %broadcast_in_dim3A_205 : vector<16x16xi1>, vector<16x16xf32>
    %add3A = arith.addf %get3A_201, %select_n3A_206 : vector<16x16xf32>
    %reduce_sum3A = arith.constant dense<0.000000e+00> : vector<16xf32>
    %reduce_sum3A_207 = vector.multi_reduction <add>, %add3A, %reduce_sum3A [1] : vector<16x16xf32> to vector<16xf32>
    %broadcast_in_dim3A_208 = vector.shape_cast %reduce_sum3A_207 : vector<16xf32> to vector<16x1xf32>
    %gt3A_209 = arith.constant 0.000000e+00 : f32
    %gt3A_210 = vector.broadcast %gt3A_209 : f32 to vector<16x1xf32>
    %gt3A_211 = arith.cmpf ogt, %broadcast_in_dim3A_208, %gt3A_210 : vector<16x1xf32>
    %rsqrt3A = math.rsqrt %broadcast_in_dim3A_208 : vector<16x1xf32>
    %jit3A_212 = arith.constant 0.000000e+00 : f32
    %broadcast_in_dim3A_213 = vector.broadcast %jit3A_212 : f32 to vector<16x1xf32>
    %select_n3A_214 = arith.select %gt3A_211, %rsqrt3A, %broadcast_in_dim3A_213 : vector<16x1xi1>, vector<16x1xf32>
    %mul3A = vector.broadcast %select_n3A_214 : vector<16x1xf32> to vector<16x128xf32>
    %mul3A_215 = arith.mulf %select_n3A, %mul3A : vector<16x128xf32>
    %dot_general3A = arith.constant dense<0.000000e+00> : vector<16x128xf32>
    %dot_general3A_216 = tpu.matmul %add3A, %mul3A_215, %dot_general3A {dimension_numbers = #tpu.dot_dimension_numbers<[1], [0], [0], [1], [0, 0, 1, 1], [], []>, transpose_lhs_hint = false} : vector<16x16xf32>, vector<16x128xf32>, vector<16x128xf32> -> vector<16x128xf32>
    %mul3A_217 = vector.broadcast %select_n3A_214 : vector<16x1xf32> to vector<16x128xf32>
    %mul3A_218 = arith.mulf %dot_general3A_216, %mul3A_217 : vector<16x128xf32>
    %get3A_219 = arith.constant 0 : index
    %get3A_220 = arith.constant 0 : index
    %get3A_221 = vector.load %arg3[%get3A_219, %get3A_220] : memref<128x128xf32, #tpu.memory_space<vmem>>, vector<128x128xf32>
    %dot_general3A_222 = arith.constant dense<0.000000e+00> : vector<16x128xf32>
    %dot_general3A_223 = tpu.matmul %mul3A_218, %get3A_221, %dot_general3A_222 {dimension_numbers = #tpu.dot_dimension_numbers<[1], [0], [0], [1], [0, 0, 1, 1], [], []>, transpose_lhs_hint = false} : vector<16x128xf32>, vector<128x128xf32>, vector<16x128xf32> -> vector<16x128xf32>
    %get3A_224 = arith.constant 0 : index
    %get3A_225 = arith.constant 0 : index
    %get3A_226 = vector.load %arg4[%get3A_224, %get3A_225] : memref<1x128xf32, #tpu.memory_space<vmem>>, vector<1x128xf32>
    %add3A_227 = vector.broadcast %get3A_226 : vector<1x128xf32> to vector<16x128xf32>
    %add3A_228 = arith.addf %dot_general3A_223, %add3A_227 : vector<16x128xf32>
    %max3A_229 = arith.constant 0.000000e+00 : f32
    %max3A_230 = vector.broadcast %max3A_229 : f32 to vector<16x128xf32>
    %max3A_231 = arith.maximumf %add3A_228, %max3A_230 : vector<16x128xf32>
    %swap3A = arith.constant 0 : index
    %swap3A_232 = arith.constant 0 : index
    %swap3A_233 = vector.load %arg6[%swap3A, %swap3A_232] : memref<16x128xf32, #tpu.memory_space<vmem>>, vector<16x128xf32>
    tpu.vector_store %arg6[%swap3A, %swap3A_232], %max3A_231 {strides = array<i32>} : memref<16x128xf32, #tpu.memory_space<vmem>>, vector<16x128xf32>,
    return
  }
}

module attributes {stable_mosaic.version = 14 : i64} {
  func.func @_tc_segmax_body(%arg0: i32, %arg1: memref<32x128xi32, #tpu.memory_space<vmem>>, %arg2: memref<4096x128xf32, #tpu.memory_space<vmem>>, %arg3: memref<16x128xf32, #tpu.memory_space<vmem>>) attributes {dimension_semantics = [#tpu.dimension_semantics<arbitrary>], iteration_bounds = array<i64: 28>, scalar_prefetch = 0 : i64, scratch_operands = 0 : i64, tpu.core_type = #tpu.core_type<tc>, window_params = [{transform_indices = @transform_0, window_bounds = array<i64: 32, 128>}, {transform_indices = @transform_1, window_bounds = array<i64: 4096, 128>}, {pipeline_mode = #tpu.pipeline_mode<synchronous>, transform_indices = @transform_2, window_bounds = array<i64: 16, 128>}]} {
    %eq3A = arith.constant 0 : i32
    %eq3A_0 = arith.cmpi eq, %arg0, %eq3A : i32
    %convert_element_type3A = arith.extui %eq3A_0 : i1 to i32
    %cond3A = arith.constant 0 : i32
    %cond3A_1 = arith.cmpi ne, %convert_element_type3A, %cond3A : i32
    scf.if %cond3A_1 {
      %broadcast_in_dim3A = arith.constant 0xFF800000 : f32
      %broadcast_in_dim3A_16 = vector.broadcast %broadcast_in_dim3A : f32 to vector<16x128xf32>
      %swap3A = arith.constant 0 : index
      %swap3A_17 = arith.constant 0 : index
      %swap3A_18 = vector.load %arg3[%swap3A, %swap3A_17] : memref<16x128xf32, #tpu.memory_space<vmem>>, vector<16x128xf32>
      tpu.vector_store %arg3[%swap3A, %swap3A_17], %broadcast_in_dim3A_16 {strides = array<i32>} : memref<16x128xf32, #tpu.memory_space<vmem>>, vector<16x128xf32>,
    } else {
    }
    %get3A = arith.constant 0 : index
    %get3A_2 = arith.constant 0 : index
    %get3A_3 = vector.load %arg1[%get3A, %get3A_2] : memref<32x128xi32, #tpu.memory_space<vmem>>, vector<32x128xi32>
    %get3A_4 = arith.constant 0 : index
    %get3A_5 = arith.constant 0 : index
    %get3A_6 = vector.load %arg2[%get3A_4, %get3A_5] : memref<4096x128xf32, #tpu.memory_space<vmem>>, vector<4096x128xf32>
    %slice3A = vector.extract_strided_slice %get3A_3 {offsets = [0, 0], sizes = [1, 1], strides = [1, 1]} : vector<32x128xi32> to vector<1x1xi32>
    %squeeze3A = vector.extract %slice3A[0, 0] : i32 from vector<1x1xi32>
    %slice3A_7 = vector.extract_strided_slice %get3A_3 {offsets = [31, 127], sizes = [1, 1], strides = [1, 1]} : vector<32x128xi32> to vector<1x1xi32>
    %squeeze3A_8 = vector.extract %slice3A_7[0, 0] : i32 from vector<1x1xi32>
    %eq3A_9 = arith.cmpi eq, %squeeze3A, %squeeze3A_8 : i32
    %convert_element_type3A_10 = arith.extui %eq3A_9 : i1 to i32
    %cond3A_11 = arith.constant 0 : i32
    %cond3A_12 = arith.cmpi ne, %convert_element_type3A_10, %cond3A_11 : i32
    scf.if %cond3A_12 {
      %reduce_max3A = arith.constant dense<0xFF800000> : vector<128xf32>
      %reduce_max3A_16 = vector.multi_reduction <maximumf>, %get3A_6, %reduce_max3A [0] : vector<4096x128xf32> to vector<128xf32>
      %broadcast_in_dim3A = vector.shape_cast %reduce_max3A_16 : vector<128xf32> to vector<1x128xf32>
      %get3A_17 = arith.index_cast %squeeze3A : i32 to index
      %get3A_18 = arith.constant 0 : index
      %get3A_19 = vector.load %arg3[%get3A_17, %get3A_18] : memref<16x128xf32, #tpu.memory_space<vmem>>, vector<1x128xf32>
      %max3A = arith.maximumf %get3A_19, %broadcast_in_dim3A : vector<1x128xf32>
      %swap3A = arith.index_cast %squeeze3A : i32 to index
      %swap3A_20 = arith.constant 0 : index
      %swap3A_21 = vector.load %arg3[%swap3A, %swap3A_20] : memref<16x128xf32, #tpu.memory_space<vmem>>, vector<1x128xf32>
      tpu.vector_store %arg3[%swap3A, %swap3A_20], %max3A {strides = array<i32>} : memref<16x128xf32, #tpu.memory_space<vmem>>, vector<1x128xf32>,
    } else {
    }
    %ne3A = arith.cmpi ne, %squeeze3A, %squeeze3A_8 : i32
    %convert_element_type3A_13 = arith.extui %ne3A : i1 to i32
    %cond3A_14 = arith.constant 0 : i32
    %cond3A_15 = arith.cmpi ne, %convert_element_type3A_13, %cond3A_14 : i32
    scf.if %cond3A_15 {
      %iota3A = tpu.iota {dimensions = array<i32: 0>} : vector<4096x1xi32>
      %lt3A = arith.constant 1 : i32
      %lt3A_16 = vector.broadcast %lt3A : i32 to vector<32x128xi32>
      %lt3A_17 = arith.cmpi slt, %get3A_3, %lt3A_16 : vector<32x128xi32>
      %convert_element_type3A_18 = arith.extui %lt3A_17 : vector<32x128xi1> to vector<32x128xi32>
      %reduce_sum3A = vector.shape_cast %convert_element_type3A_18 : vector<32x128xi32> to vector<1x32x128xi32>
      %reduce_sum3A_19 = arith.constant dense<0> : vector<1xi32>
      %reduce_sum3A_20 = vector.multi_reduction <add>, %reduce_sum3A, %reduce_sum3A_19 [1, 2] : vector<1x32x128xi32> to vector<1xi32>
      %reduce_sum3A_21 = vector.shape_cast %reduce_sum3A_20 : vector<1xi32> to vector<1x1x1xi32>
      %reduce_sum3A_22 = vector.extract %reduce_sum3A_21[0, 0, 0] : i32 from vector<1x1x1xi32>
      %lt3A_23 = arith.constant 2 : i32
      %lt3A_24 = vector.broadcast %lt3A_23 : i32 to vector<32x128xi32>
      %lt3A_25 = arith.cmpi slt, %get3A_3, %lt3A_24 : vector<32x128xi32>
      %convert_element_type3A_26 = arith.extui %lt3A_25 : vector<32x128xi1> to vector<32x128xi32>
      %reduce_sum3A_27 = vector.shape_cast %convert_element_type3A_26 : vector<32x128xi32> to vector<1x32x128xi32>
      %reduce_sum3A_28 = arith.constant dense<0> : vector<1xi32>
      %reduce_sum3A_29 = vector.multi_reduction <add>, %reduce_sum3A_27, %reduce_sum3A_28 [1, 2] : vector<1x32x128xi32> to vector<1xi32>
      %reduce_sum3A_30 = vector.shape_cast %reduce_sum3A_29 : vector<1xi32> to vector<1x1x1xi32>
      %reduce_sum3A_31 = vector.extract %reduce_sum3A_30[0, 0, 0] : i32 from vector<1x1x1xi32>
      %lt3A_32 = arith.constant 3 : i32
      %lt3A_33 = vector.broadcast %lt3A_32 : i32 to vector<32x128xi32>
      %lt3A_34 = arith.cmpi slt, %get3A_3, %lt3A_33 : vector<32x128xi32>
      %convert_element_type3A_35 = arith.extui %lt3A_34 : vector<32x128xi1> to vector<32x128xi32>
      %reduce_sum3A_36 = vector.shape_cast %convert_element_type3A_35 : vector<32x128xi32> to vector<1x32x128xi32>
      %reduce_sum3A_37 = arith.constant dense<0> : vector<1xi32>
      %reduce_sum3A_38 = vector.multi_reduction <add>, %reduce_sum3A_36, %reduce_sum3A_37 [1, 2] : vector<1x32x128xi32> to vector<1xi32>
      %reduce_sum3A_39 = vector.shape_cast %reduce_sum3A_38 : vector<1xi32> to vector<1x1x1xi32>
      %reduce_sum3A_40 = vector.extract %reduce_sum3A_39[0, 0, 0] : i32 from vector<1x1x1xi32>
      %lt3A_41 = arith.constant 4 : i32
      %lt3A_42 = vector.broadcast %lt3A_41 : i32 to vector<32x128xi32>
      %lt3A_43 = arith.cmpi slt, %get3A_3, %lt3A_42 : vector<32x128xi32>
      %convert_element_type3A_44 = arith.extui %lt3A_43 : vector<32x128xi1> to vector<32x128xi32>
      %reduce_sum3A_45 = vector.shape_cast %convert_element_type3A_44 : vector<32x128xi32> to vector<1x32x128xi32>
      %reduce_sum3A_46 = arith.constant dense<0> : vector<1xi32>
      %reduce_sum3A_47 = vector.multi_reduction <add>, %reduce_sum3A_45, %reduce_sum3A_46 [1, 2] : vector<1x32x128xi32> to vector<1xi32>
      %reduce_sum3A_48 = vector.shape_cast %reduce_sum3A_47 : vector<1xi32> to vector<1x1x1xi32>
      %reduce_sum3A_49 = vector.extract %reduce_sum3A_48[0, 0, 0] : i32 from vector<1x1x1xi32>
      %lt3A_50 = arith.constant 5 : i32
      %lt3A_51 = vector.broadcast %lt3A_50 : i32 to vector<32x128xi32>
      %lt3A_52 = arith.cmpi slt, %get3A_3, %lt3A_51 : vector<32x128xi32>
      %convert_element_type3A_53 = arith.extui %lt3A_52 : vector<32x128xi1> to vector<32x128xi32>
      %reduce_sum3A_54 = vector.shape_cast %convert_element_type3A_53 : vector<32x128xi32> to vector<1x32x128xi32>
      %reduce_sum3A_55 = arith.constant dense<0> : vector<1xi32>
      %reduce_sum3A_56 = vector.multi_reduction <add>, %reduce_sum3A_54, %reduce_sum3A_55 [1, 2] : vector<1x32x128xi32> to vector<1xi32>
      %reduce_sum3A_57 = vector.shape_cast %reduce_sum3A_56 : vector<1xi32> to vector<1x1x1xi32>
      %reduce_sum3A_58 = vector.extract %reduce_sum3A_57[0, 0, 0] : i32 from vector<1x1x1xi32>
      %lt3A_59 = arith.constant 6 : i32
      %lt3A_60 = vector.broadcast %lt3A_59 : i32 to vector<32x128xi32>
      %lt3A_61 = arith.cmpi slt, %get3A_3, %lt3A_60 : vector<32x128xi32>
      %convert_element_type3A_62 = arith.extui %lt3A_61 : vector<32x128xi1> to vector<32x128xi32>
      %reduce_sum3A_63 = vector.shape_cast %convert_element_type3A_62 : vector<32x128xi32> to vector<1x32x128xi32>
      %reduce_sum3A_64 = arith.constant dense<0> : vector<1xi32>
      %reduce_sum3A_65 = vector.multi_reduction <add>, %reduce_sum3A_63, %reduce_sum3A_64 [1, 2] : vector<1x32x128xi32> to vector<1xi32>
      %reduce_sum3A_66 = vector.shape_cast %reduce_sum3A_65 : vector<1xi32> to vector<1x1x1xi32>
      %reduce_sum3A_67 = vector.extract %reduce_sum3A_66[0, 0, 0] : i32 from vector<1x1x1xi32>
      %lt3A_68 = arith.constant 7 : i32
      %lt3A_69 = vector.broadcast %lt3A_68 : i32 to vector<32x128xi32>
      %lt3A_70 = arith.cmpi slt, %get3A_3, %lt3A_69 : vector<32x128xi32>
      %convert_element_type3A_71 = arith.extui %lt3A_70 : vector<32x128xi1> to vector<32x128xi32>
      %reduce_sum3A_72 = vector.shape_cast %convert_element_type3A_71 : vector<32x128xi32> to vector<1x32x128xi32>
      %reduce_sum3A_73 = arith.constant dense<0> : vector<1xi32>
      %reduce_sum3A_74 = vector.multi_reduction <add>, %reduce_sum3A_72, %reduce_sum3A_73 [1, 2] : vector<1x32x128xi32> to vector<1xi32>
      %reduce_sum3A_75 = vector.shape_cast %reduce_sum3A_74 : vector<1xi32> to vector<1x1x1xi32>
      %reduce_sum3A_76 = vector.extract %reduce_sum3A_75[0, 0, 0] : i32 from vector<1x1x1xi32>
      %lt3A_77 = arith.constant 8 : i32
      %lt3A_78 = vector.broadcast %lt3A_77 : i32 to vector<32x128xi32>
      %lt3A_79 = arith.cmpi slt, %get3A_3, %lt3A_78 : vector<32x128xi32>
      %convert_element_type3A_80 = arith.extui %lt3A_79 : vector<32x128xi1> to vector<32x128xi32>
      %reduce_sum3A_81 = vector.shape_cast %convert_element_type3A_80 : vector<32x128xi32> to vector<1x32x128xi32>
      %reduce_sum3A_82 = arith.constant dense<0> : vector<1xi32>
      %reduce_sum3A_83 = vector.multi_reduction <add>, %reduce_sum3A_81, %reduce_sum3A_82 [1, 2] : vector<1x32x128xi32> to vector<1xi32>
      %reduce_sum3A_84 = vector.shape_cast %reduce_sum3A_83 : vector<1xi32> to vector<1x1x1xi32>
      %reduce_sum3A_85 = vector.extract %reduce_sum3A_84[0, 0, 0] : i32 from vector<1x1x1xi32>
      %lt3A_86 = arith.constant 9 : i32
      %lt3A_87 = vector.broadcast %lt3A_86 : i32 to vector<32x128xi32>
      %lt3A_88 = arith.cmpi slt, %get3A_3, %lt3A_87 : vector<32x128xi32>
      %convert_element_type3A_89 = arith.extui %lt3A_88 : vector<32x128xi1> to vector<32x128xi32>
      %reduce_sum3A_90 = vector.shape_cast %convert_element_type3A_89 : vector<32x128xi32> to vector<1x32x128xi32>
      %reduce_sum3A_91 = arith.constant dense<0> : vector<1xi32>
      %reduce_sum3A_92 = vector.multi_reduction <add>, %reduce_sum3A_90, %reduce_sum3A_91 [1, 2] : vector<1x32x128xi32> to vector<1xi32>
      %reduce_sum3A_93 = vector.shape_cast %reduce_sum3A_92 : vector<1xi32> to vector<1x1x1xi32>
      %reduce_sum3A_94 = vector.extract %reduce_sum3A_93[0, 0, 0] : i32 from vector<1x1x1xi32>
      %lt3A_95 = arith.constant 10 : i32
      %lt3A_96 = vector.broadcast %lt3A_95 : i32 to vector<32x128xi32>
      %lt3A_97 = arith.cmpi slt, %get3A_3, %lt3A_96 : vector<32x128xi32>
      %convert_element_type3A_98 = arith.extui %lt3A_97 : vector<32x128xi1> to vector<32x128xi32>
      %reduce_sum3A_99 = vector.shape_cast %convert_element_type3A_98 : vector<32x128xi32> to vector<1x32x128xi32>
      %reduce_sum3A_100 = arith.constant dense<0> : vector<1xi32>
      %reduce_sum3A_101 = vector.multi_reduction <add>, %reduce_sum3A_99, %reduce_sum3A_100 [1, 2] : vector<1x32x128xi32> to vector<1xi32>
      %reduce_sum3A_102 = vector.shape_cast %reduce_sum3A_101 : vector<1xi32> to vector<1x1x1xi32>
      %reduce_sum3A_103 = vector.extract %reduce_sum3A_102[0, 0, 0] : i32 from vector<1x1x1xi32>
      %ge3A = arith.constant 0 : i32
      %ge3A_104 = vector.broadcast %ge3A : i32 to vector<4096x1xi32>
      %ge3A_105 = arith.cmpi sge, %iota3A, %ge3A_104 : vector<4096x1xi32>
      %lt3A_106 = vector.broadcast %reduce_sum3A_22 : i32 to vector<4096x1xi32>
      %lt3A_107 = arith.cmpi slt, %iota3A, %lt3A_106 : vector<4096x1xi32>
      %and3A = arith.andi %ge3A_105, %lt3A_107 : vector<4096x1xi1>
      %jit3A = arith.constant 0xFF800000 : f32
      %broadcast_in_dim3A = vector.shape_cast %and3A : vector<4096x1xi1> to vector<4096x1xi1>
      %broadcast_in_dim3A_108 = vector.broadcast %broadcast_in_dim3A : vector<4096x1xi1> to vector<4096x128xi1>
      %broadcast_in_dim3A_109 = vector.broadcast %jit3A : f32 to vector<4096x128xf32>
      %select_n3A = arith.select %broadcast_in_dim3A_108, %get3A_6, %broadcast_in_dim3A_109 : vector<4096x128xi1>, vector<4096x128xf32>
      %reduce_max3A = arith.constant dense<0xFF800000> : vector<128xf32>
      %reduce_max3A_110 = vector.multi_reduction <maximumf>, %select_n3A, %reduce_max3A [0] : vector<4096x128xf32> to vector<128xf32>
      %broadcast_in_dim3A_111 = vector.shape_cast %reduce_max3A_110 : vector<128xf32> to vector<1x128xf32>
      %get3A_112 = arith.constant 0 : index
      %get3A_113 = arith.constant 0 : index
      %get3A_114 = vector.load %arg3[%get3A_112, %get3A_113] : memref<16x128xf32, #tpu.memory_space<vmem>>, vector<1x128xf32>
      %max3A = arith.maximumf %get3A_114, %broadcast_in_dim3A_111 : vector<1x128xf32>
      %swap3A = arith.constant 0 : index
      %swap3A_115 = arith.constant 0 : index
      %swap3A_116 = vector.load %arg3[%swap3A, %swap3A_115] : memref<16x128xf32, #tpu.memory_space<vmem>>, vector<1x128xf32>
      tpu.vector_store %arg3[%swap3A, %swap3A_115], %max3A {strides = array<i32>} : memref<16x128xf32, #tpu.memory_space<vmem>>, vector<1x128xf32>,
      %ge3A_117 = vector.broadcast %reduce_sum3A_22 : i32 to vector<4096x1xi32>
      %ge3A_118 = arith.cmpi sge, %iota3A, %ge3A_117 : vector<4096x1xi32>
      %lt3A_119 = vector.broadcast %reduce_sum3A_31 : i32 to vector<4096x1xi32>
      %lt3A_120 = arith.cmpi slt, %iota3A, %lt3A_119 : vector<4096x1xi32>
      %and3A_121 = arith.andi %ge3A_118, %lt3A_120 : vector<4096x1xi1>
      %jit3A_122 = arith.constant 0xFF800000 : f32
      %broadcast_in_dim3A_123 = vector.shape_cast %and3A_121 : vector<4096x1xi1> to vector<4096x1xi1>
      %broadcast_in_dim3A_124 = vector.broadcast %broadcast_in_dim3A_123 : vector<4096x1xi1> to vector<4096x128xi1>
      %broadcast_in_dim3A_125 = vector.broadcast %jit3A_122 : f32 to vector<4096x128xf32>
      %select_n3A_126 = arith.select %broadcast_in_dim3A_124, %get3A_6, %broadcast_in_dim3A_125 : vector<4096x128xi1>, vector<4096x128xf32>
      %reduce_max3A_127 = arith.constant dense<0xFF800000> : vector<128xf32>
      %reduce_max3A_128 = vector.multi_reduction <maximumf>, %select_n3A_126, %reduce_max3A_127 [0] : vector<4096x128xf32> to vector<128xf32>
      %broadcast_in_dim3A_129 = vector.shape_cast %reduce_max3A_128 : vector<128xf32> to vector<1x128xf32>
      %get3A_130 = arith.constant 1 : index
      %get3A_131 = arith.constant 0 : index
      %get3A_132 = vector.load %arg3[%get3A_130, %get3A_131] : memref<16x128xf32, #tpu.memory_space<vmem>>, vector<1x128xf32>
      %max3A_133 = arith.maximumf %get3A_132, %broadcast_in_dim3A_129 : vector<1x128xf32>
      %swap3A_134 = arith.constant 1 : index
      %swap3A_135 = arith.constant 0 : index
      %swap3A_136 = vector.load %arg3[%swap3A_134, %swap3A_135] : memref<16x128xf32, #tpu.memory_space<vmem>>, vector<1x128xf32>
      tpu.vector_store %arg3[%swap3A_134, %swap3A_135], %max3A_133 {strides = array<i32>} : memref<16x128xf32, #tpu.memory_space<vmem>>, vector<1x128xf32>,
      %ge3A_137 = vector.broadcast %reduce_sum3A_31 : i32 to vector<4096x1xi32>
      %ge3A_138 = arith.cmpi sge, %iota3A, %ge3A_137 : vector<4096x1xi32>
      %lt3A_139 = vector.broadcast %reduce_sum3A_40 : i32 to vector<4096x1xi32>
      %lt3A_140 = arith.cmpi slt, %iota3A, %lt3A_139 : vector<4096x1xi32>
      %and3A_141 = arith.andi %ge3A_138, %lt3A_140 : vector<4096x1xi1>
      %jit3A_142 = arith.constant 0xFF800000 : f32
      %broadcast_in_dim3A_143 = vector.shape_cast %and3A_141 : vector<4096x1xi1> to vector<4096x1xi1>
      %broadcast_in_dim3A_144 = vector.broadcast %broadcast_in_dim3A_143 : vector<4096x1xi1> to vector<4096x128xi1>
      %broadcast_in_dim3A_145 = vector.broadcast %jit3A_142 : f32 to vector<4096x128xf32>
      %select_n3A_146 = arith.select %broadcast_in_dim3A_144, %get3A_6, %broadcast_in_dim3A_145 : vector<4096x128xi1>, vector<4096x128xf32>
      %reduce_max3A_147 = arith.constant dense<0xFF800000> : vector<128xf32>
      %reduce_max3A_148 = vector.multi_reduction <maximumf>, %select_n3A_146, %reduce_max3A_147 [0] : vector<4096x128xf32> to vector<128xf32>
      %broadcast_in_dim3A_149 = vector.shape_cast %reduce_max3A_148 : vector<128xf32> to vector<1x128xf32>
      %get3A_150 = arith.constant 2 : index
      %get3A_151 = arith.constant 0 : index
      %get3A_152 = vector.load %arg3[%get3A_150, %get3A_151] : memref<16x128xf32, #tpu.memory_space<vmem>>, vector<1x128xf32>
      %max3A_153 = arith.maximumf %get3A_152, %broadcast_in_dim3A_149 : vector<1x128xf32>
      %swap3A_154 = arith.constant 2 : index
      %swap3A_155 = arith.constant 0 : index
      %swap3A_156 = vector.load %arg3[%swap3A_154, %swap3A_155] : memref<16x128xf32, #tpu.memory_space<vmem>>, vector<1x128xf32>
      tpu.vector_store %arg3[%swap3A_154, %swap3A_155], %max3A_153 {strides = array<i32>} : memref<16x128xf32, #tpu.memory_space<vmem>>, vector<1x128xf32>,
      %ge3A_157 = vector.broadcast %reduce_sum3A_40 : i32 to vector<4096x1xi32>
      %ge3A_158 = arith.cmpi sge, %iota3A, %ge3A_157 : vector<4096x1xi32>
      %lt3A_159 = vector.broadcast %reduce_sum3A_49 : i32 to vector<4096x1xi32>
      %lt3A_160 = arith.cmpi slt, %iota3A, %lt3A_159 : vector<4096x1xi32>
      %and3A_161 = arith.andi %ge3A_158, %lt3A_160 : vector<4096x1xi1>
      %jit3A_162 = arith.constant 0xFF800000 : f32
      %broadcast_in_dim3A_163 = vector.shape_cast %and3A_161 : vector<4096x1xi1> to vector<4096x1xi1>
      %broadcast_in_dim3A_164 = vector.broadcast %broadcast_in_dim3A_163 : vector<4096x1xi1> to vector<4096x128xi1>
      %broadcast_in_dim3A_165 = vector.broadcast %jit3A_162 : f32 to vector<4096x128xf32>
      %select_n3A_166 = arith.select %broadcast_in_dim3A_164, %get3A_6, %broadcast_in_dim3A_165 : vector<4096x128xi1>, vector<4096x128xf32>
      %reduce_max3A_167 = arith.constant dense<0xFF800000> : vector<128xf32>
      %reduce_max3A_168 = vector.multi_reduction <maximumf>, %select_n3A_166, %reduce_max3A_167 [0] : vector<4096x128xf32> to vector<128xf32>
      %broadcast_in_dim3A_169 = vector.shape_cast %reduce_max3A_168 : vector<128xf32> to vector<1x128xf32>
      %get3A_170 = arith.constant 3 : index
      %get3A_171 = arith.constant 0 : index
      %get3A_172 = vector.load %arg3[%get3A_170, %get3A_171] : memref<16x128xf32, #tpu.memory_space<vmem>>, vector<1x128xf32>
      %max3A_173 = arith.maximumf %get3A_172, %broadcast_in_dim3A_169 : vector<1x128xf32>
      %swap3A_174 = arith.constant 3 : index
      %swap3A_175 = arith.constant 0 : index
      %swap3A_176 = vector.load %arg3[%swap3A_174, %swap3A_175] : memref<16x128xf32, #tpu.memory_space<vmem>>, vector<1x128xf32>
      tpu.vector_store %arg3[%swap3A_174, %swap3A_175], %max3A_173 {strides = array<i32>} : memref<16x128xf32, #tpu.memory_space<vmem>>, vector<1x128xf32>,
      %ge3A_177 = vector.broadcast %reduce_sum3A_49 : i32 to vector<4096x1xi32>
      %ge3A_178 = arith.cmpi sge, %iota3A, %ge3A_177 : vector<4096x1xi32>
      %lt3A_179 = vector.broadcast %reduce_sum3A_58 : i32 to vector<4096x1xi32>
      %lt3A_180 = arith.cmpi slt, %iota3A, %lt3A_179 : vector<4096x1xi32>
      %and3A_181 = arith.andi %ge3A_178, %lt3A_180 : vector<4096x1xi1>
      %jit3A_182 = arith.constant 0xFF800000 : f32
      %broadcast_in_dim3A_183 = vector.shape_cast %and3A_181 : vector<4096x1xi1> to vector<4096x1xi1>
      %broadcast_in_dim3A_184 = vector.broadcast %broadcast_in_dim3A_183 : vector<4096x1xi1> to vector<4096x128xi1>
      %broadcast_in_dim3A_185 = vector.broadcast %jit3A_182 : f32 to vector<4096x128xf32>
      %select_n3A_186 = arith.select %broadcast_in_dim3A_184, %get3A_6, %broadcast_in_dim3A_185 : vector<4096x128xi1>, vector<4096x128xf32>
      %reduce_max3A_187 = arith.constant dense<0xFF800000> : vector<128xf32>
      %reduce_max3A_188 = vector.multi_reduction <maximumf>, %select_n3A_186, %reduce_max3A_187 [0] : vector<4096x128xf32> to vector<128xf32>
      %broadcast_in_dim3A_189 = vector.shape_cast %reduce_max3A_188 : vector<128xf32> to vector<1x128xf32>
      %get3A_190 = arith.constant 4 : index
      %get3A_191 = arith.constant 0 : index
      %get3A_192 = vector.load %arg3[%get3A_190, %get3A_191] : memref<16x128xf32, #tpu.memory_space<vmem>>, vector<1x128xf32>
      %max3A_193 = arith.maximumf %get3A_192, %broadcast_in_dim3A_189 : vector<1x128xf32>
      %swap3A_194 = arith.constant 4 : index
      %swap3A_195 = arith.constant 0 : index
      %swap3A_196 = vector.load %arg3[%swap3A_194, %swap3A_195] : memref<16x128xf32, #tpu.memory_space<vmem>>, vector<1x128xf32>
      tpu.vector_store %arg3[%swap3A_194, %swap3A_195], %max3A_193 {strides = array<i32>} : memref<16x128xf32, #tpu.memory_space<vmem>>, vector<1x128xf32>,
      %ge3A_197 = vector.broadcast %reduce_sum3A_58 : i32 to vector<4096x1xi32>
      %ge3A_198 = arith.cmpi sge, %iota3A, %ge3A_197 : vector<4096x1xi32>
      %lt3A_199 = vector.broadcast %reduce_sum3A_67 : i32 to vector<4096x1xi32>
      %lt3A_200 = arith.cmpi slt, %iota3A, %lt3A_199 : vector<4096x1xi32>
      %and3A_201 = arith.andi %ge3A_198, %lt3A_200 : vector<4096x1xi1>
      %jit3A_202 = arith.constant 0xFF800000 : f32
      %broadcast_in_dim3A_203 = vector.shape_cast %and3A_201 : vector<4096x1xi1> to vector<4096x1xi1>
      %broadcast_in_dim3A_204 = vector.broadcast %broadcast_in_dim3A_203 : vector<4096x1xi1> to vector<4096x128xi1>
      %broadcast_in_dim3A_205 = vector.broadcast %jit3A_202 : f32 to vector<4096x128xf32>
      %select_n3A_206 = arith.select %broadcast_in_dim3A_204, %get3A_6, %broadcast_in_dim3A_205 : vector<4096x128xi1>, vector<4096x128xf32>
      %reduce_max3A_207 = arith.constant dense<0xFF800000> : vector<128xf32>
      %reduce_max3A_208 = vector.multi_reduction <maximumf>, %select_n3A_206, %reduce_max3A_207 [0] : vector<4096x128xf32> to vector<128xf32>
      %broadcast_in_dim3A_209 = vector.shape_cast %reduce_max3A_208 : vector<128xf32> to vector<1x128xf32>
      %get3A_210 = arith.constant 5 : index
      %get3A_211 = arith.constant 0 : index
      %get3A_212 = vector.load %arg3[%get3A_210, %get3A_211] : memref<16x128xf32, #tpu.memory_space<vmem>>, vector<1x128xf32>
      %max3A_213 = arith.maximumf %get3A_212, %broadcast_in_dim3A_209 : vector<1x128xf32>
      %swap3A_214 = arith.constant 5 : index
      %swap3A_215 = arith.constant 0 : index
      %swap3A_216 = vector.load %arg3[%swap3A_214, %swap3A_215] : memref<16x128xf32, #tpu.memory_space<vmem>>, vector<1x128xf32>
      tpu.vector_store %arg3[%swap3A_214, %swap3A_215], %max3A_213 {strides = array<i32>} : memref<16x128xf32, #tpu.memory_space<vmem>>, vector<1x128xf32>,
      %ge3A_217 = vector.broadcast %reduce_sum3A_67 : i32 to vector<4096x1xi32>
      %ge3A_218 = arith.cmpi sge, %iota3A, %ge3A_217 : vector<4096x1xi32>
      %lt3A_219 = vector.broadcast %reduce_sum3A_76 : i32 to vector<4096x1xi32>
      %lt3A_220 = arith.cmpi slt, %iota3A, %lt3A_219 : vector<4096x1xi32>
      %and3A_221 = arith.andi %ge3A_218, %lt3A_220 : vector<4096x1xi1>
      %jit3A_222 = arith.constant 0xFF800000 : f32
      %broadcast_in_dim3A_223 = vector.shape_cast %and3A_221 : vector<4096x1xi1> to vector<4096x1xi1>
      %broadcast_in_dim3A_224 = vector.broadcast %broadcast_in_dim3A_223 : vector<4096x1xi1> to vector<4096x128xi1>
      %broadcast_in_dim3A_225 = vector.broadcast %jit3A_222 : f32 to vector<4096x128xf32>
      %select_n3A_226 = arith.select %broadcast_in_dim3A_224, %get3A_6, %broadcast_in_dim3A_225 : vector<4096x128xi1>, vector<4096x128xf32>
      %reduce_max3A_227 = arith.constant dense<0xFF800000> : vector<128xf32>
      %reduce_max3A_228 = vector.multi_reduction <maximumf>, %select_n3A_226, %reduce_max3A_227 [0] : vector<4096x128xf32> to vector<128xf32>
      %broadcast_in_dim3A_229 = vector.shape_cast %reduce_max3A_228 : vector<128xf32> to vector<1x128xf32>
      %get3A_230 = arith.constant 6 : index
      %get3A_231 = arith.constant 0 : index
      %get3A_232 = vector.load %arg3[%get3A_230, %get3A_231] : memref<16x128xf32, #tpu.memory_space<vmem>>, vector<1x128xf32>
      %max3A_233 = arith.maximumf %get3A_232, %broadcast_in_dim3A_229 : vector<1x128xf32>
      %swap3A_234 = arith.constant 6 : index
      %swap3A_235 = arith.constant 0 : index
      %swap3A_236 = vector.load %arg3[%swap3A_234, %swap3A_235] : memref<16x128xf32, #tpu.memory_space<vmem>>, vector<1x128xf32>
      tpu.vector_store %arg3[%swap3A_234, %swap3A_235], %max3A_233 {strides = array<i32>} : memref<16x128xf32, #tpu.memory_space<vmem>>, vector<1x128xf32>,
      %ge3A_237 = vector.broadcast %reduce_sum3A_76 : i32 to vector<4096x1xi32>
      %ge3A_238 = arith.cmpi sge, %iota3A, %ge3A_237 : vector<4096x1xi32>
      %lt3A_239 = vector.broadcast %reduce_sum3A_85 : i32 to vector<4096x1xi32>
      %lt3A_240 = arith.cmpi slt, %iota3A, %lt3A_239 : vector<4096x1xi32>
      %and3A_241 = arith.andi %ge3A_238, %lt3A_240 : vector<4096x1xi1>
      %jit3A_242 = arith.constant 0xFF800000 : f32
      %broadcast_in_dim3A_243 = vector.shape_cast %and3A_241 : vector<4096x1xi1> to vector<4096x1xi1>
      %broadcast_in_dim3A_244 = vector.broadcast %broadcast_in_dim3A_243 : vector<4096x1xi1> to vector<4096x128xi1>
      %broadcast_in_dim3A_245 = vector.broadcast %jit3A_242 : f32 to vector<4096x128xf32>
      %select_n3A_246 = arith.select %broadcast_in_dim3A_244, %get3A_6, %broadcast_in_dim3A_245 : vector<4096x128xi1>, vector<4096x128xf32>
      %reduce_max3A_247 = arith.constant dense<0xFF800000> : vector<128xf32>
      %reduce_max3A_248 = vector.multi_reduction <maximumf>, %select_n3A_246, %reduce_max3A_247 [0] : vector<4096x128xf32> to vector<128xf32>
      %broadcast_in_dim3A_249 = vector.shape_cast %reduce_max3A_248 : vector<128xf32> to vector<1x128xf32>
      %get3A_250 = arith.constant 7 : index
      %get3A_251 = arith.constant 0 : index
      %get3A_252 = vector.load %arg3[%get3A_250, %get3A_251] : memref<16x128xf32, #tpu.memory_space<vmem>>, vector<1x128xf32>
      %max3A_253 = arith.maximumf %get3A_252, %broadcast_in_dim3A_249 : vector<1x128xf32>
      %swap3A_254 = arith.constant 7 : index
      %swap3A_255 = arith.constant 0 : index
      %swap3A_256 = vector.load %arg3[%swap3A_254, %swap3A_255] : memref<16x128xf32, #tpu.memory_space<vmem>>, vector<1x128xf32>
      tpu.vector_store %arg3[%swap3A_254, %swap3A_255], %max3A_253 {strides = array<i32>} : memref<16x128xf32, #tpu.memory_space<vmem>>, vector<1x128xf32>,
      %ge3A_257 = vector.broadcast %reduce_sum3A_85 : i32 to vector<4096x1xi32>
      %ge3A_258 = arith.cmpi sge, %iota3A, %ge3A_257 : vector<4096x1xi32>
      %lt3A_259 = vector.broadcast %reduce_sum3A_94 : i32 to vector<4096x1xi32>
      %lt3A_260 = arith.cmpi slt, %iota3A, %lt3A_259 : vector<4096x1xi32>
      %and3A_261 = arith.andi %ge3A_258, %lt3A_260 : vector<4096x1xi1>
      %jit3A_262 = arith.constant 0xFF800000 : f32
      %broadcast_in_dim3A_263 = vector.shape_cast %and3A_261 : vector<4096x1xi1> to vector<4096x1xi1>
      %broadcast_in_dim3A_264 = vector.broadcast %broadcast_in_dim3A_263 : vector<4096x1xi1> to vector<4096x128xi1>
      %broadcast_in_dim3A_265 = vector.broadcast %jit3A_262 : f32 to vector<4096x128xf32>
      %select_n3A_266 = arith.select %broadcast_in_dim3A_264, %get3A_6, %broadcast_in_dim3A_265 : vector<4096x128xi1>, vector<4096x128xf32>
      %reduce_max3A_267 = arith.constant dense<0xFF800000> : vector<128xf32>
      %reduce_max3A_268 = vector.multi_reduction <maximumf>, %select_n3A_266, %reduce_max3A_267 [0] : vector<4096x128xf32> to vector<128xf32>
      %broadcast_in_dim3A_269 = vector.shape_cast %reduce_max3A_268 : vector<128xf32> to vector<1x128xf32>
      %get3A_270 = arith.constant 8 : index
      %get3A_271 = arith.constant 0 : index
      %get3A_272 = vector.load %arg3[%get3A_270, %get3A_271] : memref<16x128xf32, #tpu.memory_space<vmem>>, vector<1x128xf32>
      %max3A_273 = arith.maximumf %get3A_272, %broadcast_in_dim3A_269 : vector<1x128xf32>
      %swap3A_274 = arith.constant 8 : index
      %swap3A_275 = arith.constant 0 : index
      %swap3A_276 = vector.load %arg3[%swap3A_274, %swap3A_275] : memref<16x128xf32, #tpu.memory_space<vmem>>, vector<1x128xf32>
      tpu.vector_store %arg3[%swap3A_274, %swap3A_275], %max3A_273 {strides = array<i32>} : memref<16x128xf32, #tpu.memory_space<vmem>>, vector<1x128xf32>,
      %ge3A_277 = vector.broadcast %reduce_sum3A_94 : i32 to vector<4096x1xi32>
      %ge3A_278 = arith.cmpi sge, %iota3A, %ge3A_277 : vector<4096x1xi32>
      %lt3A_279 = vector.broadcast %reduce_sum3A_103 : i32 to vector<4096x1xi32>
      %lt3A_280 = arith.cmpi slt, %iota3A, %lt3A_279 : vector<4096x1xi32>
      %and3A_281 = arith.andi %ge3A_278, %lt3A_280 : vector<4096x1xi1>
      %jit3A_282 = arith.constant 0xFF800000 : f32
      %broadcast_in_dim3A_283 = vector.shape_cast %and3A_281 : vector<4096x1xi1> to vector<4096x1xi1>
      %broadcast_in_dim3A_284 = vector.broadcast %broadcast_in_dim3A_283 : vector<4096x1xi1> to vector<4096x128xi1>
      %broadcast_in_dim3A_285 = vector.broadcast %jit3A_282 : f32 to vector<4096x128xf32>
      %select_n3A_286 = arith.select %broadcast_in_dim3A_284, %get3A_6, %broadcast_in_dim3A_285 : vector<4096x128xi1>, vector<4096x128xf32>
      %reduce_max3A_287 = arith.constant dense<0xFF800000> : vector<128xf32>
      %reduce_max3A_288 = vector.multi_reduction <maximumf>, %select_n3A_286, %reduce_max3A_287 [0] : vector<4096x128xf32> to vector<128xf32>
      %broadcast_in_dim3A_289 = vector.shape_cast %reduce_max3A_288 : vector<128xf32> to vector<1x128xf32>
      %get3A_290 = arith.constant 9 : index
      %get3A_291 = arith.constant 0 : index
      %get3A_292 = vector.load %arg3[%get3A_290, %get3A_291] : memref<16x128xf32, #tpu.memory_space<vmem>>, vector<1x128xf32>
      %max3A_293 = arith.maximumf %get3A_292, %broadcast_in_dim3A_289 : vector<1x128xf32>
      %swap3A_294 = arith.constant 9 : index
      %swap3A_295 = arith.constant 0 : index
      %swap3A_296 = vector.load %arg3[%swap3A_294, %swap3A_295] : memref<16x128xf32, #tpu.memory_space<vmem>>, vector<1x128xf32>
      tpu.vector_store %arg3[%swap3A_294, %swap3A_295], %max3A_293 {strides = array<i32>} : memref<16x128xf32, #tpu.memory_space<vmem>>, vector<1x128xf32>,
    } else {
    }
    return
  }
  func.func @transform_0(%arg0: i32) -> (i32, i32) {
    %c0_i32 = arith.constant 0 : i32
    %c0_i32_0 = arith.constant 0 : i32
    return %arg0, %c0_i32 : i32, i32
  }
  func.func @transform_1(%arg0: i32) -> (i32, i32) {
    %c0_i32 = arith.constant 0 : i32
    %c0_i32_0 = arith.constant 0 : i32
    return %arg0, %c0_i32 : i32, i32
  }
  func.func @transform_2(%arg0: i32) -> (i32, i32) {
    %c0_i32 = arith.constant 0 : i32
    %c0_i32_0 = arith.constant 0 : i32
    %c0_i32_1 = arith.constant 0 : i32
    return %c0_i32, %c0_i32_0 : i32, i32
  }
}

</mosaic_0001>

<sc_bundles>
// kernel: kernel.5.cloned.1.call-start
scs
__scs_entry_jumppad:
0x0: {  	(pc) =	sbr.rel $0x88, $3  }
0x1: {  	(tag) =	ssettag $0x0;
	lr =	simm.s32 $0x1  }
0x2: {  	[smem:$0x3F9B] =	sst lr;
	_ =	strace $0xD0000000  }
0x3: {  	_ = 	snop  }
0x4: {  	_ = 	snop  }
0x5: {  	_ = 	snop  }
0x6: {  	_ = 	snop  }
0x7: {  	_ = 	snop  }
__scs_overlays_trampoline_lowered:
0x8: {  	[smem:$0x3FAA] =	sst s0  }
0x9: {  	[smem:$0x3FAB] =	sst s1  }
0xa: {  	[smem:$0x3FAC] =	sst s2  }
0xb: {  	[smem:$0x3FAD] =	sst s3  }
0xc: {  	[smem:$0x3FAE] =	sst s4  }
0xd: {  	[smem:$0x3FAF] =	sst s5  }
0xe: {  	[smem:$0x3FB0] =	sst s6  }
0xf: {  	[smem:$0x3FB1] =	sst s7  }
0x10: {  	[smem:$0x3FB2] =	sst s8  }
0x11: {  	[smem:$0x3FB3] =	sst s9;
	s0 =	simm.s32 @!p0 $0x0  }
0x12: {  	s1 =	sld [smem:$0x3F99];
	s0 =	simm.s32 @p0 $0x1  }
0x13: {  	[smem:$0x3FB4] =	sst s0;
	s0 =	simm.s32 @!p1 $0x0  }
0x14: {  	s2 =	sld [smem:$0x3F98];
	s0 =	simm.s32 @p1 $0x1  }
0x15: {  	[smem:$0x3FB5] =	sst s0;
	s0 =	simm.s32 @!p2 $0x0  }
0x16: {  	s3 =	sld [smem:$0x3FDB];
	s0 =	simm.s32 @p2 $0x1  }
0x17: {  	s4 =	simm.s32 $0x1BF5;
	[smem:$0x3FB7] =	sst s0  }
0x18: {  	s0 =	sld [smem:$0x3F9A];
	_ =	swait.ge [sflag:s4], $0x0  }
0x19: {  	s7 =	sld [smem:$0x3F9B]  }
0x1a: {  	s8 =	sadd.s32 $0xFFFFE003, lr  }
0x1b: {  	s9 =	sadd.s32 $0xFFFFFEF7, lr;
	s5 =	simm.s32 $0xFFFFFFFF;
	p2 =	slt.u32 s8, $0xFFFFF086  }
0x1c: {  	p1 =	slt.u32 s9, $0xF7A;
	s5 =	simm.s32 @!p2 $0x0  }
0x1d: {  	s5 =	simm.s32 @p1 $0x1;
	p0 =	seq.s32 s7, s2  }
0x1e: {  	s7 =	smul.u32 @!p0 $0xF7A, s2;
	p2 =	seq.s32 @!p0 s5, $0x0  }
0x1f: {  	s9 =	smul.u32 $0xF7A, s1;
	s8 =	simm.s32 @!p0 $0x1BF5;
	p2 =	por !p2, p0  }
0x20: {  	[sflag:s8] =	ssyncset.s32 @!p0 $0xFFFFF086;
	s6 =	sadd.s32 @!p0 s3, s7;
	s7 =	simm.s32 @!p0 $0x108  }
0x21: {  	s3 =	sadd.s32 s3, s9;
	s6 =	sadd.s32 @!p0 $0x88, s6;
	s7 =	simm.s32 @p2 $0x1082  }
0x22: {  	[simem:s7], [sflag:s8] =	dma.local @!p0 [hbm:s6], $0xF7A  }
0x23: {  	s9 =	sor.u32 $0xD0000000, s2;
	s6 =	simm.s32 $0x108;
	_ =	swait.ge @!p0 [sflag:s8], $0x0  }
0x24: {  	s3 =	sadd.s32 $0x88, s3;
	s6 =	simm.s32 @!p1 $0x1082;
	[sflag:s4] =	ssyncset.s32 $0xFFFFF086  }
0x25: {  	[simem:s6], [sflag:s4] =	dma.local [hbm:s3], $0xF7A  }
0x26: {  	[smem:$0x3F9B] =	sst s1;
	(tag) =	ssettag s2;
	_ =	strace s9  }
0x27: {  	s1 =	sld [smem:$0x3FAB]  }
0x28: {  	s2 =	sld [smem:$0x3FAC]  }
0x29: {  	s4 =	sld [smem:$0x3FAE]  }
0x2a: {  	p0 =	seq.s32 s5, $0x0;
	s5 =	sld [smem:$0x3FAF]  }
0x2b: {  	s6 =	sld [smem:$0x3FB0]  }
0x2c: {  	s7 =	sld [smem:$0x3FB1]  }
0x2d: {  	s3 =	simm.s32 $0x108;
	s8 =	sld [smem:$0x3FB2]  }
0x2e: {  	s3 =	simm.s32 @!p0 $0x1082;
	s9 =	sld [smem:$0x3FB3]  }
0x2f: {  	lr =	sadd.s32 s0, s3;
	s0 =	sld [smem:$0x3FAA]  }
0x30: {  	s3 =	sld [smem:$0x3FAD]  }
0x31: {  	[smem:$0x3FB6] =	sst s10  }
0x32: {  	s10 =	sld [smem:$0x3FB4];
	_ =	sdelay $0x3  }
0x33: {  	p0 =	seq.s32 s10, $0x1;
	s10 =	sld [smem:$0x3FB6];
	_ =	sdelay $0x3  }
0x34: {  	[smem:$0x3FB6] =	sst s10  }
0x35: {  	s10 =	sld [smem:$0x3FB5];
	_ =	sdelay $0x3  }
0x36: {  	p1 =	seq.s32 s10, $0x1;
	s10 =	sld [smem:$0x3FB6];
	_ =	sdelay $0x3  }
0x37: {  	[smem:$0x3FB6] =	sst s10  }
0x38: {  	s10 =	sld [smem:$0x3FB7]  }
0x39: {  	_ = 	snop;
	(pc) =	sbr.ind lr, $3  }
0x3a: {  	_ = 	snop  }
0x3b: {  	_ = 	snop  }
0x3c: {  	p2 =	seq.s32 s10, $0x1;
	s10 =	sld [smem:$0x3FB6]  }
0x3d: {  	_ =	shalt  }
0x3e: {  	_ =	shalt  }
0x3f: {  	_ =	shalt  }
0x40: {  	_ =	shalt  }
0x41: {  	_ =	shalt  }
0x42: {  	_ =	shalt  }
0x43: {  	_ =	shalt  }
0x44: {  	_ =	shalt  }
0x45: {  	_ =	shalt  }
0x46: {  	_ =	shalt  }
0x47: {  	_ =	shalt  }
0x48: {  	_ =	shalt  }
0x49: {  	_ =	shalt  }
0x4a: {  	_ =	shalt  }
0x4b: {  	_ =	shalt  }
0x4c: {  	_ =	shalt  }
0x4d: {  	_ =	shalt  }
0x4e: {  	_ =	shalt  }
0x4f: {  	_ =	shalt  }
0x50: {  	_ =	shalt  }
0x51: {  	_ =	shalt  }
0x52: {  	_ =	shalt  }
0x53: {  	_ =	shalt  }
0x54: {  	_ =	shalt  }
0x55: {  	_ =	shalt  }
0x56: {  	_ =	shalt  }
0x57: {  	_ =	shalt  }
0x58: {  	_ =	shalt  }
0x59: {  	_ =	shalt  }
0x5a: {  	_ =	shalt  }
0x5b: {  	_ =	shalt  }
0x5c: {  	_ =	shalt  }
0x5d: {  	_ =	shalt  }
0x5e: {  	_ =	shalt  }
0x5f: {  	_ =	shalt  }
0x60: {  	_ =	shalt  }
0x61: {  	_ =	shalt  }
0x62: {  	_ =	shalt  }
0x63: {  	_ =	shalt  }
0x64: {  	_ =	shalt  }
0x65: {  	_ =	shalt  }
0x66: {  	_ =	shalt  }
0x67: {  	_ =	shalt  }
0x68: {  	_ =	shalt  }
0x69: {  	_ =	shalt  }
0x6a: {  	_ =	shalt  }
0x6b: {  	_ =	shalt  }
0x6c: {  	_ =	shalt  }
0x6d: {  	_ =	shalt  }
0x6e: {  	_ =	shalt  }
0x6f: {  	_ =	shalt  }
0x70: {  	_ =	shalt  }
0x71: {  	_ =	shalt  }
0x72: {  	_ =	shalt  }
0x73: {  	_ =	shalt  }
0x74: {  	_ =	shalt  }
0x75: {  	_ =	shalt  }
0x76: {  	_ =	shalt  }
0x77: {  	_ =	shalt  }
0x78: {  	_ =	shalt  }
0x79: {  	_ =	shalt  }
0x7a: {  	_ =	shalt  }
0x7b: {  	_ =	shalt  }
0x7c: {  	_ =	shalt  }
0x7d: {  	_ =	shalt  }
0x7e: {  	_ =	shalt  }
0x7f: {  	_ =	shalt  }
0x80: {  	_ =	shalt  }
0x81: {  	_ =	shalt  }
0x82: {  	_ =	shalt  }
0x83: {  	_ =	shalt  }
0x84: {  	_ =	shalt  }
0x85: {  	_ =	shalt  }
0x86: {  	_ =	shalt  }
0x87: {  	_ =	shalt  }
.Lfunc_end0:
.L_simem_size_0:
called_computation_lowered:
.L_overlay_start_0:
0x88: {  	s2 =	sld [smem:$0x3FD9]  }
0x89: {  	s3 =	sld [smem:$0x3FFE];
	_ =	sdelay $0x1  }
0x8a: {  	s1 =	srdreg.scid  }
0x8b: {  	s0 =	sand.u32 $0x1, s1  }
0x8c: {  	s17 =	sshll.u32 s0, $0xA;
	s2 =	sadd.s32 s3, s2  }
0x8d: {  	s2 =	sadd.s32 s2, s17  }
0x8e: {  	[smem:$0x3FC2] =	sst s2  }
0x8f: {  	_ = 	snop  }
0x90: {  	s2 =	sld [smem:$0x3FC9]  }
0x91: {  	s18 =	sld [smem:$0x3FC8];
	(tm) =	ssettm $0x1  }
0x92: {  	s4 =	sld [smem:$0x3FFB];
	_ =	sdelay $0x3  }
0x93: {  	_ =	strace s4  }
0x94: {  	s4 =	sld [smem:$0x3FFC];
	_ =	sdelay $0x3  }
0x95: {  	_ =	strace s4  }
0x96: {  	s4 =	sld [smem:$0x3FFD];
	_ =	sdelay $0x3  }
0x97: {  	_ =	strace s4  }
0x98: {  	_ =	strace $0x8FFFFFFF  }
0x99: {  	s19 =	sld [smem:$0x3FDB];
	_ =	sdelay $0x1  }
0x9a: {  	s5 =	simm.s32 $_scs_section_size  }
0x9b: {  	s6 =	simm.s32 $_size__tile_overlayer_lowered;
	s7 =	simm.s32 $_tile_overlayer_lowered  }
0x9c: {  	s22 =	simm.s32 $0x1BFF;
	s21 =	sshll.u32 s7, $0x1;
	s4 =	sadd.s32 s5, s19  }
0x9d: {  	s8 =	simm.s32 $0x0;
	s20 =	sshll.u32 s6, $0x1;
	s6 =	sadd.s32 s21, s4  }
0x9e: {  	[timem:s8], [sflag:s22] =	dma.local [hbm:s6], s20  }
0x9f: {  	_ =	swait.ge [sflag:s22], s20  }
0xa0: {  	s5 =	ssub.s32 $0x0, s20;
	[sflag:s22] =	ssyncset.done $0x0  }
0xa1: {  	[sflag:s22] =	ssyncadd.s32 s5;
	_ =	sdelay $0x1  }
0xa2: {  	s23 =	simm.s32 $0x1B8B  }
0xa3: {  	_ =	swait.ge [sflag:s23], $0x1  }
0xa4: {  	[sflag:s23] =	ssyncset.done $0x0  }
0xa5: {  	s25 =	simm.s32 $0x1B8E;
	s24 =	sld [smem:$0x3FFE];
	[sflag:s23] =	ssyncadd.s32 $0xFFFFFFFF  }
0xa6: {  	s26 =	simm.s32 $execute0_lowered;
	[smem:$0x3FD2] =	sst s25  }
0xa7: {  	s6 =	sshll.u32 s26, $0x1;
	_ =	strace $0x80000046;
	[dreg:$0x1] =	wrdreg $0xFFFFFFFF  }
0xa8: {  	s28 =	simm.s32 $_size_execute0_lowered;
	s4 =	sadd.s32 s4, s6;
	[dreg:$0x0] =	wrdreg $0x0  }
0xa9: {  	s6 =	sshll.u32 s28, $0x1;
	[dreg:$0x2] =	wrdreg s4  }
0xaa: {  	[dreg:$0x3] =	wrdreg s6  }
0xab: {  	[dreg:$0x4] =	wrdreg $0xC0  }
0xac: {  	_ =	task [dreg:s8], $0x5FFFF  }
0xad: {  	[dreg:$0x1] =	wrdreg $0xFFFFFFFF  }
0xae: {  	[dreg:$0x0] =	wrdreg $0x60  }
0xaf: {  	[dreg:$0x2] =	wrdreg s18  }
0xb0: {  	[dreg:$0x3] =	wrdreg s2  }
0xb1: {  	[dreg:$0x4] =	wrdreg s24  }
0xb2: {  	[dreg:$0x5] =	wrdreg $0x9  }
0xb3: {  	_ =	task.clear_ibuf [dreg:s8], $0x6FFFF;
	_ =	strace $0x90000046  }
0xb4: {  	s29 =	simm.s32 $0x9;
	_ =	strace $0x80000048  }
0xb5: {  	_ =	swait.ge [sflag:s29], $0x1  }
0xb6: {  	[sflag:s29] =	ssyncadd.s32 $0xFFFFFFFF  }
0xb7: {  	_ =	strace $0x90000048  }
0xb8: {  	_ =	sfence  }
0xb9: {  	s30 =	sld [smem:$0x0];
	_ =	sdelay $0x2  }
0xba: {  	s31 =	sshll.u32 s1, $0xD;
	s1 =	sshrl.u32 s1, $0x2  }
0xbb: {  	s3 =	sand.u32 $0x4000, s31;
	s1 =	sadd.s32 s1, s30  }
0xbc: {  	s0 =	sor.u32 s3, s0;
	s1 =	sshll.u32 s1, $0x11  }
0xbd: {  	s0 =	sor.u32 s1, s0  }
0xbe: {  	s0 =	sadd.s32 $0x8F2B, s0  }
0xbf: {  	[sflag:s0] =	ssyncadd.remote.s32 $0x1  }
0xc0: {  	_ =	sfence.sel $0xFFFF  }
0xc1: {  	[dreg:$0x0] =	wrdreg $0xFFFFFFFF;
	(pc) =	sbr.abs _section_cstart, $3  }
0xc2: {  	[dreg:$0x1] =	wrdreg $0xFFFFFFFF  }
0xc3: {  	_ =	task.clear_ibuf [dreg:s8], $0x2FFFF;
	_ =	strace $0x9FFFFFFF  }
0xc4: {  	(tm) =	ssettm $0x7FFFFFFF  }
0xc5: {  	_ =	shalt  }
tec
execute0_lowered:
.L_overlay_start_1:
0x0: {  	(tag) =	ssettag $0x1  }
0x1: {  	s7 =	rddreg [dreg:$0x0]  }
0x2: {  	s0 =	rddreg [dreg:$0x1];
	s1 =	srdreg.scid  }
0x3: {  	s3 =	stileid.u32;
	s2 =	rddreg [dreg:$0x2]  }
0x4: {  	s8 =	simm.s32 $0x0;
	s1 =	sand.u32 $0x1, s1;
	s3 =	sshll.u32 s3, $0x1  }
0x5: {  	[smem:$0x7FF] =	sst s8;
	s3 =	sor.u32 s1, s3;
	s1 =	ssub.s32 $0x2, s1  }
0x6: {  	_ =	strace $0x80000047;
	s4 =	smul.u32 $0x1910, s3;
	s5 =	sshll.u32 s3, $0x8  }
0x7: {  	s3 =	smul.u32 $0xC8800, s3;
	s25 =	sshrl.u32 s1, $0x1;
	s2 =	sadd.s32 s5, s2  }
0x8: {  	s1 =	ssub.s32 s1, s25;
	s26 =	sadd.s32 $0x1C000, s4;
	s28 =	sadd.s32 $0x1C322, s4  }
0x9: {  	s3 =	sshrl.u32 s3, $0x3;
	s29 =	sadd.s32 $0x1C4B3, s4;
	[dreg:$0x7] =	wrdreg s28  }
0xa: {  	s30 =	sadd.s32 $0x1000, s2;
	s31 =	smax.u32 s1, $0x1;
	[dreg:$0x8] =	wrdreg s29  }
.Ltmp0:
0xb: {  	s6 =	sshll.u32 s26, $0x4;
	[dreg:$0x9] =	wrdreg s30;
	(pc) =	sbr.rel .LBB2_1-.Ltmp0, $4  }
0xc: {  	s3 =	sadd.s32 s7, s3;
	[dreg:$0xa] =	wrdreg s31;
	s6 =	sadd.s32 s7, s6  }
0xd: {  	s5 =	sshrl.u32 s26, $0x3;
	s3 =	sadd.s32 $0x1C1910, s3;
	[dreg:$0x4] =	wrdreg s6  }
0xe: {  	s0 =	sadd.s32 s0, s5;
	[dreg:$0x5] =	wrdreg s3  }
0xf: {  	v0 =	vimm.f32 $-Inf;
	s2 =	simm.s32 $0x3;
	s1 =	simm.s32 $0x0;
	[dreg:$0x6] =	wrdreg s0  }
.LBB2_96:
0x10: {  	s0 =	rddreg [dreg:$0x9];
	s1 =	simm.s32 $0x19100;
	s2 =	simm.s32 $0x3  }
0x11: {  	[hbm4b:s0+s8] =	stream.linear.scatter [tilespmem:s1], [sflag:$0x3], $0x800, $0x38;
	[tilespmem:$0x1B280] =	vst v63  }
0x12: {  	_ =	swait.ge [sflag:s2], $0x800  }
0x13: {  	s30 =	rddreg [dreg:$0xb]  }
0x14: {  	s31 =	rddreg [dreg:$0xa];
	s1 =	sadd.s32 $0x1, s30  }
0x15: {  	p0 =	sne.s32 s1, s31  }
.Ltmp1:
0x16: {  	_ = 	snop;
	(pc) =	sbr.rel @!p0 .LBB2_97-.Ltmp1, $3  }
0x17: {  	_ =	sdelay $0x1  }
0x18: {  	[sflag:s2] =	ssyncset.done $0x0  }
0x19: {  	[sflag:s2] =	ssyncadd.s32 $0xFFFFF800  }
.LBB2_1:
0x1a: {  	[dreg:$0xb] =	wrdreg s1  }
0x1b: {  	s0 =	rddreg [dreg:$0x4]  }
0x1c: {  	[tilespmem:s8], [sflag:$0x1] =	stream.linear.gather [hbm4b:s0+s8], $0xC880, $0x38;
	[tilespmem:$0x1B280] =	vst v63  }
0x1d: {  	s26 =	rddreg [dreg:$0x5];
	s28 =	simm.s32 $0xC880  }
0x1e: {  	[tilespmem:s28], [sflag:$0x2] =	stream.linear.gather [hbm4b:s26+s8], $0xC880, $0x38;
	[tilespmem:$0x1B280] =	vst v63  }
0x1f: {  	s29 =	rddreg [dreg:$0x6];
	s30 =	simm.s32 $0x19900  }
0x20: {  	[tilespmem:s30], [sflag:$0x3] =	stream.linear.gather [hbm4b:s29+s8], $0x1910, $0x38;
	[tilespmem:$0x1B280] =	vst v63  }
0x21: {  	_ =	swait.ge [sflag:s2], $0x1910  }
0x22: {  	[sflag:s2] =	ssyncset.done $0x0  }
0x23: {  	[sflag:s2] =	ssyncadd.s32 $0xFFFFE6F0  }
0x24: {  	s31 =	simm.s32 $0x1910;
	[smem:$0x0] =	sst s8  }
0x25: {  	s0 =	simm.s32 $0x1;
	[smem:$0xA] =	sst s31  }
.LBB2_2:
0x26: {  	s1 =	simm.s32 $0x0  }
0x27: {  	s3 =	simm.s32 $0x1910;
	s4 =	simm.s32 $0x1910;
	s2 =	simm.s32 $0xD  }
.LBB2_3:
0x28: {  	s5 =	smov.u32 s3  }
0x29: {  	p0 =	sne.s32 s2, $0x1;
	s3 =	sand.u32 $0x1, s4  }
0x2a: {  	p1 =	slt.s32 s4, $0x1;
	p2 =	seq.s32 s3, $0x1  }
0x2b: {  	s3 =	sshrl.u32 s4, $0x1F;
	p1 =	por !p1, !p2  }
0x2c: {  	s3 =	sadd.s32 s3, s4;
	s4 =	simm.s32 $0x1;
	p1 =	por !p1, !p1  }
0x2d: {  	s3 =	sshra.s32 s3, $0x1;
	s4 =	simm.s32 @!p1 $0x0  }
0x2e: {  	s3 =	ssub.s32 s3, s4  }
0x2f: {  	v1 =	vld [tilespmem:s3+$0x19900];
	_ =	sdelay $0x4  }
0x30: {  	(v2sf) =	vpush v1, $0x0;
	_ =	sdelay $0xd  }
.Ltmp2:
0x31: {  	(pc) =	sbr.rel @p0 .LBB2_3-.Ltmp2, $4  }
0x32: {  	s4 =	spop (v2sf)  }
0x33: {  	p1 =	slt.s32 s4, s0;
	s4 =	sadd.s32 $0x1, s3  }
0x34: {  	s1 =	smov.u32 @p1 s4;
	s3 =	smov.u32 @p1 s5  }
0x35: {  	s2 =	sadd.s32 $0xFFFFFFFF, s2;
	s4 =	sadd.s32 s1, s3  }
0x36: {  	s2 =	sand.u32 $0x1, s4  }
0x37: {  	p0 =	slt.s32 s4, $0x1;
	p1 =	seq.s32 s2, $0x1  }
0x38: {  	s30 =	sshrl.u32 s4, $0x1F;
	p0 =	por !p0, !p1  }
0x39: {  	s3 =	simm.s32 $0x1;
	s2 =	sadd.s32 s30, s4;
	p0 =	por !p0, !p0  }
0x3a: {  	s2 =	sshra.s32 s2, $0x1;
	s3 =	simm.s32 @!p0 $0x0  }
0x3b: {  	s2 =	ssub.s32 s2, s3  }
0x3c: {  	v1 =	vld [tilespmem:s2+$0x19900];
	_ =	sdelay $0x4  }
0x3d: {  	(v2sf) =	vpush v1, $0x0;
	_ =	sdelay $0xe  }
0x3e: {  	s31 =	spop (v2sf)  }
0x3f: {  	s2 =	sadd.s32 $0x1, s2;
	p0 =	slt.s32 s31, s0  }
0x40: {  	s1 =	smov.u32 @p0 s2  }
0x41: {  	[smem:s0] =	sst s1;
	s0 =	sadd.s32 $0x1, s0  }
0x42: {  	p0 =	sne.s32 s0, $0xA  }
.Ltmp3:
0x43: {  	_ = 	snop;
	(pc) =	sbr.rel @p0 .LBB2_2-.Ltmp3, $1  }
0x44: {  	_ =	sdelay $0x3  }
0x45: {  	s0 =	sld [smem:$0x1]  }
0x46: {  	s28 =	sld [smem:$0x2]  }
0x47: {  	s29 =	sld [smem:$0x3]  }
0x48: {  	s30 =	sld [smem:$0x4]  }
0x49: {  	s11 =	sld [smem:$0x5]  }
0x4a: {  	s18 =	sld [smem:$0x6]  }
0x4b: {  	s13 =	sld [smem:$0x7]  }
0x4c: {  	s10 =	sld [smem:$0x8]  }
0x4d: {  	s9 =	sld [smem:$0x9]  }
0x4e: {  	s31 =	sld [smem:$0xA]  }
0x4f: {  	[dreg:$0xc] =	wrdreg s0  }
0x50: {  	[dreg:$0xd] =	wrdreg s28  }
0x51: {  	[dreg:$0xe] =	wrdreg s29  }
0x52: {  	[dreg:$0xf] =	wrdreg s30  }
0x53: {  	s1 =	simm.s32 $0x0;
	[dreg:$0x10] =	wrdreg s31;
	s0 =	simm.s32 $0x40  }
.LBB2_6:
0x54: {  	p0 =	sne.s32 s0, $0x1FC0;
	[tilespmem:s1+$0x19100] =	vst v0;
	s1 =	smov.u32 s0;
	s0 =	sadd.s32 $0x40, s0  }
.Ltmp4:
0x55: {  	(pc) =	sbr.rel @p0 .LBB2_6-.Ltmp4, $2  }
0x56: {  	_ =	sdelay $0x2  }
0x57: {  	s1 =	sshra.s32 s1, $0x2  }
0x58: {  	s19 =	rddreg [dreg:$0xc]  }
0x59: {  	s20 =	rddreg [dreg:$0xd]  }
0x5a: {  	s21 =	rddreg [dreg:$0xe]  }
0x5b: {  	s22 =	rddreg [dreg:$0xf]  }
0x5c: {  	s12 =	sadd.s32 $0xFFFFFE6F, s11;
	s14 =	sadd.s32 $0xFFFFFE6F, s18;
	s17 =	sadd.s32 $0xFFFFFE6F, s13  }
0x5d: {  	s4 =	sadd.s32 $0xFFFFFE6F, s10;
	s5 =	sadd.s32 $0xFFFFFE6F, s9;
	s6 =	simm.s32 $0x0  }
0x5e: {  	s28 =	smov.u32 s9;
	s26 =	smov.u32 s10;
	s25 =	smov.u32 s13  }
0x5f: {  	s24 =	smov.u32 s18;
	s23 =	smov.u32 s11;
	s30 =	sadd.s32 $0xFFFFFE6F, s19  }
0x60: {  	[tilespmem:s1+$0x19100] =	vst v0;
	s31 =	sadd.s32 $0xFFFFFE6F, s20;
	s2 =	sadd.s32 $0xFFFFFE6F, s21;
	s0 =	sadd.s32 $0xFFFFFE6F, s22  }
.LBB2_8:
0x61: {  	s1 =	simm.s32 $0x1  }
0x62: {  	_ =	swait.ge [sflag:s1], $0xC880  }
0x63: {  	[sflag:s1] =	ssyncset.done $0x0  }
0x64: {  	s15 =	smul.u32 $0x322, s6;
	[sflag:s1] =	ssyncadd.s32 $0xFFFF3780  }
0x65: {  	s29 =	rddreg [dreg:$0xc];
	v8 =	vld [tilespmem:$0x19100]  }
0x66: {  	s16 =	ssub.s32 s29, s15;
	v7 =	vld [tilespmem:$0x19110]  }
0x67: {  	v6 =	vld [tilespmem:$0x19120];
	p0 =	slt.s32 s16, $0x1  }
.Ltmp5:
0x68: {  	v4 =	vld [tilespmem:$0x19130];
	(pc) =	sbr.rel @p0 .LBB2_15-.Ltmp5, $4  }
0x69: {  	v5 =	vld [tilespmem:$0x19140]  }
0x6a: {  	v3 =	vld [tilespmem:$0x19150]  }
0x6b: {  	v2 =	vld [tilespmem:$0x19160]  }
0x6c: {  	v1 =	vld [tilespmem:$0x19170]  }
0x6d: {  	p0 =	sgt.s32 s19, $0x1;
	s1 =	smov.u32 s19  }
0x6e: {  	s1 =	simm.s32 @!p0 $0x1  }
0x6f: {  	s7 =	smin.u32 s1, $0x191  }
0x70: {  	p1 =	sne.s32 s7, $0x1  }
.Ltmp6:
0x71: {  	_ = 	snop;
	(pc) =	sbr.rel @!p1 .LBB2_10-.Ltmp6, $3  }
0x72: {  	_ =	sdelay $0x1  }
0x73: {  	s1 =	simm.s32 $0x40  }
0x74: {  	p0 =	por $0x0, $0x0;
	v9 =	vld [tilespmem:s1+$0x30];
	s7 =	sadd.s32 $0xFFFFFFFF, s7  }
0x75: {  	v14 =	vld [tilespmem:s1+$0xFFFFFFD0]  }
0x76: {  	v15 =	vld [tilespmem:s1+$0xFFFFFFE0]  }
0x77: {  	v16 =	vld [tilespmem:s1+$0xFFFFFFF0];
	p1 =	sne.s32 s7, $0x1  }
.Ltmp7:
0x78: {  	v10 =	vld [tilespmem:s1+$0x0];
	(pc) =	sbr.rel @!p1 .LBB2_12-.Ltmp7, $4  }
0x79: {  	v11 =	vld [tilespmem:s1+$0x10]  }
0x7a: {  	v12 =	vld [tilespmem:s1+$0x20]  }
0x7b: {  	v13 =	vld [tilespmem:s1+$0xFFFFFFC0];
	s1 =	simm.s32 $0xC0;
	v17 =	vmov v8;
	v1 =	vmax.f32 v1, v9;
	v7 =	vmax.f32 v7, v14  }
0x7c: {  	s7 =	sadd.s32 $0xFFFFFFFF, s7;
	p0 =	por $0x1, $0x1;
	v9 =	vld [tilespmem:s1+$0x30];
	v6 =	vmax.f32 v6, v15;
	v4 =	vmax.f32 v4, v16;
	v14 =	vmovc v5;
	v15 =	vmovc v3;
	v16 =	vmov v2  }
.LBB2_13:
0x7d: {  	p1 =	sne.s32 s7, $0x1;
	v18 =	vld [tilespmem:s1+$0xFFFFFFD0];
	v14 =	vmax.f32 v14, v10  }
0x7e: {  	v19 =	vld [tilespmem:s1+$0xFFFFFFE0];
	v15 =	vmax.f32 v15, v11  }
0x7f: {  	v20 =	vld [tilespmem:s1+$0xFFFFFFF0];
	v16 =	vmax.f32 v16, v12  }
.Ltmp8:
0x80: {  	v10 =	vld [tilespmem:s1+$0x0];
	v17 =	vmax.f32 v17, v13;
	(pc) =	sbr.rel @p1 .LBB2_13-.Ltmp8, $4  }
0x81: {  	v11 =	vld [tilespmem:s1+$0x10];
	v1 =	vmax.f32 v1, v9  }
0x82: {  	v7 =	vmax.f32 v7, v18;
	v12 =	vld [tilespmem:s1+$0x20]  }
0x83: {  	v13 =	vld [tilespmem:s1+$0xFFFFFFC0];
	v6 =	vmax.f32 v6, v19;
	s1 =	sadd.s32 $0x80, s1  }
0x84: {  	s7 =	sadd.s32 $0xFFFFFFFF, s7;
	v9 =	vld [tilespmem:s1+$0x30];
	v4 =	vmax.f32 v4, v20  }
.LBB2_14:
0x85: {  	v18 =	vld [tilespmem:s1+$0xFFFFFFD0]  }
0x86: {  	v19 =	vld [tilespmem:s1+$0xFFFFFFE0]  }
0x87: {  	v20 =	vld [tilespmem:s1+$0xFFFFFFF0]  }
0x88: {  	v21 =	vld [tilespmem:s1+$0x0]  }
0x89: {  	v22 =	vld [tilespmem:s1+$0x10]  }
0x8a: {  	v23 =	vld [tilespmem:s1+$0x20]  }
0x8b: {  	v10 =	vmax.f32 @p0 v14, v10;
	v63 =	vld [tilespmem:s1+$0xFFFFFFC0]  }
0x8c: {  	v11 =	vmax.f32 @p0 v15, v11;
	v5 =	vpsel p0, v10, v5;
	v12 =	vmax.f32 @p0 v16, v12  }
0x8d: {  	v3 =	vpsel p0, v11, v3;
	v13 =	vmax.f32 @p0 v17, v13;
	v2 =	vpsel p0, v12, v2  }
0x8e: {  	v1 =	vmax.f32 v1, v9;
	v8 =	vpsel p0, v13, v8;
	v7 =	vmax.f32 v7, v18  }
0x8f: {  	v6 =	vmax.f32 v6, v19;
	v4 =	vmax.f32 v4, v20;
	v5 =	vmax.f32 v5, v21  }
0x90: {  	v3 =	vmax.f32 v3, v22;
	v2 =	vmax.f32 v2, v23;
	v8 =	vmax.f32 v8, v63  }
.LBB2_15:
0x91: {  	s1 =	rddreg [dreg:$0xd]  }
0x92: {  	s1 =	ssub.s32 s1, s15  }
0x93: {  	p0 =	sgt.s32 s1, $0x0  }
0x94: {  	[tilespmem:$0x19100] =	vst v8;
	v8 =	vld [tilespmem:$0x19180];
	s1 =	simm.s32 @!p0 $0x0;
	p0 =	sgt.s32 s16, $0x0  }
0x95: {  	[tilespmem:$0x19110] =	vst v7;
	v7 =	vld [tilespmem:$0x19190];
	s16 =	simm.s32 @!p0 $0x0;
	s29 =	smin.u32 s1, $0x191  }
0x96: {  	[tilespmem:$0x19120] =	vst v6;
	v6 =	vld [tilespmem:$0x191A0];
	p0 =	sge.u32 s16, s29  }
.Ltmp9:
0x97: {  	[tilespmem:$0x19130] =	vst v4;
	v4 =	vld [tilespmem:$0x191B0];
	(pc) =	sbr.rel @p0 .LBB2_19-.Ltmp9, $4  }
0x98: {  	[tilespmem:$0x19140] =	vst v5;
	v5 =	vld [tilespmem:$0x191C0]  }
0x99: {  	[tilespmem:$0x19150] =	vst v3;
	v3 =	vld [tilespmem:$0x191D0]  }
0x9a: {  	[tilespmem:$0x19160] =	vst v2;
	v2 =	vld [tilespmem:$0x191E0]  }
0x9b: {  	[tilespmem:$0x19170] =	vst v1;
	v1 =	vld [tilespmem:$0x191F0]  }
0x9c: {  	p0 =	sgt.s32 s19, $0x0;
	s7 =	smov.u32 s19  }
0x9d: {  	s7 =	simm.s32 @!p0 $0x0  }
0x9e: {  	s7 =	smin.u32 s7, $0x191  }
0x9f: {  	s7 =	sshll.u32 s7, $0x7  }
0xa0: {  	s8 =	sor.u32 $0x40, s7  }
0xa1: {  	s16 =	smin.u32 s16, $0x191;
	v13 =	vld [tilespmem:s8+$0x30]  }
0xa2: {  	s7 =	sadd.s32 $0x1, s16;
	v14 =	vld [tilespmem:s8+$0xFFFFFFD0]  }
0xa3: {  	v15 =	vld [tilespmem:s8+$0xFFFFFFE0];
	p0 =	slt.u32 s7, s29  }
.Ltmp10:
0xa4: {  	v9 =	vld [tilespmem:s8+$0xFFFFFFF0];
	(pc) =	sbr.rel @!p0 .LBB2_18-.Ltmp10, $4  }
0xa5: {  	v10 =	vld [tilespmem:s8+$0x0]  }
0xa6: {  	v11 =	vld [tilespmem:s8+$0x10]  }
0xa7: {  	v12 =	vld [tilespmem:s8+$0x20]  }
0xa8: {  	v1 =	vmax.f32 v1, v13;
	v7 =	vmax.f32 v7, v14;
	v13 =	vld [tilespmem:s8+$0xFFFFFFC0];
	v6 =	vmax.f32 v6, v15;
	s8 =	sadd.s32 $0x80, s8  }
.LBB2_17:
0xa9: {  	v14 =	vld [tilespmem:s8+$0x30];
	s7 =	sadd.s32 $0x1, s7;
	v4 =	vmax.f32 v4, v9  }
0xaa: {  	v15 =	vld [tilespmem:s8+$0xFFFFFFD0];
	p0 =	slt.u32 s7, s29;
	v5 =	vmax.f32 v5, v10  }
0xab: {  	v16 =	vld [tilespmem:s8+$0xFFFFFFE0];
	v3 =	vmax.f32 v3, v11  }
.Ltmp11:
0xac: {  	v9 =	vld [tilespmem:s8+$0xFFFFFFF0];
	v2 =	vmax.f32 v2, v12;
	(pc) =	sbr.rel @p0 .LBB2_17-.Ltmp11, $4  }
0xad: {  	v10 =	vld [tilespmem:s8+$0x0];
	v8 =	vmax.f32 v8, v13  }
0xae: {  	v11 =	vld [tilespmem:s8+$0x10];
	v1 =	vmax.f32 v1, v14  }
0xaf: {  	v7 =	vmax.f32 v7, v15;
	v12 =	vld [tilespmem:s8+$0x20]  }
0xb0: {  	v13 =	vld [tilespmem:s8+$0xFFFFFFC0];
	v6 =	vmax.f32 v6, v16;
	s8 =	sadd.s32 $0x80, s8  }
.LBB2_18:
0xb1: {  	_ =	sdelay $0x2  }
0xb2: {  	v4 =	vmax.f32 v4, v9;
	v5 =	vmax.f32 v5, v10  }
0xb3: {  	v3 =	vmax.f32 v3, v11;
	v2 =	vmax.f32 v2, v12;
	v8 =	vmax.f32 v8, v13  }
.LBB2_19:
0xb4: {  	s3 =	rddreg [dreg:$0xe]  }
0xb5: {  	s8 =	ssub.s32 s3, s15  }
0xb6: {  	p0 =	sgt.s32 s8, $0x0  }
0xb7: {  	[tilespmem:$0x19180] =	vst v8;
	v8 =	vld [tilespmem:$0x19200];
	s8 =	simm.s32 @!p0 $0x0  }
0xb8: {  	[tilespmem:$0x19190] =	vst v7;
	v7 =	vld [tilespmem:$0x19210];
	s7 =	smin.u32 s8, $0x191  }
0xb9: {  	[tilespmem:$0x191A0] =	vst v6;
	v10 =	vld [tilespmem:$0x19220];
	p0 =	sge.u32 s1, s7  }
.Ltmp12:
0xba: {  	[tilespmem:$0x191B0] =	vst v4;
	v6 =	vld [tilespmem:$0x19230];
	(pc) =	sbr.rel @p0 .LBB2_23-.Ltmp12, $4  }
0xbb: {  	[tilespmem:$0x191C0] =	vst v5;
	v5 =	vld [tilespmem:$0x19240]  }
0xbc: {  	v9 =	vld [tilespmem:$0x19250];
	[tilespmem:$0x191D0] =	vst v3  }
0xbd: {  	[tilespmem:$0x191E0] =	vst v2;
	v2 =	vld [tilespmem:$0x19260]  }
0xbe: {  	[tilespmem:$0x191F0] =	vst v1;
	v1 =	vld [tilespmem:$0x19270]  }
0xbf: {  	p0 =	sgt.s32 s20, $0x0;
	s1 =	smov.u32 s20  }
0xc0: {  	s1 =	simm.s32 @!p0 $0x0  }
0xc1: {  	s1 =	smin.u32 s1, $0x191  }
0xc2: {  	s1 =	sshll.u32 s1, $0x7  }
0xc3: {  	s16 =	sor.u32 $0x40, s1  }
0xc4: {  	v13 =	vld [tilespmem:s16+$0x30]  }
0xc5: {  	s1 =	sadd.s32 $0x1, s29;
	v14 =	vld [tilespmem:s16+$0xFFFFFFD0]  }
0xc6: {  	v15 =	vld [tilespmem:s16+$0xFFFFFFE0];
	p0 =	slt.u32 s1, s7  }
.Ltmp13:
0xc7: {  	v4 =	vld [tilespmem:s16+$0xFFFFFFF0];
	(pc) =	sbr.rel @!p0 .LBB2_22-.Ltmp13, $4  }
0xc8: {  	v3 =	vld [tilespmem:s16+$0x0]  }
0xc9: {  	v11 =	vld [tilespmem:s16+$0x10]  }
0xca: {  	v12 =	vld [tilespmem:s16+$0x20]  }
0xcb: {  	v1 =	vmax.f32 v1, v13;
	v7 =	vmax.f32 v7, v14;
	v13 =	vld [tilespmem:s16+$0xFFFFFFC0];
	v10 =	vmax.f32 v10, v15;
	s16 =	sadd.s32 $0x80, s16  }
.LBB2_21:
0xcc: {  	v14 =	vld [tilespmem:s16+$0x30];
	s1 =	sadd.s32 $0x1, s1;
	v6 =	vmax.f32 v6, v4  }
0xcd: {  	v15 =	vld [tilespmem:s16+$0xFFFFFFD0];
	p0 =	slt.u32 s1, s7;
	v5 =	vmax.f32 v5, v3  }
0xce: {  	v16 =	vld [tilespmem:s16+$0xFFFFFFE0];
	v9 =	vmax.f32 v9, v11  }
.Ltmp14:
0xcf: {  	v4 =	vld [tilespmem:s16+$0xFFFFFFF0];
	v2 =	vmax.f32 v2, v12;
	(pc) =	sbr.rel @p0 .LBB2_21-.Ltmp14, $4  }
0xd0: {  	v3 =	vld [tilespmem:s16+$0x0];
	v8 =	vmax.f32 v8, v13  }
0xd1: {  	v11 =	vld [tilespmem:s16+$0x10];
	v1 =	vmax.f32 v1, v14  }
0xd2: {  	v7 =	vmax.f32 v7, v15;
	v12 =	vld [tilespmem:s16+$0x20]  }
0xd3: {  	v13 =	vld [tilespmem:s16+$0xFFFFFFC0];
	v10 =	vmax.f32 v10, v16;
	s16 =	sadd.s32 $0x80, s16  }
.LBB2_22:
0xd4: {  	_ =	sdelay $0x2  }
0xd5: {  	v6 =	vmax.f32 v6, v4;
	v5 =	vmax.f32 v5, v3  }
0xd6: {  	v9 =	vmax.f32 v9, v11;
	v2 =	vmax.f32 v2, v12;
	v8 =	vmax.f32 v8, v13  }
.LBB2_23:
0xd7: {  	s1 =	rddreg [dreg:$0xf]  }
0xd8: {  	s1 =	ssub.s32 s1, s15  }
0xd9: {  	p0 =	sgt.s32 s1, $0x0  }
0xda: {  	[tilespmem:$0x19200] =	vst v8;
	v3 =	vld [tilespmem:$0x19280];
	s1 =	simm.s32 @!p0 $0x0  }
0xdb: {  	[tilespmem:$0x19210] =	vst v7;
	v4 =	vld [tilespmem:$0x19290];
	s16 =	smin.u32 s1, $0x191  }
0xdc: {  	[tilespmem:$0x19220] =	vst v10;
	v8 =	vld [tilespmem:$0x192A0];
	p0 =	sge.u32 s8, s16  }
.Ltmp15:
0xdd: {  	[tilespmem:$0x19230] =	vst v6;
	v6 =	vld [tilespmem:$0x192B0];
	(pc) =	sbr.rel @p0 .LBB2_27-.Ltmp15, $4  }
0xde: {  	[tilespmem:$0x19240] =	vst v5;
	v5 =	vld [tilespmem:$0x192C0]  }
0xdf: {  	v7 =	vld [tilespmem:$0x192D0];
	[tilespmem:$0x19250] =	vst v9  }
0xe0: {  	[tilespmem:$0x19260] =	vst v2;
	v2 =	vld [tilespmem:$0x192E0]  }
0xe1: {  	[tilespmem:$0x19270] =	vst v1;
	v1 =	vld [tilespmem:$0x192F0]  }
0xe2: {  	p0 =	sgt.s32 s21, $0x0;
	s8 =	smov.u32 s21  }
0xe3: {  	s8 =	simm.s32 @!p0 $0x0  }
0xe4: {  	s8 =	smin.u32 s8, $0x191  }
0xe5: {  	s8 =	sshll.u32 s8, $0x7  }
0xe6: {  	s8 =	sor.u32 $0x40, s8  }
0xe7: {  	v13 =	vld [tilespmem:s8+$0x30]  }
0xe8: {  	s7 =	sadd.s32 $0x1, s7;
	v14 =	vld [tilespmem:s8+$0xFFFFFFD0]  }
0xe9: {  	p0 =	slt.u32 s7, s16;
	v15 =	vld [tilespmem:s8+$0xFFFFFFE0]  }
.Ltmp16:
0xea: {  	v10 =	vld [tilespmem:s8+$0xFFFFFFF0];
	(pc) =	sbr.rel @!p0 .LBB2_26-.Ltmp16, $4  }
0xeb: {  	v9 =	vld [tilespmem:s8+$0x0]  }
0xec: {  	v11 =	vld [tilespmem:s8+$0x10]  }
0xed: {  	v12 =	vld [tilespmem:s8+$0x20]  }
0xee: {  	v1 =	vmax.f32 v1, v13;
	v4 =	vmax.f32 v4, v14;
	v13 =	vld [tilespmem:s8+$0xFFFFFFC0];
	v8 =	vmax.f32 v8, v15;
	s8 =	sadd.s32 $0x80, s8  }
.LBB2_25:
0xef: {  	v14 =	vld [tilespmem:s8+$0x30];
	s7 =	sadd.s32 $0x1, s7;
	v6 =	vmax.f32 v6, v10  }
0xf0: {  	v15 =	vld [tilespmem:s8+$0xFFFFFFD0];
	p0 =	slt.u32 s7, s16;
	v5 =	vmax.f32 v5, v9  }
0xf1: {  	v16 =	vld [tilespmem:s8+$0xFFFFFFE0];
	v7 =	vmax.f32 v7, v11  }
.Ltmp17:
0xf2: {  	v10 =	vld [tilespmem:s8+$0xFFFFFFF0];
	v2 =	vmax.f32 v2, v12;
	(pc) =	sbr.rel @p0 .LBB2_25-.Ltmp17, $4  }
0xf3: {  	v9 =	vld [tilespmem:s8+$0x0];
	v3 =	vmax.f32 v3, v13  }
0xf4: {  	v11 =	vld [tilespmem:s8+$0x10];
	v1 =	vmax.f32 v1, v14  }
0xf5: {  	v4 =	vmax.f32 v4, v15;
	v12 =	vld [tilespmem:s8+$0x20]  }
0xf6: {  	v13 =	vld [tilespmem:s8+$0xFFFFFFC0];
	v8 =	vmax.f32 v8, v16;
	s8 =	sadd.s32 $0x80, s8  }
.LBB2_26:
0xf7: {  	_ =	sdelay $0x2  }
0xf8: {  	v6 =	vmax.f32 v6, v10;
	v5 =	vmax.f32 v5, v9  }
0xf9: {  	v7 =	vmax.f32 v7, v11;
	v2 =	vmax.f32 v2, v12;
	v3 =	vmax.f32 v3, v13  }
.LBB2_27:
0xfa: {  	s8 =	ssub.s32 s11, s15  }
0xfb: {  	p0 =	sgt.s32 s8, $0x0  }
0xfc: {  	[tilespmem:$0x19280] =	vst v3;
	v3 =	vld [tilespmem:$0x19300];
	s8 =	simm.s32 @!p0 $0x0  }
0xfd: {  	[tilespmem:$0x19290] =	vst v4;
	v4 =	vld [tilespmem:$0x19310];
	s7 =	smin.u32 s8, $0x191  }
0xfe: {  	[tilespmem:$0x192A0] =	vst v8;
	v8 =	vld [tilespmem:$0x19320];
	p0 =	sge.u32 s1, s7  }
.Ltmp18:
0xff: {  	[tilespmem:$0x192B0] =	vst v6;
	v6 =	vld [tilespmem:$0x19330];
	(pc) =	sbr.rel @p0 .LBB2_31-.Ltmp18, $4  }
0x100: {  	[tilespmem:$0x192C0] =	vst v5;
	v5 =	vld [tilespmem:$0x19340]  }
0x101: {  	[tilespmem:$0x192D0] =	vst v7;
	v7 =	vld [tilespmem:$0x19350]  }
0x102: {  	[tilespmem:$0x192E0] =	vst v2;
	v2 =	vld [tilespmem:$0x19360]  }
0x103: {  	[tilespmem:$0x192F0] =	vst v1;
	v1 =	vld [tilespmem:$0x19370]  }
0x104: {  	p0 =	sgt.s32 s22, $0x0;
	s1 =	smov.u32 s22  }
0x105: {  	s1 =	simm.s32 @!p0 $0x0  }
0x106: {  	s1 =	smin.u32 s1, $0x191  }
0x107: {  	s1 =	sshll.u32 s1, $0x7  }
0x108: {  	s29 =	sor.u32 $0x40, s1  }
0x109: {  	v13 =	vld [tilespmem:s29+$0x30]  }
0x10a: {  	s1 =	sadd.s32 $0x1, s16;
	v14 =	vld [tilespmem:s29+$0xFFFFFFD0]  }
0x10b: {  	v15 =	vld [tilespmem:s29+$0xFFFFFFE0];
	p0 =	slt.u32 s1, s7  }
.Ltmp19:
0x10c: {  	v10 =	vld [tilespmem:s29+$0xFFFFFFF0];
	(pc) =	sbr.rel @!p0 .LBB2_30-.Ltmp19, $4  }
0x10d: {  	v9 =	vld [tilespmem:s29+$0x0]  }
0x10e: {  	v11 =	vld [tilespmem:s29+$0x10]  }
0x10f: {  	v12 =	vld [tilespmem:s29+$0x20]  }
0x110: {  	s16 =	sadd.s32 $0x80, s29;
	v1 =	vmax.f32 v1, v13;
	v4 =	vmax.f32 v4, v14;
	v13 =	vld [tilespmem:s29+$0xFFFFFFC0];
	v8 =	vmax.f32 v8, v15  }
.LBB2_29:
0x111: {  	v14 =	vld [tilespmem:s16+$0x30];
	s1 =	sadd.s32 $0x1, s1;
	v6 =	vmax.f32 v6, v10  }
0x112: {  	v15 =	vld [tilespmem:s16+$0xFFFFFFD0];
	p0 =	slt.u32 s1, s7;
	v5 =	vmax.f32 v5, v9  }
0x113: {  	v16 =	vld [tilespmem:s16+$0xFFFFFFE0];
	v7 =	vmax.f32 v7, v11  }
.Ltmp20:
0x114: {  	v10 =	vld [tilespmem:s16+$0xFFFFFFF0];
	v2 =	vmax.f32 v2, v12;
	(pc) =	sbr.rel @p0 .LBB2_29-.Ltmp20, $4  }
0x115: {  	v9 =	vld [tilespmem:s16+$0x0];
	v3 =	vmax.f32 v3, v13  }
0x116: {  	v11 =	vld [tilespmem:s16+$0x10];
	v1 =	vmax.f32 v1, v14  }
0x117: {  	v4 =	vmax.f32 v4, v15;
	v12 =	vld [tilespmem:s16+$0x20]  }
0x118: {  	v13 =	vld [tilespmem:s16+$0xFFFFFFC0];
	v8 =	vmax.f32 v8, v16;
	s16 =	sadd.s32 $0x80, s16  }
.LBB2_30:
0x119: {  	_ =	sdelay $0x2  }
0x11a: {  	v6 =	vmax.f32 v6, v10;
	v5 =	vmax.f32 v5, v9  }
0x11b: {  	v7 =	vmax.f32 v7, v11;
	v2 =	vmax.f32 v2, v12;
	v3 =	vmax.f32 v3, v13  }
.LBB2_31:
0x11c: {  	s1 =	ssub.s32 s18, s15  }
0x11d: {  	p0 =	sgt.s32 s1, $0x0  }
0x11e: {  	[tilespmem:$0x19300] =	vst v3;
	v3 =	vld [tilespmem:$0x19380];
	s1 =	simm.s32 @!p0 $0x0  }
0x11f: {  	[tilespmem:$0x19310] =	vst v4;
	v4 =	vld [tilespmem:$0x19390];
	s16 =	smin.u32 s1, $0x191  }
0x120: {  	[tilespmem:$0x19320] =	vst v8;
	v8 =	vld [tilespmem:$0x193A0];
	p0 =	sge.u32 s8, s16  }
.Ltmp21:
0x121: {  	[tilespmem:$0x19330] =	vst v6;
	v6 =	vld [tilespmem:$0x193B0];
	(pc) =	sbr.rel @p0 .LBB2_35-.Ltmp21, $4  }
0x122: {  	[tilespmem:$0x19340] =	vst v5;
	v5 =	vld [tilespmem:$0x193C0]  }
0x123: {  	[tilespmem:$0x19350] =	vst v7;
	v7 =	vld [tilespmem:$0x193D0]  }
0x124: {  	[tilespmem:$0x19360] =	vst v2;
	v2 =	vld [tilespmem:$0x193E0]  }
0x125: {  	[tilespmem:$0x19370] =	vst v1;
	v1 =	vld [tilespmem:$0x193F0]  }
0x126: {  	p0 =	sgt.s32 s23, $0x0;
	s8 =	smov.u32 s23  }
0x127: {  	s8 =	simm.s32 @!p0 $0x0  }
0x128: {  	s8 =	smin.u32 s8, $0x191  }
0x129: {  	s8 =	sshll.u32 s8, $0x7  }
0x12a: {  	s8 =	sor.u32 $0x40, s8  }
0x12b: {  	v13 =	vld [tilespmem:s8+$0x30]  }
0x12c: {  	s7 =	sadd.s32 $0x1, s7;
	v14 =	vld [tilespmem:s8+$0xFFFFFFD0]  }
0x12d: {  	p0 =	slt.u32 s7, s16;
	v15 =	vld [tilespmem:s8+$0xFFFFFFE0]  }
.Ltmp22:
0x12e: {  	v10 =	vld [tilespmem:s8+$0xFFFFFFF0];
	(pc) =	sbr.rel @!p0 .LBB2_34-.Ltmp22, $4  }
0x12f: {  	v9 =	vld [tilespmem:s8+$0x0]  }
0x130: {  	v11 =	vld [tilespmem:s8+$0x10]  }
0x131: {  	v12 =	vld [tilespmem:s8+$0x20]  }
0x132: {  	v1 =	vmax.f32 v1, v13;
	v4 =	vmax.f32 v4, v14;
	v13 =	vld [tilespmem:s8+$0xFFFFFFC0];
	v8 =	vmax.f32 v8, v15;
	s8 =	sadd.s32 $0x80, s8  }
.LBB2_33:
0x133: {  	v14 =	vld [tilespmem:s8+$0x30];
	s7 =	sadd.s32 $0x1, s7;
	v6 =	vmax.f32 v6, v10  }
0x134: {  	v15 =	vld [tilespmem:s8+$0xFFFFFFD0];
	p0 =	slt.u32 s7, s16;
	v5 =	vmax.f32 v5, v9  }
0x135: {  	v16 =	vld [tilespmem:s8+$0xFFFFFFE0];
	v7 =	vmax.f32 v7, v11  }
.Ltmp23:
0x136: {  	v10 =	vld [tilespmem:s8+$0xFFFFFFF0];
	v2 =	vmax.f32 v2, v12;
	(pc) =	sbr.rel @p0 .LBB2_33-.Ltmp23, $4  }
0x137: {  	v9 =	vld [tilespmem:s8+$0x0];
	v3 =	vmax.f32 v3, v13  }
0x138: {  	v11 =	vld [tilespmem:s8+$0x10];
	v1 =	vmax.f32 v1, v14  }
0x139: {  	v4 =	vmax.f32 v4, v15;
	v12 =	vld [tilespmem:s8+$0x20]  }
0x13a: {  	v13 =	vld [tilespmem:s8+$0xFFFFFFC0];
	v8 =	vmax.f32 v8, v16;
	s8 =	sadd.s32 $0x80, s8  }
.LBB2_34:
0x13b: {  	_ =	sdelay $0x2  }
0x13c: {  	v6 =	vmax.f32 v6, v10;
	v5 =	vmax.f32 v5, v9  }
0x13d: {  	v7 =	vmax.f32 v7, v11;
	v2 =	vmax.f32 v2, v12;
	v3 =	vmax.f32 v3, v13  }
.LBB2_35:
0x13e: {  	s8 =	ssub.s32 s13, s15  }
0x13f: {  	p0 =	sgt.s32 s8, $0x0  }
0x140: {  	[tilespmem:$0x19380] =	vst v3;
	v3 =	vld [tilespmem:$0x19400];
	s8 =	simm.s32 @!p0 $0x0  }
0x141: {  	[tilespmem:$0x19390] =	vst v4;
	v4 =	vld [tilespmem:$0x19410];
	s7 =	smin.u32 s8, $0x191  }
0x142: {  	[tilespmem:$0x193A0] =	vst v8;
	v8 =	vld [tilespmem:$0x19420];
	p0 =	sge.u32 s1, s7  }
.Ltmp24:
0x143: {  	[tilespmem:$0x193B0] =	vst v6;
	v6 =	vld [tilespmem:$0x19430];
	(pc) =	sbr.rel @p0 .LBB2_39-.Ltmp24, $4  }
0x144: {  	[tilespmem:$0x193C0] =	vst v5;
	v5 =	vld [tilespmem:$0x19440]  }
0x145: {  	[tilespmem:$0x193D0] =	vst v7;
	v7 =	vld [tilespmem:$0x19450]  }
0x146: {  	[tilespmem:$0x193E0] =	vst v2;
	v2 =	vld [tilespmem:$0x19460]  }
0x147: {  	[tilespmem:$0x193F0] =	vst v1;
	v1 =	vld [tilespmem:$0x19470]  }
0x148: {  	p0 =	sgt.s32 s24, $0x0;
	s1 =	smov.u32 s24  }
0x149: {  	s1 =	simm.s32 @!p0 $0x0  }
0x14a: {  	s1 =	smin.u32 s1, $0x191  }
0x14b: {  	s1 =	sshll.u32 s1, $0x7  }
0x14c: {  	s29 =	sor.u32 $0x40, s1  }
0x14d: {  	v13 =	vld [tilespmem:s29+$0x30]  }
0x14e: {  	s1 =	sadd.s32 $0x1, s16;
	v14 =	vld [tilespmem:s29+$0xFFFFFFD0]  }
0x14f: {  	v15 =	vld [tilespmem:s29+$0xFFFFFFE0];
	p0 =	slt.u32 s1, s7  }
.Ltmp25:
0x150: {  	v10 =	vld [tilespmem:s29+$0xFFFFFFF0];
	(pc) =	sbr.rel @!p0 .LBB2_38-.Ltmp25, $4  }
0x151: {  	v9 =	vld [tilespmem:s29+$0x0]  }
0x152: {  	v11 =	vld [tilespmem:s29+$0x10]  }
0x153: {  	v12 =	vld [tilespmem:s29+$0x20]  }
0x154: {  	s16 =	sadd.s32 $0x80, s29;
	v1 =	vmax.f32 v1, v13;
	v4 =	vmax.f32 v4, v14;
	v13 =	vld [tilespmem:s29+$0xFFFFFFC0];
	v8 =	vmax.f32 v8, v15  }
.LBB2_37:
0x155: {  	v14 =	vld [tilespmem:s16+$0x30];
	s1 =	sadd.s32 $0x1, s1;
	v6 =	vmax.f32 v6, v10  }
0x156: {  	v15 =	vld [tilespmem:s16+$0xFFFFFFD0];
	p0 =	slt.u32 s1, s7;
	v5 =	vmax.f32 v5, v9  }
0x157: {  	v16 =	vld [tilespmem:s16+$0xFFFFFFE0];
	v7 =	vmax.f32 v7, v11  }
.Ltmp26:
0x158: {  	v10 =	vld [tilespmem:s16+$0xFFFFFFF0];
	v2 =	vmax.f32 v2, v12;
	(pc) =	sbr.rel @p0 .LBB2_37-.Ltmp26, $4  }
0x159: {  	v9 =	vld [tilespmem:s16+$0x0];
	v3 =	vmax.f32 v3, v13  }
0x15a: {  	v11 =	vld [tilespmem:s16+$0x10];
	v1 =	vmax.f32 v1, v14  }
0x15b: {  	v4 =	vmax.f32 v4, v15;
	v12 =	vld [tilespmem:s16+$0x20]  }
0x15c: {  	v13 =	vld [tilespmem:s16+$0xFFFFFFC0];
	v8 =	vmax.f32 v8, v16;
	s16 =	sadd.s32 $0x80, s16  }
.LBB2_38:
0x15d: {  	_ =	sdelay $0x2  }
0x15e: {  	v6 =	vmax.f32 v6, v10;
	v5 =	vmax.f32 v5, v9  }
0x15f: {  	v7 =	vmax.f32 v7, v11;
	v2 =	vmax.f32 v2, v12;
	v3 =	vmax.f32 v3, v13  }
.LBB2_39:
0x160: {  	s1 =	ssub.s32 s10, s15  }
0x161: {  	p0 =	sgt.s32 s1, $0x0  }
0x162: {  	[tilespmem:$0x19400] =	vst v3;
	v3 =	vld [tilespmem:$0x19480];
	s1 =	simm.s32 @!p0 $0x0  }
0x163: {  	[tilespmem:$0x19410] =	vst v4;
	v4 =	vld [tilespmem:$0x19490];
	s16 =	smin.u32 s1, $0x191  }
0x164: {  	[tilespmem:$0x19420] =	vst v8;
	v8 =	vld [tilespmem:$0x194A0];
	p0 =	sge.u32 s8, s16  }
.Ltmp27:
0x165: {  	[tilespmem:$0x19430] =	vst v6;
	v6 =	vld [tilespmem:$0x194B0];
	(pc) =	sbr.rel @p0 .LBB2_43-.Ltmp27, $4  }
0x166: {  	[tilespmem:$0x19440] =	vst v5;
	v5 =	vld [tilespmem:$0x194C0]  }
0x167: {  	[tilespmem:$0x19450] =	vst v7;
	v7 =	vld [tilespmem:$0x194D0]  }
0x168: {  	[tilespmem:$0x19460] =	vst v2;
	v2 =	vld [tilespmem:$0x194E0]  }
0x169: {  	[tilespmem:$0x19470] =	vst v1;
	v1 =	vld [tilespmem:$0x194F0]  }
0x16a: {  	p0 =	sgt.s32 s25, $0x0;
	s8 =	smov.u32 s25  }
0x16b: {  	s8 =	simm.s32 @!p0 $0x0  }
0x16c: {  	s8 =	smin.u32 s8, $0x191  }
0x16d: {  	s8 =	sshll.u32 s8, $0x7  }
0x16e: {  	s8 =	sor.u32 $0x40, s8  }
0x16f: {  	v13 =	vld [tilespmem:s8+$0x30]  }
0x170: {  	s7 =	sadd.s32 $0x1, s7;
	v14 =	vld [tilespmem:s8+$0xFFFFFFD0]  }
0x171: {  	p0 =	slt.u32 s7, s16;
	v15 =	vld [tilespmem:s8+$0xFFFFFFE0]  }
.Ltmp28:
0x172: {  	v10 =	vld [tilespmem:s8+$0xFFFFFFF0];
	(pc) =	sbr.rel @!p0 .LBB2_42-.Ltmp28, $4  }
0x173: {  	v9 =	vld [tilespmem:s8+$0x0]  }
0x174: {  	v11 =	vld [tilespmem:s8+$0x10]  }
0x175: {  	v12 =	vld [tilespmem:s8+$0x20]  }
0x176: {  	v1 =	vmax.f32 v1, v13;
	v4 =	vmax.f32 v4, v14;
	v13 =	vld [tilespmem:s8+$0xFFFFFFC0];
	v8 =	vmax.f32 v8, v15;
	s8 =	sadd.s32 $0x80, s8  }
.LBB2_41:
0x177: {  	v14 =	vld [tilespmem:s8+$0x30];
	s7 =	sadd.s32 $0x1, s7;
	v6 =	vmax.f32 v6, v10  }
0x178: {  	v15 =	vld [tilespmem:s8+$0xFFFFFFD0];
	p0 =	slt.u32 s7, s16;
	v5 =	vmax.f32 v5, v9  }
0x179: {  	v16 =	vld [tilespmem:s8+$0xFFFFFFE0];
	v7 =	vmax.f32 v7, v11  }
.Ltmp29:
0x17a: {  	v10 =	vld [tilespmem:s8+$0xFFFFFFF0];
	v2 =	vmax.f32 v2, v12;
	(pc) =	sbr.rel @p0 .LBB2_41-.Ltmp29, $4  }
0x17b: {  	v9 =	vld [tilespmem:s8+$0x0];
	v3 =	vmax.f32 v3, v13  }
0x17c: {  	v11 =	vld [tilespmem:s8+$0x10];
	v1 =	vmax.f32 v1, v14  }
0x17d: {  	v4 =	vmax.f32 v4, v15;
	v12 =	vld [tilespmem:s8+$0x20]  }
0x17e: {  	v13 =	vld [tilespmem:s8+$0xFFFFFFC0];
	v8 =	vmax.f32 v8, v16;
	s8 =	sadd.s32 $0x80, s8  }
.LBB2_42:
0x17f: {  	_ =	sdelay $0x2  }
0x180: {  	v6 =	vmax.f32 v6, v10;
	v5 =	vmax.f32 v5, v9  }
0x181: {  	v7 =	vmax.f32 v7, v11;
	v2 =	vmax.f32 v2, v12;
	v3 =	vmax.f32 v3, v13  }
.LBB2_43:
0x182: {  	s8 =	ssub.s32 s9, s15  }
0x183: {  	p0 =	sgt.s32 s8, $0x0  }
0x184: {  	[tilespmem:$0x19480] =	vst v3;
	v3 =	vld [tilespmem:$0x19500];
	s8 =	simm.s32 @!p0 $0x0  }
0x185: {  	[tilespmem:$0x19490] =	vst v4;
	v4 =	vld [tilespmem:$0x19510];
	s7 =	smin.u32 s8, $0x191  }
0x186: {  	[tilespmem:$0x194A0] =	vst v8;
	v8 =	vld [tilespmem:$0x19520];
	p0 =	sge.u32 s1, s7  }
.Ltmp30:
0x187: {  	[tilespmem:$0x194B0] =	vst v6;
	v6 =	vld [tilespmem:$0x19530];
	(pc) =	sbr.rel @p0 .LBB2_47-.Ltmp30, $4  }
0x188: {  	[tilespmem:$0x194C0] =	vst v5;
	v5 =	vld [tilespmem:$0x19540]  }
0x189: {  	[tilespmem:$0x194D0] =	vst v7;
	v7 =	vld [tilespmem:$0x19550]  }
0x18a: {  	[tilespmem:$0x194E0] =	vst v2;
	v2 =	vld [tilespmem:$0x19560]  }
0x18b: {  	[tilespmem:$0x194F0] =	vst v1;
	v1 =	vld [tilespmem:$0x19570]  }
0x18c: {  	p0 =	sgt.s32 s26, $0x0;
	s1 =	smov.u32 s26  }
0x18d: {  	s1 =	simm.s32 @!p0 $0x0  }
0x18e: {  	s1 =	smin.u32 s1, $0x191  }
0x18f: {  	s1 =	sshll.u32 s1, $0x7  }
0x190: {  	s29 =	sor.u32 $0x40, s1  }
0x191: {  	v13 =	vld [tilespmem:s29+$0x30]  }
0x192: {  	s1 =	sadd.s32 $0x1, s16;
	v14 =	vld [tilespmem:s29+$0xFFFFFFD0]  }
0x193: {  	v15 =	vld [tilespmem:s29+$0xFFFFFFE0];
	p0 =	slt.u32 s1, s7  }
.Ltmp31:
0x194: {  	v10 =	vld [tilespmem:s29+$0xFFFFFFF0];
	(pc) =	sbr.rel @!p0 .LBB2_46-.Ltmp31, $4  }
0x195: {  	v9 =	vld [tilespmem:s29+$0x0]  }
0x196: {  	v11 =	vld [tilespmem:s29+$0x10]  }
0x197: {  	v12 =	vld [tilespmem:s29+$0x20]  }
0x198: {  	s16 =	sadd.s32 $0x80, s29;
	v1 =	vmax.f32 v1, v13;
	v4 =	vmax.f32 v4, v14;
	v13 =	vld [tilespmem:s29+$0xFFFFFFC0];
	v8 =	vmax.f32 v8, v15  }
.LBB2_45:
0x199: {  	v14 =	vld [tilespmem:s16+$0x30];
	s1 =	sadd.s32 $0x1, s1;
	v6 =	vmax.f32 v6, v10  }
0x19a: {  	v15 =	vld [tilespmem:s16+$0xFFFFFFD0];
	p0 =	slt.u32 s1, s7;
	v5 =	vmax.f32 v5, v9  }
0x19b: {  	v16 =	vld [tilespmem:s16+$0xFFFFFFE0];
	v7 =	vmax.f32 v7, v11  }
.Ltmp32:
0x19c: {  	v10 =	vld [tilespmem:s16+$0xFFFFFFF0];
	v2 =	vmax.f32 v2, v12;
	(pc) =	sbr.rel @p0 .LBB2_45-.Ltmp32, $4  }
0x19d: {  	v9 =	vld [tilespmem:s16+$0x0];
	v3 =	vmax.f32 v3, v13  }
0x19e: {  	v11 =	vld [tilespmem:s16+$0x10];
	v1 =	vmax.f32 v1, v14  }
0x19f: {  	v4 =	vmax.f32 v4, v15;
	v12 =	vld [tilespmem:s16+$0x20]  }
0x1a0: {  	v13 =	vld [tilespmem:s16+$0xFFFFFFC0];
	v8 =	vmax.f32 v8, v16;
	s16 =	sadd.s32 $0x80, s16  }
.LBB2_46:
0x1a1: {  	_ =	sdelay $0x2  }
0x1a2: {  	v6 =	vmax.f32 v6, v10;
	v5 =	vmax.f32 v5, v9  }
0x1a3: {  	v7 =	vmax.f32 v7, v11;
	v2 =	vmax.f32 v2, v12;
	v3 =	vmax.f32 v3, v13  }
.LBB2_47:
0x1a4: {  	s1 =	rddreg [dreg:$0x10]  }
0x1a5: {  	s1 =	ssub.s32 s1, s15  }
0x1a6: {  	p0 =	sgt.s32 s1, $0x0  }
0x1a7: {  	[tilespmem:$0x19500] =	vst v3;
	v3 =	vld [tilespmem:$0x19580];
	s1 =	simm.s32 @!p0 $0x0  }
0x1a8: {  	[tilespmem:$0x19510] =	vst v4;
	v4 =	vld [tilespmem:$0x19590];
	s1 =	smin.u32 s1, $0x191  }
0x1a9: {  	[tilespmem:$0x19520] =	vst v8;
	v8 =	vld [tilespmem:$0x195A0];
	p0 =	sge.u32 s8, s1  }
.Ltmp33:
0x1aa: {  	[tilespmem:$0x19530] =	vst v6;
	v6 =	vld [tilespmem:$0x195B0];
	(pc) =	sbr.rel @p0 .LBB2_51-.Ltmp33, $4  }
0x1ab: {  	[tilespmem:$0x19540] =	vst v5;
	v5 =	vld [tilespmem:$0x195C0]  }
0x1ac: {  	[tilespmem:$0x19550] =	vst v7;
	v7 =	vld [tilespmem:$0x195D0]  }
0x1ad: {  	[tilespmem:$0x19560] =	vst v2;
	v2 =	vld [tilespmem:$0x195E0]  }
0x1ae: {  	[tilespmem:$0x19570] =	vst v1;
	v1 =	vld [tilespmem:$0x195F0]  }
0x1af: {  	p0 =	sgt.s32 s28, $0x0;
	s8 =	smov.u32 s28  }
0x1b0: {  	s8 =	simm.s32 @!p0 $0x0  }
0x1b1: {  	s8 =	smin.u32 s8, $0x191  }
0x1b2: {  	s8 =	sshll.u32 s8, $0x7  }
0x1b3: {  	s8 =	sor.u32 $0x40, s8  }
0x1b4: {  	v13 =	vld [tilespmem:s8+$0x30]  }
0x1b5: {  	s7 =	sadd.s32 $0x1, s7;
	v14 =	vld [tilespmem:s8+$0xFFFFFFD0]  }
0x1b6: {  	p0 =	slt.u32 s7, s1;
	v15 =	vld [tilespmem:s8+$0xFFFFFFE0]  }
.Ltmp34:
0x1b7: {  	v10 =	vld [tilespmem:s8+$0xFFFFFFF0];
	(pc) =	sbr.rel @!p0 .LBB2_50-.Ltmp34, $4  }
0x1b8: {  	v9 =	vld [tilespmem:s8+$0x0]  }
0x1b9: {  	v11 =	vld [tilespmem:s8+$0x10]  }
0x1ba: {  	v12 =	vld [tilespmem:s8+$0x20]  }
0x1bb: {  	v1 =	vmax.f32 v1, v13;
	v4 =	vmax.f32 v4, v14;
	v13 =	vld [tilespmem:s8+$0xFFFFFFC0];
	v8 =	vmax.f32 v8, v15;
	s8 =	sadd.s32 $0x80, s8  }
.LBB2_49:
0x1bc: {  	v14 =	vld [tilespmem:s8+$0x30];
	s7 =	sadd.s32 $0x1, s7;
	v6 =	vmax.f32 v6, v10  }
0x1bd: {  	v15 =	vld [tilespmem:s8+$0xFFFFFFD0];
	p0 =	slt.u32 s7, s1;
	v5 =	vmax.f32 v5, v9  }
0x1be: {  	v16 =	vld [tilespmem:s8+$0xFFFFFFE0];
	v7 =	vmax.f32 v7, v11  }
.Ltmp35:
0x1bf: {  	v10 =	vld [tilespmem:s8+$0xFFFFFFF0];
	v2 =	vmax.f32 v2, v12;
	(pc) =	sbr.rel @p0 .LBB2_49-.Ltmp35, $4  }
0x1c0: {  	v9 =	vld [tilespmem:s8+$0x0];
	v3 =	vmax.f32 v3, v13  }
0x1c1: {  	v11 =	vld [tilespmem:s8+$0x10];
	v1 =	vmax.f32 v1, v14  }
0x1c2: {  	v4 =	vmax.f32 v4, v15;
	v12 =	vld [tilespmem:s8+$0x20]  }
0x1c3: {  	v13 =	vld [tilespmem:s8+$0xFFFFFFC0];
	v8 =	vmax.f32 v8, v16;
	s8 =	sadd.s32 $0x80, s8  }
.LBB2_50:
0x1c4: {  	_ =	sdelay $0x2  }
0x1c5: {  	v6 =	vmax.f32 v6, v10;
	v5 =	vmax.f32 v5, v9  }
0x1c6: {  	v7 =	vmax.f32 v7, v11;
	v2 =	vmax.f32 v2, v12;
	v3 =	vmax.f32 v3, v13  }
.LBB2_51:
0x1c7: {  	[tilespmem:$0x19580] =	vst v3  }
0x1c8: {  	[tilespmem:$0x19590] =	vst v4  }
0x1c9: {  	[tilespmem:$0x195A0] =	vst v8  }
0x1ca: {  	[tilespmem:$0x195B0] =	vst v6;
	p0 =	seq.s32 s6, $0x7;
	s1 =	rddreg [dreg:$0x7]  }
0x1cb: {  	[tilespmem:$0x195C0] =	vst v5;
	s1 =	sadd.s32 @!p0 s15, s1  }
0x1cc: {  	[tilespmem:$0x195D0] =	vst v7;
	s1 =	sshll.u32 @!p0 s1, $0x4  }
0x1cd: {  	s3 =	rddreg [dreg:$0x0];
	[tilespmem:$0x195E0] =	vst v2;
	s1 =	sand.u32 @!p0 $0x1FFFFFE0, s1  }
0x1ce: {  	s7 =	simm.s32 @!p0 $0x0;
	[tilespmem:$0x195F0] =	vst v1;
	s1 =	sadd.s32 @!p0 s3, s1  }
0x1cf: {  	[tilespmem:s7], [sflag:$0x1] =	stream.linear.gather @!p0 [hbm4b:s1+s7], $0xC880, $0x38;
	[tilespmem:$0x1B280] =	vst v63  }
0x1d0: {  	s7 =	simm.s32 $0x2  }
0x1d1: {  	_ =	swait.ge [sflag:s7], $0xC880  }
0x1d2: {  	[sflag:s7] =	ssyncset.done $0x0  }
0x1d3: {  	[sflag:s7] =	ssyncadd.s32 $0xFFFF3780  }
0x1d4: {  	s16 =	sadd.s32 $0x191, s15;
	s8 =	rddreg [dreg:$0xc];
	v8 =	vld [tilespmem:$0x19100]  }
0x1d5: {  	s29 =	ssub.s32 s8, s16;
	v7 =	vld [tilespmem:$0x19110]  }
0x1d6: {  	v6 =	vld [tilespmem:$0x19120];
	p1 =	slt.s32 s29, $0x1  }
.Ltmp36:
0x1d7: {  	v3 =	vld [tilespmem:$0x19130];
	(pc) =	sbr.rel @p1 .LBB2_58-.Ltmp36, $4  }
0x1d8: {  	v5 =	vld [tilespmem:$0x19140]  }
0x1d9: {  	v4 =	vld [tilespmem:$0x19150]  }
0x1da: {  	v2 =	vld [tilespmem:$0x19160]  }
0x1db: {  	v1 =	vld [tilespmem:$0x19170]  }
0x1dc: {  	p1 =	sgt.s32 s30, $0x1;
	s1 =	smov.u32 s30  }
0x1dd: {  	s1 =	simm.s32 @!p1 $0x1  }
0x1de: {  	s7 =	smin.u32 s1, $0x191  }
0x1df: {  	p2 =	sne.s32 s7, $0x1  }
.Ltmp37:
0x1e0: {  	_ = 	snop;
	(pc) =	sbr.rel @!p2 .LBB2_53-.Ltmp37, $3  }
0x1e1: {  	_ =	sdelay $0x1  }
0x1e2: {  	s1 =	simm.s32 $0xC8C0  }
0x1e3: {  	p1 =	por $0x0, $0x0;
	v9 =	vld [tilespmem:s1+$0x30];
	s7 =	sadd.s32 $0xFFFFFFFF, s7  }
0x1e4: {  	v14 =	vld [tilespmem:s1+$0xFFFFFFD0]  }
0x1e5: {  	v15 =	vld [tilespmem:s1+$0xFFFFFFE0]  }
0x1e6: {  	v16 =	vld [tilespmem:s1+$0xFFFFFFF0];
	p2 =	sne.s32 s7, $0x1  }
.Ltmp38:
0x1e7: {  	v10 =	vld [tilespmem:s1+$0x0];
	(pc) =	sbr.rel @!p2 .LBB2_55-.Ltmp38, $4  }
0x1e8: {  	v11 =	vld [tilespmem:s1+$0x10]  }
0x1e9: {  	v12 =	vld [tilespmem:s1+$0x20]  }
0x1ea: {  	v13 =	vld [tilespmem:s1+$0xFFFFFFC0];
	s1 =	simm.s32 $0xC940;
	v17 =	vmov v8;
	v1 =	vmax.f32 v1, v9;
	v7 =	vmax.f32 v7, v14  }
0x1eb: {  	s7 =	sadd.s32 $0xFFFFFFFF, s7;
	p1 =	por $0x1, $0x1;
	v9 =	vld [tilespmem:s1+$0x30];
	v6 =	vmax.f32 v6, v15;
	v3 =	vmax.f32 v3, v16;
	v14 =	vmovc v5;
	v15 =	vmovc v4;
	v16 =	vmov v2  }
.LBB2_56:
0x1ec: {  	p2 =	sne.s32 s7, $0x1;
	v18 =	vld [tilespmem:s1+$0xFFFFFFD0];
	v14 =	vmax.f32 v14, v10  }
0x1ed: {  	v19 =	vld [tilespmem:s1+$0xFFFFFFE0];
	v15 =	vmax.f32 v15, v11  }
0x1ee: {  	v20 =	vld [tilespmem:s1+$0xFFFFFFF0];
	v16 =	vmax.f32 v16, v12  }
.Ltmp39:
0x1ef: {  	v10 =	vld [tilespmem:s1+$0x0];
	v17 =	vmax.f32 v17, v13;
	(pc) =	sbr.rel @p2 .LBB2_56-.Ltmp39, $4  }
0x1f0: {  	v11 =	vld [tilespmem:s1+$0x10];
	v1 =	vmax.f32 v1, v9  }
0x1f1: {  	v7 =	vmax.f32 v7, v18;
	v12 =	vld [tilespmem:s1+$0x20]  }
0x1f2: {  	v13 =	vld [tilespmem:s1+$0xFFFFFFC0];
	v6 =	vmax.f32 v6, v19;
	s1 =	sadd.s32 $0x80, s1  }
0x1f3: {  	s7 =	sadd.s32 $0xFFFFFFFF, s7;
	v9 =	vld [tilespmem:s1+$0x30];
	v3 =	vmax.f32 v3, v20  }
.LBB2_57:
0x1f4: {  	v18 =	vld [tilespmem:s1+$0xFFFFFFD0]  }
0x1f5: {  	v19 =	vld [tilespmem:s1+$0xFFFFFFE0]  }
0x1f6: {  	v20 =	vld [tilespmem:s1+$0xFFFFFFF0]  }
0x1f7: {  	v21 =	vld [tilespmem:s1+$0x0]  }
0x1f8: {  	v22 =	vld [tilespmem:s1+$0x10]  }
0x1f9: {  	v23 =	vld [tilespmem:s1+$0x20]  }
0x1fa: {  	v10 =	vmax.f32 @p1 v14, v10;
	v63 =	vld [tilespmem:s1+$0xFFFFFFC0]  }
0x1fb: {  	v11 =	vmax.f32 @p1 v15, v11;
	v5 =	vpsel p1, v10, v5;
	v12 =	vmax.f32 @p1 v16, v12  }
0x1fc: {  	v4 =	vpsel p1, v11, v4;
	v13 =	vmax.f32 @p1 v17, v13;
	v2 =	vpsel p1, v12, v2  }
0x1fd: {  	v1 =	vmax.f32 v1, v9;
	v8 =	vpsel p1, v13, v8;
	v7 =	vmax.f32 v7, v18  }
0x1fe: {  	v6 =	vmax.f32 v6, v19;
	v3 =	vmax.f32 v3, v20;
	v5 =	vmax.f32 v5, v21  }
0x1ff: {  	v4 =	vmax.f32 v4, v22;
	v2 =	vmax.f32 v2, v23;
	v8 =	vmax.f32 v8, v63  }
.LBB2_58:
0x200: {  	s1 =	rddreg [dreg:$0xd]  }
0x201: {  	s1 =	ssub.s32 s1, s16  }
0x202: {  	p1 =	sgt.s32 s1, $0x0  }
0x203: {  	[tilespmem:$0x19100] =	vst v8;
	v8 =	vld [tilespmem:$0x19180];
	s1 =	simm.s32 @!p1 $0x0;
	p1 =	sgt.s32 s29, $0x0  }
0x204: {  	[tilespmem:$0x19110] =	vst v7;
	v7 =	vld [tilespmem:$0x19190];
	s29 =	simm.s32 @!p1 $0x0;
	s7 =	smin.u32 s1, $0x191  }
0x205: {  	[tilespmem:$0x19120] =	vst v6;
	v6 =	vld [tilespmem:$0x191A0];
	p1 =	sge.u32 s29, s7  }
.Ltmp40:
0x206: {  	[tilespmem:$0x19130] =	vst v3;
	v3 =	vld [tilespmem:$0x191B0];
	(pc) =	sbr.rel @p1 .LBB2_62-.Ltmp40, $4  }
0x207: {  	[tilespmem:$0x19140] =	vst v5;
	v5 =	vld [tilespmem:$0x191C0]  }
0x208: {  	[tilespmem:$0x19150] =	vst v4;
	v4 =	vld [tilespmem:$0x191D0]  }
0x209: {  	[tilespmem:$0x19160] =	vst v2;
	v2 =	vld [tilespmem:$0x191E0]  }
0x20a: {  	[tilespmem:$0x19170] =	vst v1;
	v1 =	vld [tilespmem:$0x191F0]  }
0x20b: {  	p1 =	sgt.s32 s30, $0x0;
	s8 =	smov.u32 s30  }
0x20c: {  	s8 =	simm.s32 @!p1 $0x0  }
0x20d: {  	s8 =	smin.u32 s8, $0x191  }
0x20e: {  	s8 =	sshll.u32 s8, $0x7  }
0x20f: {  	s3 =	sadd.s32 $0xC8C0, s8  }
0x210: {  	s8 =	smin.u32 s29, $0x191;
	v13 =	vld [tilespmem:s3+$0x30]  }
0x211: {  	v14 =	vld [tilespmem:s3+$0xFFFFFFD0];
	s8 =	sadd.s32 $0x1, s8  }
0x212: {  	v15 =	vld [tilespmem:s3+$0xFFFFFFE0];
	p1 =	slt.u32 s8, s7  }
.Ltmp41:
0x213: {  	v9 =	vld [tilespmem:s3+$0xFFFFFFF0];
	(pc) =	sbr.rel @!p1 .LBB2_61-.Ltmp41, $4  }
0x214: {  	v10 =	vld [tilespmem:s3+$0x0]  }
0x215: {  	v11 =	vld [tilespmem:s3+$0x10]  }
0x216: {  	v12 =	vld [tilespmem:s3+$0x20]  }
0x217: {  	s29 =	sadd.s32 $0x80, s3;
	v1 =	vmax.f32 v1, v13;
	v7 =	vmax.f32 v7, v14;
	v13 =	vld [tilespmem:s3+$0xFFFFFFC0];
	v6 =	vmax.f32 v6, v15  }
.LBB2_60:
0x218: {  	v14 =	vld [tilespmem:s29+$0x30];
	s8 =	sadd.s32 $0x1, s8;
	v3 =	vmax.f32 v3, v9  }
0x219: {  	v15 =	vld [tilespmem:s29+$0xFFFFFFD0];
	p1 =	slt.u32 s8, s7;
	v5 =	vmax.f32 v5, v10  }
0x21a: {  	v16 =	vld [tilespmem:s29+$0xFFFFFFE0];
	v4 =	vmax.f32 v4, v11  }
.Ltmp42:
0x21b: {  	v9 =	vld [tilespmem:s29+$0xFFFFFFF0];
	v2 =	vmax.f32 v2, v12;
	(pc) =	sbr.rel @p1 .LBB2_60-.Ltmp42, $4  }
0x21c: {  	v10 =	vld [tilespmem:s29+$0x0];
	v8 =	vmax.f32 v8, v13  }
0x21d: {  	v11 =	vld [tilespmem:s29+$0x10];
	v1 =	vmax.f32 v1, v14  }
0x21e: {  	v7 =	vmax.f32 v7, v15;
	v12 =	vld [tilespmem:s29+$0x20]  }
0x21f: {  	v13 =	vld [tilespmem:s29+$0xFFFFFFC0];
	v6 =	vmax.f32 v6, v16;
	s29 =	sadd.s32 $0x80, s29  }
.LBB2_61:
0x220: {  	_ =	sdelay $0x2  }
0x221: {  	v3 =	vmax.f32 v3, v9;
	v5 =	vmax.f32 v5, v10  }
0x222: {  	v4 =	vmax.f32 v4, v11;
	v2 =	vmax.f32 v2, v12;
	v8 =	vmax.f32 v8, v13  }
.LBB2_62:
0x223: {  	s3 =	rddreg [dreg:$0xe]  }
0x224: {  	s8 =	ssub.s32 s3, s16  }
0x225: {  	p1 =	sgt.s32 s8, $0x0  }
0x226: {  	[tilespmem:$0x19180] =	vst v8;
	v8 =	vld [tilespmem:$0x19200];
	s8 =	simm.s32 @!p1 $0x0  }
0x227: {  	[tilespmem:$0x19190] =	vst v7;
	v7 =	vld [tilespmem:$0x19210];
	s29 =	smin.u32 s8, $0x191  }
0x228: {  	[tilespmem:$0x191A0] =	vst v6;
	v10 =	vld [tilespmem:$0x19220];
	p1 =	sge.u32 s1, s29  }
.Ltmp43:
0x229: {  	[tilespmem:$0x191B0] =	vst v3;
	v6 =	vld [tilespmem:$0x19230];
	(pc) =	sbr.rel @p1 .LBB2_66-.Ltmp43, $4  }
0x22a: {  	[tilespmem:$0x191C0] =	vst v5;
	v5 =	vld [tilespmem:$0x19240]  }
0x22b: {  	v9 =	vld [tilespmem:$0x19250];
	[tilespmem:$0x191D0] =	vst v4  }
0x22c: {  	[tilespmem:$0x191E0] =	vst v2;
	v2 =	vld [tilespmem:$0x19260]  }
0x22d: {  	[tilespmem:$0x191F0] =	vst v1;
	v1 =	vld [tilespmem:$0x19270]  }
0x22e: {  	p1 =	sgt.s32 s31, $0x0;
	s1 =	smov.u32 s31  }
0x22f: {  	s1 =	simm.s32 @!p1 $0x0  }
0x230: {  	s1 =	smin.u32 s1, $0x191  }
0x231: {  	s1 =	sshll.u32 s1, $0x7  }
0x232: {  	s3 =	sadd.s32 $0xC8C0, s1  }
0x233: {  	v13 =	vld [tilespmem:s3+$0x30]  }
0x234: {  	s1 =	sadd.s32 $0x1, s7;
	v14 =	vld [tilespmem:s3+$0xFFFFFFD0]  }
0x235: {  	v15 =	vld [tilespmem:s3+$0xFFFFFFE0];
	p1 =	slt.u32 s1, s29  }
.Ltmp44:
0x236: {  	v4 =	vld [tilespmem:s3+$0xFFFFFFF0];
	(pc) =	sbr.rel @!p1 .LBB2_65-.Ltmp44, $4  }
0x237: {  	v3 =	vld [tilespmem:s3+$0x0]  }
0x238: {  	v11 =	vld [tilespmem:s3+$0x10]  }
0x239: {  	v12 =	vld [tilespmem:s3+$0x20]  }
0x23a: {  	s7 =	sadd.s32 $0x80, s3;
	v1 =	vmax.f32 v1, v13;
	v7 =	vmax.f32 v7, v14;
	v13 =	vld [tilespmem:s3+$0xFFFFFFC0];
	v10 =	vmax.f32 v10, v15  }
.LBB2_64:
0x23b: {  	v14 =	vld [tilespmem:s7+$0x30];
	s1 =	sadd.s32 $0x1, s1;
	v6 =	vmax.f32 v6, v4  }
0x23c: {  	v15 =	vld [tilespmem:s7+$0xFFFFFFD0];
	p1 =	slt.u32 s1, s29;
	v5 =	vmax.f32 v5, v3  }
0x23d: {  	v16 =	vld [tilespmem:s7+$0xFFFFFFE0];
	v9 =	vmax.f32 v9, v11  }
.Ltmp45:
0x23e: {  	v4 =	vld [tilespmem:s7+$0xFFFFFFF0];
	v2 =	vmax.f32 v2, v12;
	(pc) =	sbr.rel @p1 .LBB2_64-.Ltmp45, $4  }
0x23f: {  	v3 =	vld [tilespmem:s7+$0x0];
	v8 =	vmax.f32 v8, v13  }
0x240: {  	v11 =	vld [tilespmem:s7+$0x10];
	v1 =	vmax.f32 v1, v14  }
0x241: {  	v7 =	vmax.f32 v7, v15;
	v12 =	vld [tilespmem:s7+$0x20]  }
0x242: {  	v13 =	vld [tilespmem:s7+$0xFFFFFFC0];
	v10 =	vmax.f32 v10, v16;
	s7 =	sadd.s32 $0x80, s7  }
.LBB2_65:
0x243: {  	_ =	sdelay $0x2  }
0x244: {  	v6 =	vmax.f32 v6, v4;
	v5 =	vmax.f32 v5, v3  }
0x245: {  	v9 =	vmax.f32 v9, v11;
	v2 =	vmax.f32 v2, v12;
	v8 =	vmax.f32 v8, v13  }
.LBB2_66:
0x246: {  	s1 =	rddreg [dreg:$0xf]  }
0x247: {  	s1 =	ssub.s32 s1, s16  }
0x248: {  	p1 =	sgt.s32 s1, $0x0  }
0x249: {  	[tilespmem:$0x19200] =	vst v8;
	v3 =	vld [tilespmem:$0x19280];
	s1 =	simm.s32 @!p1 $0x0  }
0x24a: {  	[tilespmem:$0x19210] =	vst v7;
	v4 =	vld [tilespmem:$0x19290];
	s7 =	smin.u32 s1, $0x191  }
0x24b: {  	[tilespmem:$0x19220] =	vst v10;
	v8 =	vld [tilespmem:$0x192A0];
	p1 =	sge.u32 s8, s7  }
.Ltmp46:
0x24c: {  	[tilespmem:$0x19230] =	vst v6;
	v6 =	vld [tilespmem:$0x192B0];
	(pc) =	sbr.rel @p1 .LBB2_70-.Ltmp46, $4  }
0x24d: {  	[tilespmem:$0x19240] =	vst v5;
	v5 =	vld [tilespmem:$0x192C0]  }
0x24e: {  	v7 =	vld [tilespmem:$0x192D0];
	[tilespmem:$0x19250] =	vst v9  }
0x24f: {  	[tilespmem:$0x19260] =	vst v2;
	v2 =	vld [tilespmem:$0x192E0]  }
0x250: {  	[tilespmem:$0x19270] =	vst v1;
	v1 =	vld [tilespmem:$0x192F0]  }
0x251: {  	p1 =	sgt.s32 s2, $0x0;
	s3 =	smov.u32 s2  }
0x252: {  	s3 =	simm.s32 @!p1 $0x0  }
0x253: {  	s3 =	smin.u32 s3, $0x191  }
0x254: {  	s3 =	sshll.u32 s3, $0x7  }
0x255: {  	s3 =	sadd.s32 $0xC8C0, s3  }
0x256: {  	v13 =	vld [tilespmem:s3+$0x30]  }
0x257: {  	s8 =	sadd.s32 $0x1, s29;
	v14 =	vld [tilespmem:s3+$0xFFFFFFD0]  }
0x258: {  	p1 =	slt.u32 s8, s7;
	v15 =	vld [tilespmem:s3+$0xFFFFFFE0]  }
.Ltmp47:
0x259: {  	v10 =	vld [tilespmem:s3+$0xFFFFFFF0];
	(pc) =	sbr.rel @!p1 .LBB2_69-.Ltmp47, $4  }
0x25a: {  	v9 =	vld [tilespmem:s3+$0x0]  }
0x25b: {  	v11 =	vld [tilespmem:s3+$0x10]  }
0x25c: {  	v12 =	vld [tilespmem:s3+$0x20]  }
0x25d: {  	s29 =	sadd.s32 $0x80, s3;
	v1 =	vmax.f32 v1, v13;
	v4 =	vmax.f32 v4, v14;
	v13 =	vld [tilespmem:s3+$0xFFFFFFC0];
	v8 =	vmax.f32 v8, v15  }
.LBB2_68:
0x25e: {  	v14 =	vld [tilespmem:s29+$0x30];
	s8 =	sadd.s32 $0x1, s8;
	v6 =	vmax.f32 v6, v10  }
0x25f: {  	v15 =	vld [tilespmem:s29+$0xFFFFFFD0];
	p1 =	slt.u32 s8, s7;
	v5 =	vmax.f32 v5, v9  }
0x260: {  	v16 =	vld [tilespmem:s29+$0xFFFFFFE0];
	v7 =	vmax.f32 v7, v11  }
.Ltmp48:
0x261: {  	v10 =	vld [tilespmem:s29+$0xFFFFFFF0];
	v2 =	vmax.f32 v2, v12;
	(pc) =	sbr.rel @p1 .LBB2_68-.Ltmp48, $4  }
0x262: {  	v9 =	vld [tilespmem:s29+$0x0];
	v3 =	vmax.f32 v3, v13  }
0x263: {  	v11 =	vld [tilespmem:s29+$0x10];
	v1 =	vmax.f32 v1, v14  }
0x264: {  	v4 =	vmax.f32 v4, v15;
	v12 =	vld [tilespmem:s29+$0x20]  }
0x265: {  	v13 =	vld [tilespmem:s29+$0xFFFFFFC0];
	v8 =	vmax.f32 v8, v16;
	s29 =	sadd.s32 $0x80, s29  }
.LBB2_69:
0x266: {  	_ =	sdelay $0x2  }
0x267: {  	v6 =	vmax.f32 v6, v10;
	v5 =	vmax.f32 v5, v9  }
0x268: {  	v7 =	vmax.f32 v7, v11;
	v2 =	vmax.f32 v2, v12;
	v3 =	vmax.f32 v3, v13  }
.LBB2_70:
0x269: {  	s8 =	ssub.s32 s11, s16  }
0x26a: {  	p1 =	sgt.s32 s8, $0x0  }
0x26b: {  	[tilespmem:$0x19280] =	vst v3;
	v3 =	vld [tilespmem:$0x19300];
	s8 =	simm.s32 @!p1 $0x0  }
0x26c: {  	[tilespmem:$0x19290] =	vst v4;
	v4 =	vld [tilespmem:$0x19310];
	s29 =	smin.u32 s8, $0x191  }
0x26d: {  	[tilespmem:$0x192A0] =	vst v8;
	v8 =	vld [tilespmem:$0x19320];
	p1 =	sge.u32 s1, s29  }
.Ltmp49:
0x26e: {  	[tilespmem:$0x192B0] =	vst v6;
	v6 =	vld [tilespmem:$0x19330];
	(pc) =	sbr.rel @p1 .LBB2_74-.Ltmp49, $4  }
0x26f: {  	[tilespmem:$0x192C0] =	vst v5;
	v5 =	vld [tilespmem:$0x19340]  }
0x270: {  	[tilespmem:$0x192D0] =	vst v7;
	v7 =	vld [tilespmem:$0x19350]  }
0x271: {  	[tilespmem:$0x192E0] =	vst v2;
	v2 =	vld [tilespmem:$0x19360]  }
0x272: {  	[tilespmem:$0x192F0] =	vst v1;
	v1 =	vld [tilespmem:$0x19370]  }
0x273: {  	p1 =	sgt.s32 s0, $0x0;
	s1 =	smov.u32 s0  }
0x274: {  	s1 =	simm.s32 @!p1 $0x0  }
0x275: {  	s1 =	smin.u32 s1, $0x191  }
0x276: {  	s1 =	sshll.u32 s1, $0x7  }
0x277: {  	s3 =	sadd.s32 $0xC8C0, s1  }
0x278: {  	v13 =	vld [tilespmem:s3+$0x30]  }
0x279: {  	s1 =	sadd.s32 $0x1, s7;
	v14 =	vld [tilespmem:s3+$0xFFFFFFD0]  }
0x27a: {  	v15 =	vld [tilespmem:s3+$0xFFFFFFE0];
	p1 =	slt.u32 s1, s29  }
.Ltmp50:
0x27b: {  	v10 =	vld [tilespmem:s3+$0xFFFFFFF0];
	(pc) =	sbr.rel @!p1 .LBB2_73-.Ltmp50, $4  }
0x27c: {  	v9 =	vld [tilespmem:s3+$0x0]  }
0x27d: {  	v11 =	vld [tilespmem:s3+$0x10]  }
0x27e: {  	v12 =	vld [tilespmem:s3+$0x20]  }
0x27f: {  	s7 =	sadd.s32 $0x80, s3;
	v1 =	vmax.f32 v1, v13;
	v4 =	vmax.f32 v4, v14;
	v13 =	vld [tilespmem:s3+$0xFFFFFFC0];
	v8 =	vmax.f32 v8, v15  }
.LBB2_72:
0x280: {  	v14 =	vld [tilespmem:s7+$0x30];
	s1 =	sadd.s32 $0x1, s1;
	v6 =	vmax.f32 v6, v10  }
0x281: {  	v15 =	vld [tilespmem:s7+$0xFFFFFFD0];
	p1 =	slt.u32 s1, s29;
	v5 =	vmax.f32 v5, v9  }
0x282: {  	v16 =	vld [tilespmem:s7+$0xFFFFFFE0];
	v7 =	vmax.f32 v7, v11  }
.Ltmp51:
0x283: {  	v10 =	vld [tilespmem:s7+$0xFFFFFFF0];
	v2 =	vmax.f32 v2, v12;
	(pc) =	sbr.rel @p1 .LBB2_72-.Ltmp51, $4  }
0x284: {  	v9 =	vld [tilespmem:s7+$0x0];
	v3 =	vmax.f32 v3, v13  }
0x285: {  	v11 =	vld [tilespmem:s7+$0x10];
	v1 =	vmax.f32 v1, v14  }
0x286: {  	v4 =	vmax.f32 v4, v15;
	v12 =	vld [tilespmem:s7+$0x20]  }
0x287: {  	v13 =	vld [tilespmem:s7+$0xFFFFFFC0];
	v8 =	vmax.f32 v8, v16;
	s7 =	sadd.s32 $0x80, s7  }
.LBB2_73:
0x288: {  	_ =	sdelay $0x2  }
0x289: {  	v6 =	vmax.f32 v6, v10;
	v5 =	vmax.f32 v5, v9  }
0x28a: {  	v7 =	vmax.f32 v7, v11;
	v2 =	vmax.f32 v2, v12;
	v3 =	vmax.f32 v3, v13  }
.LBB2_74:
0x28b: {  	s1 =	ssub.s32 s18, s16  }
0x28c: {  	p1 =	sgt.s32 s1, $0x0  }
0x28d: {  	[tilespmem:$0x19300] =	vst v3;
	v3 =	vld [tilespmem:$0x19380];
	s1 =	simm.s32 @!p1 $0x0  }
0x28e: {  	[tilespmem:$0x19310] =	vst v4;
	v4 =	vld [tilespmem:$0x19390];
	s7 =	smin.u32 s1, $0x191  }
0x28f: {  	[tilespmem:$0x19320] =	vst v8;
	v8 =	vld [tilespmem:$0x193A0];
	p1 =	sge.u32 s8, s7  }
.Ltmp52:
0x290: {  	[tilespmem:$0x19330] =	vst v6;
	v6 =	vld [tilespmem:$0x193B0];
	(pc) =	sbr.rel @p1 .LBB2_78-.Ltmp52, $4  }
0x291: {  	[tilespmem:$0x19340] =	vst v5;
	v5 =	vld [tilespmem:$0x193C0]  }
0x292: {  	[tilespmem:$0x19350] =	vst v7;
	v7 =	vld [tilespmem:$0x193D0]  }
0x293: {  	[tilespmem:$0x19360] =	vst v2;
	v2 =	vld [tilespmem:$0x193E0]  }
0x294: {  	[tilespmem:$0x19370] =	vst v1;
	v1 =	vld [tilespmem:$0x193F0]  }
0x295: {  	p1 =	sgt.s32 s12, $0x0;
	s3 =	smov.u32 s12  }
0x296: {  	s3 =	simm.s32 @!p1 $0x0  }
0x297: {  	s3 =	smin.u32 s3, $0x191  }
0x298: {  	s3 =	sshll.u32 s3, $0x7  }
0x299: {  	s3 =	sadd.s32 $0xC8C0, s3  }
0x29a: {  	v13 =	vld [tilespmem:s3+$0x30]  }
0x29b: {  	s8 =	sadd.s32 $0x1, s29;
	v14 =	vld [tilespmem:s3+$0xFFFFFFD0]  }
0x29c: {  	p1 =	slt.u32 s8, s7;
	v15 =	vld [tilespmem:s3+$0xFFFFFFE0]  }
.Ltmp53:
0x29d: {  	v10 =	vld [tilespmem:s3+$0xFFFFFFF0];
	(pc) =	sbr.rel @!p1 .LBB2_77-.Ltmp53, $4  }
0x29e: {  	v9 =	vld [tilespmem:s3+$0x0]  }
0x29f: {  	v11 =	vld [tilespmem:s3+$0x10]  }
0x2a0: {  	v12 =	vld [tilespmem:s3+$0x20]  }
0x2a1: {  	s29 =	sadd.s32 $0x80, s3;
	v1 =	vmax.f32 v1, v13;
	v4 =	vmax.f32 v4, v14;
	v13 =	vld [tilespmem:s3+$0xFFFFFFC0];
	v8 =	vmax.f32 v8, v15  }
.LBB2_76:
0x2a2: {  	v14 =	vld [tilespmem:s29+$0x30];
	s8 =	sadd.s32 $0x1, s8;
	v6 =	vmax.f32 v6, v10  }
0x2a3: {  	v15 =	vld [tilespmem:s29+$0xFFFFFFD0];
	p1 =	slt.u32 s8, s7;
	v5 =	vmax.f32 v5, v9  }
0x2a4: {  	v16 =	vld [tilespmem:s29+$0xFFFFFFE0];
	v7 =	vmax.f32 v7, v11  }
.Ltmp54:
0x2a5: {  	v10 =	vld [tilespmem:s29+$0xFFFFFFF0];
	v2 =	vmax.f32 v2, v12;
	(pc) =	sbr.rel @p1 .LBB2_76-.Ltmp54, $4  }
0x2a6: {  	v9 =	vld [tilespmem:s29+$0x0];
	v3 =	vmax.f32 v3, v13  }
0x2a7: {  	v11 =	vld [tilespmem:s29+$0x10];
	v1 =	vmax.f32 v1, v14  }
0x2a8: {  	v4 =	vmax.f32 v4, v15;
	v12 =	vld [tilespmem:s29+$0x20]  }
0x2a9: {  	v13 =	vld [tilespmem:s29+$0xFFFFFFC0];
	v8 =	vmax.f32 v8, v16;
	s29 =	sadd.s32 $0x80, s29  }
.LBB2_77:
0x2aa: {  	_ =	sdelay $0x2  }
0x2ab: {  	v6 =	vmax.f32 v6, v10;
	v5 =	vmax.f32 v5, v9  }
0x2ac: {  	v7 =	vmax.f32 v7, v11;
	v2 =	vmax.f32 v2, v12;
	v3 =	vmax.f32 v3, v13  }
.LBB2_78:
0x2ad: {  	s8 =	ssub.s32 s13, s16  }
0x2ae: {  	p1 =	sgt.s32 s8, $0x0  }
0x2af: {  	[tilespmem:$0x19380] =	vst v3;
	v3 =	vld [tilespmem:$0x19400];
	s8 =	simm.s32 @!p1 $0x0  }
0x2b0: {  	[tilespmem:$0x19390] =	vst v4;
	v4 =	vld [tilespmem:$0x19410];
	s29 =	smin.u32 s8, $0x191  }
0x2b1: {  	[tilespmem:$0x193A0] =	vst v8;
	v8 =	vld [tilespmem:$0x19420];
	p1 =	sge.u32 s1, s29  }
.Ltmp55:
0x2b2: {  	[tilespmem:$0x193B0] =	vst v6;
	v6 =	vld [tilespmem:$0x19430];
	(pc) =	sbr.rel @p1 .LBB2_82-.Ltmp55, $4  }
0x2b3: {  	[tilespmem:$0x193C0] =	vst v5;
	v5 =	vld [tilespmem:$0x19440]  }
0x2b4: {  	[tilespmem:$0x193D0] =	vst v7;
	v7 =	vld [tilespmem:$0x19450]  }
0x2b5: {  	[tilespmem:$0x193E0] =	vst v2;
	v2 =	vld [tilespmem:$0x19460]  }
0x2b6: {  	[tilespmem:$0x193F0] =	vst v1;
	v1 =	vld [tilespmem:$0x19470]  }
0x2b7: {  	p1 =	sgt.s32 s14, $0x0;
	s1 =	smov.u32 s14  }
0x2b8: {  	s1 =	simm.s32 @!p1 $0x0  }
0x2b9: {  	s1 =	smin.u32 s1, $0x191  }
0x2ba: {  	s1 =	sshll.u32 s1, $0x7  }
0x2bb: {  	s3 =	sadd.s32 $0xC8C0, s1  }
0x2bc: {  	v13 =	vld [tilespmem:s3+$0x30]  }
0x2bd: {  	s1 =	sadd.s32 $0x1, s7;
	v14 =	vld [tilespmem:s3+$0xFFFFFFD0]  }
0x2be: {  	v15 =	vld [tilespmem:s3+$0xFFFFFFE0];
	p1 =	slt.u32 s1, s29  }
.Ltmp56:
0x2bf: {  	v10 =	vld [tilespmem:s3+$0xFFFFFFF0];
	(pc) =	sbr.rel @!p1 .LBB2_81-.Ltmp56, $4  }
0x2c0: {  	v9 =	vld [tilespmem:s3+$0x0]  }
0x2c1: {  	v11 =	vld [tilespmem:s3+$0x10]  }
0x2c2: {  	v12 =	vld [tilespmem:s3+$0x20]  }
0x2c3: {  	s7 =	sadd.s32 $0x80, s3;
	v1 =	vmax.f32 v1, v13;
	v4 =	vmax.f32 v4, v14;
	v13 =	vld [tilespmem:s3+$0xFFFFFFC0];
	v8 =	vmax.f32 v8, v15  }
.LBB2_80:
0x2c4: {  	v14 =	vld [tilespmem:s7+$0x30];
	s1 =	sadd.s32 $0x1, s1;
	v6 =	vmax.f32 v6, v10  }
0x2c5: {  	v15 =	vld [tilespmem:s7+$0xFFFFFFD0];
	p1 =	slt.u32 s1, s29;
	v5 =	vmax.f32 v5, v9  }
0x2c6: {  	v16 =	vld [tilespmem:s7+$0xFFFFFFE0];
	v7 =	vmax.f32 v7, v11  }
.Ltmp57:
0x2c7: {  	v10 =	vld [tilespmem:s7+$0xFFFFFFF0];
	v2 =	vmax.f32 v2, v12;
	(pc) =	sbr.rel @p1 .LBB2_80-.Ltmp57, $4  }
0x2c8: {  	v9 =	vld [tilespmem:s7+$0x0];
	v3 =	vmax.f32 v3, v13  }
0x2c9: {  	v11 =	vld [tilespmem:s7+$0x10];
	v1 =	vmax.f32 v1, v14  }
0x2ca: {  	v4 =	vmax.f32 v4, v15;
	v12 =	vld [tilespmem:s7+$0x20]  }
0x2cb: {  	v13 =	vld [tilespmem:s7+$0xFFFFFFC0];
	v8 =	vmax.f32 v8, v16;
	s7 =	sadd.s32 $0x80, s7  }
.LBB2_81:
0x2cc: {  	_ =	sdelay $0x2  }
0x2cd: {  	v6 =	vmax.f32 v6, v10;
	v5 =	vmax.f32 v5, v9  }
0x2ce: {  	v7 =	vmax.f32 v7, v11;
	v2 =	vmax.f32 v2, v12;
	v3 =	vmax.f32 v3, v13  }
.LBB2_82:
0x2cf: {  	s1 =	ssub.s32 s10, s16  }
0x2d0: {  	p1 =	sgt.s32 s1, $0x0  }
0x2d1: {  	[tilespmem:$0x19400] =	vst v3;
	v3 =	vld [tilespmem:$0x19480];
	s1 =	simm.s32 @!p1 $0x0  }
0x2d2: {  	[tilespmem:$0x19410] =	vst v4;
	v4 =	vld [tilespmem:$0x19490];
	s7 =	smin.u32 s1, $0x191  }
0x2d3: {  	[tilespmem:$0x19420] =	vst v8;
	v8 =	vld [tilespmem:$0x194A0];
	p1 =	sge.u32 s8, s7  }
.Ltmp58:
0x2d4: {  	[tilespmem:$0x19430] =	vst v6;
	v6 =	vld [tilespmem:$0x194B0];
	(pc) =	sbr.rel @p1 .LBB2_86-.Ltmp58, $4  }
0x2d5: {  	[tilespmem:$0x19440] =	vst v5;
	v5 =	vld [tilespmem:$0x194C0]  }
0x2d6: {  	[tilespmem:$0x19450] =	vst v7;
	v7 =	vld [tilespmem:$0x194D0]  }
0x2d7: {  	[tilespmem:$0x19460] =	vst v2;
	v2 =	vld [tilespmem:$0x194E0]  }
0x2d8: {  	[tilespmem:$0x19470] =	vst v1;
	v1 =	vld [tilespmem:$0x194F0]  }
0x2d9: {  	p1 =	sgt.s32 s17, $0x0;
	s3 =	smov.u32 s17  }
0x2da: {  	s3 =	simm.s32 @!p1 $0x0  }
0x2db: {  	s3 =	smin.u32 s3, $0x191  }
0x2dc: {  	s3 =	sshll.u32 s3, $0x7  }
0x2dd: {  	s3 =	sadd.s32 $0xC8C0, s3  }
0x2de: {  	v13 =	vld [tilespmem:s3+$0x30]  }
0x2df: {  	s8 =	sadd.s32 $0x1, s29;
	v14 =	vld [tilespmem:s3+$0xFFFFFFD0]  }
0x2e0: {  	p1 =	slt.u32 s8, s7;
	v15 =	vld [tilespmem:s3+$0xFFFFFFE0]  }
.Ltmp59:
0x2e1: {  	v10 =	vld [tilespmem:s3+$0xFFFFFFF0];
	(pc) =	sbr.rel @!p1 .LBB2_85-.Ltmp59, $4  }
0x2e2: {  	v9 =	vld [tilespmem:s3+$0x0]  }
0x2e3: {  	v11 =	vld [tilespmem:s3+$0x10]  }
0x2e4: {  	v12 =	vld [tilespmem:s3+$0x20]  }
0x2e5: {  	s29 =	sadd.s32 $0x80, s3;
	v1 =	vmax.f32 v1, v13;
	v4 =	vmax.f32 v4, v14;
	v13 =	vld [tilespmem:s3+$0xFFFFFFC0];
	v8 =	vmax.f32 v8, v15  }
.LBB2_84:
0x2e6: {  	v14 =	vld [tilespmem:s29+$0x30];
	s8 =	sadd.s32 $0x1, s8;
	v6 =	vmax.f32 v6, v10  }
0x2e7: {  	v15 =	vld [tilespmem:s29+$0xFFFFFFD0];
	p1 =	slt.u32 s8, s7;
	v5 =	vmax.f32 v5, v9  }
0x2e8: {  	v16 =	vld [tilespmem:s29+$0xFFFFFFE0];
	v7 =	vmax.f32 v7, v11  }
.Ltmp60:
0x2e9: {  	v10 =	vld [tilespmem:s29+$0xFFFFFFF0];
	v2 =	vmax.f32 v2, v12;
	(pc) =	sbr.rel @p1 .LBB2_84-.Ltmp60, $4  }
0x2ea: {  	v9 =	vld [tilespmem:s29+$0x0];
	v3 =	vmax.f32 v3, v13  }
0x2eb: {  	v11 =	vld [tilespmem:s29+$0x10];
	v1 =	vmax.f32 v1, v14  }
0x2ec: {  	v4 =	vmax.f32 v4, v15;
	v12 =	vld [tilespmem:s29+$0x20]  }
0x2ed: {  	v13 =	vld [tilespmem:s29+$0xFFFFFFC0];
	v8 =	vmax.f32 v8, v16;
	s29 =	sadd.s32 $0x80, s29  }
.LBB2_85:
0x2ee: {  	_ =	sdelay $0x2  }
0x2ef: {  	v6 =	vmax.f32 v6, v10;
	v5 =	vmax.f32 v5, v9  }
0x2f0: {  	v7 =	vmax.f32 v7, v11;
	v2 =	vmax.f32 v2, v12;
	v3 =	vmax.f32 v3, v13  }
.LBB2_86:
0x2f1: {  	s8 =	ssub.s32 s9, s16  }
0x2f2: {  	p1 =	sgt.s32 s8, $0x0  }
0x2f3: {  	[tilespmem:$0x19480] =	vst v3;
	v3 =	vld [tilespmem:$0x19500];
	s8 =	simm.s32 @!p1 $0x0  }
0x2f4: {  	[tilespmem:$0x19490] =	vst v4;
	v4 =	vld [tilespmem:$0x19510];
	s29 =	smin.u32 s8, $0x191  }
0x2f5: {  	[tilespmem:$0x194A0] =	vst v8;
	v8 =	vld [tilespmem:$0x19520];
	p1 =	sge.u32 s1, s29  }
.Ltmp61:
0x2f6: {  	[tilespmem:$0x194B0] =	vst v6;
	v6 =	vld [tilespmem:$0x19530];
	(pc) =	sbr.rel @p1 .LBB2_90-.Ltmp61, $4  }
0x2f7: {  	[tilespmem:$0x194C0] =	vst v5;
	v5 =	vld [tilespmem:$0x19540]  }
0x2f8: {  	[tilespmem:$0x194D0] =	vst v7;
	v7 =	vld [tilespmem:$0x19550]  }
0x2f9: {  	[tilespmem:$0x194E0] =	vst v2;
	v2 =	vld [tilespmem:$0x19560]  }
0x2fa: {  	[tilespmem:$0x194F0] =	vst v1;
	v1 =	vld [tilespmem:$0x19570]  }
0x2fb: {  	p1 =	sgt.s32 s4, $0x0;
	s1 =	smov.u32 s4  }
0x2fc: {  	s1 =	simm.s32 @!p1 $0x0  }
0x2fd: {  	s1 =	smin.u32 s1, $0x191  }
0x2fe: {  	s1 =	sshll.u32 s1, $0x7  }
0x2ff: {  	s3 =	sadd.s32 $0xC8C0, s1  }
0x300: {  	v13 =	vld [tilespmem:s3+$0x30]  }
0x301: {  	s1 =	sadd.s32 $0x1, s7;
	v14 =	vld [tilespmem:s3+$0xFFFFFFD0]  }
0x302: {  	v15 =	vld [tilespmem:s3+$0xFFFFFFE0];
	p1 =	slt.u32 s1, s29  }
.Ltmp62:
0x303: {  	v10 =	vld [tilespmem:s3+$0xFFFFFFF0];
	(pc) =	sbr.rel @!p1 .LBB2_89-.Ltmp62, $4  }
0x304: {  	v9 =	vld [tilespmem:s3+$0x0]  }
0x305: {  	v11 =	vld [tilespmem:s3+$0x10]  }
0x306: {  	v12 =	vld [tilespmem:s3+$0x20]  }
0x307: {  	s7 =	sadd.s32 $0x80, s3;
	v1 =	vmax.f32 v1, v13;
	v4 =	vmax.f32 v4, v14;
	v13 =	vld [tilespmem:s3+$0xFFFFFFC0];
	v8 =	vmax.f32 v8, v15  }
.LBB2_88:
0x308: {  	v14 =	vld [tilespmem:s7+$0x30];
	s1 =	sadd.s32 $0x1, s1;
	v6 =	vmax.f32 v6, v10  }
0x309: {  	v15 =	vld [tilespmem:s7+$0xFFFFFFD0];
	p1 =	slt.u32 s1, s29;
	v5 =	vmax.f32 v5, v9  }
0x30a: {  	v16 =	vld [tilespmem:s7+$0xFFFFFFE0];
	v7 =	vmax.f32 v7, v11  }
.Ltmp63:
0x30b: {  	v10 =	vld [tilespmem:s7+$0xFFFFFFF0];
	v2 =	vmax.f32 v2, v12;
	(pc) =	sbr.rel @p1 .LBB2_88-.Ltmp63, $4  }
0x30c: {  	v9 =	vld [tilespmem:s7+$0x0];
	v3 =	vmax.f32 v3, v13  }
0x30d: {  	v11 =	vld [tilespmem:s7+$0x10];
	v1 =	vmax.f32 v1, v14  }
0x30e: {  	v4 =	vmax.f32 v4, v15;
	v12 =	vld [tilespmem:s7+$0x20]  }
0x30f: {  	v13 =	vld [tilespmem:s7+$0xFFFFFFC0];
	v8 =	vmax.f32 v8, v16;
	s7 =	sadd.s32 $0x80, s7  }
.LBB2_89:
0x310: {  	_ =	sdelay $0x2  }
0x311: {  	v6 =	vmax.f32 v6, v10;
	v5 =	vmax.f32 v5, v9  }
0x312: {  	v7 =	vmax.f32 v7, v11;
	v2 =	vmax.f32 v2, v12;
	v3 =	vmax.f32 v3, v13  }
.LBB2_90:
0x313: {  	s1 =	rddreg [dreg:$0x10]  }
0x314: {  	s1 =	ssub.s32 s1, s16  }
0x315: {  	p1 =	sgt.s32 s1, $0x0  }
0x316: {  	[tilespmem:$0x19500] =	vst v3;
	v3 =	vld [tilespmem:$0x19580];
	s1 =	simm.s32 @!p1 $0x0  }
0x317: {  	[tilespmem:$0x19510] =	vst v4;
	v4 =	vld [tilespmem:$0x19590];
	s1 =	smin.u32 s1, $0x191  }
0x318: {  	[tilespmem:$0x19520] =	vst v8;
	v8 =	vld [tilespmem:$0x195A0];
	p1 =	sge.u32 s8, s1  }
.Ltmp64:
0x319: {  	[tilespmem:$0x19530] =	vst v6;
	v6 =	vld [tilespmem:$0x195B0];
	(pc) =	sbr.rel @p1 .LBB2_94-.Ltmp64, $4  }
0x31a: {  	[tilespmem:$0x19540] =	vst v5;
	v5 =	vld [tilespmem:$0x195C0]  }
0x31b: {  	[tilespmem:$0x19550] =	vst v7;
	v7 =	vld [tilespmem:$0x195D0]  }
0x31c: {  	[tilespmem:$0x19560] =	vst v2;
	v2 =	vld [tilespmem:$0x195E0]  }
0x31d: {  	[tilespmem:$0x19570] =	vst v1;
	v1 =	vld [tilespmem:$0x195F0]  }
0x31e: {  	p1 =	sgt.s32 s5, $0x0;
	s3 =	smov.u32 s5  }
0x31f: {  	s3 =	simm.s32 @!p1 $0x0  }
0x320: {  	s3 =	smin.u32 s3, $0x191  }
0x321: {  	s3 =	sshll.u32 s3, $0x7  }
0x322: {  	s3 =	sadd.s32 $0xC8C0, s3  }
0x323: {  	v13 =	vld [tilespmem:s3+$0x30]  }
0x324: {  	s7 =	sadd.s32 $0x1, s29;
	v14 =	vld [tilespmem:s3+$0xFFFFFFD0]  }
0x325: {  	p1 =	slt.u32 s7, s1;
	v15 =	vld [tilespmem:s3+$0xFFFFFFE0]  }
.Ltmp65:
0x326: {  	v10 =	vld [tilespmem:s3+$0xFFFFFFF0];
	(pc) =	sbr.rel @!p1 .LBB2_93-.Ltmp65, $4  }
0x327: {  	v9 =	vld [tilespmem:s3+$0x0]  }
0x328: {  	v11 =	vld [tilespmem:s3+$0x10]  }
0x329: {  	v12 =	vld [tilespmem:s3+$0x20]  }
0x32a: {  	s8 =	sadd.s32 $0x80, s3;
	v1 =	vmax.f32 v1, v13;
	v4 =	vmax.f32 v4, v14;
	v13 =	vld [tilespmem:s3+$0xFFFFFFC0];
	v8 =	vmax.f32 v8, v15  }
.LBB2_92:
0x32b: {  	v14 =	vld [tilespmem:s8+$0x30];
	s7 =	sadd.s32 $0x1, s7;
	v6 =	vmax.f32 v6, v10  }
0x32c: {  	v15 =	vld [tilespmem:s8+$0xFFFFFFD0];
	p1 =	slt.u32 s7, s1;
	v5 =	vmax.f32 v5, v9  }
0x32d: {  	v16 =	vld [tilespmem:s8+$0xFFFFFFE0];
	v7 =	vmax.f32 v7, v11  }
.Ltmp66:
0x32e: {  	v10 =	vld [tilespmem:s8+$0xFFFFFFF0];
	v2 =	vmax.f32 v2, v12;
	(pc) =	sbr.rel @p1 .LBB2_92-.Ltmp66, $4  }
0x32f: {  	v9 =	vld [tilespmem:s8+$0x0];
	v3 =	vmax.f32 v3, v13  }
0x330: {  	v11 =	vld [tilespmem:s8+$0x10];
	v1 =	vmax.f32 v1, v14  }
0x331: {  	v4 =	vmax.f32 v4, v15;
	v12 =	vld [tilespmem:s8+$0x20]  }
0x332: {  	v13 =	vld [tilespmem:s8+$0xFFFFFFC0];
	v8 =	vmax.f32 v8, v16;
	s8 =	sadd.s32 $0x80, s8  }
.LBB2_93:
0x333: {  	_ =	sdelay $0x2  }
0x334: {  	v6 =	vmax.f32 v6, v10;
	v5 =	vmax.f32 v5, v9  }
0x335: {  	v7 =	vmax.f32 v7, v11;
	v2 =	vmax.f32 v2, v12;
	v3 =	vmax.f32 v3, v13  }
.LBB2_94:
0x336: {  	[tilespmem:$0x19580] =	vst v3  }
0x337: {  	[tilespmem:$0x19590] =	vst v4  }
0x338: {  	[tilespmem:$0x195A0] =	vst v8  }
.Ltmp67:
0x339: {  	[tilespmem:$0x195B0] =	vst v6;
	(pc) =	sbr.rel @p0 .LBB2_96-.Ltmp67, $4  }
0x33a: {  	[tilespmem:$0x195C0] =	vst v5  }
0x33b: {  	[tilespmem:$0x195D0] =	vst v7  }
0x33c: {  	[tilespmem:$0x195E0] =	vst v2  }
0x33d: {  	s8 =	simm.s32 $0x0;
	[tilespmem:$0x195F0] =	vst v1  }
0x33e: {  	s1 =	rddreg [dreg:$0x8]  }
0x33f: {  	s3 =	rddreg [dreg:$0x0];
	s29 =	simm.s32 $0xC880  }
0x340: {  	s6 =	sadd.s32 $0x1, s6;
	s19 =	sadd.s32 $0xFFFFFCDE, s19;
	s30 =	sadd.s32 $0xFFFFFCDE, s30  }
0x341: {  	s20 =	sadd.s32 $0xFFFFFCDE, s20;
	s21 =	sadd.s32 $0xFFFFFCDE, s21;
	s22 =	sadd.s32 $0xFFFFFCDE, s22  }
0x342: {  	s23 =	sadd.s32 $0xFFFFFCDE, s23;
	s24 =	sadd.s32 $0xFFFFFCDE, s24;
	s25 =	sadd.s32 $0xFFFFFCDE, s25  }
0x343: {  	s26 =	sadd.s32 $0xFFFFFCDE, s26;
	s28 =	sadd.s32 $0xFFFFFCDE, s28;
	s31 =	sadd.s32 $0xFFFFFCDE, s31  }
.Ltmp68:
0x344: {  	s2 =	sadd.s32 $0xFFFFFCDE, s2;
	s1 =	sadd.s32 s15, s1;
	(pc) =	sbr.rel .LBB2_8-.Ltmp68, $4  }
0x345: {  	s0 =	sadd.s32 $0xFFFFFCDE, s0;
	s12 =	sadd.s32 $0xFFFFFCDE, s12;
	s1 =	sshll.u32 s1, $0x4  }
0x346: {  	s14 =	sadd.s32 $0xFFFFFCDE, s14;
	s17 =	sadd.s32 $0xFFFFFCDE, s17;
	s1 =	sand.u32 $0x1FFFFFF0, s1  }
0x347: {  	s4 =	sadd.s32 $0xFFFFFCDE, s4;
	s5 =	sadd.s32 $0xFFFFFCDE, s5;
	s1 =	sadd.s32 s3, s1  }
0x348: {  	[tilespmem:s29], [sflag:$0x2] =	stream.linear.gather [hbm4b:s1+s8], $0xC880, $0x38;
	[tilespmem:$0x1B280] =	vst v63  }
.LBB2_10:
.Ltmp69:
0x349: {  	(pc) =	sbr.rel .LBB2_14-.Ltmp69, $2  }
0x34a: {  	_ =	sdelay $0x2  }
0x34b: {  	v14 =	vmovc v5;
	v15 =	vmov v3;
	v16 =	vmov v2;
	v17 =	vmov v8  }
.LBB2_53:
.Ltmp70:
0x34c: {  	(pc) =	sbr.rel .LBB2_57-.Ltmp70, $2  }
0x34d: {  	_ =	sdelay $0x2  }
0x34e: {  	v14 =	vmovc v5;
	v15 =	vmov v4;
	v16 =	vmov v2;
	v17 =	vmov v8  }
.LBB2_12:
.Ltmp71:
0x34f: {  	(pc) =	sbr.rel .LBB2_14-.Ltmp71, $2  }
0x350: {  	_ =	sdelay $0x2  }
0x351: {  	v14 =	vmovc v5;
	v15 =	vmov v3;
	v16 =	vmov v2;
	v17 =	vmov v8  }
.LBB2_55:
.Ltmp72:
0x352: {  	(pc) =	sbr.rel .LBB2_57-.Ltmp72, $2  }
0x353: {  	_ =	sdelay $0x2  }
0x354: {  	v14 =	vmovc v5;
	v15 =	vmov v4;
	v16 =	vmov v2;
	v17 =	vmov v8  }
.LBB2_97:
0x355: {  	_ =	sfence.sel $0x180000  }
0x356: {  	[bflag:$0x0] =	sbarrier.arrive $0xFFFF  }
0x357: {  	_ =	strace $0x90000047  }
0x358: {  	s0 =	stileid.u32;
	[bflag:$0x2] =	sbarrier.arrive $0xFFFF  }
0x359: {  	p0 =	sne.s32 s0, $0x0;
	s0 =	rddreg [dreg:$0x3]  }
0x35a: {  	s0 =	sadd.s32 @!p0 $0x100000, s0  }
0x35b: {  	[sflag:s0] =	ssyncadd.tile.s32 @!p0 $0x1;
	_ =	shalt  }
.Lfunc_end2:
_tile_overlayer_lowered:
.L_overlay_start_2:
0x35c: {  	(tag) =	ssettag $0x2  }
0x35d: {  	s0 =	rddreg [dreg:$0x0];
	s2 =	stileid.u32  }
0x35e: {  	s1 =	rddreg [dreg:$0x1];
	p0 =	sne.s32 s2, $0x0  }
0x35f: {  	s3 =	rddreg [dreg:$0x2];
	[bflag:$0x3] =	sbarrier.arrive $0xFFFF;
	s2 =	simm.s32 @!p0 $0x1C03  }
0x360: {  	[timem:s3], [sflag:s2] =	dma.local @!p0 [hbm:s0], s1  }
0x361: {  	s0 =	simm.s32 @!p0 $0x3  }
0x362: {  	_ =	swait.ge @!p0 [sflag:s0], s1  }
0x363: {  	s1 =	ssub.s32 @!p0 $0x0, s1;
	[sflag:s0] =	ssyncset.done @!p0 $0x0  }
0x364: {  	[sflag:s0] =	ssyncadd.s32 @!p0 s1  }
0x365: {  	[bflag:$0x3] =	sbarrier.arrive $0xFFFF  }
0x366: {  	_ =	shalt  }

</sc_bundles>
